<compile_context>
chip_gen: v7x
topology: tpu7x:2x2x1
jax: 0.10.2.dev20260603
libtpu: 0.0.44.dev20260713+nightly
codegen_flags: <defaults>
</compile_context>

<pallas_src>
import functools

import jax
import jax.numpy as jnp
from jax import lax
from jax.experimental import pallas as pl
from jax.experimental.pallas import tpu as pltpu
from jax.experimental.pallas import tpu_sc as plsc

B = 16384
SP = 16
DAPAN = 256
N_SPARSE = 22
N_DAPAN_SP = 4
N_DENSE = 8
L = 20
HEADS = 2
DFF = 4 * SP
SPARSE_VOCAB = 100000

NC, NS = 2, 16
NW = NC * NS
ROWS_PER_W = B // NW

BUF_ROWS = 2816
SUB = 128

_FAM = {
    'sp':    (N_SPARSE * ROWS_PER_W, 2816),
    'g0':    (3 * ROWS_PER_W, 1536),
    'dsp':   (N_DAPAN_SP * ROWS_PER_W, 2048),
    'dense': (N_DENSE * ROWS_PER_W, 2048),
    'seq':   (3 * L * ROWS_PER_W, 2560),
}


def _sc_gather_all(idx_sp, idx_g0, idx_dsp, idx_dense, idx_seq,
                   sp_tab, dsp_tab, small_tab):
    mesh = plsc.VectorSubcoreMesh(core_axis_name="c", subcore_axis_name="s")

    @functools.partial(
        pl.kernel,
        mesh=mesh,
        out_type=[
            jax.ShapeDtypeStruct((B * N_SPARSE, SP), jnp.float32),
            jax.ShapeDtypeStruct((B * 3, SP), jnp.float32),
            jax.ShapeDtypeStruct((B * N_DAPAN_SP, SP), jnp.float32),
            jax.ShapeDtypeStruct((B * N_DENSE, SP), jnp.float32),
            jax.ShapeDtypeStruct((3 * B * L, SP), jnp.float32),
        ],
        scratch_types=[
            pltpu.VMEM((BUF_ROWS,), jnp.int32),
            pltpu.VMEM((BUF_ROWS, SP), jnp.float32),
            pltpu.SemaphoreType.DMA,
            pltpu.SemaphoreType.DMA,
        ],
        compiler_params=pltpu.CompilerParams(use_tc_tiling_on_sc=False),
    )
    def k(isp, ig0, idsp, idense, iseq, tsp, tdsp, tsmall,
          o_sp, o_g0, o_dsp, o_dense, o_seq, idx_v, buf_v, gsem, wsem):
        wid = lax.axis_index("s") * NC + lax.axis_index("c")

        def family(idx_hbm, tab_hbm, out_hbm, per_w, chunk):
            g_base = wid * per_w
            n_sub = chunk // SUB

            def body(ci, carry):
                off = pl.multiple_of(g_base + ci * chunk, SUB)
                pltpu.sync_copy(idx_hbm.at[pl.ds(off, chunk)],
                                idx_v.at[pl.ds(0, chunk)])
                cps = []
                for j in range(n_sub):
                    cp = pltpu.make_async_copy(
                        tab_hbm.at[idx_v.at[pl.ds(j * SUB, SUB)]],
                        buf_v.at[pl.ds(j * SUB, SUB)], gsem)
                    cp.start()
                    cps.append(cp)
                for cp in cps:
                    cp.wait()
                w = pltpu.make_async_copy(
                    buf_v.at[pl.ds(0, chunk)],
                    out_hbm.at[pl.ds(off, chunk)], wsem)
                w.start()
                w.wait()
                return carry

            lax.fori_loop(0, per_w // chunk, body, 0, unroll=False)

        family(isp, tsp, o_sp, *_FAM['sp'])
        family(ig0, tsmall, o_g0, *_FAM['g0'])
        family(idsp, tdsp, o_dsp, *_FAM['dsp'])
        family(idense, tsmall, o_dense, *_FAM['dense'])
        family(iseq, tsmall, o_seq, *_FAM['seq'])

    return k(idx_sp, idx_g0, idx_dsp, idx_dense, idx_seq,
             sp_tab, dsp_tab, small_tab)


R = 256
NB = B // R
DH = SP // HEADS


def _dense_tc(g0, sflat, dsf, dflat, x_all, ddi, consts):
    (dtab, dqW, dqb, sqW, sqb, pos_t,
     Wq_bd, Wk_bd, Wv_bd, Wo_bd, W1_bd, W2_bd,
     bq_t, bk_t, bv_t, bo_t, b1_t, b2_t,
     ln1g, ln1b, ln2g, ln2b,
     Gm, Gc, Gs, Gb, Ge40, Gj, Gp, Ge20, Gx) = consts

    def body(g0_r, sf_r, dsf_r, df_r, xr_r, xa_r, xp_r, ddi_r,
             dtab_r, dqW_r, dqb_r, sqW_r, sqb_r, pos_r,
             Wq_r, Wk_r, Wv_r, Wo_r, W1_r, W2_r,
             bq_r, bk_r, bv_r, bo_r, b1_r, b2_r,
             l1g_r, l1b_r, l2g_r, l2b_r,
             Gm_r, Gc_r, Gs_r, Gb_r, Ge40_r, Gj_r, Gp_r, Ge20_r, Gx_r,
             flat_o, g4_o, g5_o):
        bf = jnp.bfloat16
        f32 = jnp.float32

        def mm(a, b):
            return jax.lax.dot(a, b, preferred_element_type=f32)

        def mmb(a, b):
            return jax.lax.dot(a, b, preferred_element_type=f32).astype(bf)

        g0b = g0_r[...]
        dsfb = dsf_r[...]
        pq = jnp.concatenate([dsfb, g0b[:, :SP]], axis=1).astype(bf)
        dq = jnp.maximum(mm(pq, dqW_r[...]) + dqb_r[...], 0.0)
        sq = jnp.maximum(mm(pq, sqW_r[...]) + sqb_r[...], 0.0)

        idx = ddi_r[...]
        iota = lax.broadcasted_iota(jnp.int32, (1, 100), 1)
        dtabf = dtab_r[...]
        es, ss = [], []
        for l in range(8):
            oh = (idx[:, l:l + 1] == iota).astype(bf)
            E = mm(oh, dtabf[l * 100:(l + 1) * 100, :])
            es.append(E)
            ss.append(jnp.sum(E * dq, axis=1, keepdims=True) * (1.0 / 16.0))
        s = jnp.concatenate(ss, axis=1)
        e = jnp.exp(s - jnp.max(s, axis=1, keepdims=True))
        w = e / jnp.sum(e, axis=1, keepdims=True)
        g4 = sum(w[:, l:l + 1] * es[l] for l in range(8))

        x0 = jnp.concatenate([xr_r[...], xa_r[...], xp_r[...]], axis=0)
        x = x0 + pos_r[...]
        Gmf = Gm_r[...]

        x16 = x.astype(bf)
        q16 = (mm(x16, Wq_r[...]) + bq_r[...]).astype(bf)
        k16 = (mm(x16, Wk_r[...]) + bk_r[...]).astype(bf)
        v16 = (mm(x16, Wv_r[...]) + bv_r[...]).astype(bf)
        Gcf = Gc_r[...]
        sc_list = []
        for i in range(L):
            qi = q16[:, SP * i:SP * (i + 1)]
            qt = jnp.concatenate([qi] * L, axis=1)
            sc_list.append(mm(qt * k16, Gcf))
        s_all = jnp.concatenate(sc_list, axis=1)
        ea = jnp.exp(s_all)
        den = 20.0 + mm((ea - 1.0).astype(bf), Gs_r[...])
        recb = mm((1.0 / den).astype(bf), Gb_r[...])
        wat16 = (ea * recb).astype(bf)
        Ge40f, Gjf = Ge40_r[...], Gj_r[...]
        outs = []
        for i in range(L):
            wi = wat16[:, 40 * i:40 * (i + 1)]
            outs.append(mm(mmb(wi, Ge40f) * v16, Gjf))
        o = jnp.concatenate(outs, axis=1)
        o = mm(o.astype(bf), Wo_r[...]) + bo_r[...]
        x = x + o
        m = x @ Gmf
        xc = x - m
        var = (xc * xc) @ Gmf
        x = xc * lax.rsqrt(var + 1e-5) * l1g_r[...] + l1b_r[...]
        f = mm(jnp.maximum(mm(x.astype(bf), W1_r[...]) + b1_r[...],
                           0.0).astype(bf), W2_r[...]) + b2_r[...]
        x2 = x + f
        m2 = x2 @ Gmf
        xc2 = x2 - m2
        v2 = (xc2 * xc2) @ Gmf
        y = xc2 * lax.rsqrt(v2 + 1e-5) * l2g_r[...] + l2b_r[...]

        y16 = y.astype(bf)
        sqt = jnp.concatenate([sq.astype(bf)] * L, axis=1)
        sqt3 = jnp.concatenate([sqt] * 3, axis=0)
        ps = mm(sqt3 * y16, Gp_r[...])
        pe = jnp.exp(ps - jnp.max(ps, axis=1, keepdims=True))
        pw = pe / jnp.sum(pe, axis=1, keepdims=True)
        pooled = mm(mmb(pw.astype(bf), Ge20_r[...]) * y16, Gx_r[...])
        g5 = jnp.concatenate(
            [pooled[:R], pooled[R:2 * R], pooled[2 * R:]], axis=1)

        flat_o[...] = jnp.concatenate(
            [g0b, sf_r[...], dsfb, df_r[...], g4, g5], axis=1)
        g4_o[...] = g4
        g5_o[...] = g5

    full = lambda shape: pl.BlockSpec(shape, lambda i: (0,) * len(shape))
    grid_spec = pl.GridSpec(
        grid=(NB,),
        in_specs=[
            pl.BlockSpec((R, 48), lambda i: (i, 0)),
            pl.BlockSpec((R, 352), lambda i: (i, 0)),
            pl.BlockSpec((R, 64), lambda i: (i, 0)),
            pl.BlockSpec((R, 128), lambda i: (i, 0)),
            pl.BlockSpec((R, 320), lambda i: (i, 0)),
            pl.BlockSpec((R, 320), lambda i: (i + NB, 0)),
            pl.BlockSpec((R, 320), lambda i: (i + 2 * NB, 0)),
            pl.BlockSpec((R, 8), lambda i: (i, 0)),
            full((800, 256)), full((80, 256)), full((1, 256)),
            full((80, 16)), full((1, 16)), full((1, 320)),
            full((320, 320)), full((320, 320)), full((320, 320)),
            full((320, 320)), full((320, 1280)), full((1280, 320)),
            full((1, 320)), full((1, 320)), full((1, 320)), full((1, 320)),
            full((1, 1280)), full((1, 320)),
            full((1, 320)), full((1, 320)), full((1, 320)), full((1, 320)),
            full((320, 320)), full((320, 40)), full((800, 40)),
            full((40, 800)), full((40, 320)), full((320, 16)),
            full((320, 20)), full((20, 320)), full((320, 16)),
        ],
        out_specs=[
            pl.BlockSpec((R, 896), lambda i: (i, 0)),
            pl.BlockSpec((R, 256), lambda i: (i, 0)),
            pl.BlockSpec((R, 48), lambda i: (i, 0)),
        ],
    )
    return pl.pallas_call(
        body,
        grid_spec=grid_spec,
        out_shape=[
            jax.ShapeDtypeStruct((B, 896), jnp.float32),
            jax.ShapeDtypeStruct((B, DAPAN), jnp.float32),
            jax.ShapeDtypeStruct((B, 48), jnp.float32),
        ],
    )(g0, sflat, dsf, dflat, x_all, x_all, x_all, ddi, *consts)


def _build_consts(p):
    f32 = jnp.float32
    I20 = jnp.eye(L, dtype=f32)

    def bd(W):
        return jnp.kron(I20, W.astype(f32))

    def tile_b(b, n=L):
        return jnp.tile(b.astype(f32), n)[None, :]

    dtab = p['dapan_dense_tables'].reshape(800, DAPAN)
    pos_t = p['pos_emb'].reshape(1, L * SP)
    Gm = jnp.kron(I20, jnp.full((SP, SP), 1.0 / SP, f32))

    li = jnp.arange(L)
    hi = jnp.arange(HEADS)
    ci = jnp.arange(DH)
    f_l = (jnp.arange(320) // SP)
    f_h = (jnp.arange(320) % SP) // DH
    cols40 = 2 * f_l + f_h
    Gc = (jnp.arange(40)[None, :] == cols40[:, None]).astype(f32) / jnp.sqrt(jnp.float32(DH))
    s_i = jnp.arange(800) // 40
    s_h = jnp.arange(800) % 2
    Gs = (jnp.arange(40)[None, :] == (2 * s_i + s_h)[:, None]).astype(f32)
    Gb = Gs.T
    Ge40 = ((2 * f_l + f_h)[None, :] == jnp.arange(40)[:, None]).astype(f32)
    f_hc = jnp.arange(320) % SP
    Gj = (jnp.arange(SP)[None, :] == f_hc[:, None]).astype(f32)
    Gp = (jnp.arange(L)[None, :] == f_l[:, None]).astype(f32) / 4.0
    Ge20 = (f_l[None, :] == jnp.arange(L)[:, None]).astype(f32)
    Gx = (jnp.arange(SP)[None, :] == f_hc[:, None]).astype(f32)

    bf = jnp.bfloat16
    return (dtab.astype(bf), p['dapan_q_W'].astype(bf), p['dapan_q_b'][None, :],
            p['seq_q_W'].astype(bf), p['seq_q_b'][None, :], pos_t,
            bd(p['Wq']).astype(bf), bd(p['Wk']).astype(bf),
            bd(p['Wv']).astype(bf), bd(p['Wo']).astype(bf),
            bd(p['ffn_W1']).astype(bf), bd(p['ffn_W2']).astype(bf),
            tile_b(p['bq']), tile_b(p['bk']), tile_b(p['bv']), tile_b(p['bo']),
            tile_b(p['ffn_b1']), tile_b(p['ffn_b2']),
            tile_b(p['ln1_g']), tile_b(p['ln1_b']),
            tile_b(p['ln2_g']), tile_b(p['ln2_b']),
            Gm, Gc.astype(bf), Gs.astype(bf), Gb.astype(bf), Ge40.astype(bf),
            Gj.astype(bf), Gp.astype(bf), Ge20.astype(bf), Gx.astype(bf))


def kernel(o2_game_id_hash, media_type_hash, media_id_hash, sparse_idx, dapan_sparse_idx, dense_idx, dapan_dense_idx, onlinetime_seq, payment_seq, register_game_seq, active_game_seq, pay_game_seq, params):
    p = params
    i32 = jnp.int32
    gs = p['game_shared']

    act_tab = ((gs[:, None, :] + p['onlinetime_table'][None, :, :]) * 0.5
               ).reshape(10 * 1000, SP)
    pay_tab = ((gs[:, None, :] + p['payment_table'][None, :, :]) * 0.5
               ).reshape(10 * 1000, SP)
    dense_tab = p['dense_tables'].reshape(N_DENSE * 100, SP)
    small_tab = jnp.concatenate([gs, act_tab, pay_tab, dense_tab], axis=0)
    OFF_ACT, OFF_PAY, OFF_DENSE = 1000, 11000, 21000

    sp_tab = p['sparse_tables'].reshape(N_SPARSE * SPARSE_VOCAB, SP)
    dsp_tab = p['dapan_sparse_tables'].reshape(N_DAPAN_SP * SPARSE_VOCAB, SP)

    idx_sp = (sparse_idx.astype(i32)
              + (jnp.arange(N_SPARSE, dtype=i32) * SPARSE_VOCAB)[None, :]
              ).reshape(-1)
    idx_g0 = jnp.stack([o2_game_id_hash.astype(i32),
                        media_id_hash.astype(i32),
                        media_type_hash.astype(i32)], axis=1).reshape(-1)
    idx_dsp = (dapan_sparse_idx.astype(i32)
               + (jnp.arange(N_DAPAN_SP, dtype=i32) * SPARSE_VOCAB)[None, :]
               ).reshape(-1)
    idx_dense = (dense_idx.astype(i32)
                 + (jnp.arange(N_DENSE, dtype=i32) * 100)[None, :]
                 + OFF_DENSE).reshape(-1)
    idx_seq = jnp.concatenate([
        register_game_seq.astype(i32).reshape(-1),
        (active_game_seq.astype(i32) * 10 + onlinetime_seq.astype(i32)
         + OFF_ACT).reshape(-1),
        (pay_game_seq.astype(i32) * 10 + payment_seq.astype(i32)
         + OFF_PAY).reshape(-1),
    ])

    o_sp, o_g0, o_dsp, o_dense, o_seq = _sc_gather_all(
        idx_sp, idx_g0, idx_dsp, idx_dense, idx_seq, sp_tab, dsp_tab, small_tab)

    sparse_flat = o_sp.reshape(B, N_SPARSE * SP)
    g0 = o_g0.reshape(B, 3 * SP)
    dapan_sp_flat = o_dsp.reshape(B, N_DAPAN_SP * SP)
    dense_flat = o_dense.reshape(B, N_DENSE * SP)
    x_all = o_seq.reshape(3 * B, L * SP)

    consts = _build_consts(p)
    flat, g4, g5 = _dense_tc(g0, sparse_flat, dapan_sp_flat, dense_flat,
                             x_all, dapan_dense_idx.astype(jnp.int32), consts)
    groups = (g0, sparse_flat, dapan_sp_flat, dense_flat, g4, g5)
    return (flat, flat.reshape(-1, flat.shape[1] // SP, SP), groups)

# --- scband reference (transcript-rebuilt; emitter-appended) ---
"""Pipeline reference for scband-embedding-left-36077725287170 (READ-ONLY COPY).

The authoritative reference and input builder live on the scoring server;
editing this copy changes nothing except your own understanding.
"""

import jax, jax.numpy as jnp
import numpy as np

B = 16384
SP = 16
DD = 16
DAPAN = 256
N_SPARSE = 22
N_DAPAN_SP = 4
N_DENSE = 8
N_DAPAN_DENSE = 8
L = 20
HEADS = 2
DFF = 4 * SP
SPARSE_VOCAB = 100000


def _layer_norm(x, g, b, eps=1e-5):
    m = jnp.mean(x, axis=-1, keepdims=True)
    v = jnp.var(x, axis=-1, keepdims=True)
    return (x - m) / jnp.sqrt(v + eps) * g + b


def _attn_pool(query, keys):
    scores = jnp.einsum('bh,blh->bl', query, keys) / jnp.sqrt(jnp.float32(keys.shape[-1]))
    w = jax.nn.softmax(scores, axis=-1)
    return jnp.einsum('bl,blh->bh', w, keys)


def _encoder_layer(x, p):
    Bx, Lx, D = x.shape
    dh = D // HEADS

    def split(t):
        return t.reshape(Bx, Lx, HEADS, dh).transpose(0, 2, 1, 3)

    q = split(x @ p['Wq'] + p['bq'])
    k = split(x @ p['Wk'] + p['bk'])
    v = split(x @ p['Wv'] + p['bv'])
    att = jax.nn.softmax(jnp.matmul(q, k.transpose(0, 1, 3, 2)) / jnp.sqrt(jnp.float32(dh)), axis=-1)
    o = jnp.matmul(att, v).transpose(0, 2, 1, 3).reshape(Bx, Lx, D)
    o = o @ p['Wo'] + p['bo']
    x = _layer_norm(x + o, p['ln1_g'], p['ln1_b'])
    f = jax.nn.relu(x @ p['ffn_W1'] + p['ffn_b1']) @ p['ffn_W2'] + p['ffn_b2']
    return _layer_norm(x + f, p['ln2_g'], p['ln2_b'])


def _forward(params, idx):
    p = params
    o2 = p['game_shared'][idx['o2_game_id_hash']]
    mt = p['game_shared'][idx['media_type_hash']]
    mi = p['game_shared'][idx['media_id_hash']]
    gather = jax.vmap(lambda tbl, i: tbl[i], in_axes=(0, 1), out_axes=1)
    sparse = gather(p['sparse_tables'], idx['sparse_idx'])
    dapan_sp = gather(p['dapan_sparse_tables'], idx['dapan_sparse_idx'])
    dense = gather(p['dense_tables'], idx['dense_idx'])
    dapan_dense = gather(p['dapan_dense_tables'], idx['dapan_dense_idx'])
    Bx = o2.shape[0]
    sparse_flat = sparse.reshape(Bx, -1)
    dapan_sp_flat = dapan_sp.reshape(Bx, -1)
    dense_flat = dense.reshape(Bx, -1)
    pooling_query = jnp.concatenate([dapan_sp_flat, o2], axis=-1)
    dapan_query = jax.nn.relu(pooling_query @ p['dapan_q_W'] + p['dapan_q_b'])
    dense_dapan_pooling = _attn_pool(dapan_query, dapan_dense)
    online = p['onlinetime_table'][idx['onlinetime_seq']]
    payment = p['payment_table'][idx['payment_seq']]
    reg = p['game_shared'][idx['register_game_seq']]
    act = (p['game_shared'][idx['active_game_seq']] + online) / 2
    pay = (p['game_shared'][idx['pay_game_seq']] + payment) / 2
    seq_query = jax.nn.relu(pooling_query @ p['seq_q_W'] + p['seq_q_b'])
    seq = []
    for emb in (reg, act, pay):
        x = emb + p['pos_emb'][None, :, :]
        x = _encoder_layer(x, p)
        seq.append(_attn_pool(seq_query, x))
    flat = jnp.concatenate([o2, mi, mt, sparse_flat, dapan_sp_flat, dense_flat, dense_dapan_pooling] + seq, axis=1)
    groups = (jnp.concatenate([o2, mi, mt], axis=-1), sparse_flat, dapan_sp_flat, dense_flat, dense_dapan_pooling, jnp.concatenate(seq, axis=-1))
    return flat, groups


def _nrm(k, shape, scale=0.02):
    return jax.random.normal(k, shape, dtype=jnp.float32) * scale


def setup_inputs(seed: int = 0):
    key = jax.random.key(seed)
    ks = jax.random.split(key, 48)
    inp = {}
    inp['o2_game_id_hash'] = jax.random.randint(ks[0], (B,), 0, 1000)
    inp['media_type_hash'] = jax.random.randint(ks[1], (B,), 0, 1000)
    inp['media_id_hash'] = jax.random.randint(ks[2], (B,), 0, 1000)
    inp['sparse_idx'] = jax.random.randint(ks[3], (B, N_SPARSE), 0, SPARSE_VOCAB)
    inp['dapan_sparse_idx'] = jax.random.randint(ks[4], (B, N_DAPAN_SP), 0, SPARSE_VOCAB)
    inp['dense_idx'] = jax.random.randint(ks[5], (B, N_DENSE), 0, 100)
    inp['dapan_dense_idx'] = jax.random.randint(ks[6], (B, N_DAPAN_DENSE), 0, 100)
    inp['onlinetime_seq'] = jax.random.randint(ks[7], (B, L), 0, 10)
    inp['payment_seq'] = jax.random.randint(ks[8], (B, L), 0, 10)
    inp['register_game_seq'] = jax.random.randint(ks[9], (B, L), 0, 1000)
    inp['active_game_seq'] = jax.random.randint(ks[10], (B, L), 0, 1000)
    inp['pay_game_seq'] = jax.random.randint(ks[11], (B, L), 0, 1000)
    p = {}
    p['game_shared'] = _nrm(ks[12], (1000, SP))
    p['sparse_tables'] = _nrm(ks[13], (N_SPARSE, SPARSE_VOCAB, SP))
    p['dapan_sparse_tables'] = _nrm(ks[14], (N_DAPAN_SP, SPARSE_VOCAB, SP))
    p['dense_tables'] = _nrm(ks[15], (N_DENSE, 100, DD))
    p['dapan_dense_tables'] = _nrm(ks[16], (N_DAPAN_DENSE, 100, DAPAN))
    p['onlinetime_table'] = _nrm(ks[17], (10, SP))
    p['payment_table'] = _nrm(ks[18], (10, SP))
    p['pos_emb'] = _nrm(ks[19], (L, SP))
    p['dapan_q_W'] = _nrm(ks[20], ((1 + N_DAPAN_SP) * SP, DAPAN))
    p['dapan_q_b'] = jnp.zeros((DAPAN,), jnp.float32)
    p['seq_q_W'] = _nrm(ks[21], ((1 + N_DAPAN_SP) * SP, SP))
    p['seq_q_b'] = jnp.zeros((SP,), jnp.float32)
    p['Wq'] = _nrm(ks[22], (SP, SP)); p['bq'] = jnp.zeros((SP,), jnp.float32)
    p['Wk'] = _nrm(ks[23], (SP, SP)); p['bk'] = jnp.zeros((SP,), jnp.float32)
    p['Wv'] = _nrm(ks[24], (SP, SP)); p['bv'] = jnp.zeros((SP,), jnp.float32)
    p['Wo'] = _nrm(ks[25], (SP, SP)); p['bo'] = jnp.zeros((SP,), jnp.float32)
    p['ln1_g'] = jnp.ones((SP,), jnp.float32); p['ln1_b'] = jnp.zeros((SP,), jnp.float32)
    p['ffn_W1'] = _nrm(ks[26], (SP, DFF)); p['ffn_b1'] = jnp.zeros((DFF,), jnp.float32)
    p['ffn_W2'] = _nrm(ks[27], (DFF, SP)); p['ffn_b2'] = jnp.zeros((SP,), jnp.float32)
    p['ln2_g'] = jnp.ones((SP,), jnp.float32); p['ln2_b'] = jnp.zeros((SP,), jnp.float32)
    inp['params'] = p
    return inp


def reference(o2_game_id_hash, media_type_hash, media_id_hash, sparse_idx, dapan_sparse_idx, dense_idx, dapan_dense_idx, onlinetime_seq, payment_seq, register_game_seq, active_game_seq, pay_game_seq, params):
    idx = dict(o2_game_id_hash=o2_game_id_hash, media_type_hash=media_type_hash, media_id_hash=media_id_hash, sparse_idx=sparse_idx, dapan_sparse_idx=dapan_sparse_idx, dense_idx=dense_idx, dapan_dense_idx=dapan_dense_idx, onlinetime_seq=onlinetime_seq, payment_seq=payment_seq, register_game_seq=register_game_seq, active_game_seq=active_game_seq, pay_game_seq=pay_game_seq)
    flat, groups = _forward(params, idx)
    return (flat, flat.reshape(-1, flat.shape[1] // SP, SP), groups)

if __name__ == "__main__":
    import jax
    _d = setup_inputs()
    print(jax.jit(kernel)(*tuple(_d.values())))

</pallas_src>

<mosaic_0001>
#map = affine_map<(d0, d1) -> (0)>
#map1 = affine_map<(d0, d1) -> (0, 0)>
module attributes {stable_mosaic.version = 14 : i64} {
  func.func @k(%arg0: i32, %arg1: i32, %arg2: memref<360448xi32, #tpu.memory_space<hbm>>, %arg3: memref<49152xi32, #tpu.memory_space<hbm>>, %arg4: memref<65536xi32, #tpu.memory_space<hbm>>, %arg5: memref<131072xi32, #tpu.memory_space<hbm>>, %arg6: memref<983040xi32, #tpu.memory_space<hbm>>, %arg7: memref<2200000x16xf32, #tpu.memory_space<hbm>>, %arg8: memref<400000x16xf32, #tpu.memory_space<hbm>>, %arg9: memref<21800x16xf32, #tpu.memory_space<hbm>>, %arg10: memref<360448x16xf32, #tpu.memory_space<hbm>>, %arg11: memref<49152x16xf32, #tpu.memory_space<hbm>>, %arg12: memref<65536x16xf32, #tpu.memory_space<hbm>>, %arg13: memref<131072x16xf32, #tpu.memory_space<hbm>>, %arg14: memref<983040x16xf32, #tpu.memory_space<hbm>>, %arg15: memref<2816xi32, #tpu.memory_space<vmem>>, %arg16: memref<2816x16xf32, #tpu.memory_space<vmem>>, %arg17: memref<!tpu.dma_semaphore, #tpu.memory_space<semaphore_mem>>, %arg18: memref<!tpu.dma_semaphore, #tpu.memory_space<semaphore_mem>>) attributes {dimension_semantics = [#tpu.dimension_semantics<core_parallel>, #tpu.dimension_semantics<subcore_parallel>], iteration_bounds = array<i64: 2, 16>, scalar_prefetch = 0 : i64, scratch_operands = 4 : i64, tpu.core_type = #tpu.core_type<sc_vector_subcore>, window_params = [{transform_indices = #map}, {transform_indices = #map}, {transform_indices = #map}, {transform_indices = #map}, {transform_indices = #map}, {transform_indices = #map1}, {transform_indices = #map1}, {transform_indices = #map1}, {transform_indices = #map1}, {transform_indices = #map1}, {transform_indices = #map1}, {transform_indices = #map1}, {transform_indices = #map1}]} {
    %mul3A = arith.constant 2 : i32
    %mul3A_0 = arith.muli %arg1, %mul3A : i32
    %add3A = arith.addi %mul3A_0, %arg0 : i32
    %mul3A_1 = arith.constant 11264 : i32
    %mul3A_2 = arith.muli %add3A, %mul3A_1 : i32
    %scan3A = arith.constant 0 : i32
    %scan3A_3 = arith.constant 0 : i32
    %scan3A_4 = arith.constant 4 : i32
    %scan3A_5 = arith.addi %scan3A_3, %scan3A_4 : i32
    %scan3A_6 = arith.constant 1 : i32
    scf.for %scan3A_527 = %scan3A_3 to %scan3A_5 step %scan3A_6  : i32 {
      %mul3A_528 = arith.constant 2816 : i32
      %mul3A_529 = arith.muli %scan3A_527, %mul3A_528 : i32
      %add3A_530 = arith.addi %mul3A_2, %mul3A_529 : i32
      %multiple_of3A_531 = tpu.assume_multiple %add3A_530, 128 : i32
      "tpu.region"() ({
        %run_scoped3A = tpu.sem_alloc : memref<!tpu.dma_semaphore, #tpu.memory_space<semaphore_mem>>
        %dma_start3A_904 = arith.constant 0 : i32
        %dma_start3A_905 = tpu.memref_slice %arg15[%dma_start3A_904] : memref<2816xi32, #tpu.memory_space<vmem>> -> memref<2816xi32, #tpu.memory_space<vmem>>
        %dma_start3A_906 = tpu.memref_slice %arg2[%multiple_of3A_531] : memref<360448xi32, #tpu.memory_space<hbm>> -> memref<2816xi32, #tpu.memory_space<hbm>>
        %dma_start3A_907 = arith.constant 0 : i32
        %dma_start3A_908 = tpu.memref_slice %arg15[%dma_start3A_907] : memref<2816xi32, #tpu.memory_space<vmem>> -> memref<2816xi32, #tpu.memory_space<vmem>>
        %dma_start3A_909 = tpu.memref_slice %arg2[%multiple_of3A_531] : memref<360448xi32, #tpu.memory_space<hbm>> -> memref<2816xi32, #tpu.memory_space<hbm>>
        tpu.enqueue_dma source(%dma_start3A_909 : memref<2816xi32, #tpu.memory_space<hbm>>) target(%dma_start3A_908 : memref<2816xi32, #tpu.memory_space<vmem>>) target_semaphore(%run_scoped3A : memref<!tpu.dma_semaphore, #tpu.memory_space<semaphore_mem>>)
        %dma_wait3A_910 = arith.constant 0 : i32
        %dma_wait3A_911 = tpu.memref_slice %arg15[%dma_wait3A_910] : memref<2816xi32, #tpu.memory_space<vmem>> -> memref<2816xi32, #tpu.memory_space<vmem>>
        %dma_wait3A_912 = tpu.memref_slice %arg2[%multiple_of3A_531] : memref<360448xi32, #tpu.memory_space<hbm>> -> memref<2816xi32, #tpu.memory_space<hbm>>
        %dma_wait3A_913 = arith.constant 0 : i32
        %dma_wait3A_914 = tpu.memref_slice %arg15[%dma_wait3A_913] : memref<2816xi32, #tpu.memory_space<vmem>> -> memref<2816xi32, #tpu.memory_space<vmem>>
        %dma_wait3A_915 = tpu.memref_slice %arg2[%multiple_of3A_531] : memref<360448xi32, #tpu.memory_space<hbm>> -> memref<2816xi32, #tpu.memory_space<hbm>>
        tpu.wait_dma2 semaphore(%run_scoped3A : memref<!tpu.dma_semaphore, #tpu.memory_space<semaphore_mem>>) src(%dma_wait3A_915 : memref<2816xi32, #tpu.memory_space<hbm>>) dst(%dma_wait3A_914 : memref<2816xi32, #tpu.memory_space<vmem>>)
        tpu.yield
      }) : () -> ()
      %dma_start3A_532 = arith.constant 0 : i32
      %dma_start3A_533 = arith.constant 0 : i32
      %dma_start3A_534 = tpu.memref_slice %arg16[%dma_start3A_532, %dma_start3A_533] : memref<2816x16xf32, #tpu.memory_space<vmem>> -> memref<128x16xf32, #tpu.memory_space<vmem>>
      %dma_start3A_535 = arith.constant 0 : i32
      %dma_start3A_536 = tpu.memref_slice %arg15[%dma_start3A_535] : memref<2816xi32, #tpu.memory_space<vmem>> -> memref<128xi32, #tpu.memory_space<vmem>>
      %dma_start3A_537 = arith.constant 0 : i32
      %dma_start3A_538 = arith.constant 0 : i32
      %dma_start3A_539 = tpu.memref_slice %arg7[%dma_start3A_537, %dma_start3A_538] : memref<2200000x16xf32, #tpu.memory_space<hbm>> -> memref<2200000x16xf32, #tpu.memory_space<hbm>>
      tpu.enqueue_indirect_dma source(%dma_start3A_539 : memref<2200000x16xf32, #tpu.memory_space<hbm>>) target(%dma_start3A_534 : memref<128x16xf32, #tpu.memory_space<vmem>>) offsets(%dma_start3A_536 : memref<128xi32, #tpu.memory_space<vmem>>) semaphore(%arg17 : memref<!tpu.dma_semaphore, #tpu.memory_space<semaphore_mem>>)
      %dma_start3A_540 = arith.constant 128 : i32
      %dma_start3A_541 = arith.constant 0 : i32
      %dma_start3A_542 = tpu.memref_slice %arg16[%dma_start3A_540, %dma_start3A_541] : memref<2816x16xf32, #tpu.memory_space<vmem>> -> memref<128x16xf32, #tpu.memory_space<vmem>>
      %dma_start3A_543 = arith.constant 128 : i32
      %dma_start3A_544 = tpu.memref_slice %arg15[%dma_start3A_543] : memref<2816xi32, #tpu.memory_space<vmem>> -> memref<128xi32, #tpu.memory_space<vmem>>
      %dma_start3A_545 = arith.constant 0 : i32
      %dma_start3A_546 = arith.constant 0 : i32
      %dma_start3A_547 = tpu.memref_slice %arg7[%dma_start3A_545, %dma_start3A_546] : memref<2200000x16xf32, #tpu.memory_space<hbm>> -> memref<2200000x16xf32, #tpu.memory_space<hbm>>
      tpu.enqueue_indirect_dma source(%dma_start3A_547 : memref<2200000x16xf32, #tpu.memory_space<hbm>>) target(%dma_start3A_542 : memref<128x16xf32, #tpu.memory_space<vmem>>) offsets(%dma_start3A_544 : memref<128xi32, #tpu.memory_space<vmem>>) semaphore(%arg17 : memref<!tpu.dma_semaphore, #tpu.memory_space<semaphore_mem>>)
      %dma_start3A_548 = arith.constant 256 : i32
      %dma_start3A_549 = arith.constant 0 : i32
      %dma_start3A_550 = tpu.memref_slice %arg16[%dma_start3A_548, %dma_start3A_549] : memref<2816x16xf32, #tpu.memory_space<vmem>> -> memref<128x16xf32, #tpu.memory_space<vmem>>
      %dma_start3A_551 = arith.constant 256 : i32
      %dma_start3A_552 = tpu.memref_slice %arg15[%dma_start3A_551] : memref<2816xi32, #tpu.memory_space<vmem>> -> memref<128xi32, #tpu.memory_space<vmem>>
      %dma_start3A_553 = arith.constant 0 : i32
      %dma_start3A_554 = arith.constant 0 : i32
      %dma_start3A_555 = tpu.memref_slice %arg7[%dma_start3A_553, %dma_start3A_554] : memref<2200000x16xf32, #tpu.memory_space<hbm>> -> memref<2200000x16xf32, #tpu.memory_space<hbm>>
      tpu.enqueue_indirect_dma source(%dma_start3A_555 : memref<2200000x16xf32, #tpu.memory_space<hbm>>) target(%dma_start3A_550 : memref<128x16xf32, #tpu.memory_space<vmem>>) offsets(%dma_start3A_552 : memref<128xi32, #tpu.memory_space<vmem>>) semaphore(%arg17 : memref<!tpu.dma_semaphore, #tpu.memory_space<semaphore_mem>>)
      %dma_start3A_556 = arith.constant 384 : i32
      %dma_start3A_557 = arith.constant 0 : i32
      %dma_start3A_558 = tpu.memref_slice %arg16[%dma_start3A_556, %dma_start3A_557] : memref<2816x16xf32, #tpu.memory_space<vmem>> -> memref<128x16xf32, #tpu.memory_space<vmem>>
      %dma_start3A_559 = arith.constant 384 : i32
      %dma_start3A_560 = tpu.memref_slice %arg15[%dma_start3A_559] : memref<2816xi32, #tpu.memory_space<vmem>> -> memref<128xi32, #tpu.memory_space<vmem>>
      %dma_start3A_561 = arith.constant 0 : i32
      %dma_start3A_562 = arith.constant 0 : i32
      %dma_start3A_563 = tpu.memref_slice %arg7[%dma_start3A_561, %dma_start3A_562] : memref<2200000x16xf32, #tpu.memory_space<hbm>> -> memref<2200000x16xf32, #tpu.memory_space<hbm>>
      tpu.enqueue_indirect_dma source(%dma_start3A_563 : memref<2200000x16xf32, #tpu.memory_space<hbm>>) target(%dma_start3A_558 : memref<128x16xf32, #tpu.memory_space<vmem>>) offsets(%dma_start3A_560 : memref<128xi32, #tpu.memory_space<vmem>>) semaphore(%arg17 : memref<!tpu.dma_semaphore, #tpu.memory_space<semaphore_mem>>)
      %dma_start3A_564 = arith.constant 512 : i32
      %dma_start3A_565 = arith.constant 0 : i32
      %dma_start3A_566 = tpu.memref_slice %arg16[%dma_start3A_564, %dma_start3A_565] : memref<2816x16xf32, #tpu.memory_space<vmem>> -> memref<128x16xf32, #tpu.memory_space<vmem>>
      %dma_start3A_567 = arith.constant 512 : i32
      %dma_start3A_568 = tpu.memref_slice %arg15[%dma_start3A_567] : memref<2816xi32, #tpu.memory_space<vmem>> -> memref<128xi32, #tpu.memory_space<vmem>>
      %dma_start3A_569 = arith.constant 0 : i32
      %dma_start3A_570 = arith.constant 0 : i32
      %dma_start3A_571 = tpu.memref_slice %arg7[%dma_start3A_569, %dma_start3A_570] : memref<2200000x16xf32, #tpu.memory_space<hbm>> -> memref<2200000x16xf32, #tpu.memory_space<hbm>>
      tpu.enqueue_indirect_dma source(%dma_start3A_571 : memref<2200000x16xf32, #tpu.memory_space<hbm>>) target(%dma_start3A_566 : memref<128x16xf32, #tpu.memory_space<vmem>>) offsets(%dma_start3A_568 : memref<128xi32, #tpu.memory_space<vmem>>) semaphore(%arg17 : memref<!tpu.dma_semaphore, #tpu.memory_space<semaphore_mem>>)
      %dma_start3A_572 = arith.constant 640 : i32
      %dma_start3A_573 = arith.constant 0 : i32
      %dma_start3A_574 = tpu.memref_slice %arg16[%dma_start3A_572, %dma_start3A_573] : memref<2816x16xf32, #tpu.memory_space<vmem>> -> memref<128x16xf32, #tpu.memory_space<vmem>>
      %dma_start3A_575 = arith.constant 640 : i32
      %dma_start3A_576 = tpu.memref_slice %arg15[%dma_start3A_575] : memref<2816xi32, #tpu.memory_space<vmem>> -> memref<128xi32, #tpu.memory_space<vmem>>
      %dma_start3A_577 = arith.constant 0 : i32
      %dma_start3A_578 = arith.constant 0 : i32
      %dma_start3A_579 = tpu.memref_slice %arg7[%dma_start3A_577, %dma_start3A_578] : memref<2200000x16xf32, #tpu.memory_space<hbm>> -> memref<2200000x16xf32, #tpu.memory_space<hbm>>
      tpu.enqueue_indirect_dma source(%dma_start3A_579 : memref<2200000x16xf32, #tpu.memory_space<hbm>>) target(%dma_start3A_574 : memref<128x16xf32, #tpu.memory_space<vmem>>) offsets(%dma_start3A_576 : memref<128xi32, #tpu.memory_space<vmem>>) semaphore(%arg17 : memref<!tpu.dma_semaphore, #tpu.memory_space<semaphore_mem>>)
      %dma_start3A_580 = arith.constant 768 : i32
      %dma_start3A_581 = arith.constant 0 : i32
      %dma_start3A_582 = tpu.memref_slice %arg16[%dma_start3A_580, %dma_start3A_581] : memref<2816x16xf32, #tpu.memory_space<vmem>> -> memref<128x16xf32, #tpu.memory_space<vmem>>
      %dma_start3A_583 = arith.constant 768 : i32
      %dma_start3A_584 = tpu.memref_slice %arg15[%dma_start3A_583] : memref<2816xi32, #tpu.memory_space<vmem>> -> memref<128xi32, #tpu.memory_space<vmem>>
      %dma_start3A_585 = arith.constant 0 : i32
      %dma_start3A_586 = arith.constant 0 : i32
      %dma_start3A_587 = tpu.memref_slice %arg7[%dma_start3A_585, %dma_start3A_586] : memref<2200000x16xf32, #tpu.memory_space<hbm>> -> memref<2200000x16xf32, #tpu.memory_space<hbm>>
      tpu.enqueue_indirect_dma source(%dma_start3A_587 : memref<2200000x16xf32, #tpu.memory_space<hbm>>) target(%dma_start3A_582 : memref<128x16xf32, #tpu.memory_space<vmem>>) offsets(%dma_start3A_584 : memref<128xi32, #tpu.memory_space<vmem>>) semaphore(%arg17 : memref<!tpu.dma_semaphore, #tpu.memory_space<semaphore_mem>>)
      %dma_start3A_588 = arith.constant 896 : i32
      %dma_start3A_589 = arith.constant 0 : i32
      %dma_start3A_590 = tpu.memref_slice %arg16[%dma_start3A_588, %dma_start3A_589] : memref<2816x16xf32, #tpu.memory_space<vmem>> -> memref<128x16xf32, #tpu.memory_space<vmem>>
      %dma_start3A_591 = arith.constant 896 : i32
      %dma_start3A_592 = tpu.memref_slice %arg15[%dma_start3A_591] : memref<2816xi32, #tpu.memory_space<vmem>> -> memref<128xi32, #tpu.memory_space<vmem>>
      %dma_start3A_593 = arith.constant 0 : i32
      %dma_start3A_594 = arith.constant 0 : i32
      %dma_start3A_595 = tpu.memref_slice %arg7[%dma_start3A_593, %dma_start3A_594] : memref<2200000x16xf32, #tpu.memory_space<hbm>> -> memref<2200000x16xf32, #tpu.memory_space<hbm>>
      tpu.enqueue_indirect_dma source(%dma_start3A_595 : memref<2200000x16xf32, #tpu.memory_space<hbm>>) target(%dma_start3A_590 : memref<128x16xf32, #tpu.memory_space<vmem>>) offsets(%dma_start3A_592 : memref<128xi32, #tpu.memory_space<vmem>>) semaphore(%arg17 : memref<!tpu.dma_semaphore, #tpu.memory_space<semaphore_mem>>)
      %dma_start3A_596 = arith.constant 1024 : i32
      %dma_start3A_597 = arith.constant 0 : i32
      %dma_start3A_598 = tpu.memref_slice %arg16[%dma_start3A_596, %dma_start3A_597] : memref<2816x16xf32, #tpu.memory_space<vmem>> -> memref<128x16xf32, #tpu.memory_space<vmem>>
      %dma_start3A_599 = arith.constant 1024 : i32
      %dma_start3A_600 = tpu.memref_slice %arg15[%dma_start3A_599] : memref<2816xi32, #tpu.memory_space<vmem>> -> memref<128xi32, #tpu.memory_space<vmem>>
      %dma_start3A_601 = arith.constant 0 : i32
      %dma_start3A_602 = arith.constant 0 : i32
      %dma_start3A_603 = tpu.memref_slice %arg7[%dma_start3A_601, %dma_start3A_602] : memref<2200000x16xf32, #tpu.memory_space<hbm>> -> memref<2200000x16xf32, #tpu.memory_space<hbm>>
      tpu.enqueue_indirect_dma source(%dma_start3A_603 : memref<2200000x16xf32, #tpu.memory_space<hbm>>) target(%dma_start3A_598 : memref<128x16xf32, #tpu.memory_space<vmem>>) offsets(%dma_start3A_600 : memref<128xi32, #tpu.memory_space<vmem>>) semaphore(%arg17 : memref<!tpu.dma_semaphore, #tpu.memory_space<semaphore_mem>>)
      %dma_start3A_604 = arith.constant 1152 : i32
      %dma_start3A_605 = arith.constant 0 : i32
      %dma_start3A_606 = tpu.memref_slice %arg16[%dma_start3A_604, %dma_start3A_605] : memref<2816x16xf32, #tpu.memory_space<vmem>> -> memref<128x16xf32, #tpu.memory_space<vmem>>
      %dma_start3A_607 = arith.constant 1152 : i32
      %dma_start3A_608 = tpu.memref_slice %arg15[%dma_start3A_607] : memref<2816xi32, #tpu.memory_space<vmem>> -> memref<128xi32, #tpu.memory_space<vmem>>
      %dma_start3A_609 = arith.constant 0 : i32
      %dma_start3A_610 = arith.constant 0 : i32
      %dma_start3A_611 = tpu.memref_slice %arg7[%dma_start3A_609, %dma_start3A_610] : memref<2200000x16xf32, #tpu.memory_space<hbm>> -> memref<2200000x16xf32, #tpu.memory_space<hbm>>
      tpu.enqueue_indirect_dma source(%dma_start3A_611 : memref<2200000x16xf32, #tpu.memory_space<hbm>>) target(%dma_start3A_606 : memref<128x16xf32, #tpu.memory_space<vmem>>) offsets(%dma_start3A_608 : memref<128xi32, #tpu.memory_space<vmem>>) semaphore(%arg17 : memref<!tpu.dma_semaphore, #tpu.memory_space<semaphore_mem>>)
      %dma_start3A_612 = arith.constant 1280 : i32
      %dma_start3A_613 = arith.constant 0 : i32
      %dma_start3A_614 = tpu.memref_slice %arg16[%dma_start3A_612, %dma_start3A_613] : memref<2816x16xf32, #tpu.memory_space<vmem>> -> memref<128x16xf32, #tpu.memory_space<vmem>>
      %dma_start3A_615 = arith.constant 1280 : i32
      %dma_start3A_616 = tpu.memref_slice %arg15[%dma_start3A_615] : memref<2816xi32, #tpu.memory_space<vmem>> -> memref<128xi32, #tpu.memory_space<vmem>>
      %dma_start3A_617 = arith.constant 0 : i32
      %dma_start3A_618 = arith.constant 0 : i32
      %dma_start3A_619 = tpu.memref_slice %arg7[%dma_start3A_617, %dma_start3A_618] : memref<2200000x16xf32, #tpu.memory_space<hbm>> -> memref<2200000x16xf32, #tpu.memory_space<hbm>>
      tpu.enqueue_indirect_dma source(%dma_start3A_619 : memref<2200000x16xf32, #tpu.memory_space<hbm>>) target(%dma_start3A_614 : memref<128x16xf32, #tpu.memory_space<vmem>>) offsets(%dma_start3A_616 : memref<128xi32, #tpu.memory_space<vmem>>) semaphore(%arg17 : memref<!tpu.dma_semaphore, #tpu.memory_space<semaphore_mem>>)
      %dma_start3A_620 = arith.constant 1408 : i32
      %dma_start3A_621 = arith.constant 0 : i32
      %dma_start3A_622 = tpu.memref_slice %arg16[%dma_start3A_620, %dma_start3A_621] : memref<2816x16xf32, #tpu.memory_space<vmem>> -> memref<128x16xf32, #tpu.memory_space<vmem>>
      %dma_start3A_623 = arith.constant 1408 : i32
      %dma_start3A_624 = tpu.memref_slice %arg15[%dma_start3A_623] : memref<2816xi32, #tpu.memory_space<vmem>> -> memref<128xi32, #tpu.memory_space<vmem>>
      %dma_start3A_625 = arith.constant 0 : i32
      %dma_start3A_626 = arith.constant 0 : i32
      %dma_start3A_627 = tpu.memref_slice %arg7[%dma_start3A_625, %dma_start3A_626] : memref<2200000x16xf32, #tpu.memory_space<hbm>> -> memref<2200000x16xf32, #tpu.memory_space<hbm>>
      tpu.enqueue_indirect_dma source(%dma_start3A_627 : memref<2200000x16xf32, #tpu.memory_space<hbm>>) target(%dma_start3A_622 : memref<128x16xf32, #tpu.memory_space<vmem>>) offsets(%dma_start3A_624 : memref<128xi32, #tpu.memory_space<vmem>>) semaphore(%arg17 : memref<!tpu.dma_semaphore, #tpu.memory_space<semaphore_mem>>)
      %dma_start3A_628 = arith.constant 1536 : i32
      %dma_start3A_629 = arith.constant 0 : i32
      %dma_start3A_630 = tpu.memref_slice %arg16[%dma_start3A_628, %dma_start3A_629] : memref<2816x16xf32, #tpu.memory_space<vmem>> -> memref<128x16xf32, #tpu.memory_space<vmem>>
      %dma_start3A_631 = arith.constant 1536 : i32
      %dma_start3A_632 = tpu.memref_slice %arg15[%dma_start3A_631] : memref<2816xi32, #tpu.memory_space<vmem>> -> memref<128xi32, #tpu.memory_space<vmem>>
      %dma_start3A_633 = arith.constant 0 : i32
      %dma_start3A_634 = arith.constant 0 : i32
      %dma_start3A_635 = tpu.memref_slice %arg7[%dma_start3A_633, %dma_start3A_634] : memref<2200000x16xf32, #tpu.memory_space<hbm>> -> memref<2200000x16xf32, #tpu.memory_space<hbm>>
      tpu.enqueue_indirect_dma source(%dma_start3A_635 : memref<2200000x16xf32, #tpu.memory_space<hbm>>) target(%dma_start3A_630 : memref<128x16xf32, #tpu.memory_space<vmem>>) offsets(%dma_start3A_632 : memref<128xi32, #tpu.memory_space<vmem>>) semaphore(%arg17 : memref<!tpu.dma_semaphore, #tpu.memory_space<semaphore_mem>>)
      %dma_start3A_636 = arith.constant 1664 : i32
      %dma_start3A_637 = arith.constant 0 : i32
      %dma_start3A_638 = tpu.memref_slice %arg16[%dma_start3A_636, %dma_start3A_637] : memref<2816x16xf32, #tpu.memory_space<vmem>> -> memref<128x16xf32, #tpu.memory_space<vmem>>
      %dma_start3A_639 = arith.constant 1664 : i32
      %dma_start3A_640 = tpu.memref_slice %arg15[%dma_start3A_639] : memref<2816xi32, #tpu.memory_space<vmem>> -> memref<128xi32, #tpu.memory_space<vmem>>
      %dma_start3A_641 = arith.constant 0 : i32
      %dma_start3A_642 = arith.constant 0 : i32
      %dma_start3A_643 = tpu.memref_slice %arg7[%dma_start3A_641, %dma_start3A_642] : memref<2200000x16xf32, #tpu.memory_space<hbm>> -> memref<2200000x16xf32, #tpu.memory_space<hbm>>
      tpu.enqueue_indirect_dma source(%dma_start3A_643 : memref<2200000x16xf32, #tpu.memory_space<hbm>>) target(%dma_start3A_638 : memref<128x16xf32, #tpu.memory_space<vmem>>) offsets(%dma_start3A_640 : memref<128xi32, #tpu.memory_space<vmem>>) semaphore(%arg17 : memref<!tpu.dma_semaphore, #tpu.memory_space<semaphore_mem>>)
      %dma_start3A_644 = arith.constant 1792 : i32
      %dma_start3A_645 = arith.constant 0 : i32
      %dma_start3A_646 = tpu.memref_slice %arg16[%dma_start3A_644, %dma_start3A_645] : memref<2816x16xf32, #tpu.memory_space<vmem>> -> memref<128x16xf32, #tpu.memory_space<vmem>>
      %dma_start3A_647 = arith.constant 1792 : i32
      %dma_start3A_648 = tpu.memref_slice %arg15[%dma_start3A_647] : memref<2816xi32, #tpu.memory_space<vmem>> -> memref<128xi32, #tpu.memory_space<vmem>>
      %dma_start3A_649 = arith.constant 0 : i32
      %dma_start3A_650 = arith.constant 0 : i32
      %dma_start3A_651 = tpu.memref_slice %arg7[%dma_start3A_649, %dma_start3A_650] : memref<2200000x16xf32, #tpu.memory_space<hbm>> -> memref<2200000x16xf32, #tpu.memory_space<hbm>>
      tpu.enqueue_indirect_dma source(%dma_start3A_651 : memref<2200000x16xf32, #tpu.memory_space<hbm>>) target(%dma_start3A_646 : memref<128x16xf32, #tpu.memory_space<vmem>>) offsets(%dma_start3A_648 : memref<128xi32, #tpu.memory_space<vmem>>) semaphore(%arg17 : memref<!tpu.dma_semaphore, #tpu.memory_space<semaphore_mem>>)
      %dma_start3A_652 = arith.constant 1920 : i32
      %dma_start3A_653 = arith.constant 0 : i32
      %dma_start3A_654 = tpu.memref_slice %arg16[%dma_start3A_652, %dma_start3A_653] : memref<2816x16xf32, #tpu.memory_space<vmem>> -> memref<128x16xf32, #tpu.memory_space<vmem>>
      %dma_start3A_655 = arith.constant 1920 : i32
      %dma_start3A_656 = tpu.memref_slice %arg15[%dma_start3A_655] : memref<2816xi32, #tpu.memory_space<vmem>> -> memref<128xi32, #tpu.memory_space<vmem>>
      %dma_start3A_657 = arith.constant 0 : i32
      %dma_start3A_658 = arith.constant 0 : i32
      %dma_start3A_659 = tpu.memref_slice %arg7[%dma_start3A_657, %dma_start3A_658] : memref<2200000x16xf32, #tpu.memory_space<hbm>> -> memref<2200000x16xf32, #tpu.memory_space<hbm>>
      tpu.enqueue_indirect_dma source(%dma_start3A_659 : memref<2200000x16xf32, #tpu.memory_space<hbm>>) target(%dma_start3A_654 : memref<128x16xf32, #tpu.memory_space<vmem>>) offsets(%dma_start3A_656 : memref<128xi32, #tpu.memory_space<vmem>>) semaphore(%arg17 : memref<!tpu.dma_semaphore, #tpu.memory_space<semaphore_mem>>)
      %dma_start3A_660 = arith.constant 2048 : i32
      %dma_start3A_661 = arith.constant 0 : i32
      %dma_start3A_662 = tpu.memref_slice %arg16[%dma_start3A_660, %dma_start3A_661] : memref<2816x16xf32, #tpu.memory_space<vmem>> -> memref<128x16xf32, #tpu.memory_space<vmem>>
      %dma_start3A_663 = arith.constant 2048 : i32
      %dma_start3A_664 = tpu.memref_slice %arg15[%dma_start3A_663] : memref<2816xi32, #tpu.memory_space<vmem>> -> memref<128xi32, #tpu.memory_space<vmem>>
      %dma_start3A_665 = arith.constant 0 : i32
      %dma_start3A_666 = arith.constant 0 : i32
      %dma_start3A_667 = tpu.memref_slice %arg7[%dma_start3A_665, %dma_start3A_666] : memref<2200000x16xf32, #tpu.memory_space<hbm>> -> memref<2200000x16xf32, #tpu.memory_space<hbm>>
      tpu.enqueue_indirect_dma source(%dma_start3A_667 : memref<2200000x16xf32, #tpu.memory_space<hbm>>) target(%dma_start3A_662 : memref<128x16xf32, #tpu.memory_space<vmem>>) offsets(%dma_start3A_664 : memref<128xi32, #tpu.memory_space<vmem>>) semaphore(%arg17 : memref<!tpu.dma_semaphore, #tpu.memory_space<semaphore_mem>>)
      %dma_start3A_668 = arith.constant 2176 : i32
      %dma_start3A_669 = arith.constant 0 : i32
      %dma_start3A_670 = tpu.memref_slice %arg16[%dma_start3A_668, %dma_start3A_669] : memref<2816x16xf32, #tpu.memory_space<vmem>> -> memref<128x16xf32, #tpu.memory_space<vmem>>
      %dma_start3A_671 = arith.constant 2176 : i32
      %dma_start3A_672 = tpu.memref_slice %arg15[%dma_start3A_671] : memref<2816xi32, #tpu.memory_space<vmem>> -> memref<128xi32, #tpu.memory_space<vmem>>
      %dma_start3A_673 = arith.constant 0 : i32
      %dma_start3A_674 = arith.constant 0 : i32
      %dma_start3A_675 = tpu.memref_slice %arg7[%dma_start3A_673, %dma_start3A_674] : memref<2200000x16xf32, #tpu.memory_space<hbm>> -> memref<2200000x16xf32, #tpu.memory_space<hbm>>
      tpu.enqueue_indirect_dma source(%dma_start3A_675 : memref<2200000x16xf32, #tpu.memory_space<hbm>>) target(%dma_start3A_670 : memref<128x16xf32, #tpu.memory_space<vmem>>) offsets(%dma_start3A_672 : memref<128xi32, #tpu.memory_space<vmem>>) semaphore(%arg17 : memref<!tpu.dma_semaphore, #tpu.memory_space<semaphore_mem>>)
      %dma_start3A_676 = arith.constant 2304 : i32
      %dma_start3A_677 = arith.constant 0 : i32
      %dma_start3A_678 = tpu.memref_slice %arg16[%dma_start3A_676, %dma_start3A_677] : memref<2816x16xf32, #tpu.memory_space<vmem>> -> memref<128x16xf32, #tpu.memory_space<vmem>>
      %dma_start3A_679 = arith.constant 2304 : i32
      %dma_start3A_680 = tpu.memref_slice %arg15[%dma_start3A_679] : memref<2816xi32, #tpu.memory_space<vmem>> -> memref<128xi32, #tpu.memory_space<vmem>>
      %dma_start3A_681 = arith.constant 0 : i32
      %dma_start3A_682 = arith.constant 0 : i32
      %dma_start3A_683 = tpu.memref_slice %arg7[%dma_start3A_681, %dma_start3A_682] : memref<2200000x16xf32, #tpu.memory_space<hbm>> -> memref<2200000x16xf32, #tpu.memory_space<hbm>>
      tpu.enqueue_indirect_dma source(%dma_start3A_683 : memref<2200000x16xf32, #tpu.memory_space<hbm>>) target(%dma_start3A_678 : memref<128x16xf32, #tpu.memory_space<vmem>>) offsets(%dma_start3A_680 : memref<128xi32, #tpu.memory_space<vmem>>) semaphore(%arg17 : memref<!tpu.dma_semaphore, #tpu.memory_space<semaphore_mem>>)
      %dma_start3A_684 = arith.constant 2432 : i32
      %dma_start3A_685 = arith.constant 0 : i32
      %dma_start3A_686 = tpu.memref_slice %arg16[%dma_start3A_684, %dma_start3A_685] : memref<2816x16xf32, #tpu.memory_space<vmem>> -> memref<128x16xf32, #tpu.memory_space<vmem>>
      %dma_start3A_687 = arith.constant 2432 : i32
      %dma_start3A_688 = tpu.memref_slice %arg15[%dma_start3A_687] : memref<2816xi32, #tpu.memory_space<vmem>> -> memref<128xi32, #tpu.memory_space<vmem>>
      %dma_start3A_689 = arith.constant 0 : i32
      %dma_start3A_690 = arith.constant 0 : i32
      %dma_start3A_691 = tpu.memref_slice %arg7[%dma_start3A_689, %dma_start3A_690] : memref<2200000x16xf32, #tpu.memory_space<hbm>> -> memref<2200000x16xf32, #tpu.memory_space<hbm>>
      tpu.enqueue_indirect_dma source(%dma_start3A_691 : memref<2200000x16xf32, #tpu.memory_space<hbm>>) target(%dma_start3A_686 : memref<128x16xf32, #tpu.memory_space<vmem>>) offsets(%dma_start3A_688 : memref<128xi32, #tpu.memory_space<vmem>>) semaphore(%arg17 : memref<!tpu.dma_semaphore, #tpu.memory_space<semaphore_mem>>)
      %dma_start3A_692 = arith.constant 2560 : i32
      %dma_start3A_693 = arith.constant 0 : i32
      %dma_start3A_694 = tpu.memref_slice %arg16[%dma_start3A_692, %dma_start3A_693] : memref<2816x16xf32, #tpu.memory_space<vmem>> -> memref<128x16xf32, #tpu.memory_space<vmem>>
      %dma_start3A_695 = arith.constant 2560 : i32
      %dma_start3A_696 = tpu.memref_slice %arg15[%dma_start3A_695] : memref<2816xi32, #tpu.memory_space<vmem>> -> memref<128xi32, #tpu.memory_space<vmem>>
      %dma_start3A_697 = arith.constant 0 : i32
      %dma_start3A_698 = arith.constant 0 : i32
      %dma_start3A_699 = tpu.memref_slice %arg7[%dma_start3A_697, %dma_start3A_698] : memref<2200000x16xf32, #tpu.memory_space<hbm>> -> memref<2200000x16xf32, #tpu.memory_space<hbm>>
      tpu.enqueue_indirect_dma source(%dma_start3A_699 : memref<2200000x16xf32, #tpu.memory_space<hbm>>) target(%dma_start3A_694 : memref<128x16xf32, #tpu.memory_space<vmem>>) offsets(%dma_start3A_696 : memref<128xi32, #tpu.memory_space<vmem>>) semaphore(%arg17 : memref<!tpu.dma_semaphore, #tpu.memory_space<semaphore_mem>>)
      %dma_start3A_700 = arith.constant 2688 : i32
      %dma_start3A_701 = arith.constant 0 : i32
      %dma_start3A_702 = tpu.memref_slice %arg16[%dma_start3A_700, %dma_start3A_701] : memref<2816x16xf32, #tpu.memory_space<vmem>> -> memref<128x16xf32, #tpu.memory_space<vmem>>
      %dma_start3A_703 = arith.constant 2688 : i32
      %dma_start3A_704 = tpu.memref_slice %arg15[%dma_start3A_703] : memref<2816xi32, #tpu.memory_space<vmem>> -> memref<128xi32, #tpu.memory_space<vmem>>
      %dma_start3A_705 = arith.constant 0 : i32
      %dma_start3A_706 = arith.constant 0 : i32
      %dma_start3A_707 = tpu.memref_slice %arg7[%dma_start3A_705, %dma_start3A_706] : memref<2200000x16xf32, #tpu.memory_space<hbm>> -> memref<2200000x16xf32, #tpu.memory_space<hbm>>
      tpu.enqueue_indirect_dma source(%dma_start3A_707 : memref<2200000x16xf32, #tpu.memory_space<hbm>>) target(%dma_start3A_702 : memref<128x16xf32, #tpu.memory_space<vmem>>) offsets(%dma_start3A_704 : memref<128xi32, #tpu.memory_space<vmem>>) semaphore(%arg17 : memref<!tpu.dma_semaphore, #tpu.memory_space<semaphore_mem>>)
      %dma_wait3A_708 = arith.constant 0 : i32
      %dma_wait3A_709 = arith.constant 0 : i32
      %dma_wait3A_710 = tpu.memref_slice %arg16[%dma_wait3A_708, %dma_wait3A_709] : memref<2816x16xf32, #tpu.memory_space<vmem>> -> memref<128x16xf32, #tpu.memory_space<vmem>>
      %dma_wait3A_711 = arith.constant 0 : i32
      %dma_wait3A_712 = tpu.memref_slice %arg15[%dma_wait3A_711] : memref<2816xi32, #tpu.memory_space<vmem>> -> memref<128xi32, #tpu.memory_space<vmem>>
      %dma_wait3A_713 = arith.constant 0 : i32
      %dma_wait3A_714 = arith.constant 0 : i32
      %dma_wait3A_715 = tpu.memref_slice %arg7[%dma_wait3A_713, %dma_wait3A_714] : memref<2200000x16xf32, #tpu.memory_space<hbm>> -> memref<2200000x16xf32, #tpu.memory_space<hbm>>
      tpu.wait_indirect_dma semaphore(%arg17 : memref<!tpu.dma_semaphore, #tpu.memory_space<semaphore_mem>>) src(%dma_wait3A_715 : memref<2200000x16xf32, #tpu.memory_space<hbm>>) dst(%dma_wait3A_710 : memref<128x16xf32, #tpu.memory_space<vmem>>)
      %dma_wait3A_716 = arith.constant 128 : i32
      %dma_wait3A_717 = arith.constant 0 : i32
      %dma_wait3A_718 = tpu.memref_slice %arg16[%dma_wait3A_716, %dma_wait3A_717] : memref<2816x16xf32, #tpu.memory_space<vmem>> -> memref<128x16xf32, #tpu.memory_space<vmem>>
      %dma_wait3A_719 = arith.constant 128 : i32
      %dma_wait3A_720 = tpu.memref_slice %arg15[%dma_wait3A_719] : memref<2816xi32, #tpu.memory_space<vmem>> -> memref<128xi32, #tpu.memory_space<vmem>>
      %dma_wait3A_721 = arith.constant 0 : i32
      %dma_wait3A_722 = arith.constant 0 : i32
      %dma_wait3A_723 = tpu.memref_slice %arg7[%dma_wait3A_721, %dma_wait3A_722] : memref<2200000x16xf32, #tpu.memory_space<hbm>> -> memref<2200000x16xf32, #tpu.memory_space<hbm>>
      tpu.wait_indirect_dma semaphore(%arg17 : memref<!tpu.dma_semaphore, #tpu.memory_space<semaphore_mem>>) src(%dma_wait3A_723 : memref<2200000x16xf32, #tpu.memory_space<hbm>>) dst(%dma_wait3A_718 : memref<128x16xf32, #tpu.memory_space<vmem>>)
      %dma_wait3A_724 = arith.constant 256 : i32
      %dma_wait3A_725 = arith.constant 0 : i32
      %dma_wait3A_726 = tpu.memref_slice %arg16[%dma_wait3A_724, %dma_wait3A_725] : memref<2816x16xf32, #tpu.memory_space<vmem>> -> memref<128x16xf32, #tpu.memory_space<vmem>>
      %dma_wait3A_727 = arith.constant 256 : i32
      %dma_wait3A_728 = tpu.memref_slice %arg15[%dma_wait3A_727] : memref<2816xi32, #tpu.memory_space<vmem>> -> memref<128xi32, #tpu.memory_space<vmem>>
      %dma_wait3A_729 = arith.constant 0 : i32
      %dma_wait3A_730 = arith.constant 0 : i32
      %dma_wait3A_731 = tpu.memref_slice %arg7[%dma_wait3A_729, %dma_wait3A_730] : memref<2200000x16xf32, #tpu.memory_space<hbm>> -> memref<2200000x16xf32, #tpu.memory_space<hbm>>
      tpu.wait_indirect_dma semaphore(%arg17 : memref<!tpu.dma_semaphore, #tpu.memory_space<semaphore_mem>>) src(%dma_wait3A_731 : memref<2200000x16xf32, #tpu.memory_space<hbm>>) dst(%dma_wait3A_726 : memref<128x16xf32, #tpu.memory_space<vmem>>)
      %dma_wait3A_732 = arith.constant 384 : i32
      %dma_wait3A_733 = arith.constant 0 : i32
      %dma_wait3A_734 = tpu.memref_slice %arg16[%dma_wait3A_732, %dma_wait3A_733] : memref<2816x16xf32, #tpu.memory_space<vmem>> -> memref<128x16xf32, #tpu.memory_space<vmem>>
      %dma_wait3A_735 = arith.constant 384 : i32
      %dma_wait3A_736 = tpu.memref_slice %arg15[%dma_wait3A_735] : memref<2816xi32, #tpu.memory_space<vmem>> -> memref<128xi32, #tpu.memory_space<vmem>>
      %dma_wait3A_737 = arith.constant 0 : i32
      %dma_wait3A_738 = arith.constant 0 : i32
      %dma_wait3A_739 = tpu.memref_slice %arg7[%dma_wait3A_737, %dma_wait3A_738] : memref<2200000x16xf32, #tpu.memory_space<hbm>> -> memref<2200000x16xf32, #tpu.memory_space<hbm>>
      tpu.wait_indirect_dma semaphore(%arg17 : memref<!tpu.dma_semaphore, #tpu.memory_space<semaphore_mem>>) src(%dma_wait3A_739 : memref<2200000x16xf32, #tpu.memory_space<hbm>>) dst(%dma_wait3A_734 : memref<128x16xf32, #tpu.memory_space<vmem>>)
      %dma_wait3A_740 = arith.constant 512 : i32
      %dma_wait3A_741 = arith.constant 0 : i32
      %dma_wait3A_742 = tpu.memref_slice %arg16[%dma_wait3A_740, %dma_wait3A_741] : memref<2816x16xf32, #tpu.memory_space<vmem>> -> memref<128x16xf32, #tpu.memory_space<vmem>>
      %dma_wait3A_743 = arith.constant 512 : i32
      %dma_wait3A_744 = tpu.memref_slice %arg15[%dma_wait3A_743] : memref<2816xi32, #tpu.memory_space<vmem>> -> memref<128xi32, #tpu.memory_space<vmem>>
      %dma_wait3A_745 = arith.constant 0 : i32
      %dma_wait3A_746 = arith.constant 0 : i32
      %dma_wait3A_747 = tpu.memref_slice %arg7[%dma_wait3A_745, %dma_wait3A_746] : memref<2200000x16xf32, #tpu.memory_space<hbm>> -> memref<2200000x16xf32, #tpu.memory_space<hbm>>
      tpu.wait_indirect_dma semaphore(%arg17 : memref<!tpu.dma_semaphore, #tpu.memory_space<semaphore_mem>>) src(%dma_wait3A_747 : memref<2200000x16xf32, #tpu.memory_space<hbm>>) dst(%dma_wait3A_742 : memref<128x16xf32, #tpu.memory_space<vmem>>)
      %dma_wait3A_748 = arith.constant 640 : i32
      %dma_wait3A_749 = arith.constant 0 : i32
      %dma_wait3A_750 = tpu.memref_slice %arg16[%dma_wait3A_748, %dma_wait3A_749] : memref<2816x16xf32, #tpu.memory_space<vmem>> -> memref<128x16xf32, #tpu.memory_space<vmem>>
      %dma_wait3A_751 = arith.constant 640 : i32
      %dma_wait3A_752 = tpu.memref_slice %arg15[%dma_wait3A_751] : memref<2816xi32, #tpu.memory_space<vmem>> -> memref<128xi32, #tpu.memory_space<vmem>>
      %dma_wait3A_753 = arith.constant 0 : i32
      %dma_wait3A_754 = arith.constant 0 : i32
      %dma_wait3A_755 = tpu.memref_slice %arg7[%dma_wait3A_753, %dma_wait3A_754] : memref<2200000x16xf32, #tpu.memory_space<hbm>> -> memref<2200000x16xf32, #tpu.memory_space<hbm>>
      tpu.wait_indirect_dma semaphore(%arg17 : memref<!tpu.dma_semaphore, #tpu.memory_space<semaphore_mem>>) src(%dma_wait3A_755 : memref<2200000x16xf32, #tpu.memory_space<hbm>>) dst(%dma_wait3A_750 : memref<128x16xf32, #tpu.memory_space<vmem>>)
      %dma_wait3A_756 = arith.constant 768 : i32
      %dma_wait3A_757 = arith.constant 0 : i32
      %dma_wait3A_758 = tpu.memref_slice %arg16[%dma_wait3A_756, %dma_wait3A_757] : memref<2816x16xf32, #tpu.memory_space<vmem>> -> memref<128x16xf32, #tpu.memory_space<vmem>>
      %dma_wait3A_759 = arith.constant 768 : i32
      %dma_wait3A_760 = tpu.memref_slice %arg15[%dma_wait3A_759] : memref<2816xi32, #tpu.memory_space<vmem>> -> memref<128xi32, #tpu.memory_space<vmem>>
      %dma_wait3A_761 = arith.constant 0 : i32
      %dma_wait3A_762 = arith.constant 0 : i32
      %dma_wait3A_763 = tpu.memref_slice %arg7[%dma_wait3A_761, %dma_wait3A_762] : memref<2200000x16xf32, #tpu.memory_space<hbm>> -> memref<2200000x16xf32, #tpu.memory_space<hbm>>
      tpu.wait_indirect_dma semaphore(%arg17 : memref<!tpu.dma_semaphore, #tpu.memory_space<semaphore_mem>>) src(%dma_wait3A_763 : memref<2200000x16xf32, #tpu.memory_space<hbm>>) dst(%dma_wait3A_758 : memref<128x16xf32, #tpu.memory_space<vmem>>)
      %dma_wait3A_764 = arith.constant 896 : i32
      %dma_wait3A_765 = arith.constant 0 : i32
      %dma_wait3A_766 = tpu.memref_slice %arg16[%dma_wait3A_764, %dma_wait3A_765] : memref<2816x16xf32, #tpu.memory_space<vmem>> -> memref<128x16xf32, #tpu.memory_space<vmem>>
      %dma_wait3A_767 = arith.constant 896 : i32
      %dma_wait3A_768 = tpu.memref_slice %arg15[%dma_wait3A_767] : memref<2816xi32, #tpu.memory_space<vmem>> -> memref<128xi32, #tpu.memory_space<vmem>>
      %dma_wait3A_769 = arith.constant 0 : i32
      %dma_wait3A_770 = arith.constant 0 : i32
      %dma_wait3A_771 = tpu.memref_slice %arg7[%dma_wait3A_769, %dma_wait3A_770] : memref<2200000x16xf32, #tpu.memory_space<hbm>> -> memref<2200000x16xf32, #tpu.memory_space<hbm>>
      tpu.wait_indirect_dma semaphore(%arg17 : memref<!tpu.dma_semaphore, #tpu.memory_space<semaphore_mem>>) src(%dma_wait3A_771 : memref<2200000x16xf32, #tpu.memory_space<hbm>>) dst(%dma_wait3A_766 : memref<128x16xf32, #tpu.memory_space<vmem>>)
      %dma_wait3A_772 = arith.constant 1024 : i32
      %dma_wait3A_773 = arith.constant 0 : i32
      %dma_wait3A_774 = tpu.memref_slice %arg16[%dma_wait3A_772, %dma_wait3A_773] : memref<2816x16xf32, #tpu.memory_space<vmem>> -> memref<128x16xf32, #tpu.memory_space<vmem>>
      %dma_wait3A_775 = arith.constant 1024 : i32
      %dma_wait3A_776 = tpu.memref_slice %arg15[%dma_wait3A_775] : memref<2816xi32, #tpu.memory_space<vmem>> -> memref<128xi32, #tpu.memory_space<vmem>>
      %dma_wait3A_777 = arith.constant 0 : i32
      %dma_wait3A_778 = arith.constant 0 : i32
      %dma_wait3A_779 = tpu.memref_slice %arg7[%dma_wait3A_777, %dma_wait3A_778] : memref<2200000x16xf32, #tpu.memory_space<hbm>> -> memref<2200000x16xf32, #tpu.memory_space<hbm>>
      tpu.wait_indirect_dma semaphore(%arg17 : memref<!tpu.dma_semaphore, #tpu.memory_space<semaphore_mem>>) src(%dma_wait3A_779 : memref<2200000x16xf32, #tpu.memory_space<hbm>>) dst(%dma_wait3A_774 : memref<128x16xf32, #tpu.memory_space<vmem>>)
      %dma_wait3A_780 = arith.constant 1152 : i32
      %dma_wait3A_781 = arith.constant 0 : i32
      %dma_wait3A_782 = tpu.memref_slice %arg16[%dma_wait3A_780, %dma_wait3A_781] : memref<2816x16xf32, #tpu.memory_space<vmem>> -> memref<128x16xf32, #tpu.memory_space<vmem>>
      %dma_wait3A_783 = arith.constant 1152 : i32
      %dma_wait3A_784 = tpu.memref_slice %arg15[%dma_wait3A_783] : memref<2816xi32, #tpu.memory_space<vmem>> -> memref<128xi32, #tpu.memory_space<vmem>>
      %dma_wait3A_785 = arith.constant 0 : i32
      %dma_wait3A_786 = arith.constant 0 : i32
      %dma_wait3A_787 = tpu.memref_slice %arg7[%dma_wait3A_785, %dma_wait3A_786] : memref<2200000x16xf32, #tpu.memory_space<hbm>> -> memref<2200000x16xf32, #tpu.memory_space<hbm>>
      tpu.wait_indirect_dma semaphore(%arg17 : memref<!tpu.dma_semaphore, #tpu.memory_space<semaphore_mem>>) src(%dma_wait3A_787 : memref<2200000x16xf32, #tpu.memory_space<hbm>>) dst(%dma_wait3A_782 : memref<128x16xf32, #tpu.memory_space<vmem>>)
      %dma_wait3A_788 = arith.constant 1280 : i32
      %dma_wait3A_789 = arith.constant 0 : i32
      %dma_wait3A_790 = tpu.memref_slice %arg16[%dma_wait3A_788, %dma_wait3A_789] : memref<2816x16xf32, #tpu.memory_space<vmem>> -> memref<128x16xf32, #tpu.memory_space<vmem>>
      %dma_wait3A_791 = arith.constant 1280 : i32
      %dma_wait3A_792 = tpu.memref_slice %arg15[%dma_wait3A_791] : memref<2816xi32, #tpu.memory_space<vmem>> -> memref<128xi32, #tpu.memory_space<vmem>>
      %dma_wait3A_793 = arith.constant 0 : i32
      %dma_wait3A_794 = arith.constant 0 : i32
      %dma_wait3A_795 = tpu.memref_slice %arg7[%dma_wait3A_793, %dma_wait3A_794] : memref<2200000x16xf32, #tpu.memory_space<hbm>> -> memref<2200000x16xf32, #tpu.memory_space<hbm>>
      tpu.wait_indirect_dma semaphore(%arg17 : memref<!tpu.dma_semaphore, #tpu.memory_space<semaphore_mem>>) src(%dma_wait3A_795 : memref<2200000x16xf32, #tpu.memory_space<hbm>>) dst(%dma_wait3A_790 : memref<128x16xf32, #tpu.memory_space<vmem>>)
      %dma_wait3A_796 = arith.constant 1408 : i32
      %dma_wait3A_797 = arith.constant 0 : i32
      %dma_wait3A_798 = tpu.memref_slice %arg16[%dma_wait3A_796, %dma_wait3A_797] : memref<2816x16xf32, #tpu.memory_space<vmem>> -> memref<128x16xf32, #tpu.memory_space<vmem>>
      %dma_wait3A_799 = arith.constant 1408 : i32
      %dma_wait3A_800 = tpu.memref_slice %arg15[%dma_wait3A_799] : memref<2816xi32, #tpu.memory_space<vmem>> -> memref<128xi32, #tpu.memory_space<vmem>>
      %dma_wait3A_801 = arith.constant 0 : i32
      %dma_wait3A_802 = arith.constant 0 : i32
      %dma_wait3A_803 = tpu.memref_slice %arg7[%dma_wait3A_801, %dma_wait3A_802] : memref<2200000x16xf32, #tpu.memory_space<hbm>> -> memref<2200000x16xf32, #tpu.memory_space<hbm>>
      tpu.wait_indirect_dma semaphore(%arg17 : memref<!tpu.dma_semaphore, #tpu.memory_space<semaphore_mem>>) src(%dma_wait3A_803 : memref<2200000x16xf32, #tpu.memory_space<hbm>>) dst(%dma_wait3A_798 : memref<128x16xf32, #tpu.memory_space<vmem>>)
      %dma_wait3A_804 = arith.constant 1536 : i32
      %dma_wait3A_805 = arith.constant 0 : i32
      %dma_wait3A_806 = tpu.memref_slice %arg16[%dma_wait3A_804, %dma_wait3A_805] : memref<2816x16xf32, #tpu.memory_space<vmem>> -> memref<128x16xf32, #tpu.memory_space<vmem>>
      %dma_wait3A_807 = arith.constant 1536 : i32
      %dma_wait3A_808 = tpu.memref_slice %arg15[%dma_wait3A_807] : memref<2816xi32, #tpu.memory_space<vmem>> -> memref<128xi32, #tpu.memory_space<vmem>>
      %dma_wait3A_809 = arith.constant 0 : i32
      %dma_wait3A_810 = arith.constant 0 : i32
      %dma_wait3A_811 = tpu.memref_slice %arg7[%dma_wait3A_809, %dma_wait3A_810] : memref<2200000x16xf32, #tpu.memory_space<hbm>> -> memref<2200000x16xf32, #tpu.memory_space<hbm>>
      tpu.wait_indirect_dma semaphore(%arg17 : memref<!tpu.dma_semaphore, #tpu.memory_space<semaphore_mem>>) src(%dma_wait3A_811 : memref<2200000x16xf32, #tpu.memory_space<hbm>>) dst(%dma_wait3A_806 : memref<128x16xf32, #tpu.memory_space<vmem>>)
      %dma_wait3A_812 = arith.constant 1664 : i32
      %dma_wait3A_813 = arith.constant 0 : i32
      %dma_wait3A_814 = tpu.memref_slice %arg16[%dma_wait3A_812, %dma_wait3A_813] : memref<2816x16xf32, #tpu.memory_space<vmem>> -> memref<128x16xf32, #tpu.memory_space<vmem>>
      %dma_wait3A_815 = arith.constant 1664 : i32
      %dma_wait3A_816 = tpu.memref_slice %arg15[%dma_wait3A_815] : memref<2816xi32, #tpu.memory_space<vmem>> -> memref<128xi32, #tpu.memory_space<vmem>>
      %dma_wait3A_817 = arith.constant 0 : i32
      %dma_wait3A_818 = arith.constant 0 : i32
      %dma_wait3A_819 = tpu.memref_slice %arg7[%dma_wait3A_817, %dma_wait3A_818] : memref<2200000x16xf32, #tpu.memory_space<hbm>> -> memref<2200000x16xf32, #tpu.memory_space<hbm>>
      tpu.wait_indirect_dma semaphore(%arg17 : memref<!tpu.dma_semaphore, #tpu.memory_space<semaphore_mem>>) src(%dma_wait3A_819 : memref<2200000x16xf32, #tpu.memory_space<hbm>>) dst(%dma_wait3A_814 : memref<128x16xf32, #tpu.memory_space<vmem>>)
      %dma_wait3A_820 = arith.constant 1792 : i32
      %dma_wait3A_821 = arith.constant 0 : i32
      %dma_wait3A_822 = tpu.memref_slice %arg16[%dma_wait3A_820, %dma_wait3A_821] : memref<2816x16xf32, #tpu.memory_space<vmem>> -> memref<128x16xf32, #tpu.memory_space<vmem>>
      %dma_wait3A_823 = arith.constant 1792 : i32
      %dma_wait3A_824 = tpu.memref_slice %arg15[%dma_wait3A_823] : memref<2816xi32, #tpu.memory_space<vmem>> -> memref<128xi32, #tpu.memory_space<vmem>>
      %dma_wait3A_825 = arith.constant 0 : i32
      %dma_wait3A_826 = arith.constant 0 : i32
      %dma_wait3A_827 = tpu.memref_slice %arg7[%dma_wait3A_825, %dma_wait3A_826] : memref<2200000x16xf32, #tpu.memory_space<hbm>> -> memref<2200000x16xf32, #tpu.memory_space<hbm>>
      tpu.wait_indirect_dma semaphore(%arg17 : memref<!tpu.dma_semaphore, #tpu.memory_space<semaphore_mem>>) src(%dma_wait3A_827 : memref<2200000x16xf32, #tpu.memory_space<hbm>>) dst(%dma_wait3A_822 : memref<128x16xf32, #tpu.memory_space<vmem>>)
      %dma_wait3A_828 = arith.constant 1920 : i32
      %dma_wait3A_829 = arith.constant 0 : i32
      %dma_wait3A_830 = tpu.memref_slice %arg16[%dma_wait3A_828, %dma_wait3A_829] : memref<2816x16xf32, #tpu.memory_space<vmem>> -> memref<128x16xf32, #tpu.memory_space<vmem>>
      %dma_wait3A_831 = arith.constant 1920 : i32
      %dma_wait3A_832 = tpu.memref_slice %arg15[%dma_wait3A_831] : memref<2816xi32, #tpu.memory_space<vmem>> -> memref<128xi32, #tpu.memory_space<vmem>>
      %dma_wait3A_833 = arith.constant 0 : i32
      %dma_wait3A_834 = arith.constant 0 : i32
      %dma_wait3A_835 = tpu.memref_slice %arg7[%dma_wait3A_833, %dma_wait3A_834] : memref<2200000x16xf32, #tpu.memory_space<hbm>> -> memref<2200000x16xf32, #tpu.memory_space<hbm>>
      tpu.wait_indirect_dma semaphore(%arg17 : memref<!tpu.dma_semaphore, #tpu.memory_space<semaphore_mem>>) src(%dma_wait3A_835 : memref<2200000x16xf32, #tpu.memory_space<hbm>>) dst(%dma_wait3A_830 : memref<128x16xf32, #tpu.memory_space<vmem>>)
      %dma_wait3A_836 = arith.constant 2048 : i32
      %dma_wait3A_837 = arith.constant 0 : i32
      %dma_wait3A_838 = tpu.memref_slice %arg16[%dma_wait3A_836, %dma_wait3A_837] : memref<2816x16xf32, #tpu.memory_space<vmem>> -> memref<128x16xf32, #tpu.memory_space<vmem>>
      %dma_wait3A_839 = arith.constant 2048 : i32
      %dma_wait3A_840 = tpu.memref_slice %arg15[%dma_wait3A_839] : memref<2816xi32, #tpu.memory_space<vmem>> -> memref<128xi32, #tpu.memory_space<vmem>>
      %dma_wait3A_841 = arith.constant 0 : i32
      %dma_wait3A_842 = arith.constant 0 : i32
      %dma_wait3A_843 = tpu.memref_slice %arg7[%dma_wait3A_841, %dma_wait3A_842] : memref<2200000x16xf32, #tpu.memory_space<hbm>> -> memref<2200000x16xf32, #tpu.memory_space<hbm>>
      tpu.wait_indirect_dma semaphore(%arg17 : memref<!tpu.dma_semaphore, #tpu.memory_space<semaphore_mem>>) src(%dma_wait3A_843 : memref<2200000x16xf32, #tpu.memory_space<hbm>>) dst(%dma_wait3A_838 : memref<128x16xf32, #tpu.memory_space<vmem>>)
      %dma_wait3A_844 = arith.constant 2176 : i32
      %dma_wait3A_845 = arith.constant 0 : i32
      %dma_wait3A_846 = tpu.memref_slice %arg16[%dma_wait3A_844, %dma_wait3A_845] : memref<2816x16xf32, #tpu.memory_space<vmem>> -> memref<128x16xf32, #tpu.memory_space<vmem>>
      %dma_wait3A_847 = arith.constant 2176 : i32
      %dma_wait3A_848 = tpu.memref_slice %arg15[%dma_wait3A_847] : memref<2816xi32, #tpu.memory_space<vmem>> -> memref<128xi32, #tpu.memory_space<vmem>>
      %dma_wait3A_849 = arith.constant 0 : i32
      %dma_wait3A_850 = arith.constant 0 : i32
      %dma_wait3A_851 = tpu.memref_slice %arg7[%dma_wait3A_849, %dma_wait3A_850] : memref<2200000x16xf32, #tpu.memory_space<hbm>> -> memref<2200000x16xf32, #tpu.memory_space<hbm>>
      tpu.wait_indirect_dma semaphore(%arg17 : memref<!tpu.dma_semaphore, #tpu.memory_space<semaphore_mem>>) src(%dma_wait3A_851 : memref<2200000x16xf32, #tpu.memory_space<hbm>>) dst(%dma_wait3A_846 : memref<128x16xf32, #tpu.memory_space<vmem>>)
      %dma_wait3A_852 = arith.constant 2304 : i32
      %dma_wait3A_853 = arith.constant 0 : i32
      %dma_wait3A_854 = tpu.memref_slice %arg16[%dma_wait3A_852, %dma_wait3A_853] : memref<2816x16xf32, #tpu.memory_space<vmem>> -> memref<128x16xf32, #tpu.memory_space<vmem>>
      %dma_wait3A_855 = arith.constant 2304 : i32
      %dma_wait3A_856 = tpu.memref_slice %arg15[%dma_wait3A_855] : memref<2816xi32, #tpu.memory_space<vmem>> -> memref<128xi32, #tpu.memory_space<vmem>>
      %dma_wait3A_857 = arith.constant 0 : i32
      %dma_wait3A_858 = arith.constant 0 : i32
      %dma_wait3A_859 = tpu.memref_slice %arg7[%dma_wait3A_857, %dma_wait3A_858] : memref<2200000x16xf32, #tpu.memory_space<hbm>> -> memref<2200000x16xf32, #tpu.memory_space<hbm>>
      tpu.wait_indirect_dma semaphore(%arg17 : memref<!tpu.dma_semaphore, #tpu.memory_space<semaphore_mem>>) src(%dma_wait3A_859 : memref<2200000x16xf32, #tpu.memory_space<hbm>>) dst(%dma_wait3A_854 : memref<128x16xf32, #tpu.memory_space<vmem>>)
      %dma_wait3A_860 = arith.constant 2432 : i32
      %dma_wait3A_861 = arith.constant 0 : i32
      %dma_wait3A_862 = tpu.memref_slice %arg16[%dma_wait3A_860, %dma_wait3A_861] : memref<2816x16xf32, #tpu.memory_space<vmem>> -> memref<128x16xf32, #tpu.memory_space<vmem>>
      %dma_wait3A_863 = arith.constant 2432 : i32
      %dma_wait3A_864 = tpu.memref_slice %arg15[%dma_wait3A_863] : memref<2816xi32, #tpu.memory_space<vmem>> -> memref<128xi32, #tpu.memory_space<vmem>>
      %dma_wait3A_865 = arith.constant 0 : i32
      %dma_wait3A_866 = arith.constant 0 : i32
      %dma_wait3A_867 = tpu.memref_slice %arg7[%dma_wait3A_865, %dma_wait3A_866] : memref<2200000x16xf32, #tpu.memory_space<hbm>> -> memref<2200000x16xf32, #tpu.memory_space<hbm>>
      tpu.wait_indirect_dma semaphore(%arg17 : memref<!tpu.dma_semaphore, #tpu.memory_space<semaphore_mem>>) src(%dma_wait3A_867 : memref<2200000x16xf32, #tpu.memory_space<hbm>>) dst(%dma_wait3A_862 : memref<128x16xf32, #tpu.memory_space<vmem>>)
      %dma_wait3A_868 = arith.constant 2560 : i32
      %dma_wait3A_869 = arith.constant 0 : i32
      %dma_wait3A_870 = tpu.memref_slice %arg16[%dma_wait3A_868, %dma_wait3A_869] : memref<2816x16xf32, #tpu.memory_space<vmem>> -> memref<128x16xf32, #tpu.memory_space<vmem>>
      %dma_wait3A_871 = arith.constant 2560 : i32
      %dma_wait3A_872 = tpu.memref_slice %arg15[%dma_wait3A_871] : memref<2816xi32, #tpu.memory_space<vmem>> -> memref<128xi32, #tpu.memory_space<vmem>>
      %dma_wait3A_873 = arith.constant 0 : i32
      %dma_wait3A_874 = arith.constant 0 : i32
      %dma_wait3A_875 = tpu.memref_slice %arg7[%dma_wait3A_873, %dma_wait3A_874] : memref<2200000x16xf32, #tpu.memory_space<hbm>> -> memref<2200000x16xf32, #tpu.memory_space<hbm>>
      tpu.wait_indirect_dma semaphore(%arg17 : memref<!tpu.dma_semaphore, #tpu.memory_space<semaphore_mem>>) src(%dma_wait3A_875 : memref<2200000x16xf32, #tpu.memory_space<hbm>>) dst(%dma_wait3A_870 : memref<128x16xf32, #tpu.memory_space<vmem>>)
      %dma_wait3A_876 = arith.constant 2688 : i32
      %dma_wait3A_877 = arith.constant 0 : i32
      %dma_wait3A_878 = tpu.memref_slice %arg16[%dma_wait3A_876, %dma_wait3A_877] : memref<2816x16xf32, #tpu.memory_space<vmem>> -> memref<128x16xf32, #tpu.memory_space<vmem>>
      %dma_wait3A_879 = arith.constant 2688 : i32
      %dma_wait3A_880 = tpu.memref_slice %arg15[%dma_wait3A_879] : memref<2816xi32, #tpu.memory_space<vmem>> -> memref<128xi32, #tpu.memory_space<vmem>>
      %dma_wait3A_881 = arith.constant 0 : i32
      %dma_wait3A_882 = arith.constant 0 : i32
      %dma_wait3A_883 = tpu.memref_slice %arg7[%dma_wait3A_881, %dma_wait3A_882] : memref<2200000x16xf32, #tpu.memory_space<hbm>> -> memref<2200000x16xf32, #tpu.memory_space<hbm>>
      tpu.wait_indirect_dma semaphore(%arg17 : memref<!tpu.dma_semaphore, #tpu.memory_space<semaphore_mem>>) src(%dma_wait3A_883 : memref<2200000x16xf32, #tpu.memory_space<hbm>>) dst(%dma_wait3A_878 : memref<128x16xf32, #tpu.memory_space<vmem>>)
      %dma_start3A_884 = arith.constant 0 : i32
      %dma_start3A_885 = arith.constant 0 : i32
      %dma_start3A_886 = tpu.memref_slice %arg16[%dma_start3A_884, %dma_start3A_885] : memref<2816x16xf32, #tpu.memory_space<vmem>> -> memref<2816x16xf32, #tpu.memory_space<vmem>>
      %dma_start3A_887 = arith.constant 0 : i32
      %dma_start3A_888 = tpu.memref_slice %arg10[%multiple_of3A_531, %dma_start3A_887] : memref<360448x16xf32, #tpu.memory_space<hbm>> -> memref<2816x16xf32, #tpu.memory_space<hbm>>
      %dma_start3A_889 = arith.constant 0 : i32
      %dma_start3A_890 = tpu.memref_slice %arg10[%multiple_of3A_531, %dma_start3A_889] : memref<360448x16xf32, #tpu.memory_space<hbm>> -> memref<2816x16xf32, #tpu.memory_space<hbm>>
      %dma_start3A_891 = arith.constant 0 : i32
      %dma_start3A_892 = arith.constant 0 : i32
      %dma_start3A_893 = tpu.memref_slice %arg16[%dma_start3A_891, %dma_start3A_892] : memref<2816x16xf32, #tpu.memory_space<vmem>> -> memref<2816x16xf32, #tpu.memory_space<vmem>>
      tpu.enqueue_dma source(%dma_start3A_893 : memref<2816x16xf32, #tpu.memory_space<vmem>>) target(%dma_start3A_890 : memref<2816x16xf32, #tpu.memory_space<hbm>>) target_semaphore(%arg18 : memref<!tpu.dma_semaphore, #tpu.memory_space<semaphore_mem>>)
      %dma_wait3A_894 = arith.constant 0 : i32
      %dma_wait3A_895 = arith.constant 0 : i32
      %dma_wait3A_896 = tpu.memref_slice %arg16[%dma_wait3A_894, %dma_wait3A_895] : memref<2816x16xf32, #tpu.memory_space<vmem>> -> memref<2816x16xf32, #tpu.memory_space<vmem>>
      %dma_wait3A_897 = arith.constant 0 : i32
      %dma_wait3A_898 = tpu.memref_slice %arg10[%multiple_of3A_531, %dma_wait3A_897] : memref<360448x16xf32, #tpu.memory_space<hbm>> -> memref<2816x16xf32, #tpu.memory_space<hbm>>
      %dma_wait3A_899 = arith.constant 0 : i32
      %dma_wait3A_900 = tpu.memref_slice %arg10[%multiple_of3A_531, %dma_wait3A_899] : memref<360448x16xf32, #tpu.memory_space<hbm>> -> memref<2816x16xf32, #tpu.memory_space<hbm>>
      %dma_wait3A_901 = arith.constant 0 : i32
      %dma_wait3A_902 = arith.constant 0 : i32
      %dma_wait3A_903 = tpu.memref_slice %arg16[%dma_wait3A_901, %dma_wait3A_902] : memref<2816x16xf32, #tpu.memory_space<vmem>> -> memref<2816x16xf32, #tpu.memory_space<vmem>>
      tpu.wait_dma2 semaphore(%arg18 : memref<!tpu.dma_semaphore, #tpu.memory_space<semaphore_mem>>) src(%dma_wait3A_903 : memref<2816x16xf32, #tpu.memory_space<vmem>>) dst(%dma_wait3A_900 : memref<2816x16xf32, #tpu.memory_space<hbm>>)
    }
    %scan3A_7 = arith.constant 4 : i32
    %mul3A_8 = arith.constant 1536 : i32
    %mul3A_9 = arith.muli %add3A, %mul3A_8 : i32
    %scan3A_10 = arith.constant 0 : i32
    %scan3A_11 = arith.constant 0 : i32
    %mul3A_12 = arith.constant 1536 : i32
    %mul3A_13 = arith.muli %scan3A_11, %mul3A_12 : i32
    %add3A_14 = arith.addi %mul3A_9, %mul3A_13 : i32
    %multiple_of3A = tpu.assume_multiple %add3A_14, 128 : i32
    "tpu.region"() ({
      %run_scoped3A = tpu.sem_alloc : memref<!tpu.dma_semaphore, #tpu.memory_space<semaphore_mem>>
      %dma_start3A_527 = arith.constant 0 : i32
      %dma_start3A_528 = tpu.memref_slice %arg15[%dma_start3A_527] : memref<2816xi32, #tpu.memory_space<vmem>> -> memref<1536xi32, #tpu.memory_space<vmem>>
      %dma_start3A_529 = tpu.memref_slice %arg3[%multiple_of3A] : memref<49152xi32, #tpu.memory_space<hbm>> -> memref<1536xi32, #tpu.memory_space<hbm>>
      %dma_start3A_530 = arith.constant 0 : i32
      %dma_start3A_531 = tpu.memref_slice %arg15[%dma_start3A_530] : memref<2816xi32, #tpu.memory_space<vmem>> -> memref<1536xi32, #tpu.memory_space<vmem>>
      %dma_start3A_532 = tpu.memref_slice %arg3[%multiple_of3A] : memref<49152xi32, #tpu.memory_space<hbm>> -> memref<1536xi32, #tpu.memory_space<hbm>>
      tpu.enqueue_dma source(%dma_start3A_532 : memref<1536xi32, #tpu.memory_space<hbm>>) target(%dma_start3A_531 : memref<1536xi32, #tpu.memory_space<vmem>>) target_semaphore(%run_scoped3A : memref<!tpu.dma_semaphore, #tpu.memory_space<semaphore_mem>>)
      %dma_wait3A_533 = arith.constant 0 : i32
      %dma_wait3A_534 = tpu.memref_slice %arg15[%dma_wait3A_533] : memref<2816xi32, #tpu.memory_space<vmem>> -> memref<1536xi32, #tpu.memory_space<vmem>>
      %dma_wait3A_535 = tpu.memref_slice %arg3[%multiple_of3A] : memref<49152xi32, #tpu.memory_space<hbm>> -> memref<1536xi32, #tpu.memory_space<hbm>>
      %dma_wait3A_536 = arith.constant 0 : i32
      %dma_wait3A_537 = tpu.memref_slice %arg15[%dma_wait3A_536] : memref<2816xi32, #tpu.memory_space<vmem>> -> memref<1536xi32, #tpu.memory_space<vmem>>
      %dma_wait3A_538 = tpu.memref_slice %arg3[%multiple_of3A] : memref<49152xi32, #tpu.memory_space<hbm>> -> memref<1536xi32, #tpu.memory_space<hbm>>
      tpu.wait_dma2 semaphore(%run_scoped3A : memref<!tpu.dma_semaphore, #tpu.memory_space<semaphore_mem>>) src(%dma_wait3A_538 : memref<1536xi32, #tpu.memory_space<hbm>>) dst(%dma_wait3A_537 : memref<1536xi32, #tpu.memory_space<vmem>>)
      tpu.yield
    }) : () -> ()
    %dma_start3A = arith.constant 0 : i32
    %dma_start3A_15 = arith.constant 0 : i32
    %dma_start3A_16 = tpu.memref_slice %arg16[%dma_start3A, %dma_start3A_15] : memref<2816x16xf32, #tpu.memory_space<vmem>> -> memref<128x16xf32, #tpu.memory_space<vmem>>
    %dma_start3A_17 = arith.constant 0 : i32
    %dma_start3A_18 = tpu.memref_slice %arg15[%dma_start3A_17] : memref<2816xi32, #tpu.memory_space<vmem>> -> memref<128xi32, #tpu.memory_space<vmem>>
    %dma_start3A_19 = arith.constant 0 : i32
    %dma_start3A_20 = arith.constant 0 : i32
    %dma_start3A_21 = tpu.memref_slice %arg9[%dma_start3A_19, %dma_start3A_20] : memref<21800x16xf32, #tpu.memory_space<hbm>> -> memref<21800x16xf32, #tpu.memory_space<hbm>>
    tpu.enqueue_indirect_dma source(%dma_start3A_21 : memref<21800x16xf32, #tpu.memory_space<hbm>>) target(%dma_start3A_16 : memref<128x16xf32, #tpu.memory_space<vmem>>) offsets(%dma_start3A_18 : memref<128xi32, #tpu.memory_space<vmem>>) semaphore(%arg17 : memref<!tpu.dma_semaphore, #tpu.memory_space<semaphore_mem>>)
    %dma_start3A_22 = arith.constant 128 : i32
    %dma_start3A_23 = arith.constant 0 : i32
    %dma_start3A_24 = tpu.memref_slice %arg16[%dma_start3A_22, %dma_start3A_23] : memref<2816x16xf32, #tpu.memory_space<vmem>> -> memref<128x16xf32, #tpu.memory_space<vmem>>
    %dma_start3A_25 = arith.constant 128 : i32
    %dma_start3A_26 = tpu.memref_slice %arg15[%dma_start3A_25] : memref<2816xi32, #tpu.memory_space<vmem>> -> memref<128xi32, #tpu.memory_space<vmem>>
    %dma_start3A_27 = arith.constant 0 : i32
    %dma_start3A_28 = arith.constant 0 : i32
    %dma_start3A_29 = tpu.memref_slice %arg9[%dma_start3A_27, %dma_start3A_28] : memref<21800x16xf32, #tpu.memory_space<hbm>> -> memref<21800x16xf32, #tpu.memory_space<hbm>>
    tpu.enqueue_indirect_dma source(%dma_start3A_29 : memref<21800x16xf32, #tpu.memory_space<hbm>>) target(%dma_start3A_24 : memref<128x16xf32, #tpu.memory_space<vmem>>) offsets(%dma_start3A_26 : memref<128xi32, #tpu.memory_space<vmem>>) semaphore(%arg17 : memref<!tpu.dma_semaphore, #tpu.memory_space<semaphore_mem>>)
    %dma_start3A_30 = arith.constant 256 : i32
    %dma_start3A_31 = arith.constant 0 : i32
    %dma_start3A_32 = tpu.memref_slice %arg16[%dma_start3A_30, %dma_start3A_31] : memref<2816x16xf32, #tpu.memory_space<vmem>> -> memref<128x16xf32, #tpu.memory_space<vmem>>
    %dma_start3A_33 = arith.constant 256 : i32
    %dma_start3A_34 = tpu.memref_slice %arg15[%dma_start3A_33] : memref<2816xi32, #tpu.memory_space<vmem>> -> memref<128xi32, #tpu.memory_space<vmem>>
    %dma_start3A_35 = arith.constant 0 : i32
    %dma_start3A_36 = arith.constant 0 : i32
    %dma_start3A_37 = tpu.memref_slice %arg9[%dma_start3A_35, %dma_start3A_36] : memref<21800x16xf32, #tpu.memory_space<hbm>> -> memref<21800x16xf32, #tpu.memory_space<hbm>>
    tpu.enqueue_indirect_dma source(%dma_start3A_37 : memref<21800x16xf32, #tpu.memory_space<hbm>>) target(%dma_start3A_32 : memref<128x16xf32, #tpu.memory_space<vmem>>) offsets(%dma_start3A_34 : memref<128xi32, #tpu.memory_space<vmem>>) semaphore(%arg17 : memref<!tpu.dma_semaphore, #tpu.memory_space<semaphore_mem>>)
    %dma_start3A_38 = arith.constant 384 : i32
    %dma_start3A_39 = arith.constant 0 : i32
    %dma_start3A_40 = tpu.memref_slice %arg16[%dma_start3A_38, %dma_start3A_39] : memref<2816x16xf32, #tpu.memory_space<vmem>> -> memref<128x16xf32, #tpu.memory_space<vmem>>
    %dma_start3A_41 = arith.constant 384 : i32
    %dma_start3A_42 = tpu.memref_slice %arg15[%dma_start3A_41] : memref<2816xi32, #tpu.memory_space<vmem>> -> memref<128xi32, #tpu.memory_space<vmem>>
    %dma_start3A_43 = arith.constant 0 : i32
    %dma_start3A_44 = arith.constant 0 : i32
    %dma_start3A_45 = tpu.memref_slice %arg9[%dma_start3A_43, %dma_start3A_44] : memref<21800x16xf32, #tpu.memory_space<hbm>> -> memref<21800x16xf32, #tpu.memory_space<hbm>>
    tpu.enqueue_indirect_dma source(%dma_start3A_45 : memref<21800x16xf32, #tpu.memory_space<hbm>>) target(%dma_start3A_40 : memref<128x16xf32, #tpu.memory_space<vmem>>) offsets(%dma_start3A_42 : memref<128xi32, #tpu.memory_space<vmem>>) semaphore(%arg17 : memref<!tpu.dma_semaphore, #tpu.memory_space<semaphore_mem>>)
    %dma_start3A_46 = arith.constant 512 : i32
    %dma_start3A_47 = arith.constant 0 : i32
    %dma_start3A_48 = tpu.memref_slice %arg16[%dma_start3A_46, %dma_start3A_47] : memref<2816x16xf32, #tpu.memory_space<vmem>> -> memref<128x16xf32, #tpu.memory_space<vmem>>
    %dma_start3A_49 = arith.constant 512 : i32
    %dma_start3A_50 = tpu.memref_slice %arg15[%dma_start3A_49] : memref<2816xi32, #tpu.memory_space<vmem>> -> memref<128xi32, #tpu.memory_space<vmem>>
    %dma_start3A_51 = arith.constant 0 : i32
    %dma_start3A_52 = arith.constant 0 : i32
    %dma_start3A_53 = tpu.memref_slice %arg9[%dma_start3A_51, %dma_start3A_52] : memref<21800x16xf32, #tpu.memory_space<hbm>> -> memref<21800x16xf32, #tpu.memory_space<hbm>>
    tpu.enqueue_indirect_dma source(%dma_start3A_53 : memref<21800x16xf32, #tpu.memory_space<hbm>>) target(%dma_start3A_48 : memref<128x16xf32, #tpu.memory_space<vmem>>) offsets(%dma_start3A_50 : memref<128xi32, #tpu.memory_space<vmem>>) semaphore(%arg17 : memref<!tpu.dma_semaphore, #tpu.memory_space<semaphore_mem>>)
    %dma_start3A_54 = arith.constant 640 : i32
    %dma_start3A_55 = arith.constant 0 : i32
    %dma_start3A_56 = tpu.memref_slice %arg16[%dma_start3A_54, %dma_start3A_55] : memref<2816x16xf32, #tpu.memory_space<vmem>> -> memref<128x16xf32, #tpu.memory_space<vmem>>
    %dma_start3A_57 = arith.constant 640 : i32
    %dma_start3A_58 = tpu.memref_slice %arg15[%dma_start3A_57] : memref<2816xi32, #tpu.memory_space<vmem>> -> memref<128xi32, #tpu.memory_space<vmem>>
    %dma_start3A_59 = arith.constant 0 : i32
    %dma_start3A_60 = arith.constant 0 : i32
    %dma_start3A_61 = tpu.memref_slice %arg9[%dma_start3A_59, %dma_start3A_60] : memref<21800x16xf32, #tpu.memory_space<hbm>> -> memref<21800x16xf32, #tpu.memory_space<hbm>>
    tpu.enqueue_indirect_dma source(%dma_start3A_61 : memref<21800x16xf32, #tpu.memory_space<hbm>>) target(%dma_start3A_56 : memref<128x16xf32, #tpu.memory_space<vmem>>) offsets(%dma_start3A_58 : memref<128xi32, #tpu.memory_space<vmem>>) semaphore(%arg17 : memref<!tpu.dma_semaphore, #tpu.memory_space<semaphore_mem>>)
    %dma_start3A_62 = arith.constant 768 : i32
    %dma_start3A_63 = arith.constant 0 : i32
    %dma_start3A_64 = tpu.memref_slice %arg16[%dma_start3A_62, %dma_start3A_63] : memref<2816x16xf32, #tpu.memory_space<vmem>> -> memref<128x16xf32, #tpu.memory_space<vmem>>
    %dma_start3A_65 = arith.constant 768 : i32
    %dma_start3A_66 = tpu.memref_slice %arg15[%dma_start3A_65] : memref<2816xi32, #tpu.memory_space<vmem>> -> memref<128xi32, #tpu.memory_space<vmem>>
    %dma_start3A_67 = arith.constant 0 : i32
    %dma_start3A_68 = arith.constant 0 : i32
    %dma_start3A_69 = tpu.memref_slice %arg9[%dma_start3A_67, %dma_start3A_68] : memref<21800x16xf32, #tpu.memory_space<hbm>> -> memref<21800x16xf32, #tpu.memory_space<hbm>>
    tpu.enqueue_indirect_dma source(%dma_start3A_69 : memref<21800x16xf32, #tpu.memory_space<hbm>>) target(%dma_start3A_64 : memref<128x16xf32, #tpu.memory_space<vmem>>) offsets(%dma_start3A_66 : memref<128xi32, #tpu.memory_space<vmem>>) semaphore(%arg17 : memref<!tpu.dma_semaphore, #tpu.memory_space<semaphore_mem>>)
    %dma_start3A_70 = arith.constant 896 : i32
    %dma_start3A_71 = arith.constant 0 : i32
    %dma_start3A_72 = tpu.memref_slice %arg16[%dma_start3A_70, %dma_start3A_71] : memref<2816x16xf32, #tpu.memory_space<vmem>> -> memref<128x16xf32, #tpu.memory_space<vmem>>
    %dma_start3A_73 = arith.constant 896 : i32
    %dma_start3A_74 = tpu.memref_slice %arg15[%dma_start3A_73] : memref<2816xi32, #tpu.memory_space<vmem>> -> memref<128xi32, #tpu.memory_space<vmem>>
    %dma_start3A_75 = arith.constant 0 : i32
    %dma_start3A_76 = arith.constant 0 : i32
    %dma_start3A_77 = tpu.memref_slice %arg9[%dma_start3A_75, %dma_start3A_76] : memref<21800x16xf32, #tpu.memory_space<hbm>> -> memref<21800x16xf32, #tpu.memory_space<hbm>>
    tpu.enqueue_indirect_dma source(%dma_start3A_77 : memref<21800x16xf32, #tpu.memory_space<hbm>>) target(%dma_start3A_72 : memref<128x16xf32, #tpu.memory_space<vmem>>) offsets(%dma_start3A_74 : memref<128xi32, #tpu.memory_space<vmem>>) semaphore(%arg17 : memref<!tpu.dma_semaphore, #tpu.memory_space<semaphore_mem>>)
    %dma_start3A_78 = arith.constant 1024 : i32
    %dma_start3A_79 = arith.constant 0 : i32
    %dma_start3A_80 = tpu.memref_slice %arg16[%dma_start3A_78, %dma_start3A_79] : memref<2816x16xf32, #tpu.memory_space<vmem>> -> memref<128x16xf32, #tpu.memory_space<vmem>>
    %dma_start3A_81 = arith.constant 1024 : i32
    %dma_start3A_82 = tpu.memref_slice %arg15[%dma_start3A_81] : memref<2816xi32, #tpu.memory_space<vmem>> -> memref<128xi32, #tpu.memory_space<vmem>>
    %dma_start3A_83 = arith.constant 0 : i32
    %dma_start3A_84 = arith.constant 0 : i32
    %dma_start3A_85 = tpu.memref_slice %arg9[%dma_start3A_83, %dma_start3A_84] : memref<21800x16xf32, #tpu.memory_space<hbm>> -> memref<21800x16xf32, #tpu.memory_space<hbm>>
    tpu.enqueue_indirect_dma source(%dma_start3A_85 : memref<21800x16xf32, #tpu.memory_space<hbm>>) target(%dma_start3A_80 : memref<128x16xf32, #tpu.memory_space<vmem>>) offsets(%dma_start3A_82 : memref<128xi32, #tpu.memory_space<vmem>>) semaphore(%arg17 : memref<!tpu.dma_semaphore, #tpu.memory_space<semaphore_mem>>)
    %dma_start3A_86 = arith.constant 1152 : i32
    %dma_start3A_87 = arith.constant 0 : i32
    %dma_start3A_88 = tpu.memref_slice %arg16[%dma_start3A_86, %dma_start3A_87] : memref<2816x16xf32, #tpu.memory_space<vmem>> -> memref<128x16xf32, #tpu.memory_space<vmem>>
    %dma_start3A_89 = arith.constant 1152 : i32
    %dma_start3A_90 = tpu.memref_slice %arg15[%dma_start3A_89] : memref<2816xi32, #tpu.memory_space<vmem>> -> memref<128xi32, #tpu.memory_space<vmem>>
    %dma_start3A_91 = arith.constant 0 : i32
    %dma_start3A_92 = arith.constant 0 : i32
    %dma_start3A_93 = tpu.memref_slice %arg9[%dma_start3A_91, %dma_start3A_92] : memref<21800x16xf32, #tpu.memory_space<hbm>> -> memref<21800x16xf32, #tpu.memory_space<hbm>>
    tpu.enqueue_indirect_dma source(%dma_start3A_93 : memref<21800x16xf32, #tpu.memory_space<hbm>>) target(%dma_start3A_88 : memref<128x16xf32, #tpu.memory_space<vmem>>) offsets(%dma_start3A_90 : memref<128xi32, #tpu.memory_space<vmem>>) semaphore(%arg17 : memref<!tpu.dma_semaphore, #tpu.memory_space<semaphore_mem>>)
    %dma_start3A_94 = arith.constant 1280 : i32
    %dma_start3A_95 = arith.constant 0 : i32
    %dma_start3A_96 = tpu.memref_slice %arg16[%dma_start3A_94, %dma_start3A_95] : memref<2816x16xf32, #tpu.memory_space<vmem>> -> memref<128x16xf32, #tpu.memory_space<vmem>>
    %dma_start3A_97 = arith.constant 1280 : i32
    %dma_start3A_98 = tpu.memref_slice %arg15[%dma_start3A_97] : memref<2816xi32, #tpu.memory_space<vmem>> -> memref<128xi32, #tpu.memory_space<vmem>>
    %dma_start3A_99 = arith.constant 0 : i32
    %dma_start3A_100 = arith.constant 0 : i32
    %dma_start3A_101 = tpu.memref_slice %arg9[%dma_start3A_99, %dma_start3A_100] : memref<21800x16xf32, #tpu.memory_space<hbm>> -> memref<21800x16xf32, #tpu.memory_space<hbm>>
    tpu.enqueue_indirect_dma source(%dma_start3A_101 : memref<21800x16xf32, #tpu.memory_space<hbm>>) target(%dma_start3A_96 : memref<128x16xf32, #tpu.memory_space<vmem>>) offsets(%dma_start3A_98 : memref<128xi32, #tpu.memory_space<vmem>>) semaphore(%arg17 : memref<!tpu.dma_semaphore, #tpu.memory_space<semaphore_mem>>)
    %dma_start3A_102 = arith.constant 1408 : i32
    %dma_start3A_103 = arith.constant 0 : i32
    %dma_start3A_104 = tpu.memref_slice %arg16[%dma_start3A_102, %dma_start3A_103] : memref<2816x16xf32, #tpu.memory_space<vmem>> -> memref<128x16xf32, #tpu.memory_space<vmem>>
    %dma_start3A_105 = arith.constant 1408 : i32
    %dma_start3A_106 = tpu.memref_slice %arg15[%dma_start3A_105] : memref<2816xi32, #tpu.memory_space<vmem>> -> memref<128xi32, #tpu.memory_space<vmem>>
    %dma_start3A_107 = arith.constant 0 : i32
    %dma_start3A_108 = arith.constant 0 : i32
    %dma_start3A_109 = tpu.memref_slice %arg9[%dma_start3A_107, %dma_start3A_108] : memref<21800x16xf32, #tpu.memory_space<hbm>> -> memref<21800x16xf32, #tpu.memory_space<hbm>>
    tpu.enqueue_indirect_dma source(%dma_start3A_109 : memref<21800x16xf32, #tpu.memory_space<hbm>>) target(%dma_start3A_104 : memref<128x16xf32, #tpu.memory_space<vmem>>) offsets(%dma_start3A_106 : memref<128xi32, #tpu.memory_space<vmem>>) semaphore(%arg17 : memref<!tpu.dma_semaphore, #tpu.memory_space<semaphore_mem>>)
    %dma_wait3A = arith.constant 0 : i32
    %dma_wait3A_110 = arith.constant 0 : i32
    %dma_wait3A_111 = tpu.memref_slice %arg16[%dma_wait3A, %dma_wait3A_110] : memref<2816x16xf32, #tpu.memory_space<vmem>> -> memref<128x16xf32, #tpu.memory_space<vmem>>
    %dma_wait3A_112 = arith.constant 0 : i32
    %dma_wait3A_113 = tpu.memref_slice %arg15[%dma_wait3A_112] : memref<2816xi32, #tpu.memory_space<vmem>> -> memref<128xi32, #tpu.memory_space<vmem>>
    %dma_wait3A_114 = arith.constant 0 : i32
    %dma_wait3A_115 = arith.constant 0 : i32
    %dma_wait3A_116 = tpu.memref_slice %arg9[%dma_wait3A_114, %dma_wait3A_115] : memref<21800x16xf32, #tpu.memory_space<hbm>> -> memref<21800x16xf32, #tpu.memory_space<hbm>>
    tpu.wait_indirect_dma semaphore(%arg17 : memref<!tpu.dma_semaphore, #tpu.memory_space<semaphore_mem>>) src(%dma_wait3A_116 : memref<21800x16xf32, #tpu.memory_space<hbm>>) dst(%dma_wait3A_111 : memref<128x16xf32, #tpu.memory_space<vmem>>)
    %dma_wait3A_117 = arith.constant 128 : i32
    %dma_wait3A_118 = arith.constant 0 : i32
    %dma_wait3A_119 = tpu.memref_slice %arg16[%dma_wait3A_117, %dma_wait3A_118] : memref<2816x16xf32, #tpu.memory_space<vmem>> -> memref<128x16xf32, #tpu.memory_space<vmem>>
    %dma_wait3A_120 = arith.constant 128 : i32
    %dma_wait3A_121 = tpu.memref_slice %arg15[%dma_wait3A_120] : memref<2816xi32, #tpu.memory_space<vmem>> -> memref<128xi32, #tpu.memory_space<vmem>>
    %dma_wait3A_122 = arith.constant 0 : i32
    %dma_wait3A_123 = arith.constant 0 : i32
    %dma_wait3A_124 = tpu.memref_slice %arg9[%dma_wait3A_122, %dma_wait3A_123] : memref<21800x16xf32, #tpu.memory_space<hbm>> -> memref<21800x16xf32, #tpu.memory_space<hbm>>
    tpu.wait_indirect_dma semaphore(%arg17 : memref<!tpu.dma_semaphore, #tpu.memory_space<semaphore_mem>>) src(%dma_wait3A_124 : memref<21800x16xf32, #tpu.memory_space<hbm>>) dst(%dma_wait3A_119 : memref<128x16xf32, #tpu.memory_space<vmem>>)
    %dma_wait3A_125 = arith.constant 256 : i32
    %dma_wait3A_126 = arith.constant 0 : i32
    %dma_wait3A_127 = tpu.memref_slice %arg16[%dma_wait3A_125, %dma_wait3A_126] : memref<2816x16xf32, #tpu.memory_space<vmem>> -> memref<128x16xf32, #tpu.memory_space<vmem>>
    %dma_wait3A_128 = arith.constant 256 : i32
    %dma_wait3A_129 = tpu.memref_slice %arg15[%dma_wait3A_128] : memref<2816xi32, #tpu.memory_space<vmem>> -> memref<128xi32, #tpu.memory_space<vmem>>
    %dma_wait3A_130 = arith.constant 0 : i32
    %dma_wait3A_131 = arith.constant 0 : i32
    %dma_wait3A_132 = tpu.memref_slice %arg9[%dma_wait3A_130, %dma_wait3A_131] : memref<21800x16xf32, #tpu.memory_space<hbm>> -> memref<21800x16xf32, #tpu.memory_space<hbm>>
    tpu.wait_indirect_dma semaphore(%arg17 : memref<!tpu.dma_semaphore, #tpu.memory_space<semaphore_mem>>) src(%dma_wait3A_132 : memref<21800x16xf32, #tpu.memory_space<hbm>>) dst(%dma_wait3A_127 : memref<128x16xf32, #tpu.memory_space<vmem>>)
    %dma_wait3A_133 = arith.constant 384 : i32
    %dma_wait3A_134 = arith.constant 0 : i32
    %dma_wait3A_135 = tpu.memref_slice %arg16[%dma_wait3A_133, %dma_wait3A_134] : memref<2816x16xf32, #tpu.memory_space<vmem>> -> memref<128x16xf32, #tpu.memory_space<vmem>>
    %dma_wait3A_136 = arith.constant 384 : i32
    %dma_wait3A_137 = tpu.memref_slice %arg15[%dma_wait3A_136] : memref<2816xi32, #tpu.memory_space<vmem>> -> memref<128xi32, #tpu.memory_space<vmem>>
    %dma_wait3A_138 = arith.constant 0 : i32
    %dma_wait3A_139 = arith.constant 0 : i32
    %dma_wait3A_140 = tpu.memref_slice %arg9[%dma_wait3A_138, %dma_wait3A_139] : memref<21800x16xf32, #tpu.memory_space<hbm>> -> memref<21800x16xf32, #tpu.memory_space<hbm>>
    tpu.wait_indirect_dma semaphore(%arg17 : memref<!tpu.dma_semaphore, #tpu.memory_space<semaphore_mem>>) src(%dma_wait3A_140 : memref<21800x16xf32, #tpu.memory_space<hbm>>) dst(%dma_wait3A_135 : memref<128x16xf32, #tpu.memory_space<vmem>>)
    %dma_wait3A_141 = arith.constant 512 : i32
    %dma_wait3A_142 = arith.constant 0 : i32
    %dma_wait3A_143 = tpu.memref_slice %arg16[%dma_wait3A_141, %dma_wait3A_142] : memref<2816x16xf32, #tpu.memory_space<vmem>> -> memref<128x16xf32, #tpu.memory_space<vmem>>
    %dma_wait3A_144 = arith.constant 512 : i32
    %dma_wait3A_145 = tpu.memref_slice %arg15[%dma_wait3A_144] : memref<2816xi32, #tpu.memory_space<vmem>> -> memref<128xi32, #tpu.memory_space<vmem>>
    %dma_wait3A_146 = arith.constant 0 : i32
    %dma_wait3A_147 = arith.constant 0 : i32
    %dma_wait3A_148 = tpu.memref_slice %arg9[%dma_wait3A_146, %dma_wait3A_147] : memref<21800x16xf32, #tpu.memory_space<hbm>> -> memref<21800x16xf32, #tpu.memory_space<hbm>>
    tpu.wait_indirect_dma semaphore(%arg17 : memref<!tpu.dma_semaphore, #tpu.memory_space<semaphore_mem>>) src(%dma_wait3A_148 : memref<21800x16xf32, #tpu.memory_space<hbm>>) dst(%dma_wait3A_143 : memref<128x16xf32, #tpu.memory_space<vmem>>)
    %dma_wait3A_149 = arith.constant 640 : i32
    %dma_wait3A_150 = arith.constant 0 : i32
    %dma_wait3A_151 = tpu.memref_slice %arg16[%dma_wait3A_149, %dma_wait3A_150] : memref<2816x16xf32, #tpu.memory_space<vmem>> -> memref<128x16xf32, #tpu.memory_space<vmem>>
    %dma_wait3A_152 = arith.constant 640 : i32
    %dma_wait3A_153 = tpu.memref_slice %arg15[%dma_wait3A_152] : memref<2816xi32, #tpu.memory_space<vmem>> -> memref<128xi32, #tpu.memory_space<vmem>>
    %dma_wait3A_154 = arith.constant 0 : i32
    %dma_wait3A_155 = arith.constant 0 : i32
    %dma_wait3A_156 = tpu.memref_slice %arg9[%dma_wait3A_154, %dma_wait3A_155] : memref<21800x16xf32, #tpu.memory_space<hbm>> -> memref<21800x16xf32, #tpu.memory_space<hbm>>
    tpu.wait_indirect_dma semaphore(%arg17 : memref<!tpu.dma_semaphore, #tpu.memory_space<semaphore_mem>>) src(%dma_wait3A_156 : memref<21800x16xf32, #tpu.memory_space<hbm>>) dst(%dma_wait3A_151 : memref<128x16xf32, #tpu.memory_space<vmem>>)
    %dma_wait3A_157 = arith.constant 768 : i32
    %dma_wait3A_158 = arith.constant 0 : i32
    %dma_wait3A_159 = tpu.memref_slice %arg16[%dma_wait3A_157, %dma_wait3A_158] : memref<2816x16xf32, #tpu.memory_space<vmem>> -> memref<128x16xf32, #tpu.memory_space<vmem>>
    %dma_wait3A_160 = arith.constant 768 : i32
    %dma_wait3A_161 = tpu.memref_slice %arg15[%dma_wait3A_160] : memref<2816xi32, #tpu.memory_space<vmem>> -> memref<128xi32, #tpu.memory_space<vmem>>
    %dma_wait3A_162 = arith.constant 0 : i32
    %dma_wait3A_163 = arith.constant 0 : i32
    %dma_wait3A_164 = tpu.memref_slice %arg9[%dma_wait3A_162, %dma_wait3A_163] : memref<21800x16xf32, #tpu.memory_space<hbm>> -> memref<21800x16xf32, #tpu.memory_space<hbm>>
    tpu.wait_indirect_dma semaphore(%arg17 : memref<!tpu.dma_semaphore, #tpu.memory_space<semaphore_mem>>) src(%dma_wait3A_164 : memref<21800x16xf32, #tpu.memory_space<hbm>>) dst(%dma_wait3A_159 : memref<128x16xf32, #tpu.memory_space<vmem>>)
    %dma_wait3A_165 = arith.constant 896 : i32
    %dma_wait3A_166 = arith.constant 0 : i32
    %dma_wait3A_167 = tpu.memref_slice %arg16[%dma_wait3A_165, %dma_wait3A_166] : memref<2816x16xf32, #tpu.memory_space<vmem>> -> memref<128x16xf32, #tpu.memory_space<vmem>>
    %dma_wait3A_168 = arith.constant 896 : i32
    %dma_wait3A_169 = tpu.memref_slice %arg15[%dma_wait3A_168] : memref<2816xi32, #tpu.memory_space<vmem>> -> memref<128xi32, #tpu.memory_space<vmem>>
    %dma_wait3A_170 = arith.constant 0 : i32
    %dma_wait3A_171 = arith.constant 0 : i32
    %dma_wait3A_172 = tpu.memref_slice %arg9[%dma_wait3A_170, %dma_wait3A_171] : memref<21800x16xf32, #tpu.memory_space<hbm>> -> memref<21800x16xf32, #tpu.memory_space<hbm>>
    tpu.wait_indirect_dma semaphore(%arg17 : memref<!tpu.dma_semaphore, #tpu.memory_space<semaphore_mem>>) src(%dma_wait3A_172 : memref<21800x16xf32, #tpu.memory_space<hbm>>) dst(%dma_wait3A_167 : memref<128x16xf32, #tpu.memory_space<vmem>>)
    %dma_wait3A_173 = arith.constant 1024 : i32
    %dma_wait3A_174 = arith.constant 0 : i32
    %dma_wait3A_175 = tpu.memref_slice %arg16[%dma_wait3A_173, %dma_wait3A_174] : memref<2816x16xf32, #tpu.memory_space<vmem>> -> memref<128x16xf32, #tpu.memory_space<vmem>>
    %dma_wait3A_176 = arith.constant 1024 : i32
    %dma_wait3A_177 = tpu.memref_slice %arg15[%dma_wait3A_176] : memref<2816xi32, #tpu.memory_space<vmem>> -> memref<128xi32, #tpu.memory_space<vmem>>
    %dma_wait3A_178 = arith.constant 0 : i32
    %dma_wait3A_179 = arith.constant 0 : i32
    %dma_wait3A_180 = tpu.memref_slice %arg9[%dma_wait3A_178, %dma_wait3A_179] : memref<21800x16xf32, #tpu.memory_space<hbm>> -> memref<21800x16xf32, #tpu.memory_space<hbm>>
    tpu.wait_indirect_dma semaphore(%arg17 : memref<!tpu.dma_semaphore, #tpu.memory_space<semaphore_mem>>) src(%dma_wait3A_180 : memref<21800x16xf32, #tpu.memory_space<hbm>>) dst(%dma_wait3A_175 : memref<128x16xf32, #tpu.memory_space<vmem>>)
    %dma_wait3A_181 = arith.constant 1152 : i32
    %dma_wait3A_182 = arith.constant 0 : i32
    %dma_wait3A_183 = tpu.memref_slice %arg16[%dma_wait3A_181, %dma_wait3A_182] : memref<2816x16xf32, #tpu.memory_space<vmem>> -> memref<128x16xf32, #tpu.memory_space<vmem>>
    %dma_wait3A_184 = arith.constant 1152 : i32
    %dma_wait3A_185 = tpu.memref_slice %arg15[%dma_wait3A_184] : memref<2816xi32, #tpu.memory_space<vmem>> -> memref<128xi32, #tpu.memory_space<vmem>>
    %dma_wait3A_186 = arith.constant 0 : i32
    %dma_wait3A_187 = arith.constant 0 : i32
    %dma_wait3A_188 = tpu.memref_slice %arg9[%dma_wait3A_186, %dma_wait3A_187] : memref<21800x16xf32, #tpu.memory_space<hbm>> -> memref<21800x16xf32, #tpu.memory_space<hbm>>
    tpu.wait_indirect_dma semaphore(%arg17 : memref<!tpu.dma_semaphore, #tpu.memory_space<semaphore_mem>>) src(%dma_wait3A_188 : memref<21800x16xf32, #tpu.memory_space<hbm>>) dst(%dma_wait3A_183 : memref<128x16xf32, #tpu.memory_space<vmem>>)
    %dma_wait3A_189 = arith.constant 1280 : i32
    %dma_wait3A_190 = arith.constant 0 : i32
    %dma_wait3A_191 = tpu.memref_slice %arg16[%dma_wait3A_189, %dma_wait3A_190] : memref<2816x16xf32, #tpu.memory_space<vmem>> -> memref<128x16xf32, #tpu.memory_space<vmem>>
    %dma_wait3A_192 = arith.constant 1280 : i32
    %dma_wait3A_193 = tpu.memref_slice %arg15[%dma_wait3A_192] : memref<2816xi32, #tpu.memory_space<vmem>> -> memref<128xi32, #tpu.memory_space<vmem>>
    %dma_wait3A_194 = arith.constant 0 : i32
    %dma_wait3A_195 = arith.constant 0 : i32
    %dma_wait3A_196 = tpu.memref_slice %arg9[%dma_wait3A_194, %dma_wait3A_195] : memref<21800x16xf32, #tpu.memory_space<hbm>> -> memref<21800x16xf32, #tpu.memory_space<hbm>>
    tpu.wait_indirect_dma semaphore(%arg17 : memref<!tpu.dma_semaphore, #tpu.memory_space<semaphore_mem>>) src(%dma_wait3A_196 : memref<21800x16xf32, #tpu.memory_space<hbm>>) dst(%dma_wait3A_191 : memref<128x16xf32, #tpu.memory_space<vmem>>)
    %dma_wait3A_197 = arith.constant 1408 : i32
    %dma_wait3A_198 = arith.constant 0 : i32
    %dma_wait3A_199 = tpu.memref_slice %arg16[%dma_wait3A_197, %dma_wait3A_198] : memref<2816x16xf32, #tpu.memory_space<vmem>> -> memref<128x16xf32, #tpu.memory_space<vmem>>
    %dma_wait3A_200 = arith.constant 1408 : i32
    %dma_wait3A_201 = tpu.memref_slice %arg15[%dma_wait3A_200] : memref<2816xi32, #tpu.memory_space<vmem>> -> memref<128xi32, #tpu.memory_space<vmem>>
    %dma_wait3A_202 = arith.constant 0 : i32
    %dma_wait3A_203 = arith.constant 0 : i32
    %dma_wait3A_204 = tpu.memref_slice %arg9[%dma_wait3A_202, %dma_wait3A_203] : memref<21800x16xf32, #tpu.memory_space<hbm>> -> memref<21800x16xf32, #tpu.memory_space<hbm>>
    tpu.wait_indirect_dma semaphore(%arg17 : memref<!tpu.dma_semaphore, #tpu.memory_space<semaphore_mem>>) src(%dma_wait3A_204 : memref<21800x16xf32, #tpu.memory_space<hbm>>) dst(%dma_wait3A_199 : memref<128x16xf32, #tpu.memory_space<vmem>>)
    %dma_start3A_205 = arith.constant 0 : i32
    %dma_start3A_206 = arith.constant 0 : i32
    %dma_start3A_207 = tpu.memref_slice %arg16[%dma_start3A_205, %dma_start3A_206] : memref<2816x16xf32, #tpu.memory_space<vmem>> -> memref<1536x16xf32, #tpu.memory_space<vmem>>
    %dma_start3A_208 = arith.constant 0 : i32
    %dma_start3A_209 = tpu.memref_slice %arg11[%multiple_of3A, %dma_start3A_208] : memref<49152x16xf32, #tpu.memory_space<hbm>> -> memref<1536x16xf32, #tpu.memory_space<hbm>>
    %dma_start3A_210 = arith.constant 0 : i32
    %dma_start3A_211 = tpu.memref_slice %arg11[%multiple_of3A, %dma_start3A_210] : memref<49152x16xf32, #tpu.memory_space<hbm>> -> memref<1536x16xf32, #tpu.memory_space<hbm>>
    %dma_start3A_212 = arith.constant 0 : i32
    %dma_start3A_213 = arith.constant 0 : i32
    %dma_start3A_214 = tpu.memref_slice %arg16[%dma_start3A_212, %dma_start3A_213] : memref<2816x16xf32, #tpu.memory_space<vmem>> -> memref<1536x16xf32, #tpu.memory_space<vmem>>
    tpu.enqueue_dma source(%dma_start3A_214 : memref<1536x16xf32, #tpu.memory_space<vmem>>) target(%dma_start3A_211 : memref<1536x16xf32, #tpu.memory_space<hbm>>) target_semaphore(%arg18 : memref<!tpu.dma_semaphore, #tpu.memory_space<semaphore_mem>>)
    %dma_wait3A_215 = arith.constant 0 : i32
    %dma_wait3A_216 = arith.constant 0 : i32
    %dma_wait3A_217 = tpu.memref_slice %arg16[%dma_wait3A_215, %dma_wait3A_216] : memref<2816x16xf32, #tpu.memory_space<vmem>> -> memref<1536x16xf32, #tpu.memory_space<vmem>>
    %dma_wait3A_218 = arith.constant 0 : i32
    %dma_wait3A_219 = tpu.memref_slice %arg11[%multiple_of3A, %dma_wait3A_218] : memref<49152x16xf32, #tpu.memory_space<hbm>> -> memref<1536x16xf32, #tpu.memory_space<hbm>>
    %dma_wait3A_220 = arith.constant 0 : i32
    %dma_wait3A_221 = tpu.memref_slice %arg11[%multiple_of3A, %dma_wait3A_220] : memref<49152x16xf32, #tpu.memory_space<hbm>> -> memref<1536x16xf32, #tpu.memory_space<hbm>>
    %dma_wait3A_222 = arith.constant 0 : i32
    %dma_wait3A_223 = arith.constant 0 : i32
    %dma_wait3A_224 = tpu.memref_slice %arg16[%dma_wait3A_222, %dma_wait3A_223] : memref<2816x16xf32, #tpu.memory_space<vmem>> -> memref<1536x16xf32, #tpu.memory_space<vmem>>
    tpu.wait_dma2 semaphore(%arg18 : memref<!tpu.dma_semaphore, #tpu.memory_space<semaphore_mem>>) src(%dma_wait3A_224 : memref<1536x16xf32, #tpu.memory_space<vmem>>) dst(%dma_wait3A_221 : memref<1536x16xf32, #tpu.memory_space<hbm>>)
    %scan3A_225 = arith.constant 1 : i32
    %mul3A_226 = arith.constant 2048 : i32
    %mul3A_227 = arith.muli %add3A, %mul3A_226 : i32
    %scan3A_228 = arith.constant 0 : i32
    %scan3A_229 = arith.constant 0 : i32
    %mul3A_230 = arith.constant 2048 : i32
    %mul3A_231 = arith.muli %scan3A_229, %mul3A_230 : i32
    %add3A_232 = arith.addi %mul3A_227, %mul3A_231 : i32
    %multiple_of3A_233 = tpu.assume_multiple %add3A_232, 128 : i32
    "tpu.region"() ({
      %run_scoped3A = tpu.sem_alloc : memref<!tpu.dma_semaphore, #tpu.memory_space<semaphore_mem>>
      %dma_start3A_527 = arith.constant 0 : i32
      %dma_start3A_528 = tpu.memref_slice %arg15[%dma_start3A_527] : memref<2816xi32, #tpu.memory_space<vmem>> -> memref<2048xi32, #tpu.memory_space<vmem>>
      %dma_start3A_529 = tpu.memref_slice %arg4[%multiple_of3A_233] : memref<65536xi32, #tpu.memory_space<hbm>> -> memref<2048xi32, #tpu.memory_space<hbm>>
      %dma_start3A_530 = arith.constant 0 : i32
      %dma_start3A_531 = tpu.memref_slice %arg15[%dma_start3A_530] : memref<2816xi32, #tpu.memory_space<vmem>> -> memref<2048xi32, #tpu.memory_space<vmem>>
      %dma_start3A_532 = tpu.memref_slice %arg4[%multiple_of3A_233] : memref<65536xi32, #tpu.memory_space<hbm>> -> memref<2048xi32, #tpu.memory_space<hbm>>
      tpu.enqueue_dma source(%dma_start3A_532 : memref<2048xi32, #tpu.memory_space<hbm>>) target(%dma_start3A_531 : memref<2048xi32, #tpu.memory_space<vmem>>) target_semaphore(%run_scoped3A : memref<!tpu.dma_semaphore, #tpu.memory_space<semaphore_mem>>)
      %dma_wait3A_533 = arith.constant 0 : i32
      %dma_wait3A_534 = tpu.memref_slice %arg15[%dma_wait3A_533] : memref<2816xi32, #tpu.memory_space<vmem>> -> memref<2048xi32, #tpu.memory_space<vmem>>
      %dma_wait3A_535 = tpu.memref_slice %arg4[%multiple_of3A_233] : memref<65536xi32, #tpu.memory_space<hbm>> -> memref<2048xi32, #tpu.memory_space<hbm>>
      %dma_wait3A_536 = arith.constant 0 : i32
      %dma_wait3A_537 = tpu.memref_slice %arg15[%dma_wait3A_536] : memref<2816xi32, #tpu.memory_space<vmem>> -> memref<2048xi32, #tpu.memory_space<vmem>>
      %dma_wait3A_538 = tpu.memref_slice %arg4[%multiple_of3A_233] : memref<65536xi32, #tpu.memory_space<hbm>> -> memref<2048xi32, #tpu.memory_space<hbm>>
      tpu.wait_dma2 semaphore(%run_scoped3A : memref<!tpu.dma_semaphore, #tpu.memory_space<semaphore_mem>>) src(%dma_wait3A_538 : memref<2048xi32, #tpu.memory_space<hbm>>) dst(%dma_wait3A_537 : memref<2048xi32, #tpu.memory_space<vmem>>)
      tpu.yield
    }) : () -> ()
    %dma_start3A_234 = arith.constant 0 : i32
    %dma_start3A_235 = arith.constant 0 : i32
    %dma_start3A_236 = tpu.memref_slice %arg16[%dma_start3A_234, %dma_start3A_235] : memref<2816x16xf32, #tpu.memory_space<vmem>> -> memref<128x16xf32, #tpu.memory_space<vmem>>
    %dma_start3A_237 = arith.constant 0 : i32
    %dma_start3A_238 = tpu.memref_slice %arg15[%dma_start3A_237] : memref<2816xi32, #tpu.memory_space<vmem>> -> memref<128xi32, #tpu.memory_space<vmem>>
    %dma_start3A_239 = arith.constant 0 : i32
    %dma_start3A_240 = arith.constant 0 : i32
    %dma_start3A_241 = tpu.memref_slice %arg8[%dma_start3A_239, %dma_start3A_240] : memref<400000x16xf32, #tpu.memory_space<hbm>> -> memref<400000x16xf32, #tpu.memory_space<hbm>>
    tpu.enqueue_indirect_dma source(%dma_start3A_241 : memref<400000x16xf32, #tpu.memory_space<hbm>>) target(%dma_start3A_236 : memref<128x16xf32, #tpu.memory_space<vmem>>) offsets(%dma_start3A_238 : memref<128xi32, #tpu.memory_space<vmem>>) semaphore(%arg17 : memref<!tpu.dma_semaphore, #tpu.memory_space<semaphore_mem>>)
    %dma_start3A_242 = arith.constant 128 : i32
    %dma_start3A_243 = arith.constant 0 : i32
    %dma_start3A_244 = tpu.memref_slice %arg16[%dma_start3A_242, %dma_start3A_243] : memref<2816x16xf32, #tpu.memory_space<vmem>> -> memref<128x16xf32, #tpu.memory_space<vmem>>
    %dma_start3A_245 = arith.constant 128 : i32
    %dma_start3A_246 = tpu.memref_slice %arg15[%dma_start3A_245] : memref<2816xi32, #tpu.memory_space<vmem>> -> memref<128xi32, #tpu.memory_space<vmem>>
    %dma_start3A_247 = arith.constant 0 : i32
    %dma_start3A_248 = arith.constant 0 : i32
    %dma_start3A_249 = tpu.memref_slice %arg8[%dma_start3A_247, %dma_start3A_248] : memref<400000x16xf32, #tpu.memory_space<hbm>> -> memref<400000x16xf32, #tpu.memory_space<hbm>>
    tpu.enqueue_indirect_dma source(%dma_start3A_249 : memref<400000x16xf32, #tpu.memory_space<hbm>>) target(%dma_start3A_244 : memref<128x16xf32, #tpu.memory_space<vmem>>) offsets(%dma_start3A_246 : memref<128xi32, #tpu.memory_space<vmem>>) semaphore(%arg17 : memref<!tpu.dma_semaphore, #tpu.memory_space<semaphore_mem>>)
    %dma_start3A_250 = arith.constant 256 : i32
    %dma_start3A_251 = arith.constant 0 : i32
    %dma_start3A_252 = tpu.memref_slice %arg16[%dma_start3A_250, %dma_start3A_251] : memref<2816x16xf32, #tpu.memory_space<vmem>> -> memref<128x16xf32, #tpu.memory_space<vmem>>
    %dma_start3A_253 = arith.constant 256 : i32
    %dma_start3A_254 = tpu.memref_slice %arg15[%dma_start3A_253] : memref<2816xi32, #tpu.memory_space<vmem>> -> memref<128xi32, #tpu.memory_space<vmem>>
    %dma_start3A_255 = arith.constant 0 : i32
    %dma_start3A_256 = arith.constant 0 : i32
    %dma_start3A_257 = tpu.memref_slice %arg8[%dma_start3A_255, %dma_start3A_256] : memref<400000x16xf32, #tpu.memory_space<hbm>> -> memref<400000x16xf32, #tpu.memory_space<hbm>>
    tpu.enqueue_indirect_dma source(%dma_start3A_257 : memref<400000x16xf32, #tpu.memory_space<hbm>>) target(%dma_start3A_252 : memref<128x16xf32, #tpu.memory_space<vmem>>) offsets(%dma_start3A_254 : memref<128xi32, #tpu.memory_space<vmem>>) semaphore(%arg17 : memref<!tpu.dma_semaphore, #tpu.memory_space<semaphore_mem>>)
    %dma_start3A_258 = arith.constant 384 : i32
    %dma_start3A_259 = arith.constant 0 : i32
    %dma_start3A_260 = tpu.memref_slice %arg16[%dma_start3A_258, %dma_start3A_259] : memref<2816x16xf32, #tpu.memory_space<vmem>> -> memref<128x16xf32, #tpu.memory_space<vmem>>
    %dma_start3A_261 = arith.constant 384 : i32
    %dma_start3A_262 = tpu.memref_slice %arg15[%dma_start3A_261] : memref<2816xi32, #tpu.memory_space<vmem>> -> memref<128xi32, #tpu.memory_space<vmem>>
    %dma_start3A_263 = arith.constant 0 : i32
    %dma_start3A_264 = arith.constant 0 : i32
    %dma_start3A_265 = tpu.memref_slice %arg8[%dma_start3A_263, %dma_start3A_264] : memref<400000x16xf32, #tpu.memory_space<hbm>> -> memref<400000x16xf32, #tpu.memory_space<hbm>>
    tpu.enqueue_indirect_dma source(%dma_start3A_265 : memref<400000x16xf32, #tpu.memory_space<hbm>>) target(%dma_start3A_260 : memref<128x16xf32, #tpu.memory_space<vmem>>) offsets(%dma_start3A_262 : memref<128xi32, #tpu.memory_space<vmem>>) semaphore(%arg17 : memref<!tpu.dma_semaphore, #tpu.memory_space<semaphore_mem>>)
    %dma_start3A_266 = arith.constant 512 : i32
    %dma_start3A_267 = arith.constant 0 : i32
    %dma_start3A_268 = tpu.memref_slice %arg16[%dma_start3A_266, %dma_start3A_267] : memref<2816x16xf32, #tpu.memory_space<vmem>> -> memref<128x16xf32, #tpu.memory_space<vmem>>
    %dma_start3A_269 = arith.constant 512 : i32
    %dma_start3A_270 = tpu.memref_slice %arg15[%dma_start3A_269] : memref<2816xi32, #tpu.memory_space<vmem>> -> memref<128xi32, #tpu.memory_space<vmem>>
    %dma_start3A_271 = arith.constant 0 : i32
    %dma_start3A_272 = arith.constant 0 : i32
    %dma_start3A_273 = tpu.memref_slice %arg8[%dma_start3A_271, %dma_start3A_272] : memref<400000x16xf32, #tpu.memory_space<hbm>> -> memref<400000x16xf32, #tpu.memory_space<hbm>>
    tpu.enqueue_indirect_dma source(%dma_start3A_273 : memref<400000x16xf32, #tpu.memory_space<hbm>>) target(%dma_start3A_268 : memref<128x16xf32, #tpu.memory_space<vmem>>) offsets(%dma_start3A_270 : memref<128xi32, #tpu.memory_space<vmem>>) semaphore(%arg17 : memref<!tpu.dma_semaphore, #tpu.memory_space<semaphore_mem>>)
    %dma_start3A_274 = arith.constant 640 : i32
    %dma_start3A_275 = arith.constant 0 : i32
    %dma_start3A_276 = tpu.memref_slice %arg16[%dma_start3A_274, %dma_start3A_275] : memref<2816x16xf32, #tpu.memory_space<vmem>> -> memref<128x16xf32, #tpu.memory_space<vmem>>
    %dma_start3A_277 = arith.constant 640 : i32
    %dma_start3A_278 = tpu.memref_slice %arg15[%dma_start3A_277] : memref<2816xi32, #tpu.memory_space<vmem>> -> memref<128xi32, #tpu.memory_space<vmem>>
    %dma_start3A_279 = arith.constant 0 : i32
    %dma_start3A_280 = arith.constant 0 : i32
    %dma_start3A_281 = tpu.memref_slice %arg8[%dma_start3A_279, %dma_start3A_280] : memref<400000x16xf32, #tpu.memory_space<hbm>> -> memref<400000x16xf32, #tpu.memory_space<hbm>>
    tpu.enqueue_indirect_dma source(%dma_start3A_281 : memref<400000x16xf32, #tpu.memory_space<hbm>>) target(%dma_start3A_276 : memref<128x16xf32, #tpu.memory_space<vmem>>) offsets(%dma_start3A_278 : memref<128xi32, #tpu.memory_space<vmem>>) semaphore(%arg17 : memref<!tpu.dma_semaphore, #tpu.memory_space<semaphore_mem>>)
    %dma_start3A_282 = arith.constant 768 : i32
    %dma_start3A_283 = arith.constant 0 : i32
    %dma_start3A_284 = tpu.memref_slice %arg16[%dma_start3A_282, %dma_start3A_283] : memref<2816x16xf32, #tpu.memory_space<vmem>> -> memref<128x16xf32, #tpu.memory_space<vmem>>
    %dma_start3A_285 = arith.constant 768 : i32
    %dma_start3A_286 = tpu.memref_slice %arg15[%dma_start3A_285] : memref<2816xi32, #tpu.memory_space<vmem>> -> memref<128xi32, #tpu.memory_space<vmem>>
    %dma_start3A_287 = arith.constant 0 : i32
    %dma_start3A_288 = arith.constant 0 : i32
    %dma_start3A_289 = tpu.memref_slice %arg8[%dma_start3A_287, %dma_start3A_288] : memref<400000x16xf32, #tpu.memory_space<hbm>> -> memref<400000x16xf32, #tpu.memory_space<hbm>>
    tpu.enqueue_indirect_dma source(%dma_start3A_289 : memref<400000x16xf32, #tpu.memory_space<hbm>>) target(%dma_start3A_284 : memref<128x16xf32, #tpu.memory_space<vmem>>) offsets(%dma_start3A_286 : memref<128xi32, #tpu.memory_space<vmem>>) semaphore(%arg17 : memref<!tpu.dma_semaphore, #tpu.memory_space<semaphore_mem>>)
    %dma_start3A_290 = arith.constant 896 : i32
    %dma_start3A_291 = arith.constant 0 : i32
    %dma_start3A_292 = tpu.memref_slice %arg16[%dma_start3A_290, %dma_start3A_291] : memref<2816x16xf32, #tpu.memory_space<vmem>> -> memref<128x16xf32, #tpu.memory_space<vmem>>
    %dma_start3A_293 = arith.constant 896 : i32
    %dma_start3A_294 = tpu.memref_slice %arg15[%dma_start3A_293] : memref<2816xi32, #tpu.memory_space<vmem>> -> memref<128xi32, #tpu.memory_space<vmem>>
    %dma_start3A_295 = arith.constant 0 : i32
    %dma_start3A_296 = arith.constant 0 : i32
    %dma_start3A_297 = tpu.memref_slice %arg8[%dma_start3A_295, %dma_start3A_296] : memref<400000x16xf32, #tpu.memory_space<hbm>> -> memref<400000x16xf32, #tpu.memory_space<hbm>>
    tpu.enqueue_indirect_dma source(%dma_start3A_297 : memref<400000x16xf32, #tpu.memory_space<hbm>>) target(%dma_start3A_292 : memref<128x16xf32, #tpu.memory_space<vmem>>) offsets(%dma_start3A_294 : memref<128xi32, #tpu.memory_space<vmem>>) semaphore(%arg17 : memref<!tpu.dma_semaphore, #tpu.memory_space<semaphore_mem>>)
    %dma_start3A_298 = arith.constant 1024 : i32
    %dma_start3A_299 = arith.constant 0 : i32
    %dma_start3A_300 = tpu.memref_slice %arg16[%dma_start3A_298, %dma_start3A_299] : memref<2816x16xf32, #tpu.memory_space<vmem>> -> memref<128x16xf32, #tpu.memory_space<vmem>>
    %dma_start3A_301 = arith.constant 1024 : i32
    %dma_start3A_302 = tpu.memref_slice %arg15[%dma_start3A_301] : memref<2816xi32, #tpu.memory_space<vmem>> -> memref<128xi32, #tpu.memory_space<vmem>>
    %dma_start3A_303 = arith.constant 0 : i32
    %dma_start3A_304 = arith.constant 0 : i32
    %dma_start3A_305 = tpu.memref_slice %arg8[%dma_start3A_303, %dma_start3A_304] : memref<400000x16xf32, #tpu.memory_space<hbm>> -> memref<400000x16xf32, #tpu.memory_space<hbm>>
    tpu.enqueue_indirect_dma source(%dma_start3A_305 : memref<400000x16xf32, #tpu.memory_space<hbm>>) target(%dma_start3A_300 : memref<128x16xf32, #tpu.memory_space<vmem>>) offsets(%dma_start3A_302 : memref<128xi32, #tpu.memory_space<vmem>>) semaphore(%arg17 : memref<!tpu.dma_semaphore, #tpu.memory_space<semaphore_mem>>)
    %dma_start3A_306 = arith.constant 1152 : i32
    %dma_start3A_307 = arith.constant 0 : i32
    %dma_start3A_308 = tpu.memref_slice %arg16[%dma_start3A_306, %dma_start3A_307] : memref<2816x16xf32, #tpu.memory_space<vmem>> -> memref<128x16xf32, #tpu.memory_space<vmem>>
    %dma_start3A_309 = arith.constant 1152 : i32
    %dma_start3A_310 = tpu.memref_slice %arg15[%dma_start3A_309] : memref<2816xi32, #tpu.memory_space<vmem>> -> memref<128xi32, #tpu.memory_space<vmem>>
    %dma_start3A_311 = arith.constant 0 : i32
    %dma_start3A_312 = arith.constant 0 : i32
    %dma_start3A_313 = tpu.memref_slice %arg8[%dma_start3A_311, %dma_start3A_312] : memref<400000x16xf32, #tpu.memory_space<hbm>> -> memref<400000x16xf32, #tpu.memory_space<hbm>>
    tpu.enqueue_indirect_dma source(%dma_start3A_313 : memref<400000x16xf32, #tpu.memory_space<hbm>>) target(%dma_start3A_308 : memref<128x16xf32, #tpu.memory_space<vmem>>) offsets(%dma_start3A_310 : memref<128xi32, #tpu.memory_space<vmem>>) semaphore(%arg17 : memref<!tpu.dma_semaphore, #tpu.memory_space<semaphore_mem>>)
    %dma_start3A_314 = arith.constant 1280 : i32
    %dma_start3A_315 = arith.constant 0 : i32
    %dma_start3A_316 = tpu.memref_slice %arg16[%dma_start3A_314, %dma_start3A_315] : memref<2816x16xf32, #tpu.memory_space<vmem>> -> memref<128x16xf32, #tpu.memory_space<vmem>>
    %dma_start3A_317 = arith.constant 1280 : i32
    %dma_start3A_318 = tpu.memref_slice %arg15[%dma_start3A_317] : memref<2816xi32, #tpu.memory_space<vmem>> -> memref<128xi32, #tpu.memory_space<vmem>>
    %dma_start3A_319 = arith.constant 0 : i32
    %dma_start3A_320 = arith.constant 0 : i32
    %dma_start3A_321 = tpu.memref_slice %arg8[%dma_start3A_319, %dma_start3A_320] : memref<400000x16xf32, #tpu.memory_space<hbm>> -> memref<400000x16xf32, #tpu.memory_space<hbm>>
    tpu.enqueue_indirect_dma source(%dma_start3A_321 : memref<400000x16xf32, #tpu.memory_space<hbm>>) target(%dma_start3A_316 : memref<128x16xf32, #tpu.memory_space<vmem>>) offsets(%dma_start3A_318 : memref<128xi32, #tpu.memory_space<vmem>>) semaphore(%arg17 : memref<!tpu.dma_semaphore, #tpu.memory_space<semaphore_mem>>)
    %dma_start3A_322 = arith.constant 1408 : i32
    %dma_start3A_323 = arith.constant 0 : i32
    %dma_start3A_324 = tpu.memref_slice %arg16[%dma_start3A_322, %dma_start3A_323] : memref<2816x16xf32, #tpu.memory_space<vmem>> -> memref<128x16xf32, #tpu.memory_space<vmem>>
    %dma_start3A_325 = arith.constant 1408 : i32
    %dma_start3A_326 = tpu.memref_slice %arg15[%dma_start3A_325] : memref<2816xi32, #tpu.memory_space<vmem>> -> memref<128xi32, #tpu.memory_space<vmem>>
    %dma_start3A_327 = arith.constant 0 : i32
    %dma_start3A_328 = arith.constant 0 : i32
    %dma_start3A_329 = tpu.memref_slice %arg8[%dma_start3A_327, %dma_start3A_328] : memref<400000x16xf32, #tpu.memory_space<hbm>> -> memref<400000x16xf32, #tpu.memory_space<hbm>>
    tpu.enqueue_indirect_dma source(%dma_start3A_329 : memref<400000x16xf32, #tpu.memory_space<hbm>>) target(%dma_start3A_324 : memref<128x16xf32, #tpu.memory_space<vmem>>) offsets(%dma_start3A_326 : memref<128xi32, #tpu.memory_space<vmem>>) semaphore(%arg17 : memref<!tpu.dma_semaphore, #tpu.memory_space<semaphore_mem>>)
    %dma_start3A_330 = arith.constant 1536 : i32
    %dma_start3A_331 = arith.constant 0 : i32
    %dma_start3A_332 = tpu.memref_slice %arg16[%dma_start3A_330, %dma_start3A_331] : memref<2816x16xf32, #tpu.memory_space<vmem>> -> memref<128x16xf32, #tpu.memory_space<vmem>>
    %dma_start3A_333 = arith.constant 1536 : i32
    %dma_start3A_334 = tpu.memref_slice %arg15[%dma_start3A_333] : memref<2816xi32, #tpu.memory_space<vmem>> -> memref<128xi32, #tpu.memory_space<vmem>>
    %dma_start3A_335 = arith.constant 0 : i32
    %dma_start3A_336 = arith.constant 0 : i32
    %dma_start3A_337 = tpu.memref_slice %arg8[%dma_start3A_335, %dma_start3A_336] : memref<400000x16xf32, #tpu.memory_space<hbm>> -> memref<400000x16xf32, #tpu.memory_space<hbm>>
    tpu.enqueue_indirect_dma source(%dma_start3A_337 : memref<400000x16xf32, #tpu.memory_space<hbm>>) target(%dma_start3A_332 : memref<128x16xf32, #tpu.memory_space<vmem>>) offsets(%dma_start3A_334 : memref<128xi32, #tpu.memory_space<vmem>>) semaphore(%arg17 : memref<!tpu.dma_semaphore, #tpu.memory_space<semaphore_mem>>)
    %dma_start3A_338 = arith.constant 1664 : i32
    %dma_start3A_339 = arith.constant 0 : i32
    %dma_start3A_340 = tpu.memref_slice %arg16[%dma_start3A_338, %dma_start3A_339] : memref<2816x16xf32, #tpu.memory_space<vmem>> -> memref<128x16xf32, #tpu.memory_space<vmem>>
    %dma_start3A_341 = arith.constant 1664 : i32
    %dma_start3A_342 = tpu.memref_slice %arg15[%dma_start3A_341] : memref<2816xi32, #tpu.memory_space<vmem>> -> memref<128xi32, #tpu.memory_space<vmem>>
    %dma_start3A_343 = arith.constant 0 : i32
    %dma_start3A_344 = arith.constant 0 : i32
    %dma_start3A_345 = tpu.memref_slice %arg8[%dma_start3A_343, %dma_start3A_344] : memref<400000x16xf32, #tpu.memory_space<hbm>> -> memref<400000x16xf32, #tpu.memory_space<hbm>>
    tpu.enqueue_indirect_dma source(%dma_start3A_345 : memref<400000x16xf32, #tpu.memory_space<hbm>>) target(%dma_start3A_340 : memref<128x16xf32, #tpu.memory_space<vmem>>) offsets(%dma_start3A_342 : memref<128xi32, #tpu.memory_space<vmem>>) semaphore(%arg17 : memref<!tpu.dma_semaphore, #tpu.memory_space<semaphore_mem>>)
    %dma_start3A_346 = arith.constant 1792 : i32
    %dma_start3A_347 = arith.constant 0 : i32
    %dma_start3A_348 = tpu.memref_slice %arg16[%dma_start3A_346, %dma_start3A_347] : memref<2816x16xf32, #tpu.memory_space<vmem>> -> memref<128x16xf32, #tpu.memory_space<vmem>>
    %dma_start3A_349 = arith.constant 1792 : i32
    %dma_start3A_350 = tpu.memref_slice %arg15[%dma_start3A_349] : memref<2816xi32, #tpu.memory_space<vmem>> -> memref<128xi32, #tpu.memory_space<vmem>>
    %dma_start3A_351 = arith.constant 0 : i32
    %dma_start3A_352 = arith.constant 0 : i32
    %dma_start3A_353 = tpu.memref_slice %arg8[%dma_start3A_351, %dma_start3A_352] : memref<400000x16xf32, #tpu.memory_space<hbm>> -> memref<400000x16xf32, #tpu.memory_space<hbm>>
    tpu.enqueue_indirect_dma source(%dma_start3A_353 : memref<400000x16xf32, #tpu.memory_space<hbm>>) target(%dma_start3A_348 : memref<128x16xf32, #tpu.memory_space<vmem>>) offsets(%dma_start3A_350 : memref<128xi32, #tpu.memory_space<vmem>>) semaphore(%arg17 : memref<!tpu.dma_semaphore, #tpu.memory_space<semaphore_mem>>)
    %dma_start3A_354 = arith.constant 1920 : i32
    %dma_start3A_355 = arith.constant 0 : i32
    %dma_start3A_356 = tpu.memref_slice %arg16[%dma_start3A_354, %dma_start3A_355] : memref<2816x16xf32, #tpu.memory_space<vmem>> -> memref<128x16xf32, #tpu.memory_space<vmem>>
    %dma_start3A_357 = arith.constant 1920 : i32
    %dma_start3A_358 = tpu.memref_slice %arg15[%dma_start3A_357] : memref<2816xi32, #tpu.memory_space<vmem>> -> memref<128xi32, #tpu.memory_space<vmem>>
    %dma_start3A_359 = arith.constant 0 : i32
    %dma_start3A_360 = arith.constant 0 : i32
    %dma_start3A_361 = tpu.memref_slice %arg8[%dma_start3A_359, %dma_start3A_360] : memref<400000x16xf32, #tpu.memory_space<hbm>> -> memref<400000x16xf32, #tpu.memory_space<hbm>>
    tpu.enqueue_indirect_dma source(%dma_start3A_361 : memref<400000x16xf32, #tpu.memory_space<hbm>>) target(%dma_start3A_356 : memref<128x16xf32, #tpu.memory_space<vmem>>) offsets(%dma_start3A_358 : memref<128xi32, #tpu.memory_space<vmem>>) semaphore(%arg17 : memref<!tpu.dma_semaphore, #tpu.memory_space<semaphore_mem>>)
    %dma_wait3A_362 = arith.constant 0 : i32
    %dma_wait3A_363 = arith.constant 0 : i32
    %dma_wait3A_364 = tpu.memref_slice %arg16[%dma_wait3A_362, %dma_wait3A_363] : memref<2816x16xf32, #tpu.memory_space<vmem>> -> memref<128x16xf32, #tpu.memory_space<vmem>>
    %dma_wait3A_365 = arith.constant 0 : i32
    %dma_wait3A_366 = tpu.memref_slice %arg15[%dma_wait3A_365] : memref<2816xi32, #tpu.memory_space<vmem>> -> memref<128xi32, #tpu.memory_space<vmem>>
    %dma_wait3A_367 = arith.constant 0 : i32
    %dma_wait3A_368 = arith.constant 0 : i32
    %dma_wait3A_369 = tpu.memref_slice %arg8[%dma_wait3A_367, %dma_wait3A_368] : memref<400000x16xf32, #tpu.memory_space<hbm>> -> memref<400000x16xf32, #tpu.memory_space<hbm>>
    tpu.wait_indirect_dma semaphore(%arg17 : memref<!tpu.dma_semaphore, #tpu.memory_space<semaphore_mem>>) src(%dma_wait3A_369 : memref<400000x16xf32, #tpu.memory_space<hbm>>) dst(%dma_wait3A_364 : memref<128x16xf32, #tpu.memory_space<vmem>>)
    %dma_wait3A_370 = arith.constant 128 : i32
    %dma_wait3A_371 = arith.constant 0 : i32
    %dma_wait3A_372 = tpu.memref_slice %arg16[%dma_wait3A_370, %dma_wait3A_371] : memref<2816x16xf32, #tpu.memory_space<vmem>> -> memref<128x16xf32, #tpu.memory_space<vmem>>
    %dma_wait3A_373 = arith.constant 128 : i32
    %dma_wait3A_374 = tpu.memref_slice %arg15[%dma_wait3A_373] : memref<2816xi32, #tpu.memory_space<vmem>> -> memref<128xi32, #tpu.memory_space<vmem>>
    %dma_wait3A_375 = arith.constant 0 : i32
    %dma_wait3A_376 = arith.constant 0 : i32
    %dma_wait3A_377 = tpu.memref_slice %arg8[%dma_wait3A_375, %dma_wait3A_376] : memref<400000x16xf32, #tpu.memory_space<hbm>> -> memref<400000x16xf32, #tpu.memory_space<hbm>>
    tpu.wait_indirect_dma semaphore(%arg17 : memref<!tpu.dma_semaphore, #tpu.memory_space<semaphore_mem>>) src(%dma_wait3A_377 : memref<400000x16xf32, #tpu.memory_space<hbm>>) dst(%dma_wait3A_372 : memref<128x16xf32, #tpu.memory_space<vmem>>)
    %dma_wait3A_378 = arith.constant 256 : i32
    %dma_wait3A_379 = arith.constant 0 : i32
    %dma_wait3A_380 = tpu.memref_slice %arg16[%dma_wait3A_378, %dma_wait3A_379] : memref<2816x16xf32, #tpu.memory_space<vmem>> -> memref<128x16xf32, #tpu.memory_space<vmem>>
    %dma_wait3A_381 = arith.constant 256 : i32
    %dma_wait3A_382 = tpu.memref_slice %arg15[%dma_wait3A_381] : memref<2816xi32, #tpu.memory_space<vmem>> -> memref<128xi32, #tpu.memory_space<vmem>>
    %dma_wait3A_383 = arith.constant 0 : i32
    %dma_wait3A_384 = arith.constant 0 : i32
    %dma_wait3A_385 = tpu.memref_slice %arg8[%dma_wait3A_383, %dma_wait3A_384] : memref<400000x16xf32, #tpu.memory_space<hbm>> -> memref<400000x16xf32, #tpu.memory_space<hbm>>
    tpu.wait_indirect_dma semaphore(%arg17 : memref<!tpu.dma_semaphore, #tpu.memory_space<semaphore_mem>>) src(%dma_wait3A_385 : memref<400000x16xf32, #tpu.memory_space<hbm>>) dst(%dma_wait3A_380 : memref<128x16xf32, #tpu.memory_space<vmem>>)
    %dma_wait3A_386 = arith.constant 384 : i32
    %dma_wait3A_387 = arith.constant 0 : i32
    %dma_wait3A_388 = tpu.memref_slice %arg16[%dma_wait3A_386, %dma_wait3A_387] : memref<2816x16xf32, #tpu.memory_space<vmem>> -> memref<128x16xf32, #tpu.memory_space<vmem>>
    %dma_wait3A_389 = arith.constant 384 : i32
    %dma_wait3A_390 = tpu.memref_slice %arg15[%dma_wait3A_389] : memref<2816xi32, #tpu.memory_space<vmem>> -> memref<128xi32, #tpu.memory_space<vmem>>
    %dma_wait3A_391 = arith.constant 0 : i32
    %dma_wait3A_392 = arith.constant 0 : i32
    %dma_wait3A_393 = tpu.memref_slice %arg8[%dma_wait3A_391, %dma_wait3A_392] : memref<400000x16xf32, #tpu.memory_space<hbm>> -> memref<400000x16xf32, #tpu.memory_space<hbm>>
    tpu.wait_indirect_dma semaphore(%arg17 : memref<!tpu.dma_semaphore, #tpu.memory_space<semaphore_mem>>) src(%dma_wait3A_393 : memref<400000x16xf32, #tpu.memory_space<hbm>>) dst(%dma_wait3A_388 : memref<128x16xf32, #tpu.memory_space<vmem>>)
    %dma_wait3A_394 = arith.constant 512 : i32
    %dma_wait3A_395 = arith.constant 0 : i32
    %dma_wait3A_396 = tpu.memref_slice %arg16[%dma_wait3A_394, %dma_wait3A_395] : memref<2816x16xf32, #tpu.memory_space<vmem>> -> memref<128x16xf32, #tpu.memory_space<vmem>>
    %dma_wait3A_397 = arith.constant 512 : i32
    %dma_wait3A_398 = tpu.memref_slice %arg15[%dma_wait3A_397] : memref<2816xi32, #tpu.memory_space<vmem>> -> memref<128xi32, #tpu.memory_space<vmem>>
    %dma_wait3A_399 = arith.constant 0 : i32
    %dma_wait3A_400 = arith.constant 0 : i32
    %dma_wait3A_401 = tpu.memref_slice %arg8[%dma_wait3A_399, %dma_wait3A_400] : memref<400000x16xf32, #tpu.memory_space<hbm>> -> memref<400000x16xf32, #tpu.memory_space<hbm>>
    tpu.wait_indirect_dma semaphore(%arg17 : memref<!tpu.dma_semaphore, #tpu.memory_space<semaphore_mem>>) src(%dma_wait3A_401 : memref<400000x16xf32, #tpu.memory_space<hbm>>) dst(%dma_wait3A_396 : memref<128x16xf32, #tpu.memory_space<vmem>>)
    %dma_wait3A_402 = arith.constant 640 : i32
    %dma_wait3A_403 = arith.constant 0 : i32
    %dma_wait3A_404 = tpu.memref_slice %arg16[%dma_wait3A_402, %dma_wait3A_403] : memref<2816x16xf32, #tpu.memory_space<vmem>> -> memref<128x16xf32, #tpu.memory_space<vmem>>
    %dma_wait3A_405 = arith.constant 640 : i32
    %dma_wait3A_406 = tpu.memref_slice %arg15[%dma_wait3A_405] : memref<2816xi32, #tpu.memory_space<vmem>> -> memref<128xi32, #tpu.memory_space<vmem>>
    %dma_wait3A_407 = arith.constant 0 : i32
    %dma_wait3A_408 = arith.constant 0 : i32
    %dma_wait3A_409 = tpu.memref_slice %arg8[%dma_wait3A_407, %dma_wait3A_408] : memref<400000x16xf32, #tpu.memory_space<hbm>> -> memref<400000x16xf32, #tpu.memory_space<hbm>>
    tpu.wait_indirect_dma semaphore(%arg17 : memref<!tpu.dma_semaphore, #tpu.memory_space<semaphore_mem>>) src(%dma_wait3A_409 : memref<400000x16xf32, #tpu.memory_space<hbm>>) dst(%dma_wait3A_404 : memref<128x16xf32, #tpu.memory_space<vmem>>)
    %dma_wait3A_410 = arith.constant 768 : i32
    %dma_wait3A_411 = arith.constant 0 : i32
    %dma_wait3A_412 = tpu.memref_slice %arg16[%dma_wait3A_410, %dma_wait3A_411] : memref<2816x16xf32, #tpu.memory_space<vmem>> -> memref<128x16xf32, #tpu.memory_space<vmem>>
    %dma_wait3A_413 = arith.constant 768 : i32
    %dma_wait3A_414 = tpu.memref_slice %arg15[%dma_wait3A_413] : memref<2816xi32, #tpu.memory_space<vmem>> -> memref<128xi32, #tpu.memory_space<vmem>>
    %dma_wait3A_415 = arith.constant 0 : i32
    %dma_wait3A_416 = arith.constant 0 : i32
    %dma_wait3A_417 = tpu.memref_slice %arg8[%dma_wait3A_415, %dma_wait3A_416] : memref<400000x16xf32, #tpu.memory_space<hbm>> -> memref<400000x16xf32, #tpu.memory_space<hbm>>
    tpu.wait_indirect_dma semaphore(%arg17 : memref<!tpu.dma_semaphore, #tpu.memory_space<semaphore_mem>>) src(%dma_wait3A_417 : memref<400000x16xf32, #tpu.memory_space<hbm>>) dst(%dma_wait3A_412 : memref<128x16xf32, #tpu.memory_space<vmem>>)
    %dma_wait3A_418 = arith.constant 896 : i32
    %dma_wait3A_419 = arith.constant 0 : i32
    %dma_wait3A_420 = tpu.memref_slice %arg16[%dma_wait3A_418, %dma_wait3A_419] : memref<2816x16xf32, #tpu.memory_space<vmem>> -> memref<128x16xf32, #tpu.memory_space<vmem>>
    %dma_wait3A_421 = arith.constant 896 : i32
    %dma_wait3A_422 = tpu.memref_slice %arg15[%dma_wait3A_421] : memref<2816xi32, #tpu.memory_space<vmem>> -> memref<128xi32, #tpu.memory_space<vmem>>
    %dma_wait3A_423 = arith.constant 0 : i32
    %dma_wait3A_424 = arith.constant 0 : i32
    %dma_wait3A_425 = tpu.memref_slice %arg8[%dma_wait3A_423, %dma_wait3A_424] : memref<400000x16xf32, #tpu.memory_space<hbm>> -> memref<400000x16xf32, #tpu.memory_space<hbm>>
    tpu.wait_indirect_dma semaphore(%arg17 : memref<!tpu.dma_semaphore, #tpu.memory_space<semaphore_mem>>) src(%dma_wait3A_425 : memref<400000x16xf32, #tpu.memory_space<hbm>>) dst(%dma_wait3A_420 : memref<128x16xf32, #tpu.memory_space<vmem>>)
    %dma_wait3A_426 = arith.constant 1024 : i32
    %dma_wait3A_427 = arith.constant 0 : i32
    %dma_wait3A_428 = tpu.memref_slice %arg16[%dma_wait3A_426, %dma_wait3A_427] : memref<2816x16xf32, #tpu.memory_space<vmem>> -> memref<128x16xf32, #tpu.memory_space<vmem>>
    %dma_wait3A_429 = arith.constant 1024 : i32
    %dma_wait3A_430 = tpu.memref_slice %arg15[%dma_wait3A_429] : memref<2816xi32, #tpu.memory_space<vmem>> -> memref<128xi32, #tpu.memory_space<vmem>>
    %dma_wait3A_431 = arith.constant 0 : i32
    %dma_wait3A_432 = arith.constant 0 : i32
    %dma_wait3A_433 = tpu.memref_slice %arg8[%dma_wait3A_431, %dma_wait3A_432] : memref<400000x16xf32, #tpu.memory_space<hbm>> -> memref<400000x16xf32, #tpu.memory_space<hbm>>
    tpu.wait_indirect_dma semaphore(%arg17 : memref<!tpu.dma_semaphore, #tpu.memory_space<semaphore_mem>>) src(%dma_wait3A_433 : memref<400000x16xf32, #tpu.memory_space<hbm>>) dst(%dma_wait3A_428 : memref<128x16xf32, #tpu.memory_space<vmem>>)
    %dma_wait3A_434 = arith.constant 1152 : i32
    %dma_wait3A_435 = arith.constant 0 : i32
    %dma_wait3A_436 = tpu.memref_slice %arg16[%dma_wait3A_434, %dma_wait3A_435] : memref<2816x16xf32, #tpu.memory_space<vmem>> -> memref<128x16xf32, #tpu.memory_space<vmem>>
    %dma_wait3A_437 = arith.constant 1152 : i32
    %dma_wait3A_438 = tpu.memref_slice %arg15[%dma_wait3A_437] : memref<2816xi32, #tpu.memory_space<vmem>> -> memref<128xi32, #tpu.memory_space<vmem>>
    %dma_wait3A_439 = arith.constant 0 : i32
    %dma_wait3A_440 = arith.constant 0 : i32
    %dma_wait3A_441 = tpu.memref_slice %arg8[%dma_wait3A_439, %dma_wait3A_440] : memref<400000x16xf32, #tpu.memory_space<hbm>> -> memref<400000x16xf32, #tpu.memory_space<hbm>>
    tpu.wait_indirect_dma semaphore(%arg17 : memref<!tpu.dma_semaphore, #tpu.memory_space<semaphore_mem>>) src(%dma_wait3A_441 : memref<400000x16xf32, #tpu.memory_space<hbm>>) dst(%dma_wait3A_436 : memref<128x16xf32, #tpu.memory_space<vmem>>)
    %dma_wait3A_442 = arith.constant 1280 : i32
    %dma_wait3A_443 = arith.constant 0 : i32
    %dma_wait3A_444 = tpu.memref_slice %arg16[%dma_wait3A_442, %dma_wait3A_443] : memref<2816x16xf32, #tpu.memory_space<vmem>> -> memref<128x16xf32, #tpu.memory_space<vmem>>
    %dma_wait3A_445 = arith.constant 1280 : i32
    %dma_wait3A_446 = tpu.memref_slice %arg15[%dma_wait3A_445] : memref<2816xi32, #tpu.memory_space<vmem>> -> memref<128xi32, #tpu.memory_space<vmem>>
    %dma_wait3A_447 = arith.constant 0 : i32
    %dma_wait3A_448 = arith.constant 0 : i32
    %dma_wait3A_449 = tpu.memref_slice %arg8[%dma_wait3A_447, %dma_wait3A_448] : memref<400000x16xf32, #tpu.memory_space<hbm>> -> memref<400000x16xf32, #tpu.memory_space<hbm>>
    tpu.wait_indirect_dma semaphore(%arg17 : memref<!tpu.dma_semaphore, #tpu.memory_space<semaphore_mem>>) src(%dma_wait3A_449 : memref<400000x16xf32, #tpu.memory_space<hbm>>) dst(%dma_wait3A_444 : memref<128x16xf32, #tpu.memory_space<vmem>>)
    %dma_wait3A_450 = arith.constant 1408 : i32
    %dma_wait3A_451 = arith.constant 0 : i32
    %dma_wait3A_452 = tpu.memref_slice %arg16[%dma_wait3A_450, %dma_wait3A_451] : memref<2816x16xf32, #tpu.memory_space<vmem>> -> memref<128x16xf32, #tpu.memory_space<vmem>>
    %dma_wait3A_453 = arith.constant 1408 : i32
    %dma_wait3A_454 = tpu.memref_slice %arg15[%dma_wait3A_453] : memref<2816xi32, #tpu.memory_space<vmem>> -> memref<128xi32, #tpu.memory_space<vmem>>
    %dma_wait3A_455 = arith.constant 0 : i32
    %dma_wait3A_456 = arith.constant 0 : i32
    %dma_wait3A_457 = tpu.memref_slice %arg8[%dma_wait3A_455, %dma_wait3A_456] : memref<400000x16xf32, #tpu.memory_space<hbm>> -> memref<400000x16xf32, #tpu.memory_space<hbm>>
    tpu.wait_indirect_dma semaphore(%arg17 : memref<!tpu.dma_semaphore, #tpu.memory_space<semaphore_mem>>) src(%dma_wait3A_457 : memref<400000x16xf32, #tpu.memory_space<hbm>>) dst(%dma_wait3A_452 : memref<128x16xf32, #tpu.memory_space<vmem>>)
    %dma_wait3A_458 = arith.constant 1536 : i32
    %dma_wait3A_459 = arith.constant 0 : i32
    %dma_wait3A_460 = tpu.memref_slice %arg16[%dma_wait3A_458, %dma_wait3A_459] : memref<2816x16xf32, #tpu.memory_space<vmem>> -> memref<128x16xf32, #tpu.memory_space<vmem>>
    %dma_wait3A_461 = arith.constant 1536 : i32
    %dma_wait3A_462 = tpu.memref_slice %arg15[%dma_wait3A_461] : memref<2816xi32, #tpu.memory_space<vmem>> -> memref<128xi32, #tpu.memory_space<vmem>>
    %dma_wait3A_463 = arith.constant 0 : i32
    %dma_wait3A_464 = arith.constant 0 : i32
    %dma_wait3A_465 = tpu.memref_slice %arg8[%dma_wait3A_463, %dma_wait3A_464] : memref<400000x16xf32, #tpu.memory_space<hbm>> -> memref<400000x16xf32, #tpu.memory_space<hbm>>
    tpu.wait_indirect_dma semaphore(%arg17 : memref<!tpu.dma_semaphore, #tpu.memory_space<semaphore_mem>>) src(%dma_wait3A_465 : memref<400000x16xf32, #tpu.memory_space<hbm>>) dst(%dma_wait3A_460 : memref<128x16xf32, #tpu.memory_space<vmem>>)
    %dma_wait3A_466 = arith.constant 1664 : i32
    %dma_wait3A_467 = arith.constant 0 : i32
    %dma_wait3A_468 = tpu.memref_slice %arg16[%dma_wait3A_466, %dma_wait3A_467] : memref<2816x16xf32, #tpu.memory_space<vmem>> -> memref<128x16xf32, #tpu.memory_space<vmem>>
    %dma_wait3A_469 = arith.constant 1664 : i32
    %dma_wait3A_470 = tpu.memref_slice %arg15[%dma_wait3A_469] : memref<2816xi32, #tpu.memory_space<vmem>> -> memref<128xi32, #tpu.memory_space<vmem>>
    %dma_wait3A_471 = arith.constant 0 : i32
    %dma_wait3A_472 = arith.constant 0 : i32
    %dma_wait3A_473 = tpu.memref_slice %arg8[%dma_wait3A_471, %dma_wait3A_472] : memref<400000x16xf32, #tpu.memory_space<hbm>> -> memref<400000x16xf32, #tpu.memory_space<hbm>>
    tpu.wait_indirect_dma semaphore(%arg17 : memref<!tpu.dma_semaphore, #tpu.memory_space<semaphore_mem>>) src(%dma_wait3A_473 : memref<400000x16xf32, #tpu.memory_space<hbm>>) dst(%dma_wait3A_468 : memref<128x16xf32, #tpu.memory_space<vmem>>)
    %dma_wait3A_474 = arith.constant 1792 : i32
    %dma_wait3A_475 = arith.constant 0 : i32
    %dma_wait3A_476 = tpu.memref_slice %arg16[%dma_wait3A_474, %dma_wait3A_475] : memref<2816x16xf32, #tpu.memory_space<vmem>> -> memref<128x16xf32, #tpu.memory_space<vmem>>
    %dma_wait3A_477 = arith.constant 1792 : i32
    %dma_wait3A_478 = tpu.memref_slice %arg15[%dma_wait3A_477] : memref<2816xi32, #tpu.memory_space<vmem>> -> memref<128xi32, #tpu.memory_space<vmem>>
    %dma_wait3A_479 = arith.constant 0 : i32
    %dma_wait3A_480 = arith.constant 0 : i32
    %dma_wait3A_481 = tpu.memref_slice %arg8[%dma_wait3A_479, %dma_wait3A_480] : memref<400000x16xf32, #tpu.memory_space<hbm>> -> memref<400000x16xf32, #tpu.memory_space<hbm>>
    tpu.wait_indirect_dma semaphore(%arg17 : memref<!tpu.dma_semaphore, #tpu.memory_space<semaphore_mem>>) src(%dma_wait3A_481 : memref<400000x16xf32, #tpu.memory_space<hbm>>) dst(%dma_wait3A_476 : memref<128x16xf32, #tpu.memory_space<vmem>>)
    %dma_wait3A_482 = arith.constant 1920 : i32
    %dma_wait3A_483 = arith.constant 0 : i32
    %dma_wait3A_484 = tpu.memref_slice %arg16[%dma_wait3A_482, %dma_wait3A_483] : memref<2816x16xf32, #tpu.memory_space<vmem>> -> memref<128x16xf32, #tpu.memory_space<vmem>>
    %dma_wait3A_485 = arith.constant 1920 : i32
    %dma_wait3A_486 = tpu.memref_slice %arg15[%dma_wait3A_485] : memref<2816xi32, #tpu.memory_space<vmem>> -> memref<128xi32, #tpu.memory_space<vmem>>
    %dma_wait3A_487 = arith.constant 0 : i32
    %dma_wait3A_488 = arith.constant 0 : i32
    %dma_wait3A_489 = tpu.memref_slice %arg8[%dma_wait3A_487, %dma_wait3A_488] : memref<400000x16xf32, #tpu.memory_space<hbm>> -> memref<400000x16xf32, #tpu.memory_space<hbm>>
    tpu.wait_indirect_dma semaphore(%arg17 : memref<!tpu.dma_semaphore, #tpu.memory_space<semaphore_mem>>) src(%dma_wait3A_489 : memref<400000x16xf32, #tpu.memory_space<hbm>>) dst(%dma_wait3A_484 : memref<128x16xf32, #tpu.memory_space<vmem>>)
    %dma_start3A_490 = arith.constant 0 : i32
    %dma_start3A_491 = arith.constant 0 : i32
    %dma_start3A_492 = tpu.memref_slice %arg16[%dma_start3A_490, %dma_start3A_491] : memref<2816x16xf32, #tpu.memory_space<vmem>> -> memref<2048x16xf32, #tpu.memory_space<vmem>>
    %dma_start3A_493 = arith.constant 0 : i32
    %dma_start3A_494 = tpu.memref_slice %arg12[%multiple_of3A_233, %dma_start3A_493] : memref<65536x16xf32, #tpu.memory_space<hbm>> -> memref<2048x16xf32, #tpu.memory_space<hbm>>
    %dma_start3A_495 = arith.constant 0 : i32
    %dma_start3A_496 = tpu.memref_slice %arg12[%multiple_of3A_233, %dma_start3A_495] : memref<65536x16xf32, #tpu.memory_space<hbm>> -> memref<2048x16xf32, #tpu.memory_space<hbm>>
    %dma_start3A_497 = arith.constant 0 : i32
    %dma_start3A_498 = arith.constant 0 : i32
    %dma_start3A_499 = tpu.memref_slice %arg16[%dma_start3A_497, %dma_start3A_498] : memref<2816x16xf32, #tpu.memory_space<vmem>> -> memref<2048x16xf32, #tpu.memory_space<vmem>>
    tpu.enqueue_dma source(%dma_start3A_499 : memref<2048x16xf32, #tpu.memory_space<vmem>>) target(%dma_start3A_496 : memref<2048x16xf32, #tpu.memory_space<hbm>>) target_semaphore(%arg18 : memref<!tpu.dma_semaphore, #tpu.memory_space<semaphore_mem>>)
    %dma_wait3A_500 = arith.constant 0 : i32
    %dma_wait3A_501 = arith.constant 0 : i32
    %dma_wait3A_502 = tpu.memref_slice %arg16[%dma_wait3A_500, %dma_wait3A_501] : memref<2816x16xf32, #tpu.memory_space<vmem>> -> memref<2048x16xf32, #tpu.memory_space<vmem>>
    %dma_wait3A_503 = arith.constant 0 : i32
    %dma_wait3A_504 = tpu.memref_slice %arg12[%multiple_of3A_233, %dma_wait3A_503] : memref<65536x16xf32, #tpu.memory_space<hbm>> -> memref<2048x16xf32, #tpu.memory_space<hbm>>
    %dma_wait3A_505 = arith.constant 0 : i32
    %dma_wait3A_506 = tpu.memref_slice %arg12[%multiple_of3A_233, %dma_wait3A_505] : memref<65536x16xf32, #tpu.memory_space<hbm>> -> memref<2048x16xf32, #tpu.memory_space<hbm>>
    %dma_wait3A_507 = arith.constant 0 : i32
    %dma_wait3A_508 = arith.constant 0 : i32
    %dma_wait3A_509 = tpu.memref_slice %arg16[%dma_wait3A_507, %dma_wait3A_508] : memref<2816x16xf32, #tpu.memory_space<vmem>> -> memref<2048x16xf32, #tpu.memory_space<vmem>>
    tpu.wait_dma2 semaphore(%arg18 : memref<!tpu.dma_semaphore, #tpu.memory_space<semaphore_mem>>) src(%dma_wait3A_509 : memref<2048x16xf32, #tpu.memory_space<vmem>>) dst(%dma_wait3A_506 : memref<2048x16xf32, #tpu.memory_space<hbm>>)
    %scan3A_510 = arith.constant 1 : i32
    %mul3A_511 = arith.constant 4096 : i32
    %mul3A_512 = arith.muli %add3A, %mul3A_511 : i32
    %scan3A_513 = arith.constant 0 : i32
    %scan3A_514 = arith.constant 0 : i32
    %scan3A_515 = arith.constant 2 : i32
    %scan3A_516 = arith.addi %scan3A_514, %scan3A_515 : i32
    %scan3A_517 = arith.constant 1 : i32
    scf.for %scan3A_527 = %scan3A_514 to %scan3A_516 step %scan3A_517  : i32 {
      %mul3A_528 = arith.constant 2048 : i32
      %mul3A_529 = arith.muli %scan3A_527, %mul3A_528 : i32
      %add3A_530 = arith.addi %mul3A_512, %mul3A_529 : i32
      %multiple_of3A_531 = tpu.assume_multiple %add3A_530, 128 : i32
      "tpu.region"() ({
        %run_scoped3A = tpu.sem_alloc : memref<!tpu.dma_semaphore, #tpu.memory_space<semaphore_mem>>
        %dma_start3A_808 = arith.constant 0 : i32
        %dma_start3A_809 = tpu.memref_slice %arg15[%dma_start3A_808] : memref<2816xi32, #tpu.memory_space<vmem>> -> memref<2048xi32, #tpu.memory_space<vmem>>
        %dma_start3A_810 = tpu.memref_slice %arg5[%multiple_of3A_531] : memref<131072xi32, #tpu.memory_space<hbm>> -> memref<2048xi32, #tpu.memory_space<hbm>>
        %dma_start3A_811 = arith.constant 0 : i32
        %dma_start3A_812 = tpu.memref_slice %arg15[%dma_start3A_811] : memref<2816xi32, #tpu.memory_space<vmem>> -> memref<2048xi32, #tpu.memory_space<vmem>>
        %dma_start3A_813 = tpu.memref_slice %arg5[%multiple_of3A_531] : memref<131072xi32, #tpu.memory_space<hbm>> -> memref<2048xi32, #tpu.memory_space<hbm>>
        tpu.enqueue_dma source(%dma_start3A_813 : memref<2048xi32, #tpu.memory_space<hbm>>) target(%dma_start3A_812 : memref<2048xi32, #tpu.memory_space<vmem>>) target_semaphore(%run_scoped3A : memref<!tpu.dma_semaphore, #tpu.memory_space<semaphore_mem>>)
        %dma_wait3A_814 = arith.constant 0 : i32
        %dma_wait3A_815 = tpu.memref_slice %arg15[%dma_wait3A_814] : memref<2816xi32, #tpu.memory_space<vmem>> -> memref<2048xi32, #tpu.memory_space<vmem>>
        %dma_wait3A_816 = tpu.memref_slice %arg5[%multiple_of3A_531] : memref<131072xi32, #tpu.memory_space<hbm>> -> memref<2048xi32, #tpu.memory_space<hbm>>
        %dma_wait3A_817 = arith.constant 0 : i32
        %dma_wait3A_818 = tpu.memref_slice %arg15[%dma_wait3A_817] : memref<2816xi32, #tpu.memory_space<vmem>> -> memref<2048xi32, #tpu.memory_space<vmem>>
        %dma_wait3A_819 = tpu.memref_slice %arg5[%multiple_of3A_531] : memref<131072xi32, #tpu.memory_space<hbm>> -> memref<2048xi32, #tpu.memory_space<hbm>>
        tpu.wait_dma2 semaphore(%run_scoped3A : memref<!tpu.dma_semaphore, #tpu.memory_space<semaphore_mem>>) src(%dma_wait3A_819 : memref<2048xi32, #tpu.memory_space<hbm>>) dst(%dma_wait3A_818 : memref<2048xi32, #tpu.memory_space<vmem>>)
        tpu.yield
      }) : () -> ()
      %dma_start3A_532 = arith.constant 0 : i32
      %dma_start3A_533 = arith.constant 0 : i32
      %dma_start3A_534 = tpu.memref_slice %arg16[%dma_start3A_532, %dma_start3A_533] : memref<2816x16xf32, #tpu.memory_space<vmem>> -> memref<128x16xf32, #tpu.memory_space<vmem>>
      %dma_start3A_535 = arith.constant 0 : i32
      %dma_start3A_536 = tpu.memref_slice %arg15[%dma_start3A_535] : memref<2816xi32, #tpu.memory_space<vmem>> -> memref<128xi32, #tpu.memory_space<vmem>>
      %dma_start3A_537 = arith.constant 0 : i32
      %dma_start3A_538 = arith.constant 0 : i32
      %dma_start3A_539 = tpu.memref_slice %arg9[%dma_start3A_537, %dma_start3A_538] : memref<21800x16xf32, #tpu.memory_space<hbm>> -> memref<21800x16xf32, #tpu.memory_space<hbm>>
      tpu.enqueue_indirect_dma source(%dma_start3A_539 : memref<21800x16xf32, #tpu.memory_space<hbm>>) target(%dma_start3A_534 : memref<128x16xf32, #tpu.memory_space<vmem>>) offsets(%dma_start3A_536 : memref<128xi32, #tpu.memory_space<vmem>>) semaphore(%arg17 : memref<!tpu.dma_semaphore, #tpu.memory_space<semaphore_mem>>)
      %dma_start3A_540 = arith.constant 128 : i32
      %dma_start3A_541 = arith.constant 0 : i32
      %dma_start3A_542 = tpu.memref_slice %arg16[%dma_start3A_540, %dma_start3A_541] : memref<2816x16xf32, #tpu.memory_space<vmem>> -> memref<128x16xf32, #tpu.memory_space<vmem>>
      %dma_start3A_543 = arith.constant 128 : i32
      %dma_start3A_544 = tpu.memref_slice %arg15[%dma_start3A_543] : memref<2816xi32, #tpu.memory_space<vmem>> -> memref<128xi32, #tpu.memory_space<vmem>>
      %dma_start3A_545 = arith.constant 0 : i32
      %dma_start3A_546 = arith.constant 0 : i32
      %dma_start3A_547 = tpu.memref_slice %arg9[%dma_start3A_545, %dma_start3A_546] : memref<21800x16xf32, #tpu.memory_space<hbm>> -> memref<21800x16xf32, #tpu.memory_space<hbm>>
      tpu.enqueue_indirect_dma source(%dma_start3A_547 : memref<21800x16xf32, #tpu.memory_space<hbm>>) target(%dma_start3A_542 : memref<128x16xf32, #tpu.memory_space<vmem>>) offsets(%dma_start3A_544 : memref<128xi32, #tpu.memory_space<vmem>>) semaphore(%arg17 : memref<!tpu.dma_semaphore, #tpu.memory_space<semaphore_mem>>)
      %dma_start3A_548 = arith.constant 256 : i32
      %dma_start3A_549 = arith.constant 0 : i32
      %dma_start3A_550 = tpu.memref_slice %arg16[%dma_start3A_548, %dma_start3A_549] : memref<2816x16xf32, #tpu.memory_space<vmem>> -> memref<128x16xf32, #tpu.memory_space<vmem>>
      %dma_start3A_551 = arith.constant 256 : i32
      %dma_start3A_552 = tpu.memref_slice %arg15[%dma_start3A_551] : memref<2816xi32, #tpu.memory_space<vmem>> -> memref<128xi32, #tpu.memory_space<vmem>>
      %dma_start3A_553 = arith.constant 0 : i32
      %dma_start3A_554 = arith.constant 0 : i32
      %dma_start3A_555 = tpu.memref_slice %arg9[%dma_start3A_553, %dma_start3A_554] : memref<21800x16xf32, #tpu.memory_space<hbm>> -> memref<21800x16xf32, #tpu.memory_space<hbm>>
      tpu.enqueue_indirect_dma source(%dma_start3A_555 : memref<21800x16xf32, #tpu.memory_space<hbm>>) target(%dma_start3A_550 : memref<128x16xf32, #tpu.memory_space<vmem>>) offsets(%dma_start3A_552 : memref<128xi32, #tpu.memory_space<vmem>>) semaphore(%arg17 : memref<!tpu.dma_semaphore, #tpu.memory_space<semaphore_mem>>)
      %dma_start3A_556 = arith.constant 384 : i32
      %dma_start3A_557 = arith.constant 0 : i32
      %dma_start3A_558 = tpu.memref_slice %arg16[%dma_start3A_556, %dma_start3A_557] : memref<2816x16xf32, #tpu.memory_space<vmem>> -> memref<128x16xf32, #tpu.memory_space<vmem>>
      %dma_start3A_559 = arith.constant 384 : i32
      %dma_start3A_560 = tpu.memref_slice %arg15[%dma_start3A_559] : memref<2816xi32, #tpu.memory_space<vmem>> -> memref<128xi32, #tpu.memory_space<vmem>>
      %dma_start3A_561 = arith.constant 0 : i32
      %dma_start3A_562 = arith.constant 0 : i32
      %dma_start3A_563 = tpu.memref_slice %arg9[%dma_start3A_561, %dma_start3A_562] : memref<21800x16xf32, #tpu.memory_space<hbm>> -> memref<21800x16xf32, #tpu.memory_space<hbm>>
      tpu.enqueue_indirect_dma source(%dma_start3A_563 : memref<21800x16xf32, #tpu.memory_space<hbm>>) target(%dma_start3A_558 : memref<128x16xf32, #tpu.memory_space<vmem>>) offsets(%dma_start3A_560 : memref<128xi32, #tpu.memory_space<vmem>>) semaphore(%arg17 : memref<!tpu.dma_semaphore, #tpu.memory_space<semaphore_mem>>)
      %dma_start3A_564 = arith.constant 512 : i32
      %dma_start3A_565 = arith.constant 0 : i32
      %dma_start3A_566 = tpu.memref_slice %arg16[%dma_start3A_564, %dma_start3A_565] : memref<2816x16xf32, #tpu.memory_space<vmem>> -> memref<128x16xf32, #tpu.memory_space<vmem>>
      %dma_start3A_567 = arith.constant 512 : i32
      %dma_start3A_568 = tpu.memref_slice %arg15[%dma_start3A_567] : memref<2816xi32, #tpu.memory_space<vmem>> -> memref<128xi32, #tpu.memory_space<vmem>>
      %dma_start3A_569 = arith.constant 0 : i32
      %dma_start3A_570 = arith.constant 0 : i32
      %dma_start3A_571 = tpu.memref_slice %arg9[%dma_start3A_569, %dma_start3A_570] : memref<21800x16xf32, #tpu.memory_space<hbm>> -> memref<21800x16xf32, #tpu.memory_space<hbm>>
      tpu.enqueue_indirect_dma source(%dma_start3A_571 : memref<21800x16xf32, #tpu.memory_space<hbm>>) target(%dma_start3A_566 : memref<128x16xf32, #tpu.memory_space<vmem>>) offsets(%dma_start3A_568 : memref<128xi32, #tpu.memory_space<vmem>>) semaphore(%arg17 : memref<!tpu.dma_semaphore, #tpu.memory_space<semaphore_mem>>)
      %dma_start3A_572 = arith.constant 640 : i32
      %dma_start3A_573 = arith.constant 0 : i32
      %dma_start3A_574 = tpu.memref_slice %arg16[%dma_start3A_572, %dma_start3A_573] : memref<2816x16xf32, #tpu.memory_space<vmem>> -> memref<128x16xf32, #tpu.memory_space<vmem>>
      %dma_start3A_575 = arith.constant 640 : i32
      %dma_start3A_576 = tpu.memref_slice %arg15[%dma_start3A_575] : memref<2816xi32, #tpu.memory_space<vmem>> -> memref<128xi32, #tpu.memory_space<vmem>>
      %dma_start3A_577 = arith.constant 0 : i32
      %dma_start3A_578 = arith.constant 0 : i32
      %dma_start3A_579 = tpu.memref_slice %arg9[%dma_start3A_577, %dma_start3A_578] : memref<21800x16xf32, #tpu.memory_space<hbm>> -> memref<21800x16xf32, #tpu.memory_space<hbm>>
      tpu.enqueue_indirect_dma source(%dma_start3A_579 : memref<21800x16xf32, #tpu.memory_space<hbm>>) target(%dma_start3A_574 : memref<128x16xf32, #tpu.memory_space<vmem>>) offsets(%dma_start3A_576 : memref<128xi32, #tpu.memory_space<vmem>>) semaphore(%arg17 : memref<!tpu.dma_semaphore, #tpu.memory_space<semaphore_mem>>)
      %dma_start3A_580 = arith.constant 768 : i32
      %dma_start3A_581 = arith.constant 0 : i32
      %dma_start3A_582 = tpu.memref_slice %arg16[%dma_start3A_580, %dma_start3A_581] : memref<2816x16xf32, #tpu.memory_space<vmem>> -> memref<128x16xf32, #tpu.memory_space<vmem>>
      %dma_start3A_583 = arith.constant 768 : i32
      %dma_start3A_584 = tpu.memref_slice %arg15[%dma_start3A_583] : memref<2816xi32, #tpu.memory_space<vmem>> -> memref<128xi32, #tpu.memory_space<vmem>>
      %dma_start3A_585 = arith.constant 0 : i32
      %dma_start3A_586 = arith.constant 0 : i32
      %dma_start3A_587 = tpu.memref_slice %arg9[%dma_start3A_585, %dma_start3A_586] : memref<21800x16xf32, #tpu.memory_space<hbm>> -> memref<21800x16xf32, #tpu.memory_space<hbm>>
      tpu.enqueue_indirect_dma source(%dma_start3A_587 : memref<21800x16xf32, #tpu.memory_space<hbm>>) target(%dma_start3A_582 : memref<128x16xf32, #tpu.memory_space<vmem>>) offsets(%dma_start3A_584 : memref<128xi32, #tpu.memory_space<vmem>>) semaphore(%arg17 : memref<!tpu.dma_semaphore, #tpu.memory_space<semaphore_mem>>)
      %dma_start3A_588 = arith.constant 896 : i32
      %dma_start3A_589 = arith.constant 0 : i32
      %dma_start3A_590 = tpu.memref_slice %arg16[%dma_start3A_588, %dma_start3A_589] : memref<2816x16xf32, #tpu.memory_space<vmem>> -> memref<128x16xf32, #tpu.memory_space<vmem>>
      %dma_start3A_591 = arith.constant 896 : i32
      %dma_start3A_592 = tpu.memref_slice %arg15[%dma_start3A_591] : memref<2816xi32, #tpu.memory_space<vmem>> -> memref<128xi32, #tpu.memory_space<vmem>>
      %dma_start3A_593 = arith.constant 0 : i32
      %dma_start3A_594 = arith.constant 0 : i32
      %dma_start3A_595 = tpu.memref_slice %arg9[%dma_start3A_593, %dma_start3A_594] : memref<21800x16xf32, #tpu.memory_space<hbm>> -> memref<21800x16xf32, #tpu.memory_space<hbm>>
      tpu.enqueue_indirect_dma source(%dma_start3A_595 : memref<21800x16xf32, #tpu.memory_space<hbm>>) target(%dma_start3A_590 : memref<128x16xf32, #tpu.memory_space<vmem>>) offsets(%dma_start3A_592 : memref<128xi32, #tpu.memory_space<vmem>>) semaphore(%arg17 : memref<!tpu.dma_semaphore, #tpu.memory_space<semaphore_mem>>)
      %dma_start3A_596 = arith.constant 1024 : i32
      %dma_start3A_597 = arith.constant 0 : i32
      %dma_start3A_598 = tpu.memref_slice %arg16[%dma_start3A_596, %dma_start3A_597] : memref<2816x16xf32, #tpu.memory_space<vmem>> -> memref<128x16xf32, #tpu.memory_space<vmem>>
      %dma_start3A_599 = arith.constant 1024 : i32
      %dma_start3A_600 = tpu.memref_slice %arg15[%dma_start3A_599] : memref<2816xi32, #tpu.memory_space<vmem>> -> memref<128xi32, #tpu.memory_space<vmem>>
      %dma_start3A_601 = arith.constant 0 : i32
      %dma_start3A_602 = arith.constant 0 : i32
      %dma_start3A_603 = tpu.memref_slice %arg9[%dma_start3A_601, %dma_start3A_602] : memref<21800x16xf32, #tpu.memory_space<hbm>> -> memref<21800x16xf32, #tpu.memory_space<hbm>>
      tpu.enqueue_indirect_dma source(%dma_start3A_603 : memref<21800x16xf32, #tpu.memory_space<hbm>>) target(%dma_start3A_598 : memref<128x16xf32, #tpu.memory_space<vmem>>) offsets(%dma_start3A_600 : memref<128xi32, #tpu.memory_space<vmem>>) semaphore(%arg17 : memref<!tpu.dma_semaphore, #tpu.memory_space<semaphore_mem>>)
      %dma_start3A_604 = arith.constant 1152 : i32
      %dma_start3A_605 = arith.constant 0 : i32
      %dma_start3A_606 = tpu.memref_slice %arg16[%dma_start3A_604, %dma_start3A_605] : memref<2816x16xf32, #tpu.memory_space<vmem>> -> memref<128x16xf32, #tpu.memory_space<vmem>>
      %dma_start3A_607 = arith.constant 1152 : i32
      %dma_start3A_608 = tpu.memref_slice %arg15[%dma_start3A_607] : memref<2816xi32, #tpu.memory_space<vmem>> -> memref<128xi32, #tpu.memory_space<vmem>>
      %dma_start3A_609 = arith.constant 0 : i32
      %dma_start3A_610 = arith.constant 0 : i32
      %dma_start3A_611 = tpu.memref_slice %arg9[%dma_start3A_609, %dma_start3A_610] : memref<21800x16xf32, #tpu.memory_space<hbm>> -> memref<21800x16xf32, #tpu.memory_space<hbm>>
      tpu.enqueue_indirect_dma source(%dma_start3A_611 : memref<21800x16xf32, #tpu.memory_space<hbm>>) target(%dma_start3A_606 : memref<128x16xf32, #tpu.memory_space<vmem>>) offsets(%dma_start3A_608 : memref<128xi32, #tpu.memory_space<vmem>>) semaphore(%arg17 : memref<!tpu.dma_semaphore, #tpu.memory_space<semaphore_mem>>)
      %dma_start3A_612 = arith.constant 1280 : i32
      %dma_start3A_613 = arith.constant 0 : i32
      %dma_start3A_614 = tpu.memref_slice %arg16[%dma_start3A_612, %dma_start3A_613] : memref<2816x16xf32, #tpu.memory_space<vmem>> -> memref<128x16xf32, #tpu.memory_space<vmem>>
      %dma_start3A_615 = arith.constant 1280 : i32
      %dma_start3A_616 = tpu.memref_slice %arg15[%dma_start3A_615] : memref<2816xi32, #tpu.memory_space<vmem>> -> memref<128xi32, #tpu.memory_space<vmem>>
      %dma_start3A_617 = arith.constant 0 : i32
      %dma_start3A_618 = arith.constant 0 : i32
      %dma_start3A_619 = tpu.memref_slice %arg9[%dma_start3A_617, %dma_start3A_618] : memref<21800x16xf32, #tpu.memory_space<hbm>> -> memref<21800x16xf32, #tpu.memory_space<hbm>>
      tpu.enqueue_indirect_dma source(%dma_start3A_619 : memref<21800x16xf32, #tpu.memory_space<hbm>>) target(%dma_start3A_614 : memref<128x16xf32, #tpu.memory_space<vmem>>) offsets(%dma_start3A_616 : memref<128xi32, #tpu.memory_space<vmem>>) semaphore(%arg17 : memref<!tpu.dma_semaphore, #tpu.memory_space<semaphore_mem>>)
      %dma_start3A_620 = arith.constant 1408 : i32
      %dma_start3A_621 = arith.constant 0 : i32
      %dma_start3A_622 = tpu.memref_slice %arg16[%dma_start3A_620, %dma_start3A_621] : memref<2816x16xf32, #tpu.memory_space<vmem>> -> memref<128x16xf32, #tpu.memory_space<vmem>>
      %dma_start3A_623 = arith.constant 1408 : i32
      %dma_start3A_624 = tpu.memref_slice %arg15[%dma_start3A_623] : memref<2816xi32, #tpu.memory_space<vmem>> -> memref<128xi32, #tpu.memory_space<vmem>>
      %dma_start3A_625 = arith.constant 0 : i32
      %dma_start3A_626 = arith.constant 0 : i32
      %dma_start3A_627 = tpu.memref_slice %arg9[%dma_start3A_625, %dma_start3A_626] : memref<21800x16xf32, #tpu.memory_space<hbm>> -> memref<21800x16xf32, #tpu.memory_space<hbm>>
      tpu.enqueue_indirect_dma source(%dma_start3A_627 : memref<21800x16xf32, #tpu.memory_space<hbm>>) target(%dma_start3A_622 : memref<128x16xf32, #tpu.memory_space<vmem>>) offsets(%dma_start3A_624 : memref<128xi32, #tpu.memory_space<vmem>>) semaphore(%arg17 : memref<!tpu.dma_semaphore, #tpu.memory_space<semaphore_mem>>)
      %dma_start3A_628 = arith.constant 1536 : i32
      %dma_start3A_629 = arith.constant 0 : i32
      %dma_start3A_630 = tpu.memref_slice %arg16[%dma_start3A_628, %dma_start3A_629] : memref<2816x16xf32, #tpu.memory_space<vmem>> -> memref<128x16xf32, #tpu.memory_space<vmem>>
      %dma_start3A_631 = arith.constant 1536 : i32
      %dma_start3A_632 = tpu.memref_slice %arg15[%dma_start3A_631] : memref<2816xi32, #tpu.memory_space<vmem>> -> memref<128xi32, #tpu.memory_space<vmem>>
      %dma_start3A_633 = arith.constant 0 : i32
      %dma_start3A_634 = arith.constant 0 : i32
      %dma_start3A_635 = tpu.memref_slice %arg9[%dma_start3A_633, %dma_start3A_634] : memref<21800x16xf32, #tpu.memory_space<hbm>> -> memref<21800x16xf32, #tpu.memory_space<hbm>>
      tpu.enqueue_indirect_dma source(%dma_start3A_635 : memref<21800x16xf32, #tpu.memory_space<hbm>>) target(%dma_start3A_630 : memref<128x16xf32, #tpu.memory_space<vmem>>) offsets(%dma_start3A_632 : memref<128xi32, #tpu.memory_space<vmem>>) semaphore(%arg17 : memref<!tpu.dma_semaphore, #tpu.memory_space<semaphore_mem>>)
      %dma_start3A_636 = arith.constant 1664 : i32
      %dma_start3A_637 = arith.constant 0 : i32
      %dma_start3A_638 = tpu.memref_slice %arg16[%dma_start3A_636, %dma_start3A_637] : memref<2816x16xf32, #tpu.memory_space<vmem>> -> memref<128x16xf32, #tpu.memory_space<vmem>>
      %dma_start3A_639 = arith.constant 1664 : i32
      %dma_start3A_640 = tpu.memref_slice %arg15[%dma_start3A_639] : memref<2816xi32, #tpu.memory_space<vmem>> -> memref<128xi32, #tpu.memory_space<vmem>>
      %dma_start3A_641 = arith.constant 0 : i32
      %dma_start3A_642 = arith.constant 0 : i32
      %dma_start3A_643 = tpu.memref_slice %arg9[%dma_start3A_641, %dma_start3A_642] : memref<21800x16xf32, #tpu.memory_space<hbm>> -> memref<21800x16xf32, #tpu.memory_space<hbm>>
      tpu.enqueue_indirect_dma source(%dma_start3A_643 : memref<21800x16xf32, #tpu.memory_space<hbm>>) target(%dma_start3A_638 : memref<128x16xf32, #tpu.memory_space<vmem>>) offsets(%dma_start3A_640 : memref<128xi32, #tpu.memory_space<vmem>>) semaphore(%arg17 : memref<!tpu.dma_semaphore, #tpu.memory_space<semaphore_mem>>)
      %dma_start3A_644 = arith.constant 1792 : i32
      %dma_start3A_645 = arith.constant 0 : i32
      %dma_start3A_646 = tpu.memref_slice %arg16[%dma_start3A_644, %dma_start3A_645] : memref<2816x16xf32, #tpu.memory_space<vmem>> -> memref<128x16xf32, #tpu.memory_space<vmem>>
      %dma_start3A_647 = arith.constant 1792 : i32
      %dma_start3A_648 = tpu.memref_slice %arg15[%dma_start3A_647] : memref<2816xi32, #tpu.memory_space<vmem>> -> memref<128xi32, #tpu.memory_space<vmem>>
      %dma_start3A_649 = arith.constant 0 : i32
      %dma_start3A_650 = arith.constant 0 : i32
      %dma_start3A_651 = tpu.memref_slice %arg9[%dma_start3A_649, %dma_start3A_650] : memref<21800x16xf32, #tpu.memory_space<hbm>> -> memref<21800x16xf32, #tpu.memory_space<hbm>>
      tpu.enqueue_indirect_dma source(%dma_start3A_651 : memref<21800x16xf32, #tpu.memory_space<hbm>>) target(%dma_start3A_646 : memref<128x16xf32, #tpu.memory_space<vmem>>) offsets(%dma_start3A_648 : memref<128xi32, #tpu.memory_space<vmem>>) semaphore(%arg17 : memref<!tpu.dma_semaphore, #tpu.memory_space<semaphore_mem>>)
      %dma_start3A_652 = arith.constant 1920 : i32
      %dma_start3A_653 = arith.constant 0 : i32
      %dma_start3A_654 = tpu.memref_slice %arg16[%dma_start3A_652, %dma_start3A_653] : memref<2816x16xf32, #tpu.memory_space<vmem>> -> memref<128x16xf32, #tpu.memory_space<vmem>>
      %dma_start3A_655 = arith.constant 1920 : i32
      %dma_start3A_656 = tpu.memref_slice %arg15[%dma_start3A_655] : memref<2816xi32, #tpu.memory_space<vmem>> -> memref<128xi32, #tpu.memory_space<vmem>>
      %dma_start3A_657 = arith.constant 0 : i32
      %dma_start3A_658 = arith.constant 0 : i32
      %dma_start3A_659 = tpu.memref_slice %arg9[%dma_start3A_657, %dma_start3A_658] : memref<21800x16xf32, #tpu.memory_space<hbm>> -> memref<21800x16xf32, #tpu.memory_space<hbm>>
      tpu.enqueue_indirect_dma source(%dma_start3A_659 : memref<21800x16xf32, #tpu.memory_space<hbm>>) target(%dma_start3A_654 : memref<128x16xf32, #tpu.memory_space<vmem>>) offsets(%dma_start3A_656 : memref<128xi32, #tpu.memory_space<vmem>>) semaphore(%arg17 : memref<!tpu.dma_semaphore, #tpu.memory_space<semaphore_mem>>)
      %dma_wait3A_660 = arith.constant 0 : i32
      %dma_wait3A_661 = arith.constant 0 : i32
      %dma_wait3A_662 = tpu.memref_slice %arg16[%dma_wait3A_660, %dma_wait3A_661] : memref<2816x16xf32, #tpu.memory_space<vmem>> -> memref<128x16xf32, #tpu.memory_space<vmem>>
      %dma_wait3A_663 = arith.constant 0 : i32
      %dma_wait3A_664 = tpu.memref_slice %arg15[%dma_wait3A_663] : memref<2816xi32, #tpu.memory_space<vmem>> -> memref<128xi32, #tpu.memory_space<vmem>>
      %dma_wait3A_665 = arith.constant 0 : i32
      %dma_wait3A_666 = arith.constant 0 : i32
      %dma_wait3A_667 = tpu.memref_slice %arg9[%dma_wait3A_665, %dma_wait3A_666] : memref<21800x16xf32, #tpu.memory_space<hbm>> -> memref<21800x16xf32, #tpu.memory_space<hbm>>
      tpu.wait_indirect_dma semaphore(%arg17 : memref<!tpu.dma_semaphore, #tpu.memory_space<semaphore_mem>>) src(%dma_wait3A_667 : memref<21800x16xf32, #tpu.memory_space<hbm>>) dst(%dma_wait3A_662 : memref<128x16xf32, #tpu.memory_space<vmem>>)
      %dma_wait3A_668 = arith.constant 128 : i32
      %dma_wait3A_669 = arith.constant 0 : i32
      %dma_wait3A_670 = tpu.memref_slice %arg16[%dma_wait3A_668, %dma_wait3A_669] : memref<2816x16xf32, #tpu.memory_space<vmem>> -> memref<128x16xf32, #tpu.memory_space<vmem>>
      %dma_wait3A_671 = arith.constant 128 : i32
      %dma_wait3A_672 = tpu.memref_slice %arg15[%dma_wait3A_671] : memref<2816xi32, #tpu.memory_space<vmem>> -> memref<128xi32, #tpu.memory_space<vmem>>
      %dma_wait3A_673 = arith.constant 0 : i32
      %dma_wait3A_674 = arith.constant 0 : i32
      %dma_wait3A_675 = tpu.memref_slice %arg9[%dma_wait3A_673, %dma_wait3A_674] : memref<21800x16xf32, #tpu.memory_space<hbm>> -> memref<21800x16xf32, #tpu.memory_space<hbm>>
      tpu.wait_indirect_dma semaphore(%arg17 : memref<!tpu.dma_semaphore, #tpu.memory_space<semaphore_mem>>) src(%dma_wait3A_675 : memref<21800x16xf32, #tpu.memory_space<hbm>>) dst(%dma_wait3A_670 : memref<128x16xf32, #tpu.memory_space<vmem>>)
      %dma_wait3A_676 = arith.constant 256 : i32
      %dma_wait3A_677 = arith.constant 0 : i32
      %dma_wait3A_678 = tpu.memref_slice %arg16[%dma_wait3A_676, %dma_wait3A_677] : memref<2816x16xf32, #tpu.memory_space<vmem>> -> memref<128x16xf32, #tpu.memory_space<vmem>>
      %dma_wait3A_679 = arith.constant 256 : i32
      %dma_wait3A_680 = tpu.memref_slice %arg15[%dma_wait3A_679] : memref<2816xi32, #tpu.memory_space<vmem>> -> memref<128xi32, #tpu.memory_space<vmem>>
      %dma_wait3A_681 = arith.constant 0 : i32
      %dma_wait3A_682 = arith.constant 0 : i32
      %dma_wait3A_683 = tpu.memref_slice %arg9[%dma_wait3A_681, %dma_wait3A_682] : memref<21800x16xf32, #tpu.memory_space<hbm>> -> memref<21800x16xf32, #tpu.memory_space<hbm>>
      tpu.wait_indirect_dma semaphore(%arg17 : memref<!tpu.dma_semaphore, #tpu.memory_space<semaphore_mem>>) src(%dma_wait3A_683 : memref<21800x16xf32, #tpu.memory_space<hbm>>) dst(%dma_wait3A_678 : memref<128x16xf32, #tpu.memory_space<vmem>>)
      %dma_wait3A_684 = arith.constant 384 : i32
      %dma_wait3A_685 = arith.constant 0 : i32
      %dma_wait3A_686 = tpu.memref_slice %arg16[%dma_wait3A_684, %dma_wait3A_685] : memref<2816x16xf32, #tpu.memory_space<vmem>> -> memref<128x16xf32, #tpu.memory_space<vmem>>
      %dma_wait3A_687 = arith.constant 384 : i32
      %dma_wait3A_688 = tpu.memref_slice %arg15[%dma_wait3A_687] : memref<2816xi32, #tpu.memory_space<vmem>> -> memref<128xi32, #tpu.memory_space<vmem>>
      %dma_wait3A_689 = arith.constant 0 : i32
      %dma_wait3A_690 = arith.constant 0 : i32
      %dma_wait3A_691 = tpu.memref_slice %arg9[%dma_wait3A_689, %dma_wait3A_690] : memref<21800x16xf32, #tpu.memory_space<hbm>> -> memref<21800x16xf32, #tpu.memory_space<hbm>>
      tpu.wait_indirect_dma semaphore(%arg17 : memref<!tpu.dma_semaphore, #tpu.memory_space<semaphore_mem>>) src(%dma_wait3A_691 : memref<21800x16xf32, #tpu.memory_space<hbm>>) dst(%dma_wait3A_686 : memref<128x16xf32, #tpu.memory_space<vmem>>)
      %dma_wait3A_692 = arith.constant 512 : i32
      %dma_wait3A_693 = arith.constant 0 : i32
      %dma_wait3A_694 = tpu.memref_slice %arg16[%dma_wait3A_692, %dma_wait3A_693] : memref<2816x16xf32, #tpu.memory_space<vmem>> -> memref<128x16xf32, #tpu.memory_space<vmem>>
      %dma_wait3A_695 = arith.constant 512 : i32
      %dma_wait3A_696 = tpu.memref_slice %arg15[%dma_wait3A_695] : memref<2816xi32, #tpu.memory_space<vmem>> -> memref<128xi32, #tpu.memory_space<vmem>>
      %dma_wait3A_697 = arith.constant 0 : i32
      %dma_wait3A_698 = arith.constant 0 : i32
      %dma_wait3A_699 = tpu.memref_slice %arg9[%dma_wait3A_697, %dma_wait3A_698] : memref<21800x16xf32, #tpu.memory_space<hbm>> -> memref<21800x16xf32, #tpu.memory_space<hbm>>
      tpu.wait_indirect_dma semaphore(%arg17 : memref<!tpu.dma_semaphore, #tpu.memory_space<semaphore_mem>>) src(%dma_wait3A_699 : memref<21800x16xf32, #tpu.memory_space<hbm>>) dst(%dma_wait3A_694 : memref<128x16xf32, #tpu.memory_space<vmem>>)
      %dma_wait3A_700 = arith.constant 640 : i32
      %dma_wait3A_701 = arith.constant 0 : i32
      %dma_wait3A_702 = tpu.memref_slice %arg16[%dma_wait3A_700, %dma_wait3A_701] : memref<2816x16xf32, #tpu.memory_space<vmem>> -> memref<128x16xf32, #tpu.memory_space<vmem>>
      %dma_wait3A_703 = arith.constant 640 : i32
      %dma_wait3A_704 = tpu.memref_slice %arg15[%dma_wait3A_703] : memref<2816xi32, #tpu.memory_space<vmem>> -> memref<128xi32, #tpu.memory_space<vmem>>
      %dma_wait3A_705 = arith.constant 0 : i32
      %dma_wait3A_706 = arith.constant 0 : i32
      %dma_wait3A_707 = tpu.memref_slice %arg9[%dma_wait3A_705, %dma_wait3A_706] : memref<21800x16xf32, #tpu.memory_space<hbm>> -> memref<21800x16xf32, #tpu.memory_space<hbm>>
      tpu.wait_indirect_dma semaphore(%arg17 : memref<!tpu.dma_semaphore, #tpu.memory_space<semaphore_mem>>) src(%dma_wait3A_707 : memref<21800x16xf32, #tpu.memory_space<hbm>>) dst(%dma_wait3A_702 : memref<128x16xf32, #tpu.memory_space<vmem>>)
      %dma_wait3A_708 = arith.constant 768 : i32
      %dma_wait3A_709 = arith.constant 0 : i32
      %dma_wait3A_710 = tpu.memref_slice %arg16[%dma_wait3A_708, %dma_wait3A_709] : memref<2816x16xf32, #tpu.memory_space<vmem>> -> memref<128x16xf32, #tpu.memory_space<vmem>>
      %dma_wait3A_711 = arith.constant 768 : i32
      %dma_wait3A_712 = tpu.memref_slice %arg15[%dma_wait3A_711] : memref<2816xi32, #tpu.memory_space<vmem>> -> memref<128xi32, #tpu.memory_space<vmem>>
      %dma_wait3A_713 = arith.constant 0 : i32
      %dma_wait3A_714 = arith.constant 0 : i32
      %dma_wait3A_715 = tpu.memref_slice %arg9[%dma_wait3A_713, %dma_wait3A_714] : memref<21800x16xf32, #tpu.memory_space<hbm>> -> memref<21800x16xf32, #tpu.memory_space<hbm>>
      tpu.wait_indirect_dma semaphore(%arg17 : memref<!tpu.dma_semaphore, #tpu.memory_space<semaphore_mem>>) src(%dma_wait3A_715 : memref<21800x16xf32, #tpu.memory_space<hbm>>) dst(%dma_wait3A_710 : memref<128x16xf32, #tpu.memory_space<vmem>>)
      %dma_wait3A_716 = arith.constant 896 : i32
      %dma_wait3A_717 = arith.constant 0 : i32
      %dma_wait3A_718 = tpu.memref_slice %arg16[%dma_wait3A_716, %dma_wait3A_717] : memref<2816x16xf32, #tpu.memory_space<vmem>> -> memref<128x16xf32, #tpu.memory_space<vmem>>
      %dma_wait3A_719 = arith.constant 896 : i32
      %dma_wait3A_720 = tpu.memref_slice %arg15[%dma_wait3A_719] : memref<2816xi32, #tpu.memory_space<vmem>> -> memref<128xi32, #tpu.memory_space<vmem>>
      %dma_wait3A_721 = arith.constant 0 : i32
      %dma_wait3A_722 = arith.constant 0 : i32
      %dma_wait3A_723 = tpu.memref_slice %arg9[%dma_wait3A_721, %dma_wait3A_722] : memref<21800x16xf32, #tpu.memory_space<hbm>> -> memref<21800x16xf32, #tpu.memory_space<hbm>>
      tpu.wait_indirect_dma semaphore(%arg17 : memref<!tpu.dma_semaphore, #tpu.memory_space<semaphore_mem>>) src(%dma_wait3A_723 : memref<21800x16xf32, #tpu.memory_space<hbm>>) dst(%dma_wait3A_718 : memref<128x16xf32, #tpu.memory_space<vmem>>)
      %dma_wait3A_724 = arith.constant 1024 : i32
      %dma_wait3A_725 = arith.constant 0 : i32
      %dma_wait3A_726 = tpu.memref_slice %arg16[%dma_wait3A_724, %dma_wait3A_725] : memref<2816x16xf32, #tpu.memory_space<vmem>> -> memref<128x16xf32, #tpu.memory_space<vmem>>
      %dma_wait3A_727 = arith.constant 1024 : i32
      %dma_wait3A_728 = tpu.memref_slice %arg15[%dma_wait3A_727] : memref<2816xi32, #tpu.memory_space<vmem>> -> memref<128xi32, #tpu.memory_space<vmem>>
      %dma_wait3A_729 = arith.constant 0 : i32
      %dma_wait3A_730 = arith.constant 0 : i32
      %dma_wait3A_731 = tpu.memref_slice %arg9[%dma_wait3A_729, %dma_wait3A_730] : memref<21800x16xf32, #tpu.memory_space<hbm>> -> memref<21800x16xf32, #tpu.memory_space<hbm>>
      tpu.wait_indirect_dma semaphore(%arg17 : memref<!tpu.dma_semaphore, #tpu.memory_space<semaphore_mem>>) src(%dma_wait3A_731 : memref<21800x16xf32, #tpu.memory_space<hbm>>) dst(%dma_wait3A_726 : memref<128x16xf32, #tpu.memory_space<vmem>>)
      %dma_wait3A_732 = arith.constant 1152 : i32
      %dma_wait3A_733 = arith.constant 0 : i32
      %dma_wait3A_734 = tpu.memref_slice %arg16[%dma_wait3A_732, %dma_wait3A_733] : memref<2816x16xf32, #tpu.memory_space<vmem>> -> memref<128x16xf32, #tpu.memory_space<vmem>>
      %dma_wait3A_735 = arith.constant 1152 : i32
      %dma_wait3A_736 = tpu.memref_slice %arg15[%dma_wait3A_735] : memref<2816xi32, #tpu.memory_space<vmem>> -> memref<128xi32, #tpu.memory_space<vmem>>
      %dma_wait3A_737 = arith.constant 0 : i32
      %dma_wait3A_738 = arith.constant 0 : i32
      %dma_wait3A_739 = tpu.memref_slice %arg9[%dma_wait3A_737, %dma_wait3A_738] : memref<21800x16xf32, #tpu.memory_space<hbm>> -> memref<21800x16xf32, #tpu.memory_space<hbm>>
      tpu.wait_indirect_dma semaphore(%arg17 : memref<!tpu.dma_semaphore, #tpu.memory_space<semaphore_mem>>) src(%dma_wait3A_739 : memref<21800x16xf32, #tpu.memory_space<hbm>>) dst(%dma_wait3A_734 : memref<128x16xf32, #tpu.memory_space<vmem>>)
      %dma_wait3A_740 = arith.constant 1280 : i32
      %dma_wait3A_741 = arith.constant 0 : i32
      %dma_wait3A_742 = tpu.memref_slice %arg16[%dma_wait3A_740, %dma_wait3A_741] : memref<2816x16xf32, #tpu.memory_space<vmem>> -> memref<128x16xf32, #tpu.memory_space<vmem>>
      %dma_wait3A_743 = arith.constant 1280 : i32
      %dma_wait3A_744 = tpu.memref_slice %arg15[%dma_wait3A_743] : memref<2816xi32, #tpu.memory_space<vmem>> -> memref<128xi32, #tpu.memory_space<vmem>>
      %dma_wait3A_745 = arith.constant 0 : i32
      %dma_wait3A_746 = arith.constant 0 : i32
      %dma_wait3A_747 = tpu.memref_slice %arg9[%dma_wait3A_745, %dma_wait3A_746] : memref<21800x16xf32, #tpu.memory_space<hbm>> -> memref<21800x16xf32, #tpu.memory_space<hbm>>
      tpu.wait_indirect_dma semaphore(%arg17 : memref<!tpu.dma_semaphore, #tpu.memory_space<semaphore_mem>>) src(%dma_wait3A_747 : memref<21800x16xf32, #tpu.memory_space<hbm>>) dst(%dma_wait3A_742 : memref<128x16xf32, #tpu.memory_space<vmem>>)
      %dma_wait3A_748 = arith.constant 1408 : i32
      %dma_wait3A_749 = arith.constant 0 : i32
      %dma_wait3A_750 = tpu.memref_slice %arg16[%dma_wait3A_748, %dma_wait3A_749] : memref<2816x16xf32, #tpu.memory_space<vmem>> -> memref<128x16xf32, #tpu.memory_space<vmem>>
      %dma_wait3A_751 = arith.constant 1408 : i32
      %dma_wait3A_752 = tpu.memref_slice %arg15[%dma_wait3A_751] : memref<2816xi32, #tpu.memory_space<vmem>> -> memref<128xi32, #tpu.memory_space<vmem>>
      %dma_wait3A_753 = arith.constant 0 : i32
      %dma_wait3A_754 = arith.constant 0 : i32
      %dma_wait3A_755 = tpu.memref_slice %arg9[%dma_wait3A_753, %dma_wait3A_754] : memref<21800x16xf32, #tpu.memory_space<hbm>> -> memref<21800x16xf32, #tpu.memory_space<hbm>>
      tpu.wait_indirect_dma semaphore(%arg17 : memref<!tpu.dma_semaphore, #tpu.memory_space<semaphore_mem>>) src(%dma_wait3A_755 : memref<21800x16xf32, #tpu.memory_space<hbm>>) dst(%dma_wait3A_750 : memref<128x16xf32, #tpu.memory_space<vmem>>)
      %dma_wait3A_756 = arith.constant 1536 : i32
      %dma_wait3A_757 = arith.constant 0 : i32
      %dma_wait3A_758 = tpu.memref_slice %arg16[%dma_wait3A_756, %dma_wait3A_757] : memref<2816x16xf32, #tpu.memory_space<vmem>> -> memref<128x16xf32, #tpu.memory_space<vmem>>
      %dma_wait3A_759 = arith.constant 1536 : i32
      %dma_wait3A_760 = tpu.memref_slice %arg15[%dma_wait3A_759] : memref<2816xi32, #tpu.memory_space<vmem>> -> memref<128xi32, #tpu.memory_space<vmem>>
      %dma_wait3A_761 = arith.constant 0 : i32
      %dma_wait3A_762 = arith.constant 0 : i32
      %dma_wait3A_763 = tpu.memref_slice %arg9[%dma_wait3A_761, %dma_wait3A_762] : memref<21800x16xf32, #tpu.memory_space<hbm>> -> memref<21800x16xf32, #tpu.memory_space<hbm>>
      tpu.wait_indirect_dma semaphore(%arg17 : memref<!tpu.dma_semaphore, #tpu.memory_space<semaphore_mem>>) src(%dma_wait3A_763 : memref<21800x16xf32, #tpu.memory_space<hbm>>) dst(%dma_wait3A_758 : memref<128x16xf32, #tpu.memory_space<vmem>>)
      %dma_wait3A_764 = arith.constant 1664 : i32
      %dma_wait3A_765 = arith.constant 0 : i32
      %dma_wait3A_766 = tpu.memref_slice %arg16[%dma_wait3A_764, %dma_wait3A_765] : memref<2816x16xf32, #tpu.memory_space<vmem>> -> memref<128x16xf32, #tpu.memory_space<vmem>>
      %dma_wait3A_767 = arith.constant 1664 : i32
      %dma_wait3A_768 = tpu.memref_slice %arg15[%dma_wait3A_767] : memref<2816xi32, #tpu.memory_space<vmem>> -> memref<128xi32, #tpu.memory_space<vmem>>
      %dma_wait3A_769 = arith.constant 0 : i32
      %dma_wait3A_770 = arith.constant 0 : i32
      %dma_wait3A_771 = tpu.memref_slice %arg9[%dma_wait3A_769, %dma_wait3A_770] : memref<21800x16xf32, #tpu.memory_space<hbm>> -> memref<21800x16xf32, #tpu.memory_space<hbm>>
      tpu.wait_indirect_dma semaphore(%arg17 : memref<!tpu.dma_semaphore, #tpu.memory_space<semaphore_mem>>) src(%dma_wait3A_771 : memref<21800x16xf32, #tpu.memory_space<hbm>>) dst(%dma_wait3A_766 : memref<128x16xf32, #tpu.memory_space<vmem>>)
      %dma_wait3A_772 = arith.constant 1792 : i32
      %dma_wait3A_773 = arith.constant 0 : i32
      %dma_wait3A_774 = tpu.memref_slice %arg16[%dma_wait3A_772, %dma_wait3A_773] : memref<2816x16xf32, #tpu.memory_space<vmem>> -> memref<128x16xf32, #tpu.memory_space<vmem>>
      %dma_wait3A_775 = arith.constant 1792 : i32
      %dma_wait3A_776 = tpu.memref_slice %arg15[%dma_wait3A_775] : memref<2816xi32, #tpu.memory_space<vmem>> -> memref<128xi32, #tpu.memory_space<vmem>>
      %dma_wait3A_777 = arith.constant 0 : i32
      %dma_wait3A_778 = arith.constant 0 : i32
      %dma_wait3A_779 = tpu.memref_slice %arg9[%dma_wait3A_777, %dma_wait3A_778] : memref<21800x16xf32, #tpu.memory_space<hbm>> -> memref<21800x16xf32, #tpu.memory_space<hbm>>
      tpu.wait_indirect_dma semaphore(%arg17 : memref<!tpu.dma_semaphore, #tpu.memory_space<semaphore_mem>>) src(%dma_wait3A_779 : memref<21800x16xf32, #tpu.memory_space<hbm>>) dst(%dma_wait3A_774 : memref<128x16xf32, #tpu.memory_space<vmem>>)
      %dma_wait3A_780 = arith.constant 1920 : i32
      %dma_wait3A_781 = arith.constant 0 : i32
      %dma_wait3A_782 = tpu.memref_slice %arg16[%dma_wait3A_780, %dma_wait3A_781] : memref<2816x16xf32, #tpu.memory_space<vmem>> -> memref<128x16xf32, #tpu.memory_space<vmem>>
      %dma_wait3A_783 = arith.constant 1920 : i32
      %dma_wait3A_784 = tpu.memref_slice %arg15[%dma_wait3A_783] : memref<2816xi32, #tpu.memory_space<vmem>> -> memref<128xi32, #tpu.memory_space<vmem>>
      %dma_wait3A_785 = arith.constant 0 : i32
      %dma_wait3A_786 = arith.constant 0 : i32
      %dma_wait3A_787 = tpu.memref_slice %arg9[%dma_wait3A_785, %dma_wait3A_786] : memref<21800x16xf32, #tpu.memory_space<hbm>> -> memref<21800x16xf32, #tpu.memory_space<hbm>>
      tpu.wait_indirect_dma semaphore(%arg17 : memref<!tpu.dma_semaphore, #tpu.memory_space<semaphore_mem>>) src(%dma_wait3A_787 : memref<21800x16xf32, #tpu.memory_space<hbm>>) dst(%dma_wait3A_782 : memref<128x16xf32, #tpu.memory_space<vmem>>)
      %dma_start3A_788 = arith.constant 0 : i32
      %dma_start3A_789 = arith.constant 0 : i32
      %dma_start3A_790 = tpu.memref_slice %arg16[%dma_start3A_788, %dma_start3A_789] : memref<2816x16xf32, #tpu.memory_space<vmem>> -> memref<2048x16xf32, #tpu.memory_space<vmem>>
      %dma_start3A_791 = arith.constant 0 : i32
      %dma_start3A_792 = tpu.memref_slice %arg13[%multiple_of3A_531, %dma_start3A_791] : memref<131072x16xf32, #tpu.memory_space<hbm>> -> memref<2048x16xf32, #tpu.memory_space<hbm>>
      %dma_start3A_793 = arith.constant 0 : i32
      %dma_start3A_794 = tpu.memref_slice %arg13[%multiple_of3A_531, %dma_start3A_793] : memref<131072x16xf32, #tpu.memory_space<hbm>> -> memref<2048x16xf32, #tpu.memory_space<hbm>>
      %dma_start3A_795 = arith.constant 0 : i32
      %dma_start3A_796 = arith.constant 0 : i32
      %dma_start3A_797 = tpu.memref_slice %arg16[%dma_start3A_795, %dma_start3A_796] : memref<2816x16xf32, #tpu.memory_space<vmem>> -> memref<2048x16xf32, #tpu.memory_space<vmem>>
      tpu.enqueue_dma source(%dma_start3A_797 : memref<2048x16xf32, #tpu.memory_space<vmem>>) target(%dma_start3A_794 : memref<2048x16xf32, #tpu.memory_space<hbm>>) target_semaphore(%arg18 : memref<!tpu.dma_semaphore, #tpu.memory_space<semaphore_mem>>)
      %dma_wait3A_798 = arith.constant 0 : i32
      %dma_wait3A_799 = arith.constant 0 : i32
      %dma_wait3A_800 = tpu.memref_slice %arg16[%dma_wait3A_798, %dma_wait3A_799] : memref<2816x16xf32, #tpu.memory_space<vmem>> -> memref<2048x16xf32, #tpu.memory_space<vmem>>
      %dma_wait3A_801 = arith.constant 0 : i32
      %dma_wait3A_802 = tpu.memref_slice %arg13[%multiple_of3A_531, %dma_wait3A_801] : memref<131072x16xf32, #tpu.memory_space<hbm>> -> memref<2048x16xf32, #tpu.memory_space<hbm>>
      %dma_wait3A_803 = arith.constant 0 : i32
      %dma_wait3A_804 = tpu.memref_slice %arg13[%multiple_of3A_531, %dma_wait3A_803] : memref<131072x16xf32, #tpu.memory_space<hbm>> -> memref<2048x16xf32, #tpu.memory_space<hbm>>
      %dma_wait3A_805 = arith.constant 0 : i32
      %dma_wait3A_806 = arith.constant 0 : i32
      %dma_wait3A_807 = tpu.memref_slice %arg16[%dma_wait3A_805, %dma_wait3A_806] : memref<2816x16xf32, #tpu.memory_space<vmem>> -> memref<2048x16xf32, #tpu.memory_space<vmem>>
      tpu.wait_dma2 semaphore(%arg18 : memref<!tpu.dma_semaphore, #tpu.memory_space<semaphore_mem>>) src(%dma_wait3A_807 : memref<2048x16xf32, #tpu.memory_space<vmem>>) dst(%dma_wait3A_804 : memref<2048x16xf32, #tpu.memory_space<hbm>>)
    }
    %scan3A_518 = arith.constant 2 : i32
    %mul3A_519 = arith.constant 30720 : i32
    %mul3A_520 = arith.muli %add3A, %mul3A_519 : i32
    %scan3A_521 = arith.constant 0 : i32
    %scan3A_522 = arith.constant 0 : i32
    %scan3A_523 = arith.constant 12 : i32
    %scan3A_524 = arith.addi %scan3A_522, %scan3A_523 : i32
    %scan3A_525 = arith.constant 1 : i32
    scf.for %scan3A_527 = %scan3A_522 to %scan3A_524 step %scan3A_525  : i32 {
      %mul3A_528 = arith.constant 2560 : i32
      %mul3A_529 = arith.muli %scan3A_527, %mul3A_528 : i32
      %add3A_530 = arith.addi %mul3A_520, %mul3A_529 : i32
      %multiple_of3A_531 = tpu.assume_multiple %add3A_530, 128 : i32
      "tpu.region"() ({
        %run_scoped3A = tpu.sem_alloc : memref<!tpu.dma_semaphore, #tpu.memory_space<semaphore_mem>>
        %dma_start3A_872 = arith.constant 0 : i32
        %dma_start3A_873 = tpu.memref_slice %arg15[%dma_start3A_872] : memref<2816xi32, #tpu.memory_space<vmem>> -> memref<2560xi32, #tpu.memory_space<vmem>>
        %dma_start3A_874 = tpu.memref_slice %arg6[%multiple_of3A_531] : memref<983040xi32, #tpu.memory_space<hbm>> -> memref<2560xi32, #tpu.memory_space<hbm>>
        %dma_start3A_875 = arith.constant 0 : i32
        %dma_start3A_876 = tpu.memref_slice %arg15[%dma_start3A_875] : memref<2816xi32, #tpu.memory_space<vmem>> -> memref<2560xi32, #tpu.memory_space<vmem>>
        %dma_start3A_877 = tpu.memref_slice %arg6[%multiple_of3A_531] : memref<983040xi32, #tpu.memory_space<hbm>> -> memref<2560xi32, #tpu.memory_space<hbm>>
        tpu.enqueue_dma source(%dma_start3A_877 : memref<2560xi32, #tpu.memory_space<hbm>>) target(%dma_start3A_876 : memref<2560xi32, #tpu.memory_space<vmem>>) target_semaphore(%run_scoped3A : memref<!tpu.dma_semaphore, #tpu.memory_space<semaphore_mem>>)
        %dma_wait3A_878 = arith.constant 0 : i32
        %dma_wait3A_879 = tpu.memref_slice %arg15[%dma_wait3A_878] : memref<2816xi32, #tpu.memory_space<vmem>> -> memref<2560xi32, #tpu.memory_space<vmem>>
        %dma_wait3A_880 = tpu.memref_slice %arg6[%multiple_of3A_531] : memref<983040xi32, #tpu.memory_space<hbm>> -> memref<2560xi32, #tpu.memory_space<hbm>>
        %dma_wait3A_881 = arith.constant 0 : i32
        %dma_wait3A_882 = tpu.memref_slice %arg15[%dma_wait3A_881] : memref<2816xi32, #tpu.memory_space<vmem>> -> memref<2560xi32, #tpu.memory_space<vmem>>
        %dma_wait3A_883 = tpu.memref_slice %arg6[%multiple_of3A_531] : memref<983040xi32, #tpu.memory_space<hbm>> -> memref<2560xi32, #tpu.memory_space<hbm>>
        tpu.wait_dma2 semaphore(%run_scoped3A : memref<!tpu.dma_semaphore, #tpu.memory_space<semaphore_mem>>) src(%dma_wait3A_883 : memref<2560xi32, #tpu.memory_space<hbm>>) dst(%dma_wait3A_882 : memref<2560xi32, #tpu.memory_space<vmem>>)
        tpu.yield
      }) : () -> ()
      %dma_start3A_532 = arith.constant 0 : i32
      %dma_start3A_533 = arith.constant 0 : i32
      %dma_start3A_534 = tpu.memref_slice %arg16[%dma_start3A_532, %dma_start3A_533] : memref<2816x16xf32, #tpu.memory_space<vmem>> -> memref<128x16xf32, #tpu.memory_space<vmem>>
      %dma_start3A_535 = arith.constant 0 : i32
      %dma_start3A_536 = tpu.memref_slice %arg15[%dma_start3A_535] : memref<2816xi32, #tpu.memory_space<vmem>> -> memref<128xi32, #tpu.memory_space<vmem>>
      %dma_start3A_537 = arith.constant 0 : i32
      %dma_start3A_538 = arith.constant 0 : i32
      %dma_start3A_539 = tpu.memref_slice %arg9[%dma_start3A_537, %dma_start3A_538] : memref<21800x16xf32, #tpu.memory_space<hbm>> -> memref<21800x16xf32, #tpu.memory_space<hbm>>
      tpu.enqueue_indirect_dma source(%dma_start3A_539 : memref<21800x16xf32, #tpu.memory_space<hbm>>) target(%dma_start3A_534 : memref<128x16xf32, #tpu.memory_space<vmem>>) offsets(%dma_start3A_536 : memref<128xi32, #tpu.memory_space<vmem>>) semaphore(%arg17 : memref<!tpu.dma_semaphore, #tpu.memory_space<semaphore_mem>>)
      %dma_start3A_540 = arith.constant 128 : i32
      %dma_start3A_541 = arith.constant 0 : i32
      %dma_start3A_542 = tpu.memref_slice %arg16[%dma_start3A_540, %dma_start3A_541] : memref<2816x16xf32, #tpu.memory_space<vmem>> -> memref<128x16xf32, #tpu.memory_space<vmem>>
      %dma_start3A_543 = arith.constant 128 : i32
      %dma_start3A_544 = tpu.memref_slice %arg15[%dma_start3A_543] : memref<2816xi32, #tpu.memory_space<vmem>> -> memref<128xi32, #tpu.memory_space<vmem>>
      %dma_start3A_545 = arith.constant 0 : i32
      %dma_start3A_546 = arith.constant 0 : i32
      %dma_start3A_547 = tpu.memref_slice %arg9[%dma_start3A_545, %dma_start3A_546] : memref<21800x16xf32, #tpu.memory_space<hbm>> -> memref<21800x16xf32, #tpu.memory_space<hbm>>
      tpu.enqueue_indirect_dma source(%dma_start3A_547 : memref<21800x16xf32, #tpu.memory_space<hbm>>) target(%dma_start3A_542 : memref<128x16xf32, #tpu.memory_space<vmem>>) offsets(%dma_start3A_544 : memref<128xi32, #tpu.memory_space<vmem>>) semaphore(%arg17 : memref<!tpu.dma_semaphore, #tpu.memory_space<semaphore_mem>>)
      %dma_start3A_548 = arith.constant 256 : i32
      %dma_start3A_549 = arith.constant 0 : i32
      %dma_start3A_550 = tpu.memref_slice %arg16[%dma_start3A_548, %dma_start3A_549] : memref<2816x16xf32, #tpu.memory_space<vmem>> -> memref<128x16xf32, #tpu.memory_space<vmem>>
      %dma_start3A_551 = arith.constant 256 : i32
      %dma_start3A_552 = tpu.memref_slice %arg15[%dma_start3A_551] : memref<2816xi32, #tpu.memory_space<vmem>> -> memref<128xi32, #tpu.memory_space<vmem>>
      %dma_start3A_553 = arith.constant 0 : i32
      %dma_start3A_554 = arith.constant 0 : i32
      %dma_start3A_555 = tpu.memref_slice %arg9[%dma_start3A_553, %dma_start3A_554] : memref<21800x16xf32, #tpu.memory_space<hbm>> -> memref<21800x16xf32, #tpu.memory_space<hbm>>
      tpu.enqueue_indirect_dma source(%dma_start3A_555 : memref<21800x16xf32, #tpu.memory_space<hbm>>) target(%dma_start3A_550 : memref<128x16xf32, #tpu.memory_space<vmem>>) offsets(%dma_start3A_552 : memref<128xi32, #tpu.memory_space<vmem>>) semaphore(%arg17 : memref<!tpu.dma_semaphore, #tpu.memory_space<semaphore_mem>>)
      %dma_start3A_556 = arith.constant 384 : i32
      %dma_start3A_557 = arith.constant 0 : i32
      %dma_start3A_558 = tpu.memref_slice %arg16[%dma_start3A_556, %dma_start3A_557] : memref<2816x16xf32, #tpu.memory_space<vmem>> -> memref<128x16xf32, #tpu.memory_space<vmem>>
      %dma_start3A_559 = arith.constant 384 : i32
      %dma_start3A_560 = tpu.memref_slice %arg15[%dma_start3A_559] : memref<2816xi32, #tpu.memory_space<vmem>> -> memref<128xi32, #tpu.memory_space<vmem>>
      %dma_start3A_561 = arith.constant 0 : i32
      %dma_start3A_562 = arith.constant 0 : i32
      %dma_start3A_563 = tpu.memref_slice %arg9[%dma_start3A_561, %dma_start3A_562] : memref<21800x16xf32, #tpu.memory_space<hbm>> -> memref<21800x16xf32, #tpu.memory_space<hbm>>
      tpu.enqueue_indirect_dma source(%dma_start3A_563 : memref<21800x16xf32, #tpu.memory_space<hbm>>) target(%dma_start3A_558 : memref<128x16xf32, #tpu.memory_space<vmem>>) offsets(%dma_start3A_560 : memref<128xi32, #tpu.memory_space<vmem>>) semaphore(%arg17 : memref<!tpu.dma_semaphore, #tpu.memory_space<semaphore_mem>>)
      %dma_start3A_564 = arith.constant 512 : i32
      %dma_start3A_565 = arith.constant 0 : i32
      %dma_start3A_566 = tpu.memref_slice %arg16[%dma_start3A_564, %dma_start3A_565] : memref<2816x16xf32, #tpu.memory_space<vmem>> -> memref<128x16xf32, #tpu.memory_space<vmem>>
      %dma_start3A_567 = arith.constant 512 : i32
      %dma_start3A_568 = tpu.memref_slice %arg15[%dma_start3A_567] : memref<2816xi32, #tpu.memory_space<vmem>> -> memref<128xi32, #tpu.memory_space<vmem>>
      %dma_start3A_569 = arith.constant 0 : i32
      %dma_start3A_570 = arith.constant 0 : i32
      %dma_start3A_571 = tpu.memref_slice %arg9[%dma_start3A_569, %dma_start3A_570] : memref<21800x16xf32, #tpu.memory_space<hbm>> -> memref<21800x16xf32, #tpu.memory_space<hbm>>
      tpu.enqueue_indirect_dma source(%dma_start3A_571 : memref<21800x16xf32, #tpu.memory_space<hbm>>) target(%dma_start3A_566 : memref<128x16xf32, #tpu.memory_space<vmem>>) offsets(%dma_start3A_568 : memref<128xi32, #tpu.memory_space<vmem>>) semaphore(%arg17 : memref<!tpu.dma_semaphore, #tpu.memory_space<semaphore_mem>>)
      %dma_start3A_572 = arith.constant 640 : i32
      %dma_start3A_573 = arith.constant 0 : i32
      %dma_start3A_574 = tpu.memref_slice %arg16[%dma_start3A_572, %dma_start3A_573] : memref<2816x16xf32, #tpu.memory_space<vmem>> -> memref<128x16xf32, #tpu.memory_space<vmem>>
      %dma_start3A_575 = arith.constant 640 : i32
      %dma_start3A_576 = tpu.memref_slice %arg15[%dma_start3A_575] : memref<2816xi32, #tpu.memory_space<vmem>> -> memref<128xi32, #tpu.memory_space<vmem>>
      %dma_start3A_577 = arith.constant 0 : i32
      %dma_start3A_578 = arith.constant 0 : i32
      %dma_start3A_579 = tpu.memref_slice %arg9[%dma_start3A_577, %dma_start3A_578] : memref<21800x16xf32, #tpu.memory_space<hbm>> -> memref<21800x16xf32, #tpu.memory_space<hbm>>
      tpu.enqueue_indirect_dma source(%dma_start3A_579 : memref<21800x16xf32, #tpu.memory_space<hbm>>) target(%dma_start3A_574 : memref<128x16xf32, #tpu.memory_space<vmem>>) offsets(%dma_start3A_576 : memref<128xi32, #tpu.memory_space<vmem>>) semaphore(%arg17 : memref<!tpu.dma_semaphore, #tpu.memory_space<semaphore_mem>>)
      %dma_start3A_580 = arith.constant 768 : i32
      %dma_start3A_581 = arith.constant 0 : i32
      %dma_start3A_582 = tpu.memref_slice %arg16[%dma_start3A_580, %dma_start3A_581] : memref<2816x16xf32, #tpu.memory_space<vmem>> -> memref<128x16xf32, #tpu.memory_space<vmem>>
      %dma_start3A_583 = arith.constant 768 : i32
      %dma_start3A_584 = tpu.memref_slice %arg15[%dma_start3A_583] : memref<2816xi32, #tpu.memory_space<vmem>> -> memref<128xi32, #tpu.memory_space<vmem>>
      %dma_start3A_585 = arith.constant 0 : i32
      %dma_start3A_586 = arith.constant 0 : i32
      %dma_start3A_587 = tpu.memref_slice %arg9[%dma_start3A_585, %dma_start3A_586] : memref<21800x16xf32, #tpu.memory_space<hbm>> -> memref<21800x16xf32, #tpu.memory_space<hbm>>
      tpu.enqueue_indirect_dma source(%dma_start3A_587 : memref<21800x16xf32, #tpu.memory_space<hbm>>) target(%dma_start3A_582 : memref<128x16xf32, #tpu.memory_space<vmem>>) offsets(%dma_start3A_584 : memref<128xi32, #tpu.memory_space<vmem>>) semaphore(%arg17 : memref<!tpu.dma_semaphore, #tpu.memory_space<semaphore_mem>>)
      %dma_start3A_588 = arith.constant 896 : i32
      %dma_start3A_589 = arith.constant 0 : i32
      %dma_start3A_590 = tpu.memref_slice %arg16[%dma_start3A_588, %dma_start3A_589] : memref<2816x16xf32, #tpu.memory_space<vmem>> -> memref<128x16xf32, #tpu.memory_space<vmem>>
      %dma_start3A_591 = arith.constant 896 : i32
      %dma_start3A_592 = tpu.memref_slice %arg15[%dma_start3A_591] : memref<2816xi32, #tpu.memory_space<vmem>> -> memref<128xi32, #tpu.memory_space<vmem>>
      %dma_start3A_593 = arith.constant 0 : i32
      %dma_start3A_594 = arith.constant 0 : i32
      %dma_start3A_595 = tpu.memref_slice %arg9[%dma_start3A_593, %dma_start3A_594] : memref<21800x16xf32, #tpu.memory_space<hbm>> -> memref<21800x16xf32, #tpu.memory_space<hbm>>
      tpu.enqueue_indirect_dma source(%dma_start3A_595 : memref<21800x16xf32, #tpu.memory_space<hbm>>) target(%dma_start3A_590 : memref<128x16xf32, #tpu.memory_space<vmem>>) offsets(%dma_start3A_592 : memref<128xi32, #tpu.memory_space<vmem>>) semaphore(%arg17 : memref<!tpu.dma_semaphore, #tpu.memory_space<semaphore_mem>>)
      %dma_start3A_596 = arith.constant 1024 : i32
      %dma_start3A_597 = arith.constant 0 : i32
      %dma_start3A_598 = tpu.memref_slice %arg16[%dma_start3A_596, %dma_start3A_597] : memref<2816x16xf32, #tpu.memory_space<vmem>> -> memref<128x16xf32, #tpu.memory_space<vmem>>
      %dma_start3A_599 = arith.constant 1024 : i32
      %dma_start3A_600 = tpu.memref_slice %arg15[%dma_start3A_599] : memref<2816xi32, #tpu.memory_space<vmem>> -> memref<128xi32, #tpu.memory_space<vmem>>
      %dma_start3A_601 = arith.constant 0 : i32
      %dma_start3A_602 = arith.constant 0 : i32
      %dma_start3A_603 = tpu.memref_slice %arg9[%dma_start3A_601, %dma_start3A_602] : memref<21800x16xf32, #tpu.memory_space<hbm>> -> memref<21800x16xf32, #tpu.memory_space<hbm>>
      tpu.enqueue_indirect_dma source(%dma_start3A_603 : memref<21800x16xf32, #tpu.memory_space<hbm>>) target(%dma_start3A_598 : memref<128x16xf32, #tpu.memory_space<vmem>>) offsets(%dma_start3A_600 : memref<128xi32, #tpu.memory_space<vmem>>) semaphore(%arg17 : memref<!tpu.dma_semaphore, #tpu.memory_space<semaphore_mem>>)
      %dma_start3A_604 = arith.constant 1152 : i32
      %dma_start3A_605 = arith.constant 0 : i32
      %dma_start3A_606 = tpu.memref_slice %arg16[%dma_start3A_604, %dma_start3A_605] : memref<2816x16xf32, #tpu.memory_space<vmem>> -> memref<128x16xf32, #tpu.memory_space<vmem>>
      %dma_start3A_607 = arith.constant 1152 : i32
      %dma_start3A_608 = tpu.memref_slice %arg15[%dma_start3A_607] : memref<2816xi32, #tpu.memory_space<vmem>> -> memref<128xi32, #tpu.memory_space<vmem>>
      %dma_start3A_609 = arith.constant 0 : i32
      %dma_start3A_610 = arith.constant 0 : i32
      %dma_start3A_611 = tpu.memref_slice %arg9[%dma_start3A_609, %dma_start3A_610] : memref<21800x16xf32, #tpu.memory_space<hbm>> -> memref<21800x16xf32, #tpu.memory_space<hbm>>
      tpu.enqueue_indirect_dma source(%dma_start3A_611 : memref<21800x16xf32, #tpu.memory_space<hbm>>) target(%dma_start3A_606 : memref<128x16xf32, #tpu.memory_space<vmem>>) offsets(%dma_start3A_608 : memref<128xi32, #tpu.memory_space<vmem>>) semaphore(%arg17 : memref<!tpu.dma_semaphore, #tpu.memory_space<semaphore_mem>>)
      %dma_start3A_612 = arith.constant 1280 : i32
      %dma_start3A_613 = arith.constant 0 : i32
      %dma_start3A_614 = tpu.memref_slice %arg16[%dma_start3A_612, %dma_start3A_613] : memref<2816x16xf32, #tpu.memory_space<vmem>> -> memref<128x16xf32, #tpu.memory_space<vmem>>
      %dma_start3A_615 = arith.constant 1280 : i32
      %dma_start3A_616 = tpu.memref_slice %arg15[%dma_start3A_615] : memref<2816xi32, #tpu.memory_space<vmem>> -> memref<128xi32, #tpu.memory_space<vmem>>
      %dma_start3A_617 = arith.constant 0 : i32
      %dma_start3A_618 = arith.constant 0 : i32
      %dma_start3A_619 = tpu.memref_slice %arg9[%dma_start3A_617, %dma_start3A_618] : memref<21800x16xf32, #tpu.memory_space<hbm>> -> memref<21800x16xf32, #tpu.memory_space<hbm>>
      tpu.enqueue_indirect_dma source(%dma_start3A_619 : memref<21800x16xf32, #tpu.memory_space<hbm>>) target(%dma_start3A_614 : memref<128x16xf32, #tpu.memory_space<vmem>>) offsets(%dma_start3A_616 : memref<128xi32, #tpu.memory_space<vmem>>) semaphore(%arg17 : memref<!tpu.dma_semaphore, #tpu.memory_space<semaphore_mem>>)
      %dma_start3A_620 = arith.constant 1408 : i32
      %dma_start3A_621 = arith.constant 0 : i32
      %dma_start3A_622 = tpu.memref_slice %arg16[%dma_start3A_620, %dma_start3A_621] : memref<2816x16xf32, #tpu.memory_space<vmem>> -> memref<128x16xf32, #tpu.memory_space<vmem>>
      %dma_start3A_623 = arith.constant 1408 : i32
      %dma_start3A_624 = tpu.memref_slice %arg15[%dma_start3A_623] : memref<2816xi32, #tpu.memory_space<vmem>> -> memref<128xi32, #tpu.memory_space<vmem>>
      %dma_start3A_625 = arith.constant 0 : i32
      %dma_start3A_626 = arith.constant 0 : i32
      %dma_start3A_627 = tpu.memref_slice %arg9[%dma_start3A_625, %dma_start3A_626] : memref<21800x16xf32, #tpu.memory_space<hbm>> -> memref<21800x16xf32, #tpu.memory_space<hbm>>
      tpu.enqueue_indirect_dma source(%dma_start3A_627 : memref<21800x16xf32, #tpu.memory_space<hbm>>) target(%dma_start3A_622 : memref<128x16xf32, #tpu.memory_space<vmem>>) offsets(%dma_start3A_624 : memref<128xi32, #tpu.memory_space<vmem>>) semaphore(%arg17 : memref<!tpu.dma_semaphore, #tpu.memory_space<semaphore_mem>>)
      %dma_start3A_628 = arith.constant 1536 : i32
      %dma_start3A_629 = arith.constant 0 : i32
      %dma_start3A_630 = tpu.memref_slice %arg16[%dma_start3A_628, %dma_start3A_629] : memref<2816x16xf32, #tpu.memory_space<vmem>> -> memref<128x16xf32, #tpu.memory_space<vmem>>
      %dma_start3A_631 = arith.constant 1536 : i32
      %dma_start3A_632 = tpu.memref_slice %arg15[%dma_start3A_631] : memref<2816xi32, #tpu.memory_space<vmem>> -> memref<128xi32, #tpu.memory_space<vmem>>
      %dma_start3A_633 = arith.constant 0 : i32
      %dma_start3A_634 = arith.constant 0 : i32
      %dma_start3A_635 = tpu.memref_slice %arg9[%dma_start3A_633, %dma_start3A_634] : memref<21800x16xf32, #tpu.memory_space<hbm>> -> memref<21800x16xf32, #tpu.memory_space<hbm>>
      tpu.enqueue_indirect_dma source(%dma_start3A_635 : memref<21800x16xf32, #tpu.memory_space<hbm>>) target(%dma_start3A_630 : memref<128x16xf32, #tpu.memory_space<vmem>>) offsets(%dma_start3A_632 : memref<128xi32, #tpu.memory_space<vmem>>) semaphore(%arg17 : memref<!tpu.dma_semaphore, #tpu.memory_space<semaphore_mem>>)
      %dma_start3A_636 = arith.constant 1664 : i32
      %dma_start3A_637 = arith.constant 0 : i32
      %dma_start3A_638 = tpu.memref_slice %arg16[%dma_start3A_636, %dma_start3A_637] : memref<2816x16xf32, #tpu.memory_space<vmem>> -> memref<128x16xf32, #tpu.memory_space<vmem>>
      %dma_start3A_639 = arith.constant 1664 : i32
      %dma_start3A_640 = tpu.memref_slice %arg15[%dma_start3A_639] : memref<2816xi32, #tpu.memory_space<vmem>> -> memref<128xi32, #tpu.memory_space<vmem>>
      %dma_start3A_641 = arith.constant 0 : i32
      %dma_start3A_642 = arith.constant 0 : i32
      %dma_start3A_643 = tpu.memref_slice %arg9[%dma_start3A_641, %dma_start3A_642] : memref<21800x16xf32, #tpu.memory_space<hbm>> -> memref<21800x16xf32, #tpu.memory_space<hbm>>
      tpu.enqueue_indirect_dma source(%dma_start3A_643 : memref<21800x16xf32, #tpu.memory_space<hbm>>) target(%dma_start3A_638 : memref<128x16xf32, #tpu.memory_space<vmem>>) offsets(%dma_start3A_640 : memref<128xi32, #tpu.memory_space<vmem>>) semaphore(%arg17 : memref<!tpu.dma_semaphore, #tpu.memory_space<semaphore_mem>>)
      %dma_start3A_644 = arith.constant 1792 : i32
      %dma_start3A_645 = arith.constant 0 : i32
      %dma_start3A_646 = tpu.memref_slice %arg16[%dma_start3A_644, %dma_start3A_645] : memref<2816x16xf32, #tpu.memory_space<vmem>> -> memref<128x16xf32, #tpu.memory_space<vmem>>
      %dma_start3A_647 = arith.constant 1792 : i32
      %dma_start3A_648 = tpu.memref_slice %arg15[%dma_start3A_647] : memref<2816xi32, #tpu.memory_space<vmem>> -> memref<128xi32, #tpu.memory_space<vmem>>
      %dma_start3A_649 = arith.constant 0 : i32
      %dma_start3A_650 = arith.constant 0 : i32
      %dma_start3A_651 = tpu.memref_slice %arg9[%dma_start3A_649, %dma_start3A_650] : memref<21800x16xf32, #tpu.memory_space<hbm>> -> memref<21800x16xf32, #tpu.memory_space<hbm>>
      tpu.enqueue_indirect_dma source(%dma_start3A_651 : memref<21800x16xf32, #tpu.memory_space<hbm>>) target(%dma_start3A_646 : memref<128x16xf32, #tpu.memory_space<vmem>>) offsets(%dma_start3A_648 : memref<128xi32, #tpu.memory_space<vmem>>) semaphore(%arg17 : memref<!tpu.dma_semaphore, #tpu.memory_space<semaphore_mem>>)
      %dma_start3A_652 = arith.constant 1920 : i32
      %dma_start3A_653 = arith.constant 0 : i32
      %dma_start3A_654 = tpu.memref_slice %arg16[%dma_start3A_652, %dma_start3A_653] : memref<2816x16xf32, #tpu.memory_space<vmem>> -> memref<128x16xf32, #tpu.memory_space<vmem>>
      %dma_start3A_655 = arith.constant 1920 : i32
      %dma_start3A_656 = tpu.memref_slice %arg15[%dma_start3A_655] : memref<2816xi32, #tpu.memory_space<vmem>> -> memref<128xi32, #tpu.memory_space<vmem>>
      %dma_start3A_657 = arith.constant 0 : i32
      %dma_start3A_658 = arith.constant 0 : i32
      %dma_start3A_659 = tpu.memref_slice %arg9[%dma_start3A_657, %dma_start3A_658] : memref<21800x16xf32, #tpu.memory_space<hbm>> -> memref<21800x16xf32, #tpu.memory_space<hbm>>
      tpu.enqueue_indirect_dma source(%dma_start3A_659 : memref<21800x16xf32, #tpu.memory_space<hbm>>) target(%dma_start3A_654 : memref<128x16xf32, #tpu.memory_space<vmem>>) offsets(%dma_start3A_656 : memref<128xi32, #tpu.memory_space<vmem>>) semaphore(%arg17 : memref<!tpu.dma_semaphore, #tpu.memory_space<semaphore_mem>>)
      %dma_start3A_660 = arith.constant 2048 : i32
      %dma_start3A_661 = arith.constant 0 : i32
      %dma_start3A_662 = tpu.memref_slice %arg16[%dma_start3A_660, %dma_start3A_661] : memref<2816x16xf32, #tpu.memory_space<vmem>> -> memref<128x16xf32, #tpu.memory_space<vmem>>
      %dma_start3A_663 = arith.constant 2048 : i32
      %dma_start3A_664 = tpu.memref_slice %arg15[%dma_start3A_663] : memref<2816xi32, #tpu.memory_space<vmem>> -> memref<128xi32, #tpu.memory_space<vmem>>
      %dma_start3A_665 = arith.constant 0 : i32
      %dma_start3A_666 = arith.constant 0 : i32
      %dma_start3A_667 = tpu.memref_slice %arg9[%dma_start3A_665, %dma_start3A_666] : memref<21800x16xf32, #tpu.memory_space<hbm>> -> memref<21800x16xf32, #tpu.memory_space<hbm>>
      tpu.enqueue_indirect_dma source(%dma_start3A_667 : memref<21800x16xf32, #tpu.memory_space<hbm>>) target(%dma_start3A_662 : memref<128x16xf32, #tpu.memory_space<vmem>>) offsets(%dma_start3A_664 : memref<128xi32, #tpu.memory_space<vmem>>) semaphore(%arg17 : memref<!tpu.dma_semaphore, #tpu.memory_space<semaphore_mem>>)
      %dma_start3A_668 = arith.constant 2176 : i32
      %dma_start3A_669 = arith.constant 0 : i32
      %dma_start3A_670 = tpu.memref_slice %arg16[%dma_start3A_668, %dma_start3A_669] : memref<2816x16xf32, #tpu.memory_space<vmem>> -> memref<128x16xf32, #tpu.memory_space<vmem>>
      %dma_start3A_671 = arith.constant 2176 : i32
      %dma_start3A_672 = tpu.memref_slice %arg15[%dma_start3A_671] : memref<2816xi32, #tpu.memory_space<vmem>> -> memref<128xi32, #tpu.memory_space<vmem>>
      %dma_start3A_673 = arith.constant 0 : i32
      %dma_start3A_674 = arith.constant 0 : i32
      %dma_start3A_675 = tpu.memref_slice %arg9[%dma_start3A_673, %dma_start3A_674] : memref<21800x16xf32, #tpu.memory_space<hbm>> -> memref<21800x16xf32, #tpu.memory_space<hbm>>
      tpu.enqueue_indirect_dma source(%dma_start3A_675 : memref<21800x16xf32, #tpu.memory_space<hbm>>) target(%dma_start3A_670 : memref<128x16xf32, #tpu.memory_space<vmem>>) offsets(%dma_start3A_672 : memref<128xi32, #tpu.memory_space<vmem>>) semaphore(%arg17 : memref<!tpu.dma_semaphore, #tpu.memory_space<semaphore_mem>>)
      %dma_start3A_676 = arith.constant 2304 : i32
      %dma_start3A_677 = arith.constant 0 : i32
      %dma_start3A_678 = tpu.memref_slice %arg16[%dma_start3A_676, %dma_start3A_677] : memref<2816x16xf32, #tpu.memory_space<vmem>> -> memref<128x16xf32, #tpu.memory_space<vmem>>
      %dma_start3A_679 = arith.constant 2304 : i32
      %dma_start3A_680 = tpu.memref_slice %arg15[%dma_start3A_679] : memref<2816xi32, #tpu.memory_space<vmem>> -> memref<128xi32, #tpu.memory_space<vmem>>
      %dma_start3A_681 = arith.constant 0 : i32
      %dma_start3A_682 = arith.constant 0 : i32
      %dma_start3A_683 = tpu.memref_slice %arg9[%dma_start3A_681, %dma_start3A_682] : memref<21800x16xf32, #tpu.memory_space<hbm>> -> memref<21800x16xf32, #tpu.memory_space<hbm>>
      tpu.enqueue_indirect_dma source(%dma_start3A_683 : memref<21800x16xf32, #tpu.memory_space<hbm>>) target(%dma_start3A_678 : memref<128x16xf32, #tpu.memory_space<vmem>>) offsets(%dma_start3A_680 : memref<128xi32, #tpu.memory_space<vmem>>) semaphore(%arg17 : memref<!tpu.dma_semaphore, #tpu.memory_space<semaphore_mem>>)
      %dma_start3A_684 = arith.constant 2432 : i32
      %dma_start3A_685 = arith.constant 0 : i32
      %dma_start3A_686 = tpu.memref_slice %arg16[%dma_start3A_684, %dma_start3A_685] : memref<2816x16xf32, #tpu.memory_space<vmem>> -> memref<128x16xf32, #tpu.memory_space<vmem>>
      %dma_start3A_687 = arith.constant 2432 : i32
      %dma_start3A_688 = tpu.memref_slice %arg15[%dma_start3A_687] : memref<2816xi32, #tpu.memory_space<vmem>> -> memref<128xi32, #tpu.memory_space<vmem>>
      %dma_start3A_689 = arith.constant 0 : i32
      %dma_start3A_690 = arith.constant 0 : i32
      %dma_start3A_691 = tpu.memref_slice %arg9[%dma_start3A_689, %dma_start3A_690] : memref<21800x16xf32, #tpu.memory_space<hbm>> -> memref<21800x16xf32, #tpu.memory_space<hbm>>
      tpu.enqueue_indirect_dma source(%dma_start3A_691 : memref<21800x16xf32, #tpu.memory_space<hbm>>) target(%dma_start3A_686 : memref<128x16xf32, #tpu.memory_space<vmem>>) offsets(%dma_start3A_688 : memref<128xi32, #tpu.memory_space<vmem>>) semaphore(%arg17 : memref<!tpu.dma_semaphore, #tpu.memory_space<semaphore_mem>>)
      %dma_wait3A_692 = arith.constant 0 : i32
      %dma_wait3A_693 = arith.constant 0 : i32
      %dma_wait3A_694 = tpu.memref_slice %arg16[%dma_wait3A_692, %dma_wait3A_693] : memref<2816x16xf32, #tpu.memory_space<vmem>> -> memref<128x16xf32, #tpu.memory_space<vmem>>
      %dma_wait3A_695 = arith.constant 0 : i32
      %dma_wait3A_696 = tpu.memref_slice %arg15[%dma_wait3A_695] : memref<2816xi32, #tpu.memory_space<vmem>> -> memref<128xi32, #tpu.memory_space<vmem>>
      %dma_wait3A_697 = arith.constant 0 : i32
      %dma_wait3A_698 = arith.constant 0 : i32
      %dma_wait3A_699 = tpu.memref_slice %arg9[%dma_wait3A_697, %dma_wait3A_698] : memref<21800x16xf32, #tpu.memory_space<hbm>> -> memref<21800x16xf32, #tpu.memory_space<hbm>>
      tpu.wait_indirect_dma semaphore(%arg17 : memref<!tpu.dma_semaphore, #tpu.memory_space<semaphore_mem>>) src(%dma_wait3A_699 : memref<21800x16xf32, #tpu.memory_space<hbm>>) dst(%dma_wait3A_694 : memref<128x16xf32, #tpu.memory_space<vmem>>)
      %dma_wait3A_700 = arith.constant 128 : i32
      %dma_wait3A_701 = arith.constant 0 : i32
      %dma_wait3A_702 = tpu.memref_slice %arg16[%dma_wait3A_700, %dma_wait3A_701] : memref<2816x16xf32, #tpu.memory_space<vmem>> -> memref<128x16xf32, #tpu.memory_space<vmem>>
      %dma_wait3A_703 = arith.constant 128 : i32
      %dma_wait3A_704 = tpu.memref_slice %arg15[%dma_wait3A_703] : memref<2816xi32, #tpu.memory_space<vmem>> -> memref<128xi32, #tpu.memory_space<vmem>>
      %dma_wait3A_705 = arith.constant 0 : i32
      %dma_wait3A_706 = arith.constant 0 : i32
      %dma_wait3A_707 = tpu.memref_slice %arg9[%dma_wait3A_705, %dma_wait3A_706] : memref<21800x16xf32, #tpu.memory_space<hbm>> -> memref<21800x16xf32, #tpu.memory_space<hbm>>
      tpu.wait_indirect_dma semaphore(%arg17 : memref<!tpu.dma_semaphore, #tpu.memory_space<semaphore_mem>>) src(%dma_wait3A_707 : memref<21800x16xf32, #tpu.memory_space<hbm>>) dst(%dma_wait3A_702 : memref<128x16xf32, #tpu.memory_space<vmem>>)
      %dma_wait3A_708 = arith.constant 256 : i32
      %dma_wait3A_709 = arith.constant 0 : i32
      %dma_wait3A_710 = tpu.memref_slice %arg16[%dma_wait3A_708, %dma_wait3A_709] : memref<2816x16xf32, #tpu.memory_space<vmem>> -> memref<128x16xf32, #tpu.memory_space<vmem>>
      %dma_wait3A_711 = arith.constant 256 : i32
      %dma_wait3A_712 = tpu.memref_slice %arg15[%dma_wait3A_711] : memref<2816xi32, #tpu.memory_space<vmem>> -> memref<128xi32, #tpu.memory_space<vmem>>
      %dma_wait3A_713 = arith.constant 0 : i32
      %dma_wait3A_714 = arith.constant 0 : i32
      %dma_wait3A_715 = tpu.memref_slice %arg9[%dma_wait3A_713, %dma_wait3A_714] : memref<21800x16xf32, #tpu.memory_space<hbm>> -> memref<21800x16xf32, #tpu.memory_space<hbm>>
      tpu.wait_indirect_dma semaphore(%arg17 : memref<!tpu.dma_semaphore, #tpu.memory_space<semaphore_mem>>) src(%dma_wait3A_715 : memref<21800x16xf32, #tpu.memory_space<hbm>>) dst(%dma_wait3A_710 : memref<128x16xf32, #tpu.memory_space<vmem>>)
      %dma_wait3A_716 = arith.constant 384 : i32
      %dma_wait3A_717 = arith.constant 0 : i32
      %dma_wait3A_718 = tpu.memref_slice %arg16[%dma_wait3A_716, %dma_wait3A_717] : memref<2816x16xf32, #tpu.memory_space<vmem>> -> memref<128x16xf32, #tpu.memory_space<vmem>>
      %dma_wait3A_719 = arith.constant 384 : i32
      %dma_wait3A_720 = tpu.memref_slice %arg15[%dma_wait3A_719] : memref<2816xi32, #tpu.memory_space<vmem>> -> memref<128xi32, #tpu.memory_space<vmem>>
      %dma_wait3A_721 = arith.constant 0 : i32
      %dma_wait3A_722 = arith.constant 0 : i32
      %dma_wait3A_723 = tpu.memref_slice %arg9[%dma_wait3A_721, %dma_wait3A_722] : memref<21800x16xf32, #tpu.memory_space<hbm>> -> memref<21800x16xf32, #tpu.memory_space<hbm>>
      tpu.wait_indirect_dma semaphore(%arg17 : memref<!tpu.dma_semaphore, #tpu.memory_space<semaphore_mem>>) src(%dma_wait3A_723 : memref<21800x16xf32, #tpu.memory_space<hbm>>) dst(%dma_wait3A_718 : memref<128x16xf32, #tpu.memory_space<vmem>>)
      %dma_wait3A_724 = arith.constant 512 : i32
      %dma_wait3A_725 = arith.constant 0 : i32
      %dma_wait3A_726 = tpu.memref_slice %arg16[%dma_wait3A_724, %dma_wait3A_725] : memref<2816x16xf32, #tpu.memory_space<vmem>> -> memref<128x16xf32, #tpu.memory_space<vmem>>
      %dma_wait3A_727 = arith.constant 512 : i32
      %dma_wait3A_728 = tpu.memref_slice %arg15[%dma_wait3A_727] : memref<2816xi32, #tpu.memory_space<vmem>> -> memref<128xi32, #tpu.memory_space<vmem>>
      %dma_wait3A_729 = arith.constant 0 : i32
      %dma_wait3A_730 = arith.constant 0 : i32
      %dma_wait3A_731 = tpu.memref_slice %arg9[%dma_wait3A_729, %dma_wait3A_730] : memref<21800x16xf32, #tpu.memory_space<hbm>> -> memref<21800x16xf32, #tpu.memory_space<hbm>>
      tpu.wait_indirect_dma semaphore(%arg17 : memref<!tpu.dma_semaphore, #tpu.memory_space<semaphore_mem>>) src(%dma_wait3A_731 : memref<21800x16xf32, #tpu.memory_space<hbm>>) dst(%dma_wait3A_726 : memref<128x16xf32, #tpu.memory_space<vmem>>)
      %dma_wait3A_732 = arith.constant 640 : i32
      %dma_wait3A_733 = arith.constant 0 : i32
      %dma_wait3A_734 = tpu.memref_slice %arg16[%dma_wait3A_732, %dma_wait3A_733] : memref<2816x16xf32, #tpu.memory_space<vmem>> -> memref<128x16xf32, #tpu.memory_space<vmem>>
      %dma_wait3A_735 = arith.constant 640 : i32
      %dma_wait3A_736 = tpu.memref_slice %arg15[%dma_wait3A_735] : memref<2816xi32, #tpu.memory_space<vmem>> -> memref<128xi32, #tpu.memory_space<vmem>>
      %dma_wait3A_737 = arith.constant 0 : i32
      %dma_wait3A_738 = arith.constant 0 : i32
      %dma_wait3A_739 = tpu.memref_slice %arg9[%dma_wait3A_737, %dma_wait3A_738] : memref<21800x16xf32, #tpu.memory_space<hbm>> -> memref<21800x16xf32, #tpu.memory_space<hbm>>
      tpu.wait_indirect_dma semaphore(%arg17 : memref<!tpu.dma_semaphore, #tpu.memory_space<semaphore_mem>>) src(%dma_wait3A_739 : memref<21800x16xf32, #tpu.memory_space<hbm>>) dst(%dma_wait3A_734 : memref<128x16xf32, #tpu.memory_space<vmem>>)
      %dma_wait3A_740 = arith.constant 768 : i32
      %dma_wait3A_741 = arith.constant 0 : i32
      %dma_wait3A_742 = tpu.memref_slice %arg16[%dma_wait3A_740, %dma_wait3A_741] : memref<2816x16xf32, #tpu.memory_space<vmem>> -> memref<128x16xf32, #tpu.memory_space<vmem>>
      %dma_wait3A_743 = arith.constant 768 : i32
      %dma_wait3A_744 = tpu.memref_slice %arg15[%dma_wait3A_743] : memref<2816xi32, #tpu.memory_space<vmem>> -> memref<128xi32, #tpu.memory_space<vmem>>
      %dma_wait3A_745 = arith.constant 0 : i32
      %dma_wait3A_746 = arith.constant 0 : i32
      %dma_wait3A_747 = tpu.memref_slice %arg9[%dma_wait3A_745, %dma_wait3A_746] : memref<21800x16xf32, #tpu.memory_space<hbm>> -> memref<21800x16xf32, #tpu.memory_space<hbm>>
      tpu.wait_indirect_dma semaphore(%arg17 : memref<!tpu.dma_semaphore, #tpu.memory_space<semaphore_mem>>) src(%dma_wait3A_747 : memref<21800x16xf32, #tpu.memory_space<hbm>>) dst(%dma_wait3A_742 : memref<128x16xf32, #tpu.memory_space<vmem>>)
      %dma_wait3A_748 = arith.constant 896 : i32
      %dma_wait3A_749 = arith.constant 0 : i32
      %dma_wait3A_750 = tpu.memref_slice %arg16[%dma_wait3A_748, %dma_wait3A_749] : memref<2816x16xf32, #tpu.memory_space<vmem>> -> memref<128x16xf32, #tpu.memory_space<vmem>>
      %dma_wait3A_751 = arith.constant 896 : i32
      %dma_wait3A_752 = tpu.memref_slice %arg15[%dma_wait3A_751] : memref<2816xi32, #tpu.memory_space<vmem>> -> memref<128xi32, #tpu.memory_space<vmem>>
      %dma_wait3A_753 = arith.constant 0 : i32
      %dma_wait3A_754 = arith.constant 0 : i32
      %dma_wait3A_755 = tpu.memref_slice %arg9[%dma_wait3A_753, %dma_wait3A_754] : memref<21800x16xf32, #tpu.memory_space<hbm>> -> memref<21800x16xf32, #tpu.memory_space<hbm>>
      tpu.wait_indirect_dma semaphore(%arg17 : memref<!tpu.dma_semaphore, #tpu.memory_space<semaphore_mem>>) src(%dma_wait3A_755 : memref<21800x16xf32, #tpu.memory_space<hbm>>) dst(%dma_wait3A_750 : memref<128x16xf32, #tpu.memory_space<vmem>>)
      %dma_wait3A_756 = arith.constant 1024 : i32
      %dma_wait3A_757 = arith.constant 0 : i32
      %dma_wait3A_758 = tpu.memref_slice %arg16[%dma_wait3A_756, %dma_wait3A_757] : memref<2816x16xf32, #tpu.memory_space<vmem>> -> memref<128x16xf32, #tpu.memory_space<vmem>>
      %dma_wait3A_759 = arith.constant 1024 : i32
      %dma_wait3A_760 = tpu.memref_slice %arg15[%dma_wait3A_759] : memref<2816xi32, #tpu.memory_space<vmem>> -> memref<128xi32, #tpu.memory_space<vmem>>
      %dma_wait3A_761 = arith.constant 0 : i32
      %dma_wait3A_762 = arith.constant 0 : i32
      %dma_wait3A_763 = tpu.memref_slice %arg9[%dma_wait3A_761, %dma_wait3A_762] : memref<21800x16xf32, #tpu.memory_space<hbm>> -> memref<21800x16xf32, #tpu.memory_space<hbm>>
      tpu.wait_indirect_dma semaphore(%arg17 : memref<!tpu.dma_semaphore, #tpu.memory_space<semaphore_mem>>) src(%dma_wait3A_763 : memref<21800x16xf32, #tpu.memory_space<hbm>>) dst(%dma_wait3A_758 : memref<128x16xf32, #tpu.memory_space<vmem>>)
      %dma_wait3A_764 = arith.constant 1152 : i32
      %dma_wait3A_765 = arith.constant 0 : i32
      %dma_wait3A_766 = tpu.memref_slice %arg16[%dma_wait3A_764, %dma_wait3A_765] : memref<2816x16xf32, #tpu.memory_space<vmem>> -> memref<128x16xf32, #tpu.memory_space<vmem>>
      %dma_wait3A_767 = arith.constant 1152 : i32
      %dma_wait3A_768 = tpu.memref_slice %arg15[%dma_wait3A_767] : memref<2816xi32, #tpu.memory_space<vmem>> -> memref<128xi32, #tpu.memory_space<vmem>>
      %dma_wait3A_769 = arith.constant 0 : i32
      %dma_wait3A_770 = arith.constant 0 : i32
      %dma_wait3A_771 = tpu.memref_slice %arg9[%dma_wait3A_769, %dma_wait3A_770] : memref<21800x16xf32, #tpu.memory_space<hbm>> -> memref<21800x16xf32, #tpu.memory_space<hbm>>
      tpu.wait_indirect_dma semaphore(%arg17 : memref<!tpu.dma_semaphore, #tpu.memory_space<semaphore_mem>>) src(%dma_wait3A_771 : memref<21800x16xf32, #tpu.memory_space<hbm>>) dst(%dma_wait3A_766 : memref<128x16xf32, #tpu.memory_space<vmem>>)
      %dma_wait3A_772 = arith.constant 1280 : i32
      %dma_wait3A_773 = arith.constant 0 : i32
      %dma_wait3A_774 = tpu.memref_slice %arg16[%dma_wait3A_772, %dma_wait3A_773] : memref<2816x16xf32, #tpu.memory_space<vmem>> -> memref<128x16xf32, #tpu.memory_space<vmem>>
      %dma_wait3A_775 = arith.constant 1280 : i32
      %dma_wait3A_776 = tpu.memref_slice %arg15[%dma_wait3A_775] : memref<2816xi32, #tpu.memory_space<vmem>> -> memref<128xi32, #tpu.memory_space<vmem>>
      %dma_wait3A_777 = arith.constant 0 : i32
      %dma_wait3A_778 = arith.constant 0 : i32
      %dma_wait3A_779 = tpu.memref_slice %arg9[%dma_wait3A_777, %dma_wait3A_778] : memref<21800x16xf32, #tpu.memory_space<hbm>> -> memref<21800x16xf32, #tpu.memory_space<hbm>>
      tpu.wait_indirect_dma semaphore(%arg17 : memref<!tpu.dma_semaphore, #tpu.memory_space<semaphore_mem>>) src(%dma_wait3A_779 : memref<21800x16xf32, #tpu.memory_space<hbm>>) dst(%dma_wait3A_774 : memref<128x16xf32, #tpu.memory_space<vmem>>)
      %dma_wait3A_780 = arith.constant 1408 : i32
      %dma_wait3A_781 = arith.constant 0 : i32
      %dma_wait3A_782 = tpu.memref_slice %arg16[%dma_wait3A_780, %dma_wait3A_781] : memref<2816x16xf32, #tpu.memory_space<vmem>> -> memref<128x16xf32, #tpu.memory_space<vmem>>
      %dma_wait3A_783 = arith.constant 1408 : i32
      %dma_wait3A_784 = tpu.memref_slice %arg15[%dma_wait3A_783] : memref<2816xi32, #tpu.memory_space<vmem>> -> memref<128xi32, #tpu.memory_space<vmem>>
      %dma_wait3A_785 = arith.constant 0 : i32
      %dma_wait3A_786 = arith.constant 0 : i32
      %dma_wait3A_787 = tpu.memref_slice %arg9[%dma_wait3A_785, %dma_wait3A_786] : memref<21800x16xf32, #tpu.memory_space<hbm>> -> memref<21800x16xf32, #tpu.memory_space<hbm>>
      tpu.wait_indirect_dma semaphore(%arg17 : memref<!tpu.dma_semaphore, #tpu.memory_space<semaphore_mem>>) src(%dma_wait3A_787 : memref<21800x16xf32, #tpu.memory_space<hbm>>) dst(%dma_wait3A_782 : memref<128x16xf32, #tpu.memory_space<vmem>>)
      %dma_wait3A_788 = arith.constant 1536 : i32
      %dma_wait3A_789 = arith.constant 0 : i32
      %dma_wait3A_790 = tpu.memref_slice %arg16[%dma_wait3A_788, %dma_wait3A_789] : memref<2816x16xf32, #tpu.memory_space<vmem>> -> memref<128x16xf32, #tpu.memory_space<vmem>>
      %dma_wait3A_791 = arith.constant 1536 : i32
      %dma_wait3A_792 = tpu.memref_slice %arg15[%dma_wait3A_791] : memref<2816xi32, #tpu.memory_space<vmem>> -> memref<128xi32, #tpu.memory_space<vmem>>
      %dma_wait3A_793 = arith.constant 0 : i32
      %dma_wait3A_794 = arith.constant 0 : i32
      %dma_wait3A_795 = tpu.memref_slice %arg9[%dma_wait3A_793, %dma_wait3A_794] : memref<21800x16xf32, #tpu.memory_space<hbm>> -> memref<21800x16xf32, #tpu.memory_space<hbm>>
      tpu.wait_indirect_dma semaphore(%arg17 : memref<!tpu.dma_semaphore, #tpu.memory_space<semaphore_mem>>) src(%dma_wait3A_795 : memref<21800x16xf32, #tpu.memory_space<hbm>>) dst(%dma_wait3A_790 : memref<128x16xf32, #tpu.memory_space<vmem>>)
      %dma_wait3A_796 = arith.constant 1664 : i32
      %dma_wait3A_797 = arith.constant 0 : i32
      %dma_wait3A_798 = tpu.memref_slice %arg16[%dma_wait3A_796, %dma_wait3A_797] : memref<2816x16xf32, #tpu.memory_space<vmem>> -> memref<128x16xf32, #tpu.memory_space<vmem>>
      %dma_wait3A_799 = arith.constant 1664 : i32
      %dma_wait3A_800 = tpu.memref_slice %arg15[%dma_wait3A_799] : memref<2816xi32, #tpu.memory_space<vmem>> -> memref<128xi32, #tpu.memory_space<vmem>>
      %dma_wait3A_801 = arith.constant 0 : i32
      %dma_wait3A_802 = arith.constant 0 : i32
      %dma_wait3A_803 = tpu.memref_slice %arg9[%dma_wait3A_801, %dma_wait3A_802] : memref<21800x16xf32, #tpu.memory_space<hbm>> -> memref<21800x16xf32, #tpu.memory_space<hbm>>
      tpu.wait_indirect_dma semaphore(%arg17 : memref<!tpu.dma_semaphore, #tpu.memory_space<semaphore_mem>>) src(%dma_wait3A_803 : memref<21800x16xf32, #tpu.memory_space<hbm>>) dst(%dma_wait3A_798 : memref<128x16xf32, #tpu.memory_space<vmem>>)
      %dma_wait3A_804 = arith.constant 1792 : i32
      %dma_wait3A_805 = arith.constant 0 : i32
      %dma_wait3A_806 = tpu.memref_slice %arg16[%dma_wait3A_804, %dma_wait3A_805] : memref<2816x16xf32, #tpu.memory_space<vmem>> -> memref<128x16xf32, #tpu.memory_space<vmem>>
      %dma_wait3A_807 = arith.constant 1792 : i32
      %dma_wait3A_808 = tpu.memref_slice %arg15[%dma_wait3A_807] : memref<2816xi32, #tpu.memory_space<vmem>> -> memref<128xi32, #tpu.memory_space<vmem>>
      %dma_wait3A_809 = arith.constant 0 : i32
      %dma_wait3A_810 = arith.constant 0 : i32
      %dma_wait3A_811 = tpu.memref_slice %arg9[%dma_wait3A_809, %dma_wait3A_810] : memref<21800x16xf32, #tpu.memory_space<hbm>> -> memref<21800x16xf32, #tpu.memory_space<hbm>>
      tpu.wait_indirect_dma semaphore(%arg17 : memref<!tpu.dma_semaphore, #tpu.memory_space<semaphore_mem>>) src(%dma_wait3A_811 : memref<21800x16xf32, #tpu.memory_space<hbm>>) dst(%dma_wait3A_806 : memref<128x16xf32, #tpu.memory_space<vmem>>)
      %dma_wait3A_812 = arith.constant 1920 : i32
      %dma_wait3A_813 = arith.constant 0 : i32
      %dma_wait3A_814 = tpu.memref_slice %arg16[%dma_wait3A_812, %dma_wait3A_813] : memref<2816x16xf32, #tpu.memory_space<vmem>> -> memref<128x16xf32, #tpu.memory_space<vmem>>
      %dma_wait3A_815 = arith.constant 1920 : i32
      %dma_wait3A_816 = tpu.memref_slice %arg15[%dma_wait3A_815] : memref<2816xi32, #tpu.memory_space<vmem>> -> memref<128xi32, #tpu.memory_space<vmem>>
      %dma_wait3A_817 = arith.constant 0 : i32
      %dma_wait3A_818 = arith.constant 0 : i32
      %dma_wait3A_819 = tpu.memref_slice %arg9[%dma_wait3A_817, %dma_wait3A_818] : memref<21800x16xf32, #tpu.memory_space<hbm>> -> memref<21800x16xf32, #tpu.memory_space<hbm>>
      tpu.wait_indirect_dma semaphore(%arg17 : memref<!tpu.dma_semaphore, #tpu.memory_space<semaphore_mem>>) src(%dma_wait3A_819 : memref<21800x16xf32, #tpu.memory_space<hbm>>) dst(%dma_wait3A_814 : memref<128x16xf32, #tpu.memory_space<vmem>>)
      %dma_wait3A_820 = arith.constant 2048 : i32
      %dma_wait3A_821 = arith.constant 0 : i32
      %dma_wait3A_822 = tpu.memref_slice %arg16[%dma_wait3A_820, %dma_wait3A_821] : memref<2816x16xf32, #tpu.memory_space<vmem>> -> memref<128x16xf32, #tpu.memory_space<vmem>>
      %dma_wait3A_823 = arith.constant 2048 : i32
      %dma_wait3A_824 = tpu.memref_slice %arg15[%dma_wait3A_823] : memref<2816xi32, #tpu.memory_space<vmem>> -> memref<128xi32, #tpu.memory_space<vmem>>
      %dma_wait3A_825 = arith.constant 0 : i32
      %dma_wait3A_826 = arith.constant 0 : i32
      %dma_wait3A_827 = tpu.memref_slice %arg9[%dma_wait3A_825, %dma_wait3A_826] : memref<21800x16xf32, #tpu.memory_space<hbm>> -> memref<21800x16xf32, #tpu.memory_space<hbm>>
      tpu.wait_indirect_dma semaphore(%arg17 : memref<!tpu.dma_semaphore, #tpu.memory_space<semaphore_mem>>) src(%dma_wait3A_827 : memref<21800x16xf32, #tpu.memory_space<hbm>>) dst(%dma_wait3A_822 : memref<128x16xf32, #tpu.memory_space<vmem>>)
      %dma_wait3A_828 = arith.constant 2176 : i32
      %dma_wait3A_829 = arith.constant 0 : i32
      %dma_wait3A_830 = tpu.memref_slice %arg16[%dma_wait3A_828, %dma_wait3A_829] : memref<2816x16xf32, #tpu.memory_space<vmem>> -> memref<128x16xf32, #tpu.memory_space<vmem>>
      %dma_wait3A_831 = arith.constant 2176 : i32
      %dma_wait3A_832 = tpu.memref_slice %arg15[%dma_wait3A_831] : memref<2816xi32, #tpu.memory_space<vmem>> -> memref<128xi32, #tpu.memory_space<vmem>>
      %dma_wait3A_833 = arith.constant 0 : i32
      %dma_wait3A_834 = arith.constant 0 : i32
      %dma_wait3A_835 = tpu.memref_slice %arg9[%dma_wait3A_833, %dma_wait3A_834] : memref<21800x16xf32, #tpu.memory_space<hbm>> -> memref<21800x16xf32, #tpu.memory_space<hbm>>
      tpu.wait_indirect_dma semaphore(%arg17 : memref<!tpu.dma_semaphore, #tpu.memory_space<semaphore_mem>>) src(%dma_wait3A_835 : memref<21800x16xf32, #tpu.memory_space<hbm>>) dst(%dma_wait3A_830 : memref<128x16xf32, #tpu.memory_space<vmem>>)
      %dma_wait3A_836 = arith.constant 2304 : i32
      %dma_wait3A_837 = arith.constant 0 : i32
      %dma_wait3A_838 = tpu.memref_slice %arg16[%dma_wait3A_836, %dma_wait3A_837] : memref<2816x16xf32, #tpu.memory_space<vmem>> -> memref<128x16xf32, #tpu.memory_space<vmem>>
      %dma_wait3A_839 = arith.constant 2304 : i32
      %dma_wait3A_840 = tpu.memref_slice %arg15[%dma_wait3A_839] : memref<2816xi32, #tpu.memory_space<vmem>> -> memref<128xi32, #tpu.memory_space<vmem>>
      %dma_wait3A_841 = arith.constant 0 : i32
      %dma_wait3A_842 = arith.constant 0 : i32
      %dma_wait3A_843 = tpu.memref_slice %arg9[%dma_wait3A_841, %dma_wait3A_842] : memref<21800x16xf32, #tpu.memory_space<hbm>> -> memref<21800x16xf32, #tpu.memory_space<hbm>>
      tpu.wait_indirect_dma semaphore(%arg17 : memref<!tpu.dma_semaphore, #tpu.memory_space<semaphore_mem>>) src(%dma_wait3A_843 : memref<21800x16xf32, #tpu.memory_space<hbm>>) dst(%dma_wait3A_838 : memref<128x16xf32, #tpu.memory_space<vmem>>)
      %dma_wait3A_844 = arith.constant 2432 : i32
      %dma_wait3A_845 = arith.constant 0 : i32
      %dma_wait3A_846 = tpu.memref_slice %arg16[%dma_wait3A_844, %dma_wait3A_845] : memref<2816x16xf32, #tpu.memory_space<vmem>> -> memref<128x16xf32, #tpu.memory_space<vmem>>
      %dma_wait3A_847 = arith.constant 2432 : i32
      %dma_wait3A_848 = tpu.memref_slice %arg15[%dma_wait3A_847] : memref<2816xi32, #tpu.memory_space<vmem>> -> memref<128xi32, #tpu.memory_space<vmem>>
      %dma_wait3A_849 = arith.constant 0 : i32
      %dma_wait3A_850 = arith.constant 0 : i32
      %dma_wait3A_851 = tpu.memref_slice %arg9[%dma_wait3A_849, %dma_wait3A_850] : memref<21800x16xf32, #tpu.memory_space<hbm>> -> memref<21800x16xf32, #tpu.memory_space<hbm>>
      tpu.wait_indirect_dma semaphore(%arg17 : memref<!tpu.dma_semaphore, #tpu.memory_space<semaphore_mem>>) src(%dma_wait3A_851 : memref<21800x16xf32, #tpu.memory_space<hbm>>) dst(%dma_wait3A_846 : memref<128x16xf32, #tpu.memory_space<vmem>>)
      %dma_start3A_852 = arith.constant 0 : i32
      %dma_start3A_853 = arith.constant 0 : i32
      %dma_start3A_854 = tpu.memref_slice %arg16[%dma_start3A_852, %dma_start3A_853] : memref<2816x16xf32, #tpu.memory_space<vmem>> -> memref<2560x16xf32, #tpu.memory_space<vmem>>
      %dma_start3A_855 = arith.constant 0 : i32
      %dma_start3A_856 = tpu.memref_slice %arg14[%multiple_of3A_531, %dma_start3A_855] : memref<983040x16xf32, #tpu.memory_space<hbm>> -> memref<2560x16xf32, #tpu.memory_space<hbm>>
      %dma_start3A_857 = arith.constant 0 : i32
      %dma_start3A_858 = tpu.memref_slice %arg14[%multiple_of3A_531, %dma_start3A_857] : memref<983040x16xf32, #tpu.memory_space<hbm>> -> memref<2560x16xf32, #tpu.memory_space<hbm>>
      %dma_start3A_859 = arith.constant 0 : i32
      %dma_start3A_860 = arith.constant 0 : i32
      %dma_start3A_861 = tpu.memref_slice %arg16[%dma_start3A_859, %dma_start3A_860] : memref<2816x16xf32, #tpu.memory_space<vmem>> -> memref<2560x16xf32, #tpu.memory_space<vmem>>
      tpu.enqueue_dma source(%dma_start3A_861 : memref<2560x16xf32, #tpu.memory_space<vmem>>) target(%dma_start3A_858 : memref<2560x16xf32, #tpu.memory_space<hbm>>) target_semaphore(%arg18 : memref<!tpu.dma_semaphore, #tpu.memory_space<semaphore_mem>>)
      %dma_wait3A_862 = arith.constant 0 : i32
      %dma_wait3A_863 = arith.constant 0 : i32
      %dma_wait3A_864 = tpu.memref_slice %arg16[%dma_wait3A_862, %dma_wait3A_863] : memref<2816x16xf32, #tpu.memory_space<vmem>> -> memref<2560x16xf32, #tpu.memory_space<vmem>>
      %dma_wait3A_865 = arith.constant 0 : i32
      %dma_wait3A_866 = tpu.memref_slice %arg14[%multiple_of3A_531, %dma_wait3A_865] : memref<983040x16xf32, #tpu.memory_space<hbm>> -> memref<2560x16xf32, #tpu.memory_space<hbm>>
      %dma_wait3A_867 = arith.constant 0 : i32
      %dma_wait3A_868 = tpu.memref_slice %arg14[%multiple_of3A_531, %dma_wait3A_867] : memref<983040x16xf32, #tpu.memory_space<hbm>> -> memref<2560x16xf32, #tpu.memory_space<hbm>>
      %dma_wait3A_869 = arith.constant 0 : i32
      %dma_wait3A_870 = arith.constant 0 : i32
      %dma_wait3A_871 = tpu.memref_slice %arg16[%dma_wait3A_869, %dma_wait3A_870] : memref<2816x16xf32, #tpu.memory_space<vmem>> -> memref<2560x16xf32, #tpu.memory_space<vmem>>
      tpu.wait_dma2 semaphore(%arg18 : memref<!tpu.dma_semaphore, #tpu.memory_space<semaphore_mem>>) src(%dma_wait3A_871 : memref<2560x16xf32, #tpu.memory_space<vmem>>) dst(%dma_wait3A_868 : memref<2560x16xf32, #tpu.memory_space<hbm>>)
    }
    %scan3A_526 = arith.constant 12 : i32
    return
  }
}

module attributes {stable_mosaic.version = 14 : i64} {
  func.func @body(%arg0: i32, %arg1: memref<256x48xf32, #tpu.memory_space<vmem>>, %arg2: memref<256x352xf32, #tpu.memory_space<vmem>>, %arg3: memref<256x64xf32, #tpu.memory_space<vmem>>, %arg4: memref<256x128xf32, #tpu.memory_space<vmem>>, %arg5: memref<256x320xf32, #tpu.memory_space<vmem>>, %arg6: memref<256x320xf32, #tpu.memory_space<vmem>>, %arg7: memref<256x320xf32, #tpu.memory_space<vmem>>, %arg8: memref<256x8xi32, #tpu.memory_space<vmem>>, %arg9: memref<800x256xbf16, #tpu.memory_space<vmem>>, %arg10: memref<80x256xbf16, #tpu.memory_space<vmem>>, %arg11: memref<1x256xf32, #tpu.memory_space<vmem>>, %arg12: memref<80x16xbf16, #tpu.memory_space<vmem>>, %arg13: memref<1x16xf32, #tpu.memory_space<vmem>>, %arg14: memref<1x320xf32, #tpu.memory_space<vmem>>, %arg15: memref<320x320xbf16, #tpu.memory_space<vmem>>, %arg16: memref<320x320xbf16, #tpu.memory_space<vmem>>, %arg17: memref<320x320xbf16, #tpu.memory_space<vmem>>, %arg18: memref<320x320xbf16, #tpu.memory_space<vmem>>, %arg19: memref<320x1280xbf16, #tpu.memory_space<vmem>>, %arg20: memref<1280x320xbf16, #tpu.memory_space<vmem>>, %arg21: memref<1x320xf32, #tpu.memory_space<vmem>>, %arg22: memref<1x320xf32, #tpu.memory_space<vmem>>, %arg23: memref<1x320xf32, #tpu.memory_space<vmem>>, %arg24: memref<1x320xf32, #tpu.memory_space<vmem>>, %arg25: memref<1x1280xf32, #tpu.memory_space<vmem>>, %arg26: memref<1x320xf32, #tpu.memory_space<vmem>>, %arg27: memref<1x320xf32, #tpu.memory_space<vmem>>, %arg28: memref<1x320xf32, #tpu.memory_space<vmem>>, %arg29: memref<1x320xf32, #tpu.memory_space<vmem>>, %arg30: memref<1x320xf32, #tpu.memory_space<vmem>>, %arg31: memref<320x320xf32, #tpu.memory_space<vmem>>, %arg32: memref<320x40xbf16, #tpu.memory_space<vmem>>, %arg33: memref<800x40xbf16, #tpu.memory_space<vmem>>, %arg34: memref<40x800xbf16, #tpu.memory_space<vmem>>, %arg35: memref<40x320xbf16, #tpu.memory_space<vmem>>, %arg36: memref<320x16xbf16, #tpu.memory_space<vmem>>, %arg37: memref<320x20xbf16, #tpu.memory_space<vmem>>, %arg38: memref<20x320xbf16, #tpu.memory_space<vmem>>, %arg39: memref<320x16xbf16, #tpu.memory_space<vmem>>, %arg40: memref<256x896xf32, #tpu.memory_space<vmem>>, %arg41: memref<256x256xf32, #tpu.memory_space<vmem>>, %arg42: memref<256x48xf32, #tpu.memory_space<vmem>>) attributes {dimension_semantics = [#tpu.dimension_semantics<arbitrary>], iteration_bounds = array<i64: 64>, scalar_prefetch = 0 : i64, scratch_operands = 0 : i64, tpu.core_type = #tpu.core_type<tc>, window_params = [{transform_indices = @transform_0, window_bounds = array<i64: 256, 48>}, {transform_indices = @transform_1, window_bounds = array<i64: 256, 352>}, {transform_indices = @transform_2, window_bounds = array<i64: 256, 64>}, {transform_indices = @transform_3, window_bounds = array<i64: 256, 128>}, {transform_indices = @transform_4, window_bounds = array<i64: 256, 320>}, {transform_indices = @transform_5, window_bounds = array<i64: 256, 320>}, {transform_indices = @transform_6, window_bounds = array<i64: 256, 320>}, {transform_indices = @transform_7, window_bounds = array<i64: 256, 8>}, {pipeline_mode = #tpu.pipeline_mode<synchronous>, transform_indices = @transform_8, window_bounds = array<i64: 800, 256>}, {pipeline_mode = #tpu.pipeline_mode<synchronous>, transform_indices = @transform_9, window_bounds = array<i64: 80, 256>}, {pipeline_mode = #tpu.pipeline_mode<synchronous>, transform_indices = @transform_10, window_bounds = array<i64: 1, 256>}, {pipeline_mode = #tpu.pipeline_mode<synchronous>, transform_indices = @transform_11, window_bounds = array<i64: 80, 16>}, {pipeline_mode = #tpu.pipeline_mode<synchronous>, transform_indices = @transform_12, window_bounds = array<i64: 1, 16>}, {pipeline_mode = #tpu.pipeline_mode<synchronous>, transform_indices = @transform_13, window_bounds = array<i64: 1, 320>}, {pipeline_mode = #tpu.pipeline_mode<synchronous>, transform_indices = @transform_14, window_bounds = array<i64: 320, 320>}, {pipeline_mode = #tpu.pipeline_mode<synchronous>, transform_indices = @transform_15, window_bounds = array<i64: 320, 320>}, {pipeline_mode = #tpu.pipeline_mode<synchronous>, transform_indices = @transform_16, window_bounds = array<i64: 320, 320>}, {pipeline_mode = #tpu.pipeline_mode<synchronous>, transform_indices = @transform_17, window_bounds = array<i64: 320, 320>}, {pipeline_mode = #tpu.pipeline_mode<synchronous>, transform_indices = @transform_18, window_bounds = array<i64: 320, 1280>}, {pipeline_mode = #tpu.pipeline_mode<synchronous>, transform_indices = @transform_19, window_bounds = array<i64: 1280, 320>}, {pipeline_mode = #tpu.pipeline_mode<synchronous>, transform_indices = @transform_20, window_bounds = array<i64: 1, 320>}, {pipeline_mode = #tpu.pipeline_mode<synchronous>, transform_indices = @transform_21, window_bounds = array<i64: 1, 320>}, {pipeline_mode = #tpu.pipeline_mode<synchronous>, transform_indices = @transform_22, window_bounds = array<i64: 1, 320>}, {pipeline_mode = #tpu.pipeline_mode<synchronous>, transform_indices = @transform_23, window_bounds = array<i64: 1, 320>}, {pipeline_mode = #tpu.pipeline_mode<synchronous>, transform_indices = @transform_24, window_bounds = array<i64: 1, 1280>}, {pipeline_mode = #tpu.pipeline_mode<synchronous>, transform_indices = @transform_25, window_bounds = array<i64: 1, 320>}, {pipeline_mode = #tpu.pipeline_mode<synchronous>, transform_indices = @transform_26, window_bounds = array<i64: 1, 320>}, {pipeline_mode = #tpu.pipeline_mode<synchronous>, transform_indices = @transform_27, window_bounds = array<i64: 1, 320>}, {pipeline_mode = #tpu.pipeline_mode<synchronous>, transform_indices = @transform_28, window_bounds = array<i64: 1, 320>}, {pipeline_mode = #tpu.pipeline_mode<synchronous>, transform_indices = @transform_29, window_bounds = array<i64: 1, 320>}, {pipeline_mode = #tpu.pipeline_mode<synchronous>, transform_indices = @transform_30, window_bounds = array<i64: 320, 320>}, {pipeline_mode = #tpu.pipeline_mode<synchronous>, transform_indices = @transform_31, window_bounds = array<i64: 320, 40>}, {pipeline_mode = #tpu.pipeline_mode<synchronous>, transform_indices = @transform_32, window_bounds = array<i64: 800, 40>}, {pipeline_mode = #tpu.pipeline_mode<synchronous>, transform_indices = @transform_33, window_bounds = array<i64: 40, 800>}, {pipeline_mode = #tpu.pipeline_mode<synchronous>, transform_indices = @transform_34, window_bounds = array<i64: 40, 320>}, {pipeline_mode = #tpu.pipeline_mode<synchronous>, transform_indices = @transform_35, window_bounds = array<i64: 320, 16>}, {pipeline_mode = #tpu.pipeline_mode<synchronous>, transform_indices = @transform_36, window_bounds = array<i64: 320, 20>}, {pipeline_mode = #tpu.pipeline_mode<synchronous>, transform_indices = @transform_37, window_bounds = array<i64: 20, 320>}, {pipeline_mode = #tpu.pipeline_mode<synchronous>, transform_indices = @transform_38, window_bounds = array<i64: 320, 16>}, {transform_indices = @transform_39, window_bounds = array<i64: 256, 896>}, {transform_indices = @transform_40, window_bounds = array<i64: 256, 256>}, {transform_indices = @transform_41, window_bounds = array<i64: 256, 48>}]} {
    %get3A = arith.constant 0 : index
    %get3A_0 = arith.constant 0 : index
    %get3A_1 = vector.load %arg1[%get3A, %get3A_0] : memref<256x48xf32, #tpu.memory_space<vmem>>, vector<256x48xf32>
    %get3A_2 = arith.constant 0 : index
    %get3A_3 = arith.constant 0 : index
    %get3A_4 = vector.load %arg3[%get3A_2, %get3A_3] : memref<256x64xf32, #tpu.memory_space<vmem>>, vector<256x64xf32>
    %slice3A = vector.extract_strided_slice %get3A_1 {offsets = [0, 0], sizes = [256, 16], strides = [1, 1]} : vector<256x48xf32> to vector<256x16xf32>
    %concatenate3A = tpu.concatenate %get3A_4, %slice3A in 1 : vector<256x64xf32>, vector<256x16xf32> -> vector<256x80xf32>
    %convert_element_type3A = arith.truncf %concatenate3A : vector<256x80xf32> to vector<256x80xbf16>
    %get3A_5 = arith.constant 0 : index
    %get3A_6 = arith.constant 0 : index
    %get3A_7 = vector.load %arg10[%get3A_5, %get3A_6] : memref<80x256xbf16, #tpu.memory_space<vmem>>, vector<80x256xbf16>
    %dot_general3A = arith.constant dense<0.000000e+00> : vector<256x256xf32>
    %dot_general3A_8 = tpu.matmul %convert_element_type3A, %get3A_7, %dot_general3A {dimension_numbers = #tpu.dot_dimension_numbers<[1], [0], [0], [1], [0, 0, 1, 1], [], []>, transpose_lhs_hint = false} : vector<256x80xbf16>, vector<80x256xbf16>, vector<256x256xf32> -> vector<256x256xf32>
    %get3A_9 = arith.constant 0 : index
    %get3A_10 = arith.constant 0 : index
    %get3A_11 = vector.load %arg11[%get3A_9, %get3A_10] : memref<1x256xf32, #tpu.memory_space<vmem>>, vector<1x256xf32>
    %add3A = vector.broadcast %get3A_11 : vector<1x256xf32> to vector<256x256xf32>
    %add3A_12 = arith.addf %dot_general3A_8, %add3A : vector<256x256xf32>
    %max3A = arith.constant 0.000000e+00 : f32
    %max3A_13 = vector.broadcast %max3A : f32 to vector<256x256xf32>
    %max3A_14 = arith.maximumf %add3A_12, %max3A_13 : vector<256x256xf32>
    %get3A_15 = arith.constant 0 : index
    %get3A_16 = arith.constant 0 : index
    %get3A_17 = vector.load %arg12[%get3A_15, %get3A_16] : memref<80x16xbf16, #tpu.memory_space<vmem>>, vector<80x16xbf16>
    %dot_general3A_18 = arith.constant dense<0.000000e+00> : vector<256x16xf32>
    %dot_general3A_19 = tpu.matmul %convert_element_type3A, %get3A_17, %dot_general3A_18 {dimension_numbers = #tpu.dot_dimension_numbers<[1], [0], [0], [1], [0, 0, 1, 1], [], []>, transpose_lhs_hint = false} : vector<256x80xbf16>, vector<80x16xbf16>, vector<256x16xf32> -> vector<256x16xf32>
    %get3A_20 = arith.constant 0 : index
    %get3A_21 = arith.constant 0 : index
    %get3A_22 = vector.load %arg13[%get3A_20, %get3A_21] : memref<1x16xf32, #tpu.memory_space<vmem>>, vector<1x16xf32>
    %add3A_23 = vector.broadcast %get3A_22 : vector<1x16xf32> to vector<256x16xf32>
    %add3A_24 = arith.addf %dot_general3A_19, %add3A_23 : vector<256x16xf32>
    %max3A_25 = arith.constant 0.000000e+00 : f32
    %max3A_26 = vector.broadcast %max3A_25 : f32 to vector<256x16xf32>
    %max3A_27 = arith.maximumf %add3A_24, %max3A_26 : vector<256x16xf32>
    %get3A_28 = arith.constant 0 : index
    %get3A_29 = arith.constant 0 : index
    %get3A_30 = vector.load %arg8[%get3A_28, %get3A_29] : memref<256x8xi32, #tpu.memory_space<vmem>>, vector<256x8xi32>
    %iota3A = tpu.iota {dimensions = array<i32: 1>} : vector<1x100xi32>
    %get3A_31 = arith.constant 0 : index
    %get3A_32 = arith.constant 0 : index
    %get3A_33 = vector.load %arg9[%get3A_31, %get3A_32] : memref<800x256xbf16, #tpu.memory_space<vmem>>, vector<800x256xbf16>
    %slice3A_34 = vector.extract_strided_slice %get3A_30 {offsets = [0, 0], sizes = [256, 1], strides = [1, 1]} : vector<256x8xi32> to vector<256x1xi32>
    %eq3A = vector.broadcast %slice3A_34 : vector<256x1xi32> to vector<256x100xi32>
    %eq3A_35 = vector.broadcast %iota3A : vector<1x100xi32> to vector<256x100xi32>
    %eq3A_36 = arith.cmpi eq, %eq3A, %eq3A_35 : vector<256x100xi32>
    %convert_element_type3A_37 = arith.extui %eq3A_36 : vector<256x100xi1> to vector<256x100xi32>
    %convert_element_type3A_38 = arith.sitofp %convert_element_type3A_37 : vector<256x100xi32> to vector<256x100xf32>
    %convert_element_type3A_39 = arith.truncf %convert_element_type3A_38 : vector<256x100xf32> to vector<256x100xbf16>
    %slice3A_40 = vector.extract_strided_slice %get3A_33 {offsets = [0, 0], sizes = [100, 256], strides = [1, 1]} : vector<800x256xbf16> to vector<100x256xbf16>
    %dot_general3A_41 = arith.constant dense<0.000000e+00> : vector<256x256xf32>
    %dot_general3A_42 = tpu.matmul %convert_element_type3A_39, %slice3A_40, %dot_general3A_41 {dimension_numbers = #tpu.dot_dimension_numbers<[1], [0], [0], [1], [0, 0, 1, 1], [], []>, transpose_lhs_hint = false} : vector<256x100xbf16>, vector<100x256xbf16>, vector<256x256xf32> -> vector<256x256xf32>
    %mul3A = arith.mulf %dot_general3A_42, %max3A_14 : vector<256x256xf32>
    %reduce_sum3A = arith.constant dense<0.000000e+00> : vector<256xf32>
    %reduce_sum3A_43 = vector.multi_reduction <add>, %mul3A, %reduce_sum3A [1] : vector<256x256xf32> to vector<256xf32>
    %broadcast_in_dim3A = vector.shape_cast %reduce_sum3A_43 : vector<256xf32> to vector<256x1xf32>
    %mul3A_44 = arith.constant 6.250000e-02 : f32
    %mul3A_45 = vector.broadcast %mul3A_44 : f32 to vector<256x1xf32>
    %mul3A_46 = arith.mulf %broadcast_in_dim3A, %mul3A_45 : vector<256x1xf32>
    %slice3A_47 = vector.extract_strided_slice %get3A_30 {offsets = [0, 1], sizes = [256, 1], strides = [1, 1]} : vector<256x8xi32> to vector<256x1xi32>
    %eq3A_48 = vector.broadcast %slice3A_47 : vector<256x1xi32> to vector<256x100xi32>
    %eq3A_49 = vector.broadcast %iota3A : vector<1x100xi32> to vector<256x100xi32>
    %eq3A_50 = arith.cmpi eq, %eq3A_48, %eq3A_49 : vector<256x100xi32>
    %convert_element_type3A_51 = arith.extui %eq3A_50 : vector<256x100xi1> to vector<256x100xi32>
    %convert_element_type3A_52 = arith.sitofp %convert_element_type3A_51 : vector<256x100xi32> to vector<256x100xf32>
    %convert_element_type3A_53 = arith.truncf %convert_element_type3A_52 : vector<256x100xf32> to vector<256x100xbf16>
    %slice3A_54 = vector.extract_strided_slice %get3A_33 {offsets = [100, 0], sizes = [100, 256], strides = [1, 1]} : vector<800x256xbf16> to vector<100x256xbf16>
    %dot_general3A_55 = arith.constant dense<0.000000e+00> : vector<256x256xf32>
    %dot_general3A_56 = tpu.matmul %convert_element_type3A_53, %slice3A_54, %dot_general3A_55 {dimension_numbers = #tpu.dot_dimension_numbers<[1], [0], [0], [1], [0, 0, 1, 1], [], []>, transpose_lhs_hint = false} : vector<256x100xbf16>, vector<100x256xbf16>, vector<256x256xf32> -> vector<256x256xf32>
    %mul3A_57 = arith.mulf %dot_general3A_56, %max3A_14 : vector<256x256xf32>
    %reduce_sum3A_58 = arith.constant dense<0.000000e+00> : vector<256xf32>
    %reduce_sum3A_59 = vector.multi_reduction <add>, %mul3A_57, %reduce_sum3A_58 [1] : vector<256x256xf32> to vector<256xf32>
    %broadcast_in_dim3A_60 = vector.shape_cast %reduce_sum3A_59 : vector<256xf32> to vector<256x1xf32>
    %mul3A_61 = arith.constant 6.250000e-02 : f32
    %mul3A_62 = vector.broadcast %mul3A_61 : f32 to vector<256x1xf32>
    %mul3A_63 = arith.mulf %broadcast_in_dim3A_60, %mul3A_62 : vector<256x1xf32>
    %slice3A_64 = vector.extract_strided_slice %get3A_30 {offsets = [0, 2], sizes = [256, 1], strides = [1, 1]} : vector<256x8xi32> to vector<256x1xi32>
    %eq3A_65 = vector.broadcast %slice3A_64 : vector<256x1xi32> to vector<256x100xi32>
    %eq3A_66 = vector.broadcast %iota3A : vector<1x100xi32> to vector<256x100xi32>
    %eq3A_67 = arith.cmpi eq, %eq3A_65, %eq3A_66 : vector<256x100xi32>
    %convert_element_type3A_68 = arith.extui %eq3A_67 : vector<256x100xi1> to vector<256x100xi32>
    %convert_element_type3A_69 = arith.sitofp %convert_element_type3A_68 : vector<256x100xi32> to vector<256x100xf32>
    %convert_element_type3A_70 = arith.truncf %convert_element_type3A_69 : vector<256x100xf32> to vector<256x100xbf16>
    %slice3A_71 = vector.extract_strided_slice %get3A_33 {offsets = [200, 0], sizes = [100, 256], strides = [1, 1]} : vector<800x256xbf16> to vector<100x256xbf16>
    %dot_general3A_72 = arith.constant dense<0.000000e+00> : vector<256x256xf32>
    %dot_general3A_73 = tpu.matmul %convert_element_type3A_70, %slice3A_71, %dot_general3A_72 {dimension_numbers = #tpu.dot_dimension_numbers<[1], [0], [0], [1], [0, 0, 1, 1], [], []>, transpose_lhs_hint = false} : vector<256x100xbf16>, vector<100x256xbf16>, vector<256x256xf32> -> vector<256x256xf32>
    %mul3A_74 = arith.mulf %dot_general3A_73, %max3A_14 : vector<256x256xf32>
    %reduce_sum3A_75 = arith.constant dense<0.000000e+00> : vector<256xf32>
    %reduce_sum3A_76 = vector.multi_reduction <add>, %mul3A_74, %reduce_sum3A_75 [1] : vector<256x256xf32> to vector<256xf32>
    %broadcast_in_dim3A_77 = vector.shape_cast %reduce_sum3A_76 : vector<256xf32> to vector<256x1xf32>
    %mul3A_78 = arith.constant 6.250000e-02 : f32
    %mul3A_79 = vector.broadcast %mul3A_78 : f32 to vector<256x1xf32>
    %mul3A_80 = arith.mulf %broadcast_in_dim3A_77, %mul3A_79 : vector<256x1xf32>
    %slice3A_81 = vector.extract_strided_slice %get3A_30 {offsets = [0, 3], sizes = [256, 1], strides = [1, 1]} : vector<256x8xi32> to vector<256x1xi32>
    %eq3A_82 = vector.broadcast %slice3A_81 : vector<256x1xi32> to vector<256x100xi32>
    %eq3A_83 = vector.broadcast %iota3A : vector<1x100xi32> to vector<256x100xi32>
    %eq3A_84 = arith.cmpi eq, %eq3A_82, %eq3A_83 : vector<256x100xi32>
    %convert_element_type3A_85 = arith.extui %eq3A_84 : vector<256x100xi1> to vector<256x100xi32>
    %convert_element_type3A_86 = arith.sitofp %convert_element_type3A_85 : vector<256x100xi32> to vector<256x100xf32>
    %convert_element_type3A_87 = arith.truncf %convert_element_type3A_86 : vector<256x100xf32> to vector<256x100xbf16>
    %slice3A_88 = vector.extract_strided_slice %get3A_33 {offsets = [300, 0], sizes = [100, 256], strides = [1, 1]} : vector<800x256xbf16> to vector<100x256xbf16>
    %dot_general3A_89 = arith.constant dense<0.000000e+00> : vector<256x256xf32>
    %dot_general3A_90 = tpu.matmul %convert_element_type3A_87, %slice3A_88, %dot_general3A_89 {dimension_numbers = #tpu.dot_dimension_numbers<[1], [0], [0], [1], [0, 0, 1, 1], [], []>, transpose_lhs_hint = false} : vector<256x100xbf16>, vector<100x256xbf16>, vector<256x256xf32> -> vector<256x256xf32>
    %mul3A_91 = arith.mulf %dot_general3A_90, %max3A_14 : vector<256x256xf32>
    %reduce_sum3A_92 = arith.constant dense<0.000000e+00> : vector<256xf32>
    %reduce_sum3A_93 = vector.multi_reduction <add>, %mul3A_91, %reduce_sum3A_92 [1] : vector<256x256xf32> to vector<256xf32>
    %broadcast_in_dim3A_94 = vector.shape_cast %reduce_sum3A_93 : vector<256xf32> to vector<256x1xf32>
    %mul3A_95 = arith.constant 6.250000e-02 : f32
    %mul3A_96 = vector.broadcast %mul3A_95 : f32 to vector<256x1xf32>
    %mul3A_97 = arith.mulf %broadcast_in_dim3A_94, %mul3A_96 : vector<256x1xf32>
    %slice3A_98 = vector.extract_strided_slice %get3A_30 {offsets = [0, 4], sizes = [256, 1], strides = [1, 1]} : vector<256x8xi32> to vector<256x1xi32>
    %eq3A_99 = vector.broadcast %slice3A_98 : vector<256x1xi32> to vector<256x100xi32>
    %eq3A_100 = vector.broadcast %iota3A : vector<1x100xi32> to vector<256x100xi32>
    %eq3A_101 = arith.cmpi eq, %eq3A_99, %eq3A_100 : vector<256x100xi32>
    %convert_element_type3A_102 = arith.extui %eq3A_101 : vector<256x100xi1> to vector<256x100xi32>
    %convert_element_type3A_103 = arith.sitofp %convert_element_type3A_102 : vector<256x100xi32> to vector<256x100xf32>
    %convert_element_type3A_104 = arith.truncf %convert_element_type3A_103 : vector<256x100xf32> to vector<256x100xbf16>
    %slice3A_105 = vector.extract_strided_slice %get3A_33 {offsets = [400, 0], sizes = [100, 256], strides = [1, 1]} : vector<800x256xbf16> to vector<100x256xbf16>
    %dot_general3A_106 = arith.constant dense<0.000000e+00> : vector<256x256xf32>
    %dot_general3A_107 = tpu.matmul %convert_element_type3A_104, %slice3A_105, %dot_general3A_106 {dimension_numbers = #tpu.dot_dimension_numbers<[1], [0], [0], [1], [0, 0, 1, 1], [], []>, transpose_lhs_hint = false} : vector<256x100xbf16>, vector<100x256xbf16>, vector<256x256xf32> -> vector<256x256xf32>
    %mul3A_108 = arith.mulf %dot_general3A_107, %max3A_14 : vector<256x256xf32>
    %reduce_sum3A_109 = arith.constant dense<0.000000e+00> : vector<256xf32>
    %reduce_sum3A_110 = vector.multi_reduction <add>, %mul3A_108, %reduce_sum3A_109 [1] : vector<256x256xf32> to vector<256xf32>
    %broadcast_in_dim3A_111 = vector.shape_cast %reduce_sum3A_110 : vector<256xf32> to vector<256x1xf32>
    %mul3A_112 = arith.constant 6.250000e-02 : f32
    %mul3A_113 = vector.broadcast %mul3A_112 : f32 to vector<256x1xf32>
    %mul3A_114 = arith.mulf %broadcast_in_dim3A_111, %mul3A_113 : vector<256x1xf32>
    %slice3A_115 = vector.extract_strided_slice %get3A_30 {offsets = [0, 5], sizes = [256, 1], strides = [1, 1]} : vector<256x8xi32> to vector<256x1xi32>
    %eq3A_116 = vector.broadcast %slice3A_115 : vector<256x1xi32> to vector<256x100xi32>
    %eq3A_117 = vector.broadcast %iota3A : vector<1x100xi32> to vector<256x100xi32>
    %eq3A_118 = arith.cmpi eq, %eq3A_116, %eq3A_117 : vector<256x100xi32>
    %convert_element_type3A_119 = arith.extui %eq3A_118 : vector<256x100xi1> to vector<256x100xi32>
    %convert_element_type3A_120 = arith.sitofp %convert_element_type3A_119 : vector<256x100xi32> to vector<256x100xf32>
    %convert_element_type3A_121 = arith.truncf %convert_element_type3A_120 : vector<256x100xf32> to vector<256x100xbf16>
    %slice3A_122 = vector.extract_strided_slice %get3A_33 {offsets = [500, 0], sizes = [100, 256], strides = [1, 1]} : vector<800x256xbf16> to vector<100x256xbf16>
    %dot_general3A_123 = arith.constant dense<0.000000e+00> : vector<256x256xf32>
    %dot_general3A_124 = tpu.matmul %convert_element_type3A_121, %slice3A_122, %dot_general3A_123 {dimension_numbers = #tpu.dot_dimension_numbers<[1], [0], [0], [1], [0, 0, 1, 1], [], []>, transpose_lhs_hint = false} : vector<256x100xbf16>, vector<100x256xbf16>, vector<256x256xf32> -> vector<256x256xf32>
    %mul3A_125 = arith.mulf %dot_general3A_124, %max3A_14 : vector<256x256xf32>
    %reduce_sum3A_126 = arith.constant dense<0.000000e+00> : vector<256xf32>
    %reduce_sum3A_127 = vector.multi_reduction <add>, %mul3A_125, %reduce_sum3A_126 [1] : vector<256x256xf32> to vector<256xf32>
    %broadcast_in_dim3A_128 = vector.shape_cast %reduce_sum3A_127 : vector<256xf32> to vector<256x1xf32>
    %mul3A_129 = arith.constant 6.250000e-02 : f32
    %mul3A_130 = vector.broadcast %mul3A_129 : f32 to vector<256x1xf32>
    %mul3A_131 = arith.mulf %broadcast_in_dim3A_128, %mul3A_130 : vector<256x1xf32>
    %slice3A_132 = vector.extract_strided_slice %get3A_30 {offsets = [0, 6], sizes = [256, 1], strides = [1, 1]} : vector<256x8xi32> to vector<256x1xi32>
    %eq3A_133 = vector.broadcast %slice3A_132 : vector<256x1xi32> to vector<256x100xi32>
    %eq3A_134 = vector.broadcast %iota3A : vector<1x100xi32> to vector<256x100xi32>
    %eq3A_135 = arith.cmpi eq, %eq3A_133, %eq3A_134 : vector<256x100xi32>
    %convert_element_type3A_136 = arith.extui %eq3A_135 : vector<256x100xi1> to vector<256x100xi32>
    %convert_element_type3A_137 = arith.sitofp %convert_element_type3A_136 : vector<256x100xi32> to vector<256x100xf32>
    %convert_element_type3A_138 = arith.truncf %convert_element_type3A_137 : vector<256x100xf32> to vector<256x100xbf16>
    %slice3A_139 = vector.extract_strided_slice %get3A_33 {offsets = [600, 0], sizes = [100, 256], strides = [1, 1]} : vector<800x256xbf16> to vector<100x256xbf16>
    %dot_general3A_140 = arith.constant dense<0.000000e+00> : vector<256x256xf32>
    %dot_general3A_141 = tpu.matmul %convert_element_type3A_138, %slice3A_139, %dot_general3A_140 {dimension_numbers = #tpu.dot_dimension_numbers<[1], [0], [0], [1], [0, 0, 1, 1], [], []>, transpose_lhs_hint = false} : vector<256x100xbf16>, vector<100x256xbf16>, vector<256x256xf32> -> vector<256x256xf32>
    %mul3A_142 = arith.mulf %dot_general3A_141, %max3A_14 : vector<256x256xf32>
    %reduce_sum3A_143 = arith.constant dense<0.000000e+00> : vector<256xf32>
    %reduce_sum3A_144 = vector.multi_reduction <add>, %mul3A_142, %reduce_sum3A_143 [1] : vector<256x256xf32> to vector<256xf32>
    %broadcast_in_dim3A_145 = vector.shape_cast %reduce_sum3A_144 : vector<256xf32> to vector<256x1xf32>
    %mul3A_146 = arith.constant 6.250000e-02 : f32
    %mul3A_147 = vector.broadcast %mul3A_146 : f32 to vector<256x1xf32>
    %mul3A_148 = arith.mulf %broadcast_in_dim3A_145, %mul3A_147 : vector<256x1xf32>
    %slice3A_149 = vector.extract_strided_slice %get3A_30 {offsets = [0, 7], sizes = [256, 1], strides = [1, 1]} : vector<256x8xi32> to vector<256x1xi32>
    %eq3A_150 = vector.broadcast %slice3A_149 : vector<256x1xi32> to vector<256x100xi32>
    %eq3A_151 = vector.broadcast %iota3A : vector<1x100xi32> to vector<256x100xi32>
    %eq3A_152 = arith.cmpi eq, %eq3A_150, %eq3A_151 : vector<256x100xi32>
    %convert_element_type3A_153 = arith.extui %eq3A_152 : vector<256x100xi1> to vector<256x100xi32>
    %convert_element_type3A_154 = arith.sitofp %convert_element_type3A_153 : vector<256x100xi32> to vector<256x100xf32>
    %convert_element_type3A_155 = arith.truncf %convert_element_type3A_154 : vector<256x100xf32> to vector<256x100xbf16>
    %slice3A_156 = vector.extract_strided_slice %get3A_33 {offsets = [700, 0], sizes = [100, 256], strides = [1, 1]} : vector<800x256xbf16> to vector<100x256xbf16>
    %dot_general3A_157 = arith.constant dense<0.000000e+00> : vector<256x256xf32>
    %dot_general3A_158 = tpu.matmul %convert_element_type3A_155, %slice3A_156, %dot_general3A_157 {dimension_numbers = #tpu.dot_dimension_numbers<[1], [0], [0], [1], [0, 0, 1, 1], [], []>, transpose_lhs_hint = false} : vector<256x100xbf16>, vector<100x256xbf16>, vector<256x256xf32> -> vector<256x256xf32>
    %mul3A_159 = arith.mulf %dot_general3A_158, %max3A_14 : vector<256x256xf32>
    %reduce_sum3A_160 = arith.constant dense<0.000000e+00> : vector<256xf32>
    %reduce_sum3A_161 = vector.multi_reduction <add>, %mul3A_159, %reduce_sum3A_160 [1] : vector<256x256xf32> to vector<256xf32>
    %broadcast_in_dim3A_162 = vector.shape_cast %reduce_sum3A_161 : vector<256xf32> to vector<256x1xf32>
    %mul3A_163 = arith.constant 6.250000e-02 : f32
    %mul3A_164 = vector.broadcast %mul3A_163 : f32 to vector<256x1xf32>
    %mul3A_165 = arith.mulf %broadcast_in_dim3A_162, %mul3A_164 : vector<256x1xf32>
    %concatenate3A_166 = tpu.concatenate %mul3A_46, %mul3A_63, %mul3A_80, %mul3A_97, %mul3A_114, %mul3A_131, %mul3A_148, %mul3A_165 in 1 : vector<256x1xf32>, vector<256x1xf32>, vector<256x1xf32>, vector<256x1xf32>, vector<256x1xf32>, vector<256x1xf32>, vector<256x1xf32>, vector<256x1xf32> -> vector<256x8xf32>
    %reduce_max3A = arith.constant dense<0xFF800000> : vector<256xf32>
    %reduce_max3A_167 = vector.multi_reduction <maximumf>, %concatenate3A_166, %reduce_max3A [1] : vector<256x8xf32> to vector<256xf32>
    %broadcast_in_dim3A_168 = vector.shape_cast %reduce_max3A_167 : vector<256xf32> to vector<256x1xf32>
    %sub3A = vector.broadcast %broadcast_in_dim3A_168 : vector<256x1xf32> to vector<256x8xf32>
    %sub3A_169 = arith.subf %concatenate3A_166, %sub3A : vector<256x8xf32>
    %exp3A = math.exp %sub3A_169 : vector<256x8xf32>
    %reduce_sum3A_170 = arith.constant dense<0.000000e+00> : vector<256xf32>
    %reduce_sum3A_171 = vector.multi_reduction <add>, %exp3A, %reduce_sum3A_170 [1] : vector<256x8xf32> to vector<256xf32>
    %broadcast_in_dim3A_172 = vector.shape_cast %reduce_sum3A_171 : vector<256xf32> to vector<256x1xf32>
    %div3A = vector.broadcast %broadcast_in_dim3A_172 : vector<256x1xf32> to vector<256x8xf32>
    %div3A_173 = arith.divf %exp3A, %div3A : vector<256x8xf32>
    %slice3A_174 = vector.extract_strided_slice %div3A_173 {offsets = [0, 0], sizes = [256, 1], strides = [1, 1]} : vector<256x8xf32> to vector<256x1xf32>
    %mul3A_175 = vector.broadcast %slice3A_174 : vector<256x1xf32> to vector<256x256xf32>
    %mul3A_176 = arith.mulf %mul3A_175, %dot_general3A_42 : vector<256x256xf32>
    %add3A_177 = arith.constant 0.000000e+00 : f32
    %add3A_178 = vector.broadcast %add3A_177 : f32 to vector<256x256xf32>
    %add3A_179 = arith.addf %add3A_178, %mul3A_176 : vector<256x256xf32>
    %slice3A_180 = vector.extract_strided_slice %div3A_173 {offsets = [0, 1], sizes = [256, 1], strides = [1, 1]} : vector<256x8xf32> to vector<256x1xf32>
    %mul3A_181 = vector.broadcast %slice3A_180 : vector<256x1xf32> to vector<256x256xf32>
    %mul3A_182 = arith.mulf %mul3A_181, %dot_general3A_56 : vector<256x256xf32>
    %add3A_183 = arith.addf %add3A_179, %mul3A_182 : vector<256x256xf32>
    %slice3A_184 = vector.extract_strided_slice %div3A_173 {offsets = [0, 2], sizes = [256, 1], strides = [1, 1]} : vector<256x8xf32> to vector<256x1xf32>
    %mul3A_185 = vector.broadcast %slice3A_184 : vector<256x1xf32> to vector<256x256xf32>
    %mul3A_186 = arith.mulf %mul3A_185, %dot_general3A_73 : vector<256x256xf32>
    %add3A_187 = arith.addf %add3A_183, %mul3A_186 : vector<256x256xf32>
    %slice3A_188 = vector.extract_strided_slice %div3A_173 {offsets = [0, 3], sizes = [256, 1], strides = [1, 1]} : vector<256x8xf32> to vector<256x1xf32>
    %mul3A_189 = vector.broadcast %slice3A_188 : vector<256x1xf32> to vector<256x256xf32>
    %mul3A_190 = arith.mulf %mul3A_189, %dot_general3A_90 : vector<256x256xf32>
    %add3A_191 = arith.addf %add3A_187, %mul3A_190 : vector<256x256xf32>
    %slice3A_192 = vector.extract_strided_slice %div3A_173 {offsets = [0, 4], sizes = [256, 1], strides = [1, 1]} : vector<256x8xf32> to vector<256x1xf32>
    %mul3A_193 = vector.broadcast %slice3A_192 : vector<256x1xf32> to vector<256x256xf32>
    %mul3A_194 = arith.mulf %mul3A_193, %dot_general3A_107 : vector<256x256xf32>
    %add3A_195 = arith.addf %add3A_191, %mul3A_194 : vector<256x256xf32>
    %slice3A_196 = vector.extract_strided_slice %div3A_173 {offsets = [0, 5], sizes = [256, 1], strides = [1, 1]} : vector<256x8xf32> to vector<256x1xf32>
    %mul3A_197 = vector.broadcast %slice3A_196 : vector<256x1xf32> to vector<256x256xf32>
    %mul3A_198 = arith.mulf %mul3A_197, %dot_general3A_124 : vector<256x256xf32>
    %add3A_199 = arith.addf %add3A_195, %mul3A_198 : vector<256x256xf32>
    %slice3A_200 = vector.extract_strided_slice %div3A_173 {offsets = [0, 6], sizes = [256, 1], strides = [1, 1]} : vector<256x8xf32> to vector<256x1xf32>
    %mul3A_201 = vector.broadcast %slice3A_200 : vector<256x1xf32> to vector<256x256xf32>
    %mul3A_202 = arith.mulf %mul3A_201, %dot_general3A_141 : vector<256x256xf32>
    %add3A_203 = arith.addf %add3A_199, %mul3A_202 : vector<256x256xf32>
    %slice3A_204 = vector.extract_strided_slice %div3A_173 {offsets = [0, 7], sizes = [256, 1], strides = [1, 1]} : vector<256x8xf32> to vector<256x1xf32>
    %mul3A_205 = vector.broadcast %slice3A_204 : vector<256x1xf32> to vector<256x256xf32>
    %mul3A_206 = arith.mulf %mul3A_205, %dot_general3A_158 : vector<256x256xf32>
    %add3A_207 = arith.addf %add3A_203, %mul3A_206 : vector<256x256xf32>
    %get3A_208 = arith.constant 0 : index
    %get3A_209 = arith.constant 0 : index
    %get3A_210 = vector.load %arg5[%get3A_208, %get3A_209] : memref<256x320xf32, #tpu.memory_space<vmem>>, vector<256x320xf32>
    %get3A_211 = arith.constant 0 : index
    %get3A_212 = arith.constant 0 : index
    %get3A_213 = vector.load %arg6[%get3A_211, %get3A_212] : memref<256x320xf32, #tpu.memory_space<vmem>>, vector<256x320xf32>
    %get3A_214 = arith.constant 0 : index
    %get3A_215 = arith.constant 0 : index
    %get3A_216 = vector.load %arg7[%get3A_214, %get3A_215] : memref<256x320xf32, #tpu.memory_space<vmem>>, vector<256x320xf32>
    %concatenate3A_217 = tpu.concatenate %get3A_210, %get3A_213, %get3A_216 in 0 : vector<256x320xf32>, vector<256x320xf32>, vector<256x320xf32> -> vector<768x320xf32>
    %get3A_218 = arith.constant 0 : index
    %get3A_219 = arith.constant 0 : index
    %get3A_220 = vector.load %arg14[%get3A_218, %get3A_219] : memref<1x320xf32, #tpu.memory_space<vmem>>, vector<1x320xf32>
    %add3A_221 = vector.broadcast %get3A_220 : vector<1x320xf32> to vector<768x320xf32>
    %add3A_222 = arith.addf %concatenate3A_217, %add3A_221 : vector<768x320xf32>
    %get3A_223 = arith.constant 0 : index
    %get3A_224 = arith.constant 0 : index
    %get3A_225 = vector.load %arg31[%get3A_223, %get3A_224] : memref<320x320xf32, #tpu.memory_space<vmem>>, vector<320x320xf32>
    %convert_element_type3A_226 = arith.truncf %add3A_222 : vector<768x320xf32> to vector<768x320xbf16>
    %get3A_227 = arith.constant 0 : index
    %get3A_228 = arith.constant 0 : index
    %get3A_229 = vector.load %arg15[%get3A_227, %get3A_228] : memref<320x320xbf16, #tpu.memory_space<vmem>>, vector<320x320xbf16>
    %dot_general3A_230 = arith.constant dense<0.000000e+00> : vector<768x320xf32>
    %dot_general3A_231 = tpu.matmul %convert_element_type3A_226, %get3A_229, %dot_general3A_230 {dimension_numbers = #tpu.dot_dimension_numbers<[1], [0], [0], [1], [0, 0, 1, 1], [], []>, transpose_lhs_hint = false} : vector<768x320xbf16>, vector<320x320xbf16>, vector<768x320xf32> -> vector<768x320xf32>
    %get3A_232 = arith.constant 0 : index
    %get3A_233 = arith.constant 0 : index
    %get3A_234 = vector.load %arg21[%get3A_232, %get3A_233] : memref<1x320xf32, #tpu.memory_space<vmem>>, vector<1x320xf32>
    %add3A_235 = vector.broadcast %get3A_234 : vector<1x320xf32> to vector<768x320xf32>
    %add3A_236 = arith.addf %dot_general3A_231, %add3A_235 : vector<768x320xf32>
    %convert_element_type3A_237 = arith.truncf %add3A_236 : vector<768x320xf32> to vector<768x320xbf16>
    %get3A_238 = arith.constant 0 : index
    %get3A_239 = arith.constant 0 : index
    %get3A_240 = vector.load %arg16[%get3A_238, %get3A_239] : memref<320x320xbf16, #tpu.memory_space<vmem>>, vector<320x320xbf16>
    %dot_general3A_241 = arith.constant dense<0.000000e+00> : vector<768x320xf32>
    %dot_general3A_242 = tpu.matmul %convert_element_type3A_226, %get3A_240, %dot_general3A_241 {dimension_numbers = #tpu.dot_dimension_numbers<[1], [0], [0], [1], [0, 0, 1, 1], [], []>, transpose_lhs_hint = false} : vector<768x320xbf16>, vector<320x320xbf16>, vector<768x320xf32> -> vector<768x320xf32>
    %get3A_243 = arith.constant 0 : index
    %get3A_244 = arith.constant 0 : index
    %get3A_245 = vector.load %arg22[%get3A_243, %get3A_244] : memref<1x320xf32, #tpu.memory_space<vmem>>, vector<1x320xf32>
    %add3A_246 = vector.broadcast %get3A_245 : vector<1x320xf32> to vector<768x320xf32>
    %add3A_247 = arith.addf %dot_general3A_242, %add3A_246 : vector<768x320xf32>
    %convert_element_type3A_248 = arith.truncf %add3A_247 : vector<768x320xf32> to vector<768x320xbf16>
    %get3A_249 = arith.constant 0 : index
    %get3A_250 = arith.constant 0 : index
    %get3A_251 = vector.load %arg17[%get3A_249, %get3A_250] : memref<320x320xbf16, #tpu.memory_space<vmem>>, vector<320x320xbf16>
    %dot_general3A_252 = arith.constant dense<0.000000e+00> : vector<768x320xf32>
    %dot_general3A_253 = tpu.matmul %convert_element_type3A_226, %get3A_251, %dot_general3A_252 {dimension_numbers = #tpu.dot_dimension_numbers<[1], [0], [0], [1], [0, 0, 1, 1], [], []>, transpose_lhs_hint = false} : vector<768x320xbf16>, vector<320x320xbf16>, vector<768x320xf32> -> vector<768x320xf32>
    %get3A_254 = arith.constant 0 : index
    %get3A_255 = arith.constant 0 : index
    %get3A_256 = vector.load %arg23[%get3A_254, %get3A_255] : memref<1x320xf32, #tpu.memory_space<vmem>>, vector<1x320xf32>
    %add3A_257 = vector.broadcast %get3A_256 : vector<1x320xf32> to vector<768x320xf32>
    %add3A_258 = arith.addf %dot_general3A_253, %add3A_257 : vector<768x320xf32>
    %convert_element_type3A_259 = arith.truncf %add3A_258 : vector<768x320xf32> to vector<768x320xbf16>
    %get3A_260 = arith.constant 0 : index
    %get3A_261 = arith.constant 0 : index
    %get3A_262 = vector.load %arg32[%get3A_260, %get3A_261] : memref<320x40xbf16, #tpu.memory_space<vmem>>, vector<320x40xbf16>
    %slice3A_263 = vector.extract_strided_slice %convert_element_type3A_237 {offsets = [0, 0], sizes = [768, 16], strides = [1, 1]} : vector<768x320xbf16> to vector<768x16xbf16>
    %concatenate3A_264 = tpu.concatenate %slice3A_263, %slice3A_263, %slice3A_263, %slice3A_263, %slice3A_263, %slice3A_263, %slice3A_263, %slice3A_263, %slice3A_263, %slice3A_263, %slice3A_263, %slice3A_263, %slice3A_263, %slice3A_263, %slice3A_263, %slice3A_263, %slice3A_263, %slice3A_263, %slice3A_263, %slice3A_263 in 1 : vector<768x16xbf16>, vector<768x16xbf16>, vector<768x16xbf16>, vector<768x16xbf16>, vector<768x16xbf16>, vector<768x16xbf16>, vector<768x16xbf16>, vector<768x16xbf16>, vector<768x16xbf16>, vector<768x16xbf16>, vector<768x16xbf16>, vector<768x16xbf16>, vector<768x16xbf16>, vector<768x16xbf16>, vector<768x16xbf16>, vector<768x16xbf16>, vector<768x16xbf16>, vector<768x16xbf16>, vector<768x16xbf16>, vector<768x16xbf16> -> vector<768x320xbf16>
    %mul3A_265 = arith.mulf %concatenate3A_264, %convert_element_type3A_248 : vector<768x320xbf16>
    %dot_general3A_266 = arith.constant dense<0.000000e+00> : vector<768x40xf32>
    %dot_general3A_267 = tpu.matmul %mul3A_265, %get3A_262, %dot_general3A_266 {dimension_numbers = #tpu.dot_dimension_numbers<[1], [0], [0], [1], [0, 0, 1, 1], [], []>, transpose_lhs_hint = false} : vector<768x320xbf16>, vector<320x40xbf16>, vector<768x40xf32> -> vector<768x40xf32>
    %slice3A_268 = vector.extract_strided_slice %convert_element_type3A_237 {offsets = [0, 16], sizes = [768, 16], strides = [1, 1]} : vector<768x320xbf16> to vector<768x16xbf16>
    %concatenate3A_269 = tpu.concatenate %slice3A_268, %slice3A_268, %slice3A_268, %slice3A_268, %slice3A_268, %slice3A_268, %slice3A_268, %slice3A_268, %slice3A_268, %slice3A_268, %slice3A_268, %slice3A_268, %slice3A_268, %slice3A_268, %slice3A_268, %slice3A_268, %slice3A_268, %slice3A_268, %slice3A_268, %slice3A_268 in 1 : vector<768x16xbf16>, vector<768x16xbf16>, vector<768x16xbf16>, vector<768x16xbf16>, vector<768x16xbf16>, vector<768x16xbf16>, vector<768x16xbf16>, vector<768x16xbf16>, vector<768x16xbf16>, vector<768x16xbf16>, vector<768x16xbf16>, vector<768x16xbf16>, vector<768x16xbf16>, vector<768x16xbf16>, vector<768x16xbf16>, vector<768x16xbf16>, vector<768x16xbf16>, vector<768x16xbf16>, vector<768x16xbf16>, vector<768x16xbf16> -> vector<768x320xbf16>
    %mul3A_270 = arith.mulf %concatenate3A_269, %convert_element_type3A_248 : vector<768x320xbf16>
    %dot_general3A_271 = arith.constant dense<0.000000e+00> : vector<768x40xf32>
    %dot_general3A_272 = tpu.matmul %mul3A_270, %get3A_262, %dot_general3A_271 {dimension_numbers = #tpu.dot_dimension_numbers<[1], [0], [0], [1], [0, 0, 1, 1], [], []>, transpose_lhs_hint = false} : vector<768x320xbf16>, vector<320x40xbf16>, vector<768x40xf32> -> vector<768x40xf32>
    %slice3A_273 = vector.extract_strided_slice %convert_element_type3A_237 {offsets = [0, 32], sizes = [768, 16], strides = [1, 1]} : vector<768x320xbf16> to vector<768x16xbf16>
    %concatenate3A_274 = tpu.concatenate %slice3A_273, %slice3A_273, %slice3A_273, %slice3A_273, %slice3A_273, %slice3A_273, %slice3A_273, %slice3A_273, %slice3A_273, %slice3A_273, %slice3A_273, %slice3A_273, %slice3A_273, %slice3A_273, %slice3A_273, %slice3A_273, %slice3A_273, %slice3A_273, %slice3A_273, %slice3A_273 in 1 : vector<768x16xbf16>, vector<768x16xbf16>, vector<768x16xbf16>, vector<768x16xbf16>, vector<768x16xbf16>, vector<768x16xbf16>, vector<768x16xbf16>, vector<768x16xbf16>, vector<768x16xbf16>, vector<768x16xbf16>, vector<768x16xbf16>, vector<768x16xbf16>, vector<768x16xbf16>, vector<768x16xbf16>, vector<768x16xbf16>, vector<768x16xbf16>, vector<768x16xbf16>, vector<768x16xbf16>, vector<768x16xbf16>, vector<768x16xbf16> -> vector<768x320xbf16>
    %mul3A_275 = arith.mulf %concatenate3A_274, %convert_element_type3A_248 : vector<768x320xbf16>
    %dot_general3A_276 = arith.constant dense<0.000000e+00> : vector<768x40xf32>
    %dot_general3A_277 = tpu.matmul %mul3A_275, %get3A_262, %dot_general3A_276 {dimension_numbers = #tpu.dot_dimension_numbers<[1], [0], [0], [1], [0, 0, 1, 1], [], []>, transpose_lhs_hint = false} : vector<768x320xbf16>, vector<320x40xbf16>, vector<768x40xf32> -> vector<768x40xf32>
    %slice3A_278 = vector.extract_strided_slice %convert_element_type3A_237 {offsets = [0, 48], sizes = [768, 16], strides = [1, 1]} : vector<768x320xbf16> to vector<768x16xbf16>
    %concatenate3A_279 = tpu.concatenate %slice3A_278, %slice3A_278, %slice3A_278, %slice3A_278, %slice3A_278, %slice3A_278, %slice3A_278, %slice3A_278, %slice3A_278, %slice3A_278, %slice3A_278, %slice3A_278, %slice3A_278, %slice3A_278, %slice3A_278, %slice3A_278, %slice3A_278, %slice3A_278, %slice3A_278, %slice3A_278 in 1 : vector<768x16xbf16>, vector<768x16xbf16>, vector<768x16xbf16>, vector<768x16xbf16>, vector<768x16xbf16>, vector<768x16xbf16>, vector<768x16xbf16>, vector<768x16xbf16>, vector<768x16xbf16>, vector<768x16xbf16>, vector<768x16xbf16>, vector<768x16xbf16>, vector<768x16xbf16>, vector<768x16xbf16>, vector<768x16xbf16>, vector<768x16xbf16>, vector<768x16xbf16>, vector<768x16xbf16>, vector<768x16xbf16>, vector<768x16xbf16> -> vector<768x320xbf16>
    %mul3A_280 = arith.mulf %concatenate3A_279, %convert_element_type3A_248 : vector<768x320xbf16>
    %dot_general3A_281 = arith.constant dense<0.000000e+00> : vector<768x40xf32>
    %dot_general3A_282 = tpu.matmul %mul3A_280, %get3A_262, %dot_general3A_281 {dimension_numbers = #tpu.dot_dimension_numbers<[1], [0], [0], [1], [0, 0, 1, 1], [], []>, transpose_lhs_hint = false} : vector<768x320xbf16>, vector<320x40xbf16>, vector<768x40xf32> -> vector<768x40xf32>
    %slice3A_283 = vector.extract_strided_slice %convert_element_type3A_237 {offsets = [0, 64], sizes = [768, 16], strides = [1, 1]} : vector<768x320xbf16> to vector<768x16xbf16>
    %concatenate3A_284 = tpu.concatenate %slice3A_283, %slice3A_283, %slice3A_283, %slice3A_283, %slice3A_283, %slice3A_283, %slice3A_283, %slice3A_283, %slice3A_283, %slice3A_283, %slice3A_283, %slice3A_283, %slice3A_283, %slice3A_283, %slice3A_283, %slice3A_283, %slice3A_283, %slice3A_283, %slice3A_283, %slice3A_283 in 1 : vector<768x16xbf16>, vector<768x16xbf16>, vector<768x16xbf16>, vector<768x16xbf16>, vector<768x16xbf16>, vector<768x16xbf16>, vector<768x16xbf16>, vector<768x16xbf16>, vector<768x16xbf16>, vector<768x16xbf16>, vector<768x16xbf16>, vector<768x16xbf16>, vector<768x16xbf16>, vector<768x16xbf16>, vector<768x16xbf16>, vector<768x16xbf16>, vector<768x16xbf16>, vector<768x16xbf16>, vector<768x16xbf16>, vector<768x16xbf16> -> vector<768x320xbf16>
    %mul3A_285 = arith.mulf %concatenate3A_284, %convert_element_type3A_248 : vector<768x320xbf16>
    %dot_general3A_286 = arith.constant dense<0.000000e+00> : vector<768x40xf32>
    %dot_general3A_287 = tpu.matmul %mul3A_285, %get3A_262, %dot_general3A_286 {dimension_numbers = #tpu.dot_dimension_numbers<[1], [0], [0], [1], [0, 0, 1, 1], [], []>, transpose_lhs_hint = false} : vector<768x320xbf16>, vector<320x40xbf16>, vector<768x40xf32> -> vector<768x40xf32>
    %slice3A_288 = vector.extract_strided_slice %convert_element_type3A_237 {offsets = [0, 80], sizes = [768, 16], strides = [1, 1]} : vector<768x320xbf16> to vector<768x16xbf16>
    %concatenate3A_289 = tpu.concatenate %slice3A_288, %slice3A_288, %slice3A_288, %slice3A_288, %slice3A_288, %slice3A_288, %slice3A_288, %slice3A_288, %slice3A_288, %slice3A_288, %slice3A_288, %slice3A_288, %slice3A_288, %slice3A_288, %slice3A_288, %slice3A_288, %slice3A_288, %slice3A_288, %slice3A_288, %slice3A_288 in 1 : vector<768x16xbf16>, vector<768x16xbf16>, vector<768x16xbf16>, vector<768x16xbf16>, vector<768x16xbf16>, vector<768x16xbf16>, vector<768x16xbf16>, vector<768x16xbf16>, vector<768x16xbf16>, vector<768x16xbf16>, vector<768x16xbf16>, vector<768x16xbf16>, vector<768x16xbf16>, vector<768x16xbf16>, vector<768x16xbf16>, vector<768x16xbf16>, vector<768x16xbf16>, vector<768x16xbf16>, vector<768x16xbf16>, vector<768x16xbf16> -> vector<768x320xbf16>
    %mul3A_290 = arith.mulf %concatenate3A_289, %convert_element_type3A_248 : vector<768x320xbf16>
    %dot_general3A_291 = arith.constant dense<0.000000e+00> : vector<768x40xf32>
    %dot_general3A_292 = tpu.matmul %mul3A_290, %get3A_262, %dot_general3A_291 {dimension_numbers = #tpu.dot_dimension_numbers<[1], [0], [0], [1], [0, 0, 1, 1], [], []>, transpose_lhs_hint = false} : vector<768x320xbf16>, vector<320x40xbf16>, vector<768x40xf32> -> vector<768x40xf32>
    %slice3A_293 = vector.extract_strided_slice %convert_element_type3A_237 {offsets = [0, 96], sizes = [768, 16], strides = [1, 1]} : vector<768x320xbf16> to vector<768x16xbf16>
    %concatenate3A_294 = tpu.concatenate %slice3A_293, %slice3A_293, %slice3A_293, %slice3A_293, %slice3A_293, %slice3A_293, %slice3A_293, %slice3A_293, %slice3A_293, %slice3A_293, %slice3A_293, %slice3A_293, %slice3A_293, %slice3A_293, %slice3A_293, %slice3A_293, %slice3A_293, %slice3A_293, %slice3A_293, %slice3A_293 in 1 : vector<768x16xbf16>, vector<768x16xbf16>, vector<768x16xbf16>, vector<768x16xbf16>, vector<768x16xbf16>, vector<768x16xbf16>, vector<768x16xbf16>, vector<768x16xbf16>, vector<768x16xbf16>, vector<768x16xbf16>, vector<768x16xbf16>, vector<768x16xbf16>, vector<768x16xbf16>, vector<768x16xbf16>, vector<768x16xbf16>, vector<768x16xbf16>, vector<768x16xbf16>, vector<768x16xbf16>, vector<768x16xbf16>, vector<768x16xbf16> -> vector<768x320xbf16>
    %mul3A_295 = arith.mulf %concatenate3A_294, %convert_element_type3A_248 : vector<768x320xbf16>
    %dot_general3A_296 = arith.constant dense<0.000000e+00> : vector<768x40xf32>
    %dot_general3A_297 = tpu.matmul %mul3A_295, %get3A_262, %dot_general3A_296 {dimension_numbers = #tpu.dot_dimension_numbers<[1], [0], [0], [1], [0, 0, 1, 1], [], []>, transpose_lhs_hint = false} : vector<768x320xbf16>, vector<320x40xbf16>, vector<768x40xf32> -> vector<768x40xf32>
    %slice3A_298 = vector.extract_strided_slice %convert_element_type3A_237 {offsets = [0, 112], sizes = [768, 16], strides = [1, 1]} : vector<768x320xbf16> to vector<768x16xbf16>
    %concatenate3A_299 = tpu.concatenate %slice3A_298, %slice3A_298, %slice3A_298, %slice3A_298, %slice3A_298, %slice3A_298, %slice3A_298, %slice3A_298, %slice3A_298, %slice3A_298, %slice3A_298, %slice3A_298, %slice3A_298, %slice3A_298, %slice3A_298, %slice3A_298, %slice3A_298, %slice3A_298, %slice3A_298, %slice3A_298 in 1 : vector<768x16xbf16>, vector<768x16xbf16>, vector<768x16xbf16>, vector<768x16xbf16>, vector<768x16xbf16>, vector<768x16xbf16>, vector<768x16xbf16>, vector<768x16xbf16>, vector<768x16xbf16>, vector<768x16xbf16>, vector<768x16xbf16>, vector<768x16xbf16>, vector<768x16xbf16>, vector<768x16xbf16>, vector<768x16xbf16>, vector<768x16xbf16>, vector<768x16xbf16>, vector<768x16xbf16>, vector<768x16xbf16>, vector<768x16xbf16> -> vector<768x320xbf16>
    %mul3A_300 = arith.mulf %concatenate3A_299, %convert_element_type3A_248 : vector<768x320xbf16>
    %dot_general3A_301 = arith.constant dense<0.000000e+00> : vector<768x40xf32>
    %dot_general3A_302 = tpu.matmul %mul3A_300, %get3A_262, %dot_general3A_301 {dimension_numbers = #tpu.dot_dimension_numbers<[1], [0], [0], [1], [0, 0, 1, 1], [], []>, transpose_lhs_hint = false} : vector<768x320xbf16>, vector<320x40xbf16>, vector<768x40xf32> -> vector<768x40xf32>
    %slice3A_303 = vector.extract_strided_slice %convert_element_type3A_237 {offsets = [0, 128], sizes = [768, 16], strides = [1, 1]} : vector<768x320xbf16> to vector<768x16xbf16>
    %concatenate3A_304 = tpu.concatenate %slice3A_303, %slice3A_303, %slice3A_303, %slice3A_303, %slice3A_303, %slice3A_303, %slice3A_303, %slice3A_303, %slice3A_303, %slice3A_303, %slice3A_303, %slice3A_303, %slice3A_303, %slice3A_303, %slice3A_303, %slice3A_303, %slice3A_303, %slice3A_303, %slice3A_303, %slice3A_303 in 1 : vector<768x16xbf16>, vector<768x16xbf16>, vector<768x16xbf16>, vector<768x16xbf16>, vector<768x16xbf16>, vector<768x16xbf16>, vector<768x16xbf16>, vector<768x16xbf16>, vector<768x16xbf16>, vector<768x16xbf16>, vector<768x16xbf16>, vector<768x16xbf16>, vector<768x16xbf16>, vector<768x16xbf16>, vector<768x16xbf16>, vector<768x16xbf16>, vector<768x16xbf16>, vector<768x16xbf16>, vector<768x16xbf16>, vector<768x16xbf16> -> vector<768x320xbf16>
    %mul3A_305 = arith.mulf %concatenate3A_304, %convert_element_type3A_248 : vector<768x320xbf16>
    %dot_general3A_306 = arith.constant dense<0.000000e+00> : vector<768x40xf32>
    %dot_general3A_307 = tpu.matmul %mul3A_305, %get3A_262, %dot_general3A_306 {dimension_numbers = #tpu.dot_dimension_numbers<[1], [0], [0], [1], [0, 0, 1, 1], [], []>, transpose_lhs_hint = false} : vector<768x320xbf16>, vector<320x40xbf16>, vector<768x40xf32> -> vector<768x40xf32>
    %slice3A_308 = vector.extract_strided_slice %convert_element_type3A_237 {offsets = [0, 144], sizes = [768, 16], strides = [1, 1]} : vector<768x320xbf16> to vector<768x16xbf16>
    %concatenate3A_309 = tpu.concatenate %slice3A_308, %slice3A_308, %slice3A_308, %slice3A_308, %slice3A_308, %slice3A_308, %slice3A_308, %slice3A_308, %slice3A_308, %slice3A_308, %slice3A_308, %slice3A_308, %slice3A_308, %slice3A_308, %slice3A_308, %slice3A_308, %slice3A_308, %slice3A_308, %slice3A_308, %slice3A_308 in 1 : vector<768x16xbf16>, vector<768x16xbf16>, vector<768x16xbf16>, vector<768x16xbf16>, vector<768x16xbf16>, vector<768x16xbf16>, vector<768x16xbf16>, vector<768x16xbf16>, vector<768x16xbf16>, vector<768x16xbf16>, vector<768x16xbf16>, vector<768x16xbf16>, vector<768x16xbf16>, vector<768x16xbf16>, vector<768x16xbf16>, vector<768x16xbf16>, vector<768x16xbf16>, vector<768x16xbf16>, vector<768x16xbf16>, vector<768x16xbf16> -> vector<768x320xbf16>
    %mul3A_310 = arith.mulf %concatenate3A_309, %convert_element_type3A_248 : vector<768x320xbf16>
    %dot_general3A_311 = arith.constant dense<0.000000e+00> : vector<768x40xf32>
    %dot_general3A_312 = tpu.matmul %mul3A_310, %get3A_262, %dot_general3A_311 {dimension_numbers = #tpu.dot_dimension_numbers<[1], [0], [0], [1], [0, 0, 1, 1], [], []>, transpose_lhs_hint = false} : vector<768x320xbf16>, vector<320x40xbf16>, vector<768x40xf32> -> vector<768x40xf32>
    %slice3A_313 = vector.extract_strided_slice %convert_element_type3A_237 {offsets = [0, 160], sizes = [768, 16], strides = [1, 1]} : vector<768x320xbf16> to vector<768x16xbf16>
    %concatenate3A_314 = tpu.concatenate %slice3A_313, %slice3A_313, %slice3A_313, %slice3A_313, %slice3A_313, %slice3A_313, %slice3A_313, %slice3A_313, %slice3A_313, %slice3A_313, %slice3A_313, %slice3A_313, %slice3A_313, %slice3A_313, %slice3A_313, %slice3A_313, %slice3A_313, %slice3A_313, %slice3A_313, %slice3A_313 in 1 : vector<768x16xbf16>, vector<768x16xbf16>, vector<768x16xbf16>, vector<768x16xbf16>, vector<768x16xbf16>, vector<768x16xbf16>, vector<768x16xbf16>, vector<768x16xbf16>, vector<768x16xbf16>, vector<768x16xbf16>, vector<768x16xbf16>, vector<768x16xbf16>, vector<768x16xbf16>, vector<768x16xbf16>, vector<768x16xbf16>, vector<768x16xbf16>, vector<768x16xbf16>, vector<768x16xbf16>, vector<768x16xbf16>, vector<768x16xbf16> -> vector<768x320xbf16>
    %mul3A_315 = arith.mulf %concatenate3A_314, %convert_element_type3A_248 : vector<768x320xbf16>
    %dot_general3A_316 = arith.constant dense<0.000000e+00> : vector<768x40xf32>
    %dot_general3A_317 = tpu.matmul %mul3A_315, %get3A_262, %dot_general3A_316 {dimension_numbers = #tpu.dot_dimension_numbers<[1], [0], [0], [1], [0, 0, 1, 1], [], []>, transpose_lhs_hint = false} : vector<768x320xbf16>, vector<320x40xbf16>, vector<768x40xf32> -> vector<768x40xf32>
    %slice3A_318 = vector.extract_strided_slice %convert_element_type3A_237 {offsets = [0, 176], sizes = [768, 16], strides = [1, 1]} : vector<768x320xbf16> to vector<768x16xbf16>
    %concatenate3A_319 = tpu.concatenate %slice3A_318, %slice3A_318, %slice3A_318, %slice3A_318, %slice3A_318, %slice3A_318, %slice3A_318, %slice3A_318, %slice3A_318, %slice3A_318, %slice3A_318, %slice3A_318, %slice3A_318, %slice3A_318, %slice3A_318, %slice3A_318, %slice3A_318, %slice3A_318, %slice3A_318, %slice3A_318 in 1 : vector<768x16xbf16>, vector<768x16xbf16>, vector<768x16xbf16>, vector<768x16xbf16>, vector<768x16xbf16>, vector<768x16xbf16>, vector<768x16xbf16>, vector<768x16xbf16>, vector<768x16xbf16>, vector<768x16xbf16>, vector<768x16xbf16>, vector<768x16xbf16>, vector<768x16xbf16>, vector<768x16xbf16>, vector<768x16xbf16>, vector<768x16xbf16>, vector<768x16xbf16>, vector<768x16xbf16>, vector<768x16xbf16>, vector<768x16xbf16> -> vector<768x320xbf16>
    %mul3A_320 = arith.mulf %concatenate3A_319, %convert_element_type3A_248 : vector<768x320xbf16>
    %dot_general3A_321 = arith.constant dense<0.000000e+00> : vector<768x40xf32>
    %dot_general3A_322 = tpu.matmul %mul3A_320, %get3A_262, %dot_general3A_321 {dimension_numbers = #tpu.dot_dimension_numbers<[1], [0], [0], [1], [0, 0, 1, 1], [], []>, transpose_lhs_hint = false} : vector<768x320xbf16>, vector<320x40xbf16>, vector<768x40xf32> -> vector<768x40xf32>
    %slice3A_323 = vector.extract_strided_slice %convert_element_type3A_237 {offsets = [0, 192], sizes = [768, 16], strides = [1, 1]} : vector<768x320xbf16> to vector<768x16xbf16>
    %concatenate3A_324 = tpu.concatenate %slice3A_323, %slice3A_323, %slice3A_323, %slice3A_323, %slice3A_323, %slice3A_323, %slice3A_323, %slice3A_323, %slice3A_323, %slice3A_323, %slice3A_323, %slice3A_323, %slice3A_323, %slice3A_323, %slice3A_323, %slice3A_323, %slice3A_323, %slice3A_323, %slice3A_323, %slice3A_323 in 1 : vector<768x16xbf16>, vector<768x16xbf16>, vector<768x16xbf16>, vector<768x16xbf16>, vector<768x16xbf16>, vector<768x16xbf16>, vector<768x16xbf16>, vector<768x16xbf16>, vector<768x16xbf16>, vector<768x16xbf16>, vector<768x16xbf16>, vector<768x16xbf16>, vector<768x16xbf16>, vector<768x16xbf16>, vector<768x16xbf16>, vector<768x16xbf16>, vector<768x16xbf16>, vector<768x16xbf16>, vector<768x16xbf16>, vector<768x16xbf16> -> vector<768x320xbf16>
    %mul3A_325 = arith.mulf %concatenate3A_324, %convert_element_type3A_248 : vector<768x320xbf16>
    %dot_general3A_326 = arith.constant dense<0.000000e+00> : vector<768x40xf32>
    %dot_general3A_327 = tpu.matmul %mul3A_325, %get3A_262, %dot_general3A_326 {dimension_numbers = #tpu.dot_dimension_numbers<[1], [0], [0], [1], [0, 0, 1, 1], [], []>, transpose_lhs_hint = false} : vector<768x320xbf16>, vector<320x40xbf16>, vector<768x40xf32> -> vector<768x40xf32>
    %slice3A_328 = vector.extract_strided_slice %convert_element_type3A_237 {offsets = [0, 208], sizes = [768, 16], strides = [1, 1]} : vector<768x320xbf16> to vector<768x16xbf16>
    %concatenate3A_329 = tpu.concatenate %slice3A_328, %slice3A_328, %slice3A_328, %slice3A_328, %slice3A_328, %slice3A_328, %slice3A_328, %slice3A_328, %slice3A_328, %slice3A_328, %slice3A_328, %slice3A_328, %slice3A_328, %slice3A_328, %slice3A_328, %slice3A_328, %slice3A_328, %slice3A_328, %slice3A_328, %slice3A_328 in 1 : vector<768x16xbf16>, vector<768x16xbf16>, vector<768x16xbf16>, vector<768x16xbf16>, vector<768x16xbf16>, vector<768x16xbf16>, vector<768x16xbf16>, vector<768x16xbf16>, vector<768x16xbf16>, vector<768x16xbf16>, vector<768x16xbf16>, vector<768x16xbf16>, vector<768x16xbf16>, vector<768x16xbf16>, vector<768x16xbf16>, vector<768x16xbf16>, vector<768x16xbf16>, vector<768x16xbf16>, vector<768x16xbf16>, vector<768x16xbf16> -> vector<768x320xbf16>
    %mul3A_330 = arith.mulf %concatenate3A_329, %convert_element_type3A_248 : vector<768x320xbf16>
    %dot_general3A_331 = arith.constant dense<0.000000e+00> : vector<768x40xf32>
    %dot_general3A_332 = tpu.matmul %mul3A_330, %get3A_262, %dot_general3A_331 {dimension_numbers = #tpu.dot_dimension_numbers<[1], [0], [0], [1], [0, 0, 1, 1], [], []>, transpose_lhs_hint = false} : vector<768x320xbf16>, vector<320x40xbf16>, vector<768x40xf32> -> vector<768x40xf32>
    %slice3A_333 = vector.extract_strided_slice %convert_element_type3A_237 {offsets = [0, 224], sizes = [768, 16], strides = [1, 1]} : vector<768x320xbf16> to vector<768x16xbf16>
    %concatenate3A_334 = tpu.concatenate %slice3A_333, %slice3A_333, %slice3A_333, %slice3A_333, %slice3A_333, %slice3A_333, %slice3A_333, %slice3A_333, %slice3A_333, %slice3A_333, %slice3A_333, %slice3A_333, %slice3A_333, %slice3A_333, %slice3A_333, %slice3A_333, %slice3A_333, %slice3A_333, %slice3A_333, %slice3A_333 in 1 : vector<768x16xbf16>, vector<768x16xbf16>, vector<768x16xbf16>, vector<768x16xbf16>, vector<768x16xbf16>, vector<768x16xbf16>, vector<768x16xbf16>, vector<768x16xbf16>, vector<768x16xbf16>, vector<768x16xbf16>, vector<768x16xbf16>, vector<768x16xbf16>, vector<768x16xbf16>, vector<768x16xbf16>, vector<768x16xbf16>, vector<768x16xbf16>, vector<768x16xbf16>, vector<768x16xbf16>, vector<768x16xbf16>, vector<768x16xbf16> -> vector<768x320xbf16>
    %mul3A_335 = arith.mulf %concatenate3A_334, %convert_element_type3A_248 : vector<768x320xbf16>
    %dot_general3A_336 = arith.constant dense<0.000000e+00> : vector<768x40xf32>
    %dot_general3A_337 = tpu.matmul %mul3A_335, %get3A_262, %dot_general3A_336 {dimension_numbers = #tpu.dot_dimension_numbers<[1], [0], [0], [1], [0, 0, 1, 1], [], []>, transpose_lhs_hint = false} : vector<768x320xbf16>, vector<320x40xbf16>, vector<768x40xf32> -> vector<768x40xf32>
    %slice3A_338 = vector.extract_strided_slice %convert_element_type3A_237 {offsets = [0, 240], sizes = [768, 16], strides = [1, 1]} : vector<768x320xbf16> to vector<768x16xbf16>
    %concatenate3A_339 = tpu.concatenate %slice3A_338, %slice3A_338, %slice3A_338, %slice3A_338, %slice3A_338, %slice3A_338, %slice3A_338, %slice3A_338, %slice3A_338, %slice3A_338, %slice3A_338, %slice3A_338, %slice3A_338, %slice3A_338, %slice3A_338, %slice3A_338, %slice3A_338, %slice3A_338, %slice3A_338, %slice3A_338 in 1 : vector<768x16xbf16>, vector<768x16xbf16>, vector<768x16xbf16>, vector<768x16xbf16>, vector<768x16xbf16>, vector<768x16xbf16>, vector<768x16xbf16>, vector<768x16xbf16>, vector<768x16xbf16>, vector<768x16xbf16>, vector<768x16xbf16>, vector<768x16xbf16>, vector<768x16xbf16>, vector<768x16xbf16>, vector<768x16xbf16>, vector<768x16xbf16>, vector<768x16xbf16>, vector<768x16xbf16>, vector<768x16xbf16>, vector<768x16xbf16> -> vector<768x320xbf16>
    %mul3A_340 = arith.mulf %concatenate3A_339, %convert_element_type3A_248 : vector<768x320xbf16>
    %dot_general3A_341 = arith.constant dense<0.000000e+00> : vector<768x40xf32>
    %dot_general3A_342 = tpu.matmul %mul3A_340, %get3A_262, %dot_general3A_341 {dimension_numbers = #tpu.dot_dimension_numbers<[1], [0], [0], [1], [0, 0, 1, 1], [], []>, transpose_lhs_hint = false} : vector<768x320xbf16>, vector<320x40xbf16>, vector<768x40xf32> -> vector<768x40xf32>
    %slice3A_343 = vector.extract_strided_slice %convert_element_type3A_237 {offsets = [0, 256], sizes = [768, 16], strides = [1, 1]} : vector<768x320xbf16> to vector<768x16xbf16>
    %concatenate3A_344 = tpu.concatenate %slice3A_343, %slice3A_343, %slice3A_343, %slice3A_343, %slice3A_343, %slice3A_343, %slice3A_343, %slice3A_343, %slice3A_343, %slice3A_343, %slice3A_343, %slice3A_343, %slice3A_343, %slice3A_343, %slice3A_343, %slice3A_343, %slice3A_343, %slice3A_343, %slice3A_343, %slice3A_343 in 1 : vector<768x16xbf16>, vector<768x16xbf16>, vector<768x16xbf16>, vector<768x16xbf16>, vector<768x16xbf16>, vector<768x16xbf16>, vector<768x16xbf16>, vector<768x16xbf16>, vector<768x16xbf16>, vector<768x16xbf16>, vector<768x16xbf16>, vector<768x16xbf16>, vector<768x16xbf16>, vector<768x16xbf16>, vector<768x16xbf16>, vector<768x16xbf16>, vector<768x16xbf16>, vector<768x16xbf16>, vector<768x16xbf16>, vector<768x16xbf16> -> vector<768x320xbf16>
    %mul3A_345 = arith.mulf %concatenate3A_344, %convert_element_type3A_248 : vector<768x320xbf16>
    %dot_general3A_346 = arith.constant dense<0.000000e+00> : vector<768x40xf32>
    %dot_general3A_347 = tpu.matmul %mul3A_345, %get3A_262, %dot_general3A_346 {dimension_numbers = #tpu.dot_dimension_numbers<[1], [0], [0], [1], [0, 0, 1, 1], [], []>, transpose_lhs_hint = false} : vector<768x320xbf16>, vector<320x40xbf16>, vector<768x40xf32> -> vector<768x40xf32>
    %slice3A_348 = vector.extract_strided_slice %convert_element_type3A_237 {offsets = [0, 272], sizes = [768, 16], strides = [1, 1]} : vector<768x320xbf16> to vector<768x16xbf16>
    %concatenate3A_349 = tpu.concatenate %slice3A_348, %slice3A_348, %slice3A_348, %slice3A_348, %slice3A_348, %slice3A_348, %slice3A_348, %slice3A_348, %slice3A_348, %slice3A_348, %slice3A_348, %slice3A_348, %slice3A_348, %slice3A_348, %slice3A_348, %slice3A_348, %slice3A_348, %slice3A_348, %slice3A_348, %slice3A_348 in 1 : vector<768x16xbf16>, vector<768x16xbf16>, vector<768x16xbf16>, vector<768x16xbf16>, vector<768x16xbf16>, vector<768x16xbf16>, vector<768x16xbf16>, vector<768x16xbf16>, vector<768x16xbf16>, vector<768x16xbf16>, vector<768x16xbf16>, vector<768x16xbf16>, vector<768x16xbf16>, vector<768x16xbf16>, vector<768x16xbf16>, vector<768x16xbf16>, vector<768x16xbf16>, vector<768x16xbf16>, vector<768x16xbf16>, vector<768x16xbf16> -> vector<768x320xbf16>
    %mul3A_350 = arith.mulf %concatenate3A_349, %convert_element_type3A_248 : vector<768x320xbf16>
    %dot_general3A_351 = arith.constant dense<0.000000e+00> : vector<768x40xf32>
    %dot_general3A_352 = tpu.matmul %mul3A_350, %get3A_262, %dot_general3A_351 {dimension_numbers = #tpu.dot_dimension_numbers<[1], [0], [0], [1], [0, 0, 1, 1], [], []>, transpose_lhs_hint = false} : vector<768x320xbf16>, vector<320x40xbf16>, vector<768x40xf32> -> vector<768x40xf32>
    %slice3A_353 = vector.extract_strided_slice %convert_element_type3A_237 {offsets = [0, 288], sizes = [768, 16], strides = [1, 1]} : vector<768x320xbf16> to vector<768x16xbf16>
    %concatenate3A_354 = tpu.concatenate %slice3A_353, %slice3A_353, %slice3A_353, %slice3A_353, %slice3A_353, %slice3A_353, %slice3A_353, %slice3A_353, %slice3A_353, %slice3A_353, %slice3A_353, %slice3A_353, %slice3A_353, %slice3A_353, %slice3A_353, %slice3A_353, %slice3A_353, %slice3A_353, %slice3A_353, %slice3A_353 in 1 : vector<768x16xbf16>, vector<768x16xbf16>, vector<768x16xbf16>, vector<768x16xbf16>, vector<768x16xbf16>, vector<768x16xbf16>, vector<768x16xbf16>, vector<768x16xbf16>, vector<768x16xbf16>, vector<768x16xbf16>, vector<768x16xbf16>, vector<768x16xbf16>, vector<768x16xbf16>, vector<768x16xbf16>, vector<768x16xbf16>, vector<768x16xbf16>, vector<768x16xbf16>, vector<768x16xbf16>, vector<768x16xbf16>, vector<768x16xbf16> -> vector<768x320xbf16>
    %mul3A_355 = arith.mulf %concatenate3A_354, %convert_element_type3A_248 : vector<768x320xbf16>
    %dot_general3A_356 = arith.constant dense<0.000000e+00> : vector<768x40xf32>
    %dot_general3A_357 = tpu.matmul %mul3A_355, %get3A_262, %dot_general3A_356 {dimension_numbers = #tpu.dot_dimension_numbers<[1], [0], [0], [1], [0, 0, 1, 1], [], []>, transpose_lhs_hint = false} : vector<768x320xbf16>, vector<320x40xbf16>, vector<768x40xf32> -> vector<768x40xf32>
    %slice3A_358 = vector.extract_strided_slice %convert_element_type3A_237 {offsets = [0, 304], sizes = [768, 16], strides = [1, 1]} : vector<768x320xbf16> to vector<768x16xbf16>
    %concatenate3A_359 = tpu.concatenate %slice3A_358, %slice3A_358, %slice3A_358, %slice3A_358, %slice3A_358, %slice3A_358, %slice3A_358, %slice3A_358, %slice3A_358, %slice3A_358, %slice3A_358, %slice3A_358, %slice3A_358, %slice3A_358, %slice3A_358, %slice3A_358, %slice3A_358, %slice3A_358, %slice3A_358, %slice3A_358 in 1 : vector<768x16xbf16>, vector<768x16xbf16>, vector<768x16xbf16>, vector<768x16xbf16>, vector<768x16xbf16>, vector<768x16xbf16>, vector<768x16xbf16>, vector<768x16xbf16>, vector<768x16xbf16>, vector<768x16xbf16>, vector<768x16xbf16>, vector<768x16xbf16>, vector<768x16xbf16>, vector<768x16xbf16>, vector<768x16xbf16>, vector<768x16xbf16>, vector<768x16xbf16>, vector<768x16xbf16>, vector<768x16xbf16>, vector<768x16xbf16> -> vector<768x320xbf16>
    %mul3A_360 = arith.mulf %concatenate3A_359, %convert_element_type3A_248 : vector<768x320xbf16>
    %dot_general3A_361 = arith.constant dense<0.000000e+00> : vector<768x40xf32>
    %dot_general3A_362 = tpu.matmul %mul3A_360, %get3A_262, %dot_general3A_361 {dimension_numbers = #tpu.dot_dimension_numbers<[1], [0], [0], [1], [0, 0, 1, 1], [], []>, transpose_lhs_hint = false} : vector<768x320xbf16>, vector<320x40xbf16>, vector<768x40xf32> -> vector<768x40xf32>
    %concatenate3A_363 = tpu.concatenate %dot_general3A_267, %dot_general3A_272, %dot_general3A_277, %dot_general3A_282, %dot_general3A_287, %dot_general3A_292, %dot_general3A_297, %dot_general3A_302, %dot_general3A_307, %dot_general3A_312, %dot_general3A_317, %dot_general3A_322, %dot_general3A_327, %dot_general3A_332, %dot_general3A_337, %dot_general3A_342, %dot_general3A_347, %dot_general3A_352, %dot_general3A_357, %dot_general3A_362 in 1 : vector<768x40xf32>, vector<768x40xf32>, vector<768x40xf32>, vector<768x40xf32>, vector<768x40xf32>, vector<768x40xf32>, vector<768x40xf32>, vector<768x40xf32>, vector<768x40xf32>, vector<768x40xf32>, vector<768x40xf32>, vector<768x40xf32>, vector<768x40xf32>, vector<768x40xf32>, vector<768x40xf32>, vector<768x40xf32>, vector<768x40xf32>, vector<768x40xf32>, vector<768x40xf32>, vector<768x40xf32> -> vector<768x800xf32>
    %exp3A_364 = math.exp %concatenate3A_363 : vector<768x800xf32>
    %sub3A_365 = arith.constant 1.000000e+00 : f32
    %sub3A_366 = vector.broadcast %sub3A_365 : f32 to vector<768x800xf32>
    %sub3A_367 = arith.subf %exp3A_364, %sub3A_366 : vector<768x800xf32>
    %convert_element_type3A_368 = arith.truncf %sub3A_367 : vector<768x800xf32> to vector<768x800xbf16>
    %get3A_369 = arith.constant 0 : index
    %get3A_370 = arith.constant 0 : index
    %get3A_371 = vector.load %arg33[%get3A_369, %get3A_370] : memref<800x40xbf16, #tpu.memory_space<vmem>>, vector<800x40xbf16>
    %dot_general3A_372 = arith.constant dense<0.000000e+00> : vector<768x40xf32>
    %dot_general3A_373 = tpu.matmul %convert_element_type3A_368, %get3A_371, %dot_general3A_372 {dimension_numbers = #tpu.dot_dimension_numbers<[1], [0], [0], [1], [0, 0, 1, 1], [], []>, transpose_lhs_hint = false} : vector<768x800xbf16>, vector<800x40xbf16>, vector<768x40xf32> -> vector<768x40xf32>
    %add3A_374 = arith.constant 2.000000e+01 : f32
    %add3A_375 = vector.broadcast %add3A_374 : f32 to vector<768x40xf32>
    %add3A_376 = arith.addf %add3A_375, %dot_general3A_373 : vector<768x40xf32>
    %div3A_377 = arith.constant 1.000000e+00 : f32
    %div3A_378 = vector.broadcast %div3A_377 : f32 to vector<768x40xf32>
    %div3A_379 = arith.divf %div3A_378, %add3A_376 : vector<768x40xf32>
    %convert_element_type3A_380 = arith.truncf %div3A_379 : vector<768x40xf32> to vector<768x40xbf16>
    %get3A_381 = arith.constant 0 : index
    %get3A_382 = arith.constant 0 : index
    %get3A_383 = vector.load %arg34[%get3A_381, %get3A_382] : memref<40x800xbf16, #tpu.memory_space<vmem>>, vector<40x800xbf16>
    %dot_general3A_384 = arith.constant dense<0.000000e+00> : vector<768x800xf32>
    %dot_general3A_385 = tpu.matmul %convert_element_type3A_380, %get3A_383, %dot_general3A_384 {dimension_numbers = #tpu.dot_dimension_numbers<[1], [0], [0], [1], [0, 0, 1, 1], [], []>, transpose_lhs_hint = false} : vector<768x40xbf16>, vector<40x800xbf16>, vector<768x800xf32> -> vector<768x800xf32>
    %mul3A_386 = arith.mulf %exp3A_364, %dot_general3A_385 : vector<768x800xf32>
    %convert_element_type3A_387 = arith.truncf %mul3A_386 : vector<768x800xf32> to vector<768x800xbf16>
    %get3A_388 = arith.constant 0 : index
    %get3A_389 = arith.constant 0 : index
    %get3A_390 = vector.load %arg35[%get3A_388, %get3A_389] : memref<40x320xbf16, #tpu.memory_space<vmem>>, vector<40x320xbf16>
    %get3A_391 = arith.constant 0 : index
    %get3A_392 = arith.constant 0 : index
    %get3A_393 = vector.load %arg36[%get3A_391, %get3A_392] : memref<320x16xbf16, #tpu.memory_space<vmem>>, vector<320x16xbf16>
    %slice3A_394 = vector.extract_strided_slice %convert_element_type3A_387 {offsets = [0, 0], sizes = [768, 40], strides = [1, 1]} : vector<768x800xbf16> to vector<768x40xbf16>
    %dot_general3A_395 = arith.constant dense<0.000000e+00> : vector<768x320xf32>
    %dot_general3A_396 = tpu.matmul %slice3A_394, %get3A_390, %dot_general3A_395 {dimension_numbers = #tpu.dot_dimension_numbers<[1], [0], [0], [1], [0, 0, 1, 1], [], []>, transpose_lhs_hint = false} : vector<768x40xbf16>, vector<40x320xbf16>, vector<768x320xf32> -> vector<768x320xf32>
    %convert_element_type3A_397 = arith.truncf %dot_general3A_396 : vector<768x320xf32> to vector<768x320xbf16>
    %mul3A_398 = arith.mulf %convert_element_type3A_397, %convert_element_type3A_259 : vector<768x320xbf16>
    %dot_general3A_399 = arith.constant dense<0.000000e+00> : vector<768x16xf32>
    %dot_general3A_400 = tpu.matmul %mul3A_398, %get3A_393, %dot_general3A_399 {dimension_numbers = #tpu.dot_dimension_numbers<[1], [0], [0], [1], [0, 0, 1, 1], [], []>, transpose_lhs_hint = false} : vector<768x320xbf16>, vector<320x16xbf16>, vector<768x16xf32> -> vector<768x16xf32>
    %slice3A_401 = vector.extract_strided_slice %convert_element_type3A_387 {offsets = [0, 40], sizes = [768, 40], strides = [1, 1]} : vector<768x800xbf16> to vector<768x40xbf16>
    %dot_general3A_402 = arith.constant dense<0.000000e+00> : vector<768x320xf32>
    %dot_general3A_403 = tpu.matmul %slice3A_401, %get3A_390, %dot_general3A_402 {dimension_numbers = #tpu.dot_dimension_numbers<[1], [0], [0], [1], [0, 0, 1, 1], [], []>, transpose_lhs_hint = false} : vector<768x40xbf16>, vector<40x320xbf16>, vector<768x320xf32> -> vector<768x320xf32>
    %convert_element_type3A_404 = arith.truncf %dot_general3A_403 : vector<768x320xf32> to vector<768x320xbf16>
    %mul3A_405 = arith.mulf %convert_element_type3A_404, %convert_element_type3A_259 : vector<768x320xbf16>
    %dot_general3A_406 = arith.constant dense<0.000000e+00> : vector<768x16xf32>
    %dot_general3A_407 = tpu.matmul %mul3A_405, %get3A_393, %dot_general3A_406 {dimension_numbers = #tpu.dot_dimension_numbers<[1], [0], [0], [1], [0, 0, 1, 1], [], []>, transpose_lhs_hint = false} : vector<768x320xbf16>, vector<320x16xbf16>, vector<768x16xf32> -> vector<768x16xf32>
    %slice3A_408 = vector.extract_strided_slice %convert_element_type3A_387 {offsets = [0, 80], sizes = [768, 40], strides = [1, 1]} : vector<768x800xbf16> to vector<768x40xbf16>
    %dot_general3A_409 = arith.constant dense<0.000000e+00> : vector<768x320xf32>
    %dot_general3A_410 = tpu.matmul %slice3A_408, %get3A_390, %dot_general3A_409 {dimension_numbers = #tpu.dot_dimension_numbers<[1], [0], [0], [1], [0, 0, 1, 1], [], []>, transpose_lhs_hint = false} : vector<768x40xbf16>, vector<40x320xbf16>, vector<768x320xf32> -> vector<768x320xf32>
    %convert_element_type3A_411 = arith.truncf %dot_general3A_410 : vector<768x320xf32> to vector<768x320xbf16>
    %mul3A_412 = arith.mulf %convert_element_type3A_411, %convert_element_type3A_259 : vector<768x320xbf16>
    %dot_general3A_413 = arith.constant dense<0.000000e+00> : vector<768x16xf32>
    %dot_general3A_414 = tpu.matmul %mul3A_412, %get3A_393, %dot_general3A_413 {dimension_numbers = #tpu.dot_dimension_numbers<[1], [0], [0], [1], [0, 0, 1, 1], [], []>, transpose_lhs_hint = false} : vector<768x320xbf16>, vector<320x16xbf16>, vector<768x16xf32> -> vector<768x16xf32>
    %slice3A_415 = vector.extract_strided_slice %convert_element_type3A_387 {offsets = [0, 120], sizes = [768, 40], strides = [1, 1]} : vector<768x800xbf16> to vector<768x40xbf16>
    %dot_general3A_416 = arith.constant dense<0.000000e+00> : vector<768x320xf32>
    %dot_general3A_417 = tpu.matmul %slice3A_415, %get3A_390, %dot_general3A_416 {dimension_numbers = #tpu.dot_dimension_numbers<[1], [0], [0], [1], [0, 0, 1, 1], [], []>, transpose_lhs_hint = false} : vector<768x40xbf16>, vector<40x320xbf16>, vector<768x320xf32> -> vector<768x320xf32>
    %convert_element_type3A_418 = arith.truncf %dot_general3A_417 : vector<768x320xf32> to vector<768x320xbf16>
    %mul3A_419 = arith.mulf %convert_element_type3A_418, %convert_element_type3A_259 : vector<768x320xbf16>
    %dot_general3A_420 = arith.constant dense<0.000000e+00> : vector<768x16xf32>
    %dot_general3A_421 = tpu.matmul %mul3A_419, %get3A_393, %dot_general3A_420 {dimension_numbers = #tpu.dot_dimension_numbers<[1], [0], [0], [1], [0, 0, 1, 1], [], []>, transpose_lhs_hint = false} : vector<768x320xbf16>, vector<320x16xbf16>, vector<768x16xf32> -> vector<768x16xf32>
    %slice3A_422 = vector.extract_strided_slice %convert_element_type3A_387 {offsets = [0, 160], sizes = [768, 40], strides = [1, 1]} : vector<768x800xbf16> to vector<768x40xbf16>
    %dot_general3A_423 = arith.constant dense<0.000000e+00> : vector<768x320xf32>
    %dot_general3A_424 = tpu.matmul %slice3A_422, %get3A_390, %dot_general3A_423 {dimension_numbers = #tpu.dot_dimension_numbers<[1], [0], [0], [1], [0, 0, 1, 1], [], []>, transpose_lhs_hint = false} : vector<768x40xbf16>, vector<40x320xbf16>, vector<768x320xf32> -> vector<768x320xf32>
    %convert_element_type3A_425 = arith.truncf %dot_general3A_424 : vector<768x320xf32> to vector<768x320xbf16>
    %mul3A_426 = arith.mulf %convert_element_type3A_425, %convert_element_type3A_259 : vector<768x320xbf16>
    %dot_general3A_427 = arith.constant dense<0.000000e+00> : vector<768x16xf32>
    %dot_general3A_428 = tpu.matmul %mul3A_426, %get3A_393, %dot_general3A_427 {dimension_numbers = #tpu.dot_dimension_numbers<[1], [0], [0], [1], [0, 0, 1, 1], [], []>, transpose_lhs_hint = false} : vector<768x320xbf16>, vector<320x16xbf16>, vector<768x16xf32> -> vector<768x16xf32>
    %slice3A_429 = vector.extract_strided_slice %convert_element_type3A_387 {offsets = [0, 200], sizes = [768, 40], strides = [1, 1]} : vector<768x800xbf16> to vector<768x40xbf16>
    %dot_general3A_430 = arith.constant dense<0.000000e+00> : vector<768x320xf32>
    %dot_general3A_431 = tpu.matmul %slice3A_429, %get3A_390, %dot_general3A_430 {dimension_numbers = #tpu.dot_dimension_numbers<[1], [0], [0], [1], [0, 0, 1, 1], [], []>, transpose_lhs_hint = false} : vector<768x40xbf16>, vector<40x320xbf16>, vector<768x320xf32> -> vector<768x320xf32>
    %convert_element_type3A_432 = arith.truncf %dot_general3A_431 : vector<768x320xf32> to vector<768x320xbf16>
    %mul3A_433 = arith.mulf %convert_element_type3A_432, %convert_element_type3A_259 : vector<768x320xbf16>
    %dot_general3A_434 = arith.constant dense<0.000000e+00> : vector<768x16xf32>
    %dot_general3A_435 = tpu.matmul %mul3A_433, %get3A_393, %dot_general3A_434 {dimension_numbers = #tpu.dot_dimension_numbers<[1], [0], [0], [1], [0, 0, 1, 1], [], []>, transpose_lhs_hint = false} : vector<768x320xbf16>, vector<320x16xbf16>, vector<768x16xf32> -> vector<768x16xf32>
    %slice3A_436 = vector.extract_strided_slice %convert_element_type3A_387 {offsets = [0, 240], sizes = [768, 40], strides = [1, 1]} : vector<768x800xbf16> to vector<768x40xbf16>
    %dot_general3A_437 = arith.constant dense<0.000000e+00> : vector<768x320xf32>
    %dot_general3A_438 = tpu.matmul %slice3A_436, %get3A_390, %dot_general3A_437 {dimension_numbers = #tpu.dot_dimension_numbers<[1], [0], [0], [1], [0, 0, 1, 1], [], []>, transpose_lhs_hint = false} : vector<768x40xbf16>, vector<40x320xbf16>, vector<768x320xf32> -> vector<768x320xf32>
    %convert_element_type3A_439 = arith.truncf %dot_general3A_438 : vector<768x320xf32> to vector<768x320xbf16>
    %mul3A_440 = arith.mulf %convert_element_type3A_439, %convert_element_type3A_259 : vector<768x320xbf16>
    %dot_general3A_441 = arith.constant dense<0.000000e+00> : vector<768x16xf32>
    %dot_general3A_442 = tpu.matmul %mul3A_440, %get3A_393, %dot_general3A_441 {dimension_numbers = #tpu.dot_dimension_numbers<[1], [0], [0], [1], [0, 0, 1, 1], [], []>, transpose_lhs_hint = false} : vector<768x320xbf16>, vector<320x16xbf16>, vector<768x16xf32> -> vector<768x16xf32>
    %slice3A_443 = vector.extract_strided_slice %convert_element_type3A_387 {offsets = [0, 280], sizes = [768, 40], strides = [1, 1]} : vector<768x800xbf16> to vector<768x40xbf16>
    %dot_general3A_444 = arith.constant dense<0.000000e+00> : vector<768x320xf32>
    %dot_general3A_445 = tpu.matmul %slice3A_443, %get3A_390, %dot_general3A_444 {dimension_numbers = #tpu.dot_dimension_numbers<[1], [0], [0], [1], [0, 0, 1, 1], [], []>, transpose_lhs_hint = false} : vector<768x40xbf16>, vector<40x320xbf16>, vector<768x320xf32> -> vector<768x320xf32>
    %convert_element_type3A_446 = arith.truncf %dot_general3A_445 : vector<768x320xf32> to vector<768x320xbf16>
    %mul3A_447 = arith.mulf %convert_element_type3A_446, %convert_element_type3A_259 : vector<768x320xbf16>
    %dot_general3A_448 = arith.constant dense<0.000000e+00> : vector<768x16xf32>
    %dot_general3A_449 = tpu.matmul %mul3A_447, %get3A_393, %dot_general3A_448 {dimension_numbers = #tpu.dot_dimension_numbers<[1], [0], [0], [1], [0, 0, 1, 1], [], []>, transpose_lhs_hint = false} : vector<768x320xbf16>, vector<320x16xbf16>, vector<768x16xf32> -> vector<768x16xf32>
    %slice3A_450 = vector.extract_strided_slice %convert_element_type3A_387 {offsets = [0, 320], sizes = [768, 40], strides = [1, 1]} : vector<768x800xbf16> to vector<768x40xbf16>
    %dot_general3A_451 = arith.constant dense<0.000000e+00> : vector<768x320xf32>
    %dot_general3A_452 = tpu.matmul %slice3A_450, %get3A_390, %dot_general3A_451 {dimension_numbers = #tpu.dot_dimension_numbers<[1], [0], [0], [1], [0, 0, 1, 1], [], []>, transpose_lhs_hint = false} : vector<768x40xbf16>, vector<40x320xbf16>, vector<768x320xf32> -> vector<768x320xf32>
    %convert_element_type3A_453 = arith.truncf %dot_general3A_452 : vector<768x320xf32> to vector<768x320xbf16>
    %mul3A_454 = arith.mulf %convert_element_type3A_453, %convert_element_type3A_259 : vector<768x320xbf16>
    %dot_general3A_455 = arith.constant dense<0.000000e+00> : vector<768x16xf32>
    %dot_general3A_456 = tpu.matmul %mul3A_454, %get3A_393, %dot_general3A_455 {dimension_numbers = #tpu.dot_dimension_numbers<[1], [0], [0], [1], [0, 0, 1, 1], [], []>, transpose_lhs_hint = false} : vector<768x320xbf16>, vector<320x16xbf16>, vector<768x16xf32> -> vector<768x16xf32>
    %slice3A_457 = vector.extract_strided_slice %convert_element_type3A_387 {offsets = [0, 360], sizes = [768, 40], strides = [1, 1]} : vector<768x800xbf16> to vector<768x40xbf16>
    %dot_general3A_458 = arith.constant dense<0.000000e+00> : vector<768x320xf32>
    %dot_general3A_459 = tpu.matmul %slice3A_457, %get3A_390, %dot_general3A_458 {dimension_numbers = #tpu.dot_dimension_numbers<[1], [0], [0], [1], [0, 0, 1, 1], [], []>, transpose_lhs_hint = false} : vector<768x40xbf16>, vector<40x320xbf16>, vector<768x320xf32> -> vector<768x320xf32>
    %convert_element_type3A_460 = arith.truncf %dot_general3A_459 : vector<768x320xf32> to vector<768x320xbf16>
    %mul3A_461 = arith.mulf %convert_element_type3A_460, %convert_element_type3A_259 : vector<768x320xbf16>
    %dot_general3A_462 = arith.constant dense<0.000000e+00> : vector<768x16xf32>
    %dot_general3A_463 = tpu.matmul %mul3A_461, %get3A_393, %dot_general3A_462 {dimension_numbers = #tpu.dot_dimension_numbers<[1], [0], [0], [1], [0, 0, 1, 1], [], []>, transpose_lhs_hint = false} : vector<768x320xbf16>, vector<320x16xbf16>, vector<768x16xf32> -> vector<768x16xf32>
    %slice3A_464 = vector.extract_strided_slice %convert_element_type3A_387 {offsets = [0, 400], sizes = [768, 40], strides = [1, 1]} : vector<768x800xbf16> to vector<768x40xbf16>
    %dot_general3A_465 = arith.constant dense<0.000000e+00> : vector<768x320xf32>
    %dot_general3A_466 = tpu.matmul %slice3A_464, %get3A_390, %dot_general3A_465 {dimension_numbers = #tpu.dot_dimension_numbers<[1], [0], [0], [1], [0, 0, 1, 1], [], []>, transpose_lhs_hint = false} : vector<768x40xbf16>, vector<40x320xbf16>, vector<768x320xf32> -> vector<768x320xf32>
    %convert_element_type3A_467 = arith.truncf %dot_general3A_466 : vector<768x320xf32> to vector<768x320xbf16>
    %mul3A_468 = arith.mulf %convert_element_type3A_467, %convert_element_type3A_259 : vector<768x320xbf16>
    %dot_general3A_469 = arith.constant dense<0.000000e+00> : vector<768x16xf32>
    %dot_general3A_470 = tpu.matmul %mul3A_468, %get3A_393, %dot_general3A_469 {dimension_numbers = #tpu.dot_dimension_numbers<[1], [0], [0], [1], [0, 0, 1, 1], [], []>, transpose_lhs_hint = false} : vector<768x320xbf16>, vector<320x16xbf16>, vector<768x16xf32> -> vector<768x16xf32>
    %slice3A_471 = vector.extract_strided_slice %convert_element_type3A_387 {offsets = [0, 440], sizes = [768, 40], strides = [1, 1]} : vector<768x800xbf16> to vector<768x40xbf16>
    %dot_general3A_472 = arith.constant dense<0.000000e+00> : vector<768x320xf32>
    %dot_general3A_473 = tpu.matmul %slice3A_471, %get3A_390, %dot_general3A_472 {dimension_numbers = #tpu.dot_dimension_numbers<[1], [0], [0], [1], [0, 0, 1, 1], [], []>, transpose_lhs_hint = false} : vector<768x40xbf16>, vector<40x320xbf16>, vector<768x320xf32> -> vector<768x320xf32>
    %convert_element_type3A_474 = arith.truncf %dot_general3A_473 : vector<768x320xf32> to vector<768x320xbf16>
    %mul3A_475 = arith.mulf %convert_element_type3A_474, %convert_element_type3A_259 : vector<768x320xbf16>
    %dot_general3A_476 = arith.constant dense<0.000000e+00> : vector<768x16xf32>
    %dot_general3A_477 = tpu.matmul %mul3A_475, %get3A_393, %dot_general3A_476 {dimension_numbers = #tpu.dot_dimension_numbers<[1], [0], [0], [1], [0, 0, 1, 1], [], []>, transpose_lhs_hint = false} : vector<768x320xbf16>, vector<320x16xbf16>, vector<768x16xf32> -> vector<768x16xf32>
    %slice3A_478 = vector.extract_strided_slice %convert_element_type3A_387 {offsets = [0, 480], sizes = [768, 40], strides = [1, 1]} : vector<768x800xbf16> to vector<768x40xbf16>
    %dot_general3A_479 = arith.constant dense<0.000000e+00> : vector<768x320xf32>
    %dot_general3A_480 = tpu.matmul %slice3A_478, %get3A_390, %dot_general3A_479 {dimension_numbers = #tpu.dot_dimension_numbers<[1], [0], [0], [1], [0, 0, 1, 1], [], []>, transpose_lhs_hint = false} : vector<768x40xbf16>, vector<40x320xbf16>, vector<768x320xf32> -> vector<768x320xf32>
    %convert_element_type3A_481 = arith.truncf %dot_general3A_480 : vector<768x320xf32> to vector<768x320xbf16>
    %mul3A_482 = arith.mulf %convert_element_type3A_481, %convert_element_type3A_259 : vector<768x320xbf16>
    %dot_general3A_483 = arith.constant dense<0.000000e+00> : vector<768x16xf32>
    %dot_general3A_484 = tpu.matmul %mul3A_482, %get3A_393, %dot_general3A_483 {dimension_numbers = #tpu.dot_dimension_numbers<[1], [0], [0], [1], [0, 0, 1, 1], [], []>, transpose_lhs_hint = false} : vector<768x320xbf16>, vector<320x16xbf16>, vector<768x16xf32> -> vector<768x16xf32>
    %slice3A_485 = vector.extract_strided_slice %convert_element_type3A_387 {offsets = [0, 520], sizes = [768, 40], strides = [1, 1]} : vector<768x800xbf16> to vector<768x40xbf16>
    %dot_general3A_486 = arith.constant dense<0.000000e+00> : vector<768x320xf32>
    %dot_general3A_487 = tpu.matmul %slice3A_485, %get3A_390, %dot_general3A_486 {dimension_numbers = #tpu.dot_dimension_numbers<[1], [0], [0], [1], [0, 0, 1, 1], [], []>, transpose_lhs_hint = false} : vector<768x40xbf16>, vector<40x320xbf16>, vector<768x320xf32> -> vector<768x320xf32>
    %convert_element_type3A_488 = arith.truncf %dot_general3A_487 : vector<768x320xf32> to vector<768x320xbf16>
    %mul3A_489 = arith.mulf %convert_element_type3A_488, %convert_element_type3A_259 : vector<768x320xbf16>
    %dot_general3A_490 = arith.constant dense<0.000000e+00> : vector<768x16xf32>
    %dot_general3A_491 = tpu.matmul %mul3A_489, %get3A_393, %dot_general3A_490 {dimension_numbers = #tpu.dot_dimension_numbers<[1], [0], [0], [1], [0, 0, 1, 1], [], []>, transpose_lhs_hint = false} : vector<768x320xbf16>, vector<320x16xbf16>, vector<768x16xf32> -> vector<768x16xf32>
    %slice3A_492 = vector.extract_strided_slice %convert_element_type3A_387 {offsets = [0, 560], sizes = [768, 40], strides = [1, 1]} : vector<768x800xbf16> to vector<768x40xbf16>
    %dot_general3A_493 = arith.constant dense<0.000000e+00> : vector<768x320xf32>
    %dot_general3A_494 = tpu.matmul %slice3A_492, %get3A_390, %dot_general3A_493 {dimension_numbers = #tpu.dot_dimension_numbers<[1], [0], [0], [1], [0, 0, 1, 1], [], []>, transpose_lhs_hint = false} : vector<768x40xbf16>, vector<40x320xbf16>, vector<768x320xf32> -> vector<768x320xf32>
    %convert_element_type3A_495 = arith.truncf %dot_general3A_494 : vector<768x320xf32> to vector<768x320xbf16>
    %mul3A_496 = arith.mulf %convert_element_type3A_495, %convert_element_type3A_259 : vector<768x320xbf16>
    %dot_general3A_497 = arith.constant dense<0.000000e+00> : vector<768x16xf32>
    %dot_general3A_498 = tpu.matmul %mul3A_496, %get3A_393, %dot_general3A_497 {dimension_numbers = #tpu.dot_dimension_numbers<[1], [0], [0], [1], [0, 0, 1, 1], [], []>, transpose_lhs_hint = false} : vector<768x320xbf16>, vector<320x16xbf16>, vector<768x16xf32> -> vector<768x16xf32>
    %slice3A_499 = vector.extract_strided_slice %convert_element_type3A_387 {offsets = [0, 600], sizes = [768, 40], strides = [1, 1]} : vector<768x800xbf16> to vector<768x40xbf16>
    %dot_general3A_500 = arith.constant dense<0.000000e+00> : vector<768x320xf32>
    %dot_general3A_501 = tpu.matmul %slice3A_499, %get3A_390, %dot_general3A_500 {dimension_numbers = #tpu.dot_dimension_numbers<[1], [0], [0], [1], [0, 0, 1, 1], [], []>, transpose_lhs_hint = false} : vector<768x40xbf16>, vector<40x320xbf16>, vector<768x320xf32> -> vector<768x320xf32>
    %convert_element_type3A_502 = arith.truncf %dot_general3A_501 : vector<768x320xf32> to vector<768x320xbf16>
    %mul3A_503 = arith.mulf %convert_element_type3A_502, %convert_element_type3A_259 : vector<768x320xbf16>
    %dot_general3A_504 = arith.constant dense<0.000000e+00> : vector<768x16xf32>
    %dot_general3A_505 = tpu.matmul %mul3A_503, %get3A_393, %dot_general3A_504 {dimension_numbers = #tpu.dot_dimension_numbers<[1], [0], [0], [1], [0, 0, 1, 1], [], []>, transpose_lhs_hint = false} : vector<768x320xbf16>, vector<320x16xbf16>, vector<768x16xf32> -> vector<768x16xf32>
    %slice3A_506 = vector.extract_strided_slice %convert_element_type3A_387 {offsets = [0, 640], sizes = [768, 40], strides = [1, 1]} : vector<768x800xbf16> to vector<768x40xbf16>
    %dot_general3A_507 = arith.constant dense<0.000000e+00> : vector<768x320xf32>
    %dot_general3A_508 = tpu.matmul %slice3A_506, %get3A_390, %dot_general3A_507 {dimension_numbers = #tpu.dot_dimension_numbers<[1], [0], [0], [1], [0, 0, 1, 1], [], []>, transpose_lhs_hint = false} : vector<768x40xbf16>, vector<40x320xbf16>, vector<768x320xf32> -> vector<768x320xf32>
    %convert_element_type3A_509 = arith.truncf %dot_general3A_508 : vector<768x320xf32> to vector<768x320xbf16>
    %mul3A_510 = arith.mulf %convert_element_type3A_509, %convert_element_type3A_259 : vector<768x320xbf16>
    %dot_general3A_511 = arith.constant dense<0.000000e+00> : vector<768x16xf32>
    %dot_general3A_512 = tpu.matmul %mul3A_510, %get3A_393, %dot_general3A_511 {dimension_numbers = #tpu.dot_dimension_numbers<[1], [0], [0], [1], [0, 0, 1, 1], [], []>, transpose_lhs_hint = false} : vector<768x320xbf16>, vector<320x16xbf16>, vector<768x16xf32> -> vector<768x16xf32>
    %slice3A_513 = vector.extract_strided_slice %convert_element_type3A_387 {offsets = [0, 680], sizes = [768, 40], strides = [1, 1]} : vector<768x800xbf16> to vector<768x40xbf16>
    %dot_general3A_514 = arith.constant dense<0.000000e+00> : vector<768x320xf32>
    %dot_general3A_515 = tpu.matmul %slice3A_513, %get3A_390, %dot_general3A_514 {dimension_numbers = #tpu.dot_dimension_numbers<[1], [0], [0], [1], [0, 0, 1, 1], [], []>, transpose_lhs_hint = false} : vector<768x40xbf16>, vector<40x320xbf16>, vector<768x320xf32> -> vector<768x320xf32>
    %convert_element_type3A_516 = arith.truncf %dot_general3A_515 : vector<768x320xf32> to vector<768x320xbf16>
    %mul3A_517 = arith.mulf %convert_element_type3A_516, %convert_element_type3A_259 : vector<768x320xbf16>
    %dot_general3A_518 = arith.constant dense<0.000000e+00> : vector<768x16xf32>
    %dot_general3A_519 = tpu.matmul %mul3A_517, %get3A_393, %dot_general3A_518 {dimension_numbers = #tpu.dot_dimension_numbers<[1], [0], [0], [1], [0, 0, 1, 1], [], []>, transpose_lhs_hint = false} : vector<768x320xbf16>, vector<320x16xbf16>, vector<768x16xf32> -> vector<768x16xf32>
    %slice3A_520 = vector.extract_strided_slice %convert_element_type3A_387 {offsets = [0, 720], sizes = [768, 40], strides = [1, 1]} : vector<768x800xbf16> to vector<768x40xbf16>
    %dot_general3A_521 = arith.constant dense<0.000000e+00> : vector<768x320xf32>
    %dot_general3A_522 = tpu.matmul %slice3A_520, %get3A_390, %dot_general3A_521 {dimension_numbers = #tpu.dot_dimension_numbers<[1], [0], [0], [1], [0, 0, 1, 1], [], []>, transpose_lhs_hint = false} : vector<768x40xbf16>, vector<40x320xbf16>, vector<768x320xf32> -> vector<768x320xf32>
    %convert_element_type3A_523 = arith.truncf %dot_general3A_522 : vector<768x320xf32> to vector<768x320xbf16>
    %mul3A_524 = arith.mulf %convert_element_type3A_523, %convert_element_type3A_259 : vector<768x320xbf16>
    %dot_general3A_525 = arith.constant dense<0.000000e+00> : vector<768x16xf32>
    %dot_general3A_526 = tpu.matmul %mul3A_524, %get3A_393, %dot_general3A_525 {dimension_numbers = #tpu.dot_dimension_numbers<[1], [0], [0], [1], [0, 0, 1, 1], [], []>, transpose_lhs_hint = false} : vector<768x320xbf16>, vector<320x16xbf16>, vector<768x16xf32> -> vector<768x16xf32>
    %slice3A_527 = vector.extract_strided_slice %convert_element_type3A_387 {offsets = [0, 760], sizes = [768, 40], strides = [1, 1]} : vector<768x800xbf16> to vector<768x40xbf16>
    %dot_general3A_528 = arith.constant dense<0.000000e+00> : vector<768x320xf32>
    %dot_general3A_529 = tpu.matmul %slice3A_527, %get3A_390, %dot_general3A_528 {dimension_numbers = #tpu.dot_dimension_numbers<[1], [0], [0], [1], [0, 0, 1, 1], [], []>, transpose_lhs_hint = false} : vector<768x40xbf16>, vector<40x320xbf16>, vector<768x320xf32> -> vector<768x320xf32>
    %convert_element_type3A_530 = arith.truncf %dot_general3A_529 : vector<768x320xf32> to vector<768x320xbf16>
    %mul3A_531 = arith.mulf %convert_element_type3A_530, %convert_element_type3A_259 : vector<768x320xbf16>
    %dot_general3A_532 = arith.constant dense<0.000000e+00> : vector<768x16xf32>
    %dot_general3A_533 = tpu.matmul %mul3A_531, %get3A_393, %dot_general3A_532 {dimension_numbers = #tpu.dot_dimension_numbers<[1], [0], [0], [1], [0, 0, 1, 1], [], []>, transpose_lhs_hint = false} : vector<768x320xbf16>, vector<320x16xbf16>, vector<768x16xf32> -> vector<768x16xf32>
    %concatenate3A_534 = tpu.concatenate %dot_general3A_400, %dot_general3A_407, %dot_general3A_414, %dot_general3A_421, %dot_general3A_428, %dot_general3A_435, %dot_general3A_442, %dot_general3A_449, %dot_general3A_456, %dot_general3A_463, %dot_general3A_470, %dot_general3A_477, %dot_general3A_484, %dot_general3A_491, %dot_general3A_498, %dot_general3A_505, %dot_general3A_512, %dot_general3A_519, %dot_general3A_526, %dot_general3A_533 in 1 : vector<768x16xf32>, vector<768x16xf32>, vector<768x16xf32>, vector<768x16xf32>, vector<768x16xf32>, vector<768x16xf32>, vector<768x16xf32>, vector<768x16xf32>, vector<768x16xf32>, vector<768x16xf32>, vector<768x16xf32>, vector<768x16xf32>, vector<768x16xf32>, vector<768x16xf32>, vector<768x16xf32>, vector<768x16xf32>, vector<768x16xf32>, vector<768x16xf32>, vector<768x16xf32>, vector<768x16xf32> -> vector<768x320xf32>
    %convert_element_type3A_535 = arith.truncf %concatenate3A_534 : vector<768x320xf32> to vector<768x320xbf16>
    %get3A_536 = arith.constant 0 : index
    %get3A_537 = arith.constant 0 : index
    %get3A_538 = vector.load %arg18[%get3A_536, %get3A_537] : memref<320x320xbf16, #tpu.memory_space<vmem>>, vector<320x320xbf16>
    %dot_general3A_539 = arith.constant dense<0.000000e+00> : vector<768x320xf32>
    %dot_general3A_540 = tpu.matmul %convert_element_type3A_535, %get3A_538, %dot_general3A_539 {dimension_numbers = #tpu.dot_dimension_numbers<[1], [0], [0], [1], [0, 0, 1, 1], [], []>, transpose_lhs_hint = false} : vector<768x320xbf16>, vector<320x320xbf16>, vector<768x320xf32> -> vector<768x320xf32>
    %get3A_541 = arith.constant 0 : index
    %get3A_542 = arith.constant 0 : index
    %get3A_543 = vector.load %arg24[%get3A_541, %get3A_542] : memref<1x320xf32, #tpu.memory_space<vmem>>, vector<1x320xf32>
    %add3A_544 = vector.broadcast %get3A_543 : vector<1x320xf32> to vector<768x320xf32>
    %add3A_545 = arith.addf %dot_general3A_540, %add3A_544 : vector<768x320xf32>
    %add3A_546 = arith.addf %add3A_222, %add3A_545 : vector<768x320xf32>
    %dot_general3A_547 = arith.constant dense<0.000000e+00> : vector<768x320xf32>
    %dot_general3A_548 = tpu.matmul %add3A_546, %get3A_225, %dot_general3A_547 {dimension_numbers = #tpu.dot_dimension_numbers<[1], [0], [0], [1], [0, 0, 1, 1], [], []>, transpose_lhs_hint = false} : vector<768x320xf32>, vector<320x320xf32>, vector<768x320xf32> -> vector<768x320xf32>
    %sub3A_549 = arith.subf %add3A_546, %dot_general3A_548 : vector<768x320xf32>
    %mul3A_550 = arith.mulf %sub3A_549, %sub3A_549 : vector<768x320xf32>
    %dot_general3A_551 = arith.constant dense<0.000000e+00> : vector<768x320xf32>
    %dot_general3A_552 = tpu.matmul %mul3A_550, %get3A_225, %dot_general3A_551 {dimension_numbers = #tpu.dot_dimension_numbers<[1], [0], [0], [1], [0, 0, 1, 1], [], []>, transpose_lhs_hint = false} : vector<768x320xf32>, vector<320x320xf32>, vector<768x320xf32> -> vector<768x320xf32>
    %add3A_553 = arith.constant 9.99999974E-6 : f32
    %add3A_554 = vector.broadcast %add3A_553 : f32 to vector<768x320xf32>
    %add3A_555 = arith.addf %dot_general3A_552, %add3A_554 : vector<768x320xf32>
    %rsqrt3A = math.rsqrt %add3A_555 : vector<768x320xf32>
    %mul3A_556 = arith.mulf %sub3A_549, %rsqrt3A : vector<768x320xf32>
    %get3A_557 = arith.constant 0 : index
    %get3A_558 = arith.constant 0 : index
    %get3A_559 = vector.load %arg27[%get3A_557, %get3A_558] : memref<1x320xf32, #tpu.memory_space<vmem>>, vector<1x320xf32>
    %mul3A_560 = vector.broadcast %get3A_559 : vector<1x320xf32> to vector<768x320xf32>
    %mul3A_561 = arith.mulf %mul3A_556, %mul3A_560 : vector<768x320xf32>
    %get3A_562 = arith.constant 0 : index
    %get3A_563 = arith.constant 0 : index
    %get3A_564 = vector.load %arg28[%get3A_562, %get3A_563] : memref<1x320xf32, #tpu.memory_space<vmem>>, vector<1x320xf32>
    %add3A_565 = vector.broadcast %get3A_564 : vector<1x320xf32> to vector<768x320xf32>
    %add3A_566 = arith.addf %mul3A_561, %add3A_565 : vector<768x320xf32>
    %convert_element_type3A_567 = arith.truncf %add3A_566 : vector<768x320xf32> to vector<768x320xbf16>
    %get3A_568 = arith.constant 0 : index
    %get3A_569 = arith.constant 0 : index
    %get3A_570 = vector.load %arg19[%get3A_568, %get3A_569] : memref<320x1280xbf16, #tpu.memory_space<vmem>>, vector<320x1280xbf16>
    %dot_general3A_571 = arith.constant dense<0.000000e+00> : vector<768x1280xf32>
    %dot_general3A_572 = tpu.matmul %convert_element_type3A_567, %get3A_570, %dot_general3A_571 {dimension_numbers = #tpu.dot_dimension_numbers<[1], [0], [0], [1], [0, 0, 1, 1], [], []>, transpose_lhs_hint = false} : vector<768x320xbf16>, vector<320x1280xbf16>, vector<768x1280xf32> -> vector<768x1280xf32>
    %get3A_573 = arith.constant 0 : index
    %get3A_574 = arith.constant 0 : index
    %get3A_575 = vector.load %arg25[%get3A_573, %get3A_574] : memref<1x1280xf32, #tpu.memory_space<vmem>>, vector<1x1280xf32>
    %add3A_576 = vector.broadcast %get3A_575 : vector<1x1280xf32> to vector<768x1280xf32>
    %add3A_577 = arith.addf %dot_general3A_572, %add3A_576 : vector<768x1280xf32>
    %max3A_578 = arith.constant 0.000000e+00 : f32
    %max3A_579 = vector.broadcast %max3A_578 : f32 to vector<768x1280xf32>
    %max3A_580 = arith.maximumf %add3A_577, %max3A_579 : vector<768x1280xf32>
    %convert_element_type3A_581 = arith.truncf %max3A_580 : vector<768x1280xf32> to vector<768x1280xbf16>
    %get3A_582 = arith.constant 0 : index
    %get3A_583 = arith.constant 0 : index
    %get3A_584 = vector.load %arg20[%get3A_582, %get3A_583] : memref<1280x320xbf16, #tpu.memory_space<vmem>>, vector<1280x320xbf16>
    %dot_general3A_585 = arith.constant dense<0.000000e+00> : vector<768x320xf32>
    %dot_general3A_586 = tpu.matmul %convert_element_type3A_581, %get3A_584, %dot_general3A_585 {dimension_numbers = #tpu.dot_dimension_numbers<[1], [0], [0], [1], [0, 0, 1, 1], [], []>, transpose_lhs_hint = false} : vector<768x1280xbf16>, vector<1280x320xbf16>, vector<768x320xf32> -> vector<768x320xf32>
    %get3A_587 = arith.constant 0 : index
    %get3A_588 = arith.constant 0 : index
    %get3A_589 = vector.load %arg26[%get3A_587, %get3A_588] : memref<1x320xf32, #tpu.memory_space<vmem>>, vector<1x320xf32>
    %add3A_590 = vector.broadcast %get3A_589 : vector<1x320xf32> to vector<768x320xf32>
    %add3A_591 = arith.addf %dot_general3A_586, %add3A_590 : vector<768x320xf32>
    %add3A_592 = arith.addf %add3A_566, %add3A_591 : vector<768x320xf32>
    %dot_general3A_593 = arith.constant dense<0.000000e+00> : vector<768x320xf32>
    %dot_general3A_594 = tpu.matmul %add3A_592, %get3A_225, %dot_general3A_593 {dimension_numbers = #tpu.dot_dimension_numbers<[1], [0], [0], [1], [0, 0, 1, 1], [], []>, transpose_lhs_hint = false} : vector<768x320xf32>, vector<320x320xf32>, vector<768x320xf32> -> vector<768x320xf32>
    %sub3A_595 = arith.subf %add3A_592, %dot_general3A_594 : vector<768x320xf32>
    %mul3A_596 = arith.mulf %sub3A_595, %sub3A_595 : vector<768x320xf32>
    %dot_general3A_597 = arith.constant dense<0.000000e+00> : vector<768x320xf32>
    %dot_general3A_598 = tpu.matmul %mul3A_596, %get3A_225, %dot_general3A_597 {dimension_numbers = #tpu.dot_dimension_numbers<[1], [0], [0], [1], [0, 0, 1, 1], [], []>, transpose_lhs_hint = false} : vector<768x320xf32>, vector<320x320xf32>, vector<768x320xf32> -> vector<768x320xf32>
    %add3A_599 = arith.constant 9.99999974E-6 : f32
    %add3A_600 = vector.broadcast %add3A_599 : f32 to vector<768x320xf32>
    %add3A_601 = arith.addf %dot_general3A_598, %add3A_600 : vector<768x320xf32>
    %rsqrt3A_602 = math.rsqrt %add3A_601 : vector<768x320xf32>
    %mul3A_603 = arith.mulf %sub3A_595, %rsqrt3A_602 : vector<768x320xf32>
    %get3A_604 = arith.constant 0 : index
    %get3A_605 = arith.constant 0 : index
    %get3A_606 = vector.load %arg29[%get3A_604, %get3A_605] : memref<1x320xf32, #tpu.memory_space<vmem>>, vector<1x320xf32>
    %mul3A_607 = vector.broadcast %get3A_606 : vector<1x320xf32> to vector<768x320xf32>
    %mul3A_608 = arith.mulf %mul3A_603, %mul3A_607 : vector<768x320xf32>
    %get3A_609 = arith.constant 0 : index
    %get3A_610 = arith.constant 0 : index
    %get3A_611 = vector.load %arg30[%get3A_609, %get3A_610] : memref<1x320xf32, #tpu.memory_space<vmem>>, vector<1x320xf32>
    %add3A_612 = vector.broadcast %get3A_611 : vector<1x320xf32> to vector<768x320xf32>
    %add3A_613 = arith.addf %mul3A_608, %add3A_612 : vector<768x320xf32>
    %convert_element_type3A_614 = arith.truncf %add3A_613 : vector<768x320xf32> to vector<768x320xbf16>
    %convert_element_type3A_615 = arith.truncf %max3A_27 : vector<256x16xf32> to vector<256x16xbf16>
    %concatenate3A_616 = tpu.concatenate %convert_element_type3A_615, %convert_element_type3A_615, %convert_element_type3A_615, %convert_element_type3A_615, %convert_element_type3A_615, %convert_element_type3A_615, %convert_element_type3A_615, %convert_element_type3A_615, %convert_element_type3A_615, %convert_element_type3A_615, %convert_element_type3A_615, %convert_element_type3A_615, %convert_element_type3A_615, %convert_element_type3A_615, %convert_element_type3A_615, %convert_element_type3A_615, %convert_element_type3A_615, %convert_element_type3A_615, %convert_element_type3A_615, %convert_element_type3A_615 in 1 : vector<256x16xbf16>, vector<256x16xbf16>, vector<256x16xbf16>, vector<256x16xbf16>, vector<256x16xbf16>, vector<256x16xbf16>, vector<256x16xbf16>, vector<256x16xbf16>, vector<256x16xbf16>, vector<256x16xbf16>, vector<256x16xbf16>, vector<256x16xbf16>, vector<256x16xbf16>, vector<256x16xbf16>, vector<256x16xbf16>, vector<256x16xbf16>, vector<256x16xbf16>, vector<256x16xbf16>, vector<256x16xbf16>, vector<256x16xbf16> -> vector<256x320xbf16>
    %concatenate3A_617 = tpu.concatenate %concatenate3A_616, %concatenate3A_616, %concatenate3A_616 in 0 : vector<256x320xbf16>, vector<256x320xbf16>, vector<256x320xbf16> -> vector<768x320xbf16>
    %mul3A_618 = arith.mulf %concatenate3A_617, %convert_element_type3A_614 : vector<768x320xbf16>
    %get3A_619 = arith.constant 0 : index
    %get3A_620 = arith.constant 0 : index
    %get3A_621 = vector.load %arg37[%get3A_619, %get3A_620] : memref<320x20xbf16, #tpu.memory_space<vmem>>, vector<320x20xbf16>
    %dot_general3A_622 = arith.constant dense<0.000000e+00> : vector<768x20xf32>
    %dot_general3A_623 = tpu.matmul %mul3A_618, %get3A_621, %dot_general3A_622 {dimension_numbers = #tpu.dot_dimension_numbers<[1], [0], [0], [1], [0, 0, 1, 1], [], []>, transpose_lhs_hint = false} : vector<768x320xbf16>, vector<320x20xbf16>, vector<768x20xf32> -> vector<768x20xf32>
    %reduce_max3A_624 = arith.constant dense<0xFF800000> : vector<768xf32>
    %reduce_max3A_625 = vector.multi_reduction <maximumf>, %dot_general3A_623, %reduce_max3A_624 [1] : vector<768x20xf32> to vector<768xf32>
    %broadcast_in_dim3A_626 = vector.shape_cast %reduce_max3A_625 : vector<768xf32> to vector<768x1xf32>
    %sub3A_627 = vector.broadcast %broadcast_in_dim3A_626 : vector<768x1xf32> to vector<768x20xf32>
    %sub3A_628 = arith.subf %dot_general3A_623, %sub3A_627 : vector<768x20xf32>
    %exp3A_629 = math.exp %sub3A_628 : vector<768x20xf32>
    %reduce_sum3A_630 = arith.constant dense<0.000000e+00> : vector<768xf32>
    %reduce_sum3A_631 = vector.multi_reduction <add>, %exp3A_629, %reduce_sum3A_630 [1] : vector<768x20xf32> to vector<768xf32>
    %broadcast_in_dim3A_632 = vector.shape_cast %reduce_sum3A_631 : vector<768xf32> to vector<768x1xf32>
    %div3A_633 = vector.broadcast %broadcast_in_dim3A_632 : vector<768x1xf32> to vector<768x20xf32>
    %div3A_634 = arith.divf %exp3A_629, %div3A_633 : vector<768x20xf32>
    %convert_element_type3A_635 = arith.truncf %div3A_634 : vector<768x20xf32> to vector<768x20xbf16>
    %get3A_636 = arith.constant 0 : index
    %get3A_637 = arith.constant 0 : index
    %get3A_638 = vector.load %arg38[%get3A_636, %get3A_637] : memref<20x320xbf16, #tpu.memory_space<vmem>>, vector<20x320xbf16>
    %dot_general3A_639 = arith.constant dense<0.000000e+00> : vector<768x320xf32>
    %dot_general3A_640 = tpu.matmul %convert_element_type3A_635, %get3A_638, %dot_general3A_639 {dimension_numbers = #tpu.dot_dimension_numbers<[1], [0], [0], [1], [0, 0, 1, 1], [], []>, transpose_lhs_hint = false} : vector<768x20xbf16>, vector<20x320xbf16>, vector<768x320xf32> -> vector<768x320xf32>
    %convert_element_type3A_641 = arith.truncf %dot_general3A_640 : vector<768x320xf32> to vector<768x320xbf16>
    %mul3A_642 = arith.mulf %convert_element_type3A_641, %convert_element_type3A_614 : vector<768x320xbf16>
    %get3A_643 = arith.constant 0 : index
    %get3A_644 = arith.constant 0 : index
    %get3A_645 = vector.load %arg39[%get3A_643, %get3A_644] : memref<320x16xbf16, #tpu.memory_space<vmem>>, vector<320x16xbf16>
    %dot_general3A_646 = arith.constant dense<0.000000e+00> : vector<768x16xf32>
    %dot_general3A_647 = tpu.matmul %mul3A_642, %get3A_645, %dot_general3A_646 {dimension_numbers = #tpu.dot_dimension_numbers<[1], [0], [0], [1], [0, 0, 1, 1], [], []>, transpose_lhs_hint = false} : vector<768x320xbf16>, vector<320x16xbf16>, vector<768x16xf32> -> vector<768x16xf32>
    %slice3A_648 = vector.extract_strided_slice %dot_general3A_647 {offsets = [0, 0], sizes = [256, 16], strides = [1, 1]} : vector<768x16xf32> to vector<256x16xf32>
    %slice3A_649 = vector.extract_strided_slice %dot_general3A_647 {offsets = [256, 0], sizes = [256, 16], strides = [1, 1]} : vector<768x16xf32> to vector<256x16xf32>
    %slice3A_650 = vector.extract_strided_slice %dot_general3A_647 {offsets = [512, 0], sizes = [256, 16], strides = [1, 1]} : vector<768x16xf32> to vector<256x16xf32>
    %concatenate3A_651 = tpu.concatenate %slice3A_648, %slice3A_649, %slice3A_650 in 1 : vector<256x16xf32>, vector<256x16xf32>, vector<256x16xf32> -> vector<256x48xf32>
    %get3A_652 = arith.constant 0 : index
    %get3A_653 = arith.constant 0 : index
    %get3A_654 = vector.load %arg2[%get3A_652, %get3A_653] : memref<256x352xf32, #tpu.memory_space<vmem>>, vector<256x352xf32>
    %get3A_655 = arith.constant 0 : index
    %get3A_656 = arith.constant 0 : index
    %get3A_657 = vector.load %arg4[%get3A_655, %get3A_656] : memref<256x128xf32, #tpu.memory_space<vmem>>, vector<256x128xf32>
    %concatenate3A_658 = tpu.concatenate %get3A_1, %get3A_654, %get3A_4, %get3A_657, %add3A_207, %concatenate3A_651 in 1 : vector<256x48xf32>, vector<256x352xf32>, vector<256x64xf32>, vector<256x128xf32>, vector<256x256xf32>, vector<256x48xf32> -> vector<256x896xf32>
    %swap3A = arith.constant 0 : index
    %swap3A_659 = arith.constant 0 : index
    %swap3A_660 = vector.load %arg40[%swap3A, %swap3A_659] : memref<256x896xf32, #tpu.memory_space<vmem>>, vector<256x896xf32>
    tpu.vector_store %arg40[%swap3A, %swap3A_659], %concatenate3A_658 {strides = array<i32>} : memref<256x896xf32, #tpu.memory_space<vmem>>, vector<256x896xf32>,
    %swap3A_661 = arith.constant 0 : index
    %swap3A_662 = arith.constant 0 : index
    %swap3A_663 = vector.load %arg41[%swap3A_661, %swap3A_662] : memref<256x256xf32, #tpu.memory_space<vmem>>, vector<256x256xf32>
    tpu.vector_store %arg41[%swap3A_661, %swap3A_662], %add3A_207 {strides = array<i32>} : memref<256x256xf32, #tpu.memory_space<vmem>>, vector<256x256xf32>,
    %swap3A_664 = arith.constant 0 : index
    %swap3A_665 = arith.constant 0 : index
    %swap3A_666 = vector.load %arg42[%swap3A_664, %swap3A_665] : memref<256x48xf32, #tpu.memory_space<vmem>>, vector<256x48xf32>
    tpu.vector_store %arg42[%swap3A_664, %swap3A_665], %concatenate3A_651 {strides = array<i32>} : memref<256x48xf32, #tpu.memory_space<vmem>>, vector<256x48xf32>,
    return
  }
  func.func @transform_0(%arg0: i32) -> (i32, i32) {
    %c0_i32 = arith.constant 0 : i32
    %c0_i32_0 = arith.constant 0 : i32
    return %arg0, %c0_i32 : i32, i32
  }
  func.func @transform_1(%arg0: i32) -> (i32, i32) {
    %c0_i32 = arith.constant 0 : i32
    %c0_i32_0 = arith.constant 0 : i32
    return %arg0, %c0_i32 : i32, i32
  }
  func.func @transform_2(%arg0: i32) -> (i32, i32) {
    %c0_i32 = arith.constant 0 : i32
    %c0_i32_0 = arith.constant 0 : i32
    return %arg0, %c0_i32 : i32, i32
  }
  func.func @transform_3(%arg0: i32) -> (i32, i32) {
    %c0_i32 = arith.constant 0 : i32
    %c0_i32_0 = arith.constant 0 : i32
    return %arg0, %c0_i32 : i32, i32
  }
  func.func @transform_4(%arg0: i32) -> (i32, i32) {
    %c0_i32 = arith.constant 0 : i32
    %c0_i32_0 = arith.constant 0 : i32
    return %arg0, %c0_i32 : i32, i32
  }
  func.func @transform_5(%arg0: i32) -> (i32, i32) {
    %add3A = arith.constant 64 : i32
    %add3A_0 = arith.addi %arg0, %add3A : i32
    %c0_i32 = arith.constant 0 : i32
    %c0_i32_1 = arith.constant 0 : i32
    return %add3A_0, %c0_i32 : i32, i32
  }
  func.func @transform_6(%arg0: i32) -> (i32, i32) {
    %add3A = arith.constant 128 : i32
    %add3A_0 = arith.addi %arg0, %add3A : i32
    %c0_i32 = arith.constant 0 : i32
    %c0_i32_1 = arith.constant 0 : i32
    return %add3A_0, %c0_i32 : i32, i32
  }
  func.func @transform_7(%arg0: i32) -> (i32, i32) {
    %c0_i32 = arith.constant 0 : i32
    %c0_i32_0 = arith.constant 0 : i32
    return %arg0, %c0_i32 : i32, i32
  }
  func.func @transform_8(%arg0: i32) -> (i32, i32) {
    %c0_i32 = arith.constant 0 : i32
    %c0_i32_0 = arith.constant 0 : i32
    %c0_i32_1 = arith.constant 0 : i32
    return %c0_i32, %c0_i32_0 : i32, i32
  }
  func.func @transform_9(%arg0: i32) -> (i32, i32) {
    %c0_i32 = arith.constant 0 : i32
    %c0_i32_0 = arith.constant 0 : i32
    %c0_i32_1 = arith.constant 0 : i32
    return %c0_i32, %c0_i32_0 : i32, i32
  }
  func.func @transform_10(%arg0: i32) -> (i32, i32) {
    %c0_i32 = arith.constant 0 : i32
    %c0_i32_0 = arith.constant 0 : i32
    %c0_i32_1 = arith.constant 0 : i32
    return %c0_i32, %c0_i32_0 : i32, i32
  }
  func.func @transform_11(%arg0: i32) -> (i32, i32) {
    %c0_i32 = arith.constant 0 : i32
    %c0_i32_0 = arith.constant 0 : i32
    %c0_i32_1 = arith.constant 0 : i32
    return %c0_i32, %c0_i32_0 : i32, i32
  }
  func.func @transform_12(%arg0: i32) -> (i32, i32) {
    %c0_i32 = arith.constant 0 : i32
    %c0_i32_0 = arith.constant 0 : i32
    %c0_i32_1 = arith.constant 0 : i32
    return %c0_i32, %c0_i32_0 : i32, i32
  }
  func.func @transform_13(%arg0: i32) -> (i32, i32) {
    %c0_i32 = arith.constant 0 : i32
    %c0_i32_0 = arith.constant 0 : i32
    %c0_i32_1 = arith.constant 0 : i32
    return %c0_i32, %c0_i32_0 : i32, i32
  }
  func.func @transform_14(%arg0: i32) -> (i32, i32) {
    %c0_i32 = arith.constant 0 : i32
    %c0_i32_0 = arith.constant 0 : i32
    %c0_i32_1 = arith.constant 0 : i32
    return %c0_i32, %c0_i32_0 : i32, i32
  }
  func.func @transform_15(%arg0: i32) -> (i32, i32) {
    %c0_i32 = arith.constant 0 : i32
    %c0_i32_0 = arith.constant 0 : i32
    %c0_i32_1 = arith.constant 0 : i32
    return %c0_i32, %c0_i32_0 : i32, i32
  }
  func.func @transform_16(%arg0: i32) -> (i32, i32) {
    %c0_i32 = arith.constant 0 : i32
    %c0_i32_0 = arith.constant 0 : i32
    %c0_i32_1 = arith.constant 0 : i32
    return %c0_i32, %c0_i32_0 : i32, i32
  }
  func.func @transform_17(%arg0: i32) -> (i32, i32) {
    %c0_i32 = arith.constant 0 : i32
    %c0_i32_0 = arith.constant 0 : i32
    %c0_i32_1 = arith.constant 0 : i32
    return %c0_i32, %c0_i32_0 : i32, i32
  }
  func.func @transform_18(%arg0: i32) -> (i32, i32) {
    %c0_i32 = arith.constant 0 : i32
    %c0_i32_0 = arith.constant 0 : i32
    %c0_i32_1 = arith.constant 0 : i32
    return %c0_i32, %c0_i32_0 : i32, i32
  }
  func.func @transform_19(%arg0: i32) -> (i32, i32) {
    %c0_i32 = arith.constant 0 : i32
    %c0_i32_0 = arith.constant 0 : i32
    %c0_i32_1 = arith.constant 0 : i32
    return %c0_i32, %c0_i32_0 : i32, i32
  }
  func.func @transform_20(%arg0: i32) -> (i32, i32) {
    %c0_i32 = arith.constant 0 : i32
    %c0_i32_0 = arith.constant 0 : i32
    %c0_i32_1 = arith.constant 0 : i32
    return %c0_i32, %c0_i32_0 : i32, i32
  }
  func.func @transform_21(%arg0: i32) -> (i32, i32) {
    %c0_i32 = arith.constant 0 : i32
    %c0_i32_0 = arith.constant 0 : i32
    %c0_i32_1 = arith.constant 0 : i32
    return %c0_i32, %c0_i32_0 : i32, i32
  }
  func.func @transform_22(%arg0: i32) -> (i32, i32) {
    %c0_i32 = arith.constant 0 : i32
    %c0_i32_0 = arith.constant 0 : i32
    %c0_i32_1 = arith.constant 0 : i32
    return %c0_i32, %c0_i32_0 : i32, i32
  }
  func.func @transform_23(%arg0: i32) -> (i32, i32) {
    %c0_i32 = arith.constant 0 : i32
    %c0_i32_0 = arith.constant 0 : i32
    %c0_i32_1 = arith.constant 0 : i32
    return %c0_i32, %c0_i32_0 : i32, i32
  }
  func.func @transform_24(%arg0: i32) -> (i32, i32) {
    %c0_i32 = arith.constant 0 : i32
    %c0_i32_0 = arith.constant 0 : i32
    %c0_i32_1 = arith.constant 0 : i32
    return %c0_i32, %c0_i32_0 : i32, i32
  }
  func.func @transform_25(%arg0: i32) -> (i32, i32) {
    %c0_i32 = arith.constant 0 : i32
    %c0_i32_0 = arith.constant 0 : i32
    %c0_i32_1 = arith.constant 0 : i32
    return %c0_i32, %c0_i32_0 : i32, i32
  }
  func.func @transform_26(%arg0: i32) -> (i32, i32) {
    %c0_i32 = arith.constant 0 : i32
    %c0_i32_0 = arith.constant 0 : i32
    %c0_i32_1 = arith.constant 0 : i32
    return %c0_i32, %c0_i32_0 : i32, i32
  }
  func.func @transform_27(%arg0: i32) -> (i32, i32) {
    %c0_i32 = arith.constant 0 : i32
    %c0_i32_0 = arith.constant 0 : i32
    %c0_i32_1 = arith.constant 0 : i32
    return %c0_i32, %c0_i32_0 : i32, i32
  }
  func.func @transform_28(%arg0: i32) -> (i32, i32) {
    %c0_i32 = arith.constant 0 : i32
    %c0_i32_0 = arith.constant 0 : i32
    %c0_i32_1 = arith.constant 0 : i32
    return %c0_i32, %c0_i32_0 : i32, i32
  }
  func.func @transform_29(%arg0: i32) -> (i32, i32) {
    %c0_i32 = arith.constant 0 : i32
    %c0_i32_0 = arith.constant 0 : i32
    %c0_i32_1 = arith.constant 0 : i32
    return %c0_i32, %c0_i32_0 : i32, i32
  }
  func.func @transform_30(%arg0: i32) -> (i32, i32) {
    %c0_i32 = arith.constant 0 : i32
    %c0_i32_0 = arith.constant 0 : i32
    %c0_i32_1 = arith.constant 0 : i32
    return %c0_i32, %c0_i32_0 : i32, i32
  }
  func.func @transform_31(%arg0: i32) -> (i32, i32) {
    %c0_i32 = arith.constant 0 : i32
    %c0_i32_0 = arith.constant 0 : i32
    %c0_i32_1 = arith.constant 0 : i32
    return %c0_i32, %c0_i32_0 : i32, i32
  }
  func.func @transform_32(%arg0: i32) -> (i32, i32) {
    %c0_i32 = arith.constant 0 : i32
    %c0_i32_0 = arith.constant 0 : i32
    %c0_i32_1 = arith.constant 0 : i32
    return %c0_i32, %c0_i32_0 : i32, i32
  }
  func.func @transform_33(%arg0: i32) -> (i32, i32) {
    %c0_i32 = arith.constant 0 : i32
    %c0_i32_0 = arith.constant 0 : i32
    %c0_i32_1 = arith.constant 0 : i32
    return %c0_i32, %c0_i32_0 : i32, i32
  }
  func.func @transform_34(%arg0: i32) -> (i32, i32) {
    %c0_i32 = arith.constant 0 : i32
    %c0_i32_0 = arith.constant 0 : i32
    %c0_i32_1 = arith.constant 0 : i32
    return %c0_i32, %c0_i32_0 : i32, i32
  }
  func.func @transform_35(%arg0: i32) -> (i32, i32) {
    %c0_i32 = arith.constant 0 : i32
    %c0_i32_0 = arith.constant 0 : i32
    %c0_i32_1 = arith.constant 0 : i32
    return %c0_i32, %c0_i32_0 : i32, i32
  }
  func.func @transform_36(%arg0: i32) -> (i32, i32) {
    %c0_i32 = arith.constant 0 : i32
    %c0_i32_0 = arith.constant 0 : i32
    %c0_i32_1 = arith.constant 0 : i32
    return %c0_i32, %c0_i32_0 : i32, i32
  }
  func.func @transform_37(%arg0: i32) -> (i32, i32) {
    %c0_i32 = arith.constant 0 : i32
    %c0_i32_0 = arith.constant 0 : i32
    %c0_i32_1 = arith.constant 0 : i32
    return %c0_i32, %c0_i32_0 : i32, i32
  }
  func.func @transform_38(%arg0: i32) -> (i32, i32) {
    %c0_i32 = arith.constant 0 : i32
    %c0_i32_0 = arith.constant 0 : i32
    %c0_i32_1 = arith.constant 0 : i32
    return %c0_i32, %c0_i32_0 : i32, i32
  }
  func.func @transform_39(%arg0: i32) -> (i32, i32) {
    %c0_i32 = arith.constant 0 : i32
    %c0_i32_0 = arith.constant 0 : i32
    return %arg0, %c0_i32 : i32, i32
  }
  func.func @transform_40(%arg0: i32) -> (i32, i32) {
    %c0_i32 = arith.constant 0 : i32
    %c0_i32_0 = arith.constant 0 : i32
    return %arg0, %c0_i32 : i32, i32
  }
  func.func @transform_41(%arg0: i32) -> (i32, i32) {
    %c0_i32 = arith.constant 0 : i32
    %c0_i32_0 = arith.constant 0 : i32
    return %arg0, %c0_i32 : i32, i32
  }
}

</mosaic_0001>

<sc_bundles>
// kernel: kernel.4.cloned.1.call-start
scs
__scs_entry_jumppad:
0x0: {  	(pc) =	sbr.rel $0x88, $3  }
0x1: {  	(tag) =	ssettag $0x0;
	lr =	simm.s32 $0x1  }
0x2: {  	[smem:$0x3F79] =	sst lr;
	_ =	strace $0xD0000000  }
0x3: {  	_ = 	snop  }
0x4: {  	_ = 	snop  }
0x5: {  	_ = 	snop  }
0x6: {  	_ = 	snop  }
0x7: {  	_ = 	snop  }
__scs_overlays_trampoline_lowered:
0x8: {  	[smem:$0x3F88] =	sst s0  }
0x9: {  	[smem:$0x3F89] =	sst s1  }
0xa: {  	[smem:$0x3F8A] =	sst s2  }
0xb: {  	[smem:$0x3F8B] =	sst s3  }
0xc: {  	[smem:$0x3F8C] =	sst s4  }
0xd: {  	[smem:$0x3F8D] =	sst s5  }
0xe: {  	[smem:$0x3F8E] =	sst s6  }
0xf: {  	[smem:$0x3F8F] =	sst s7  }
0x10: {  	[smem:$0x3F90] =	sst s8  }
0x11: {  	[smem:$0x3F91] =	sst s9;
	s0 =	simm.s32 @!p0 $0x0  }
0x12: {  	s1 =	sld [smem:$0x3F77];
	s0 =	simm.s32 @p0 $0x1  }
0x13: {  	[smem:$0x3F92] =	sst s0;
	s0 =	simm.s32 @!p1 $0x0  }
0x14: {  	s2 =	sld [smem:$0x3F76];
	s0 =	simm.s32 @p1 $0x1  }
0x15: {  	[smem:$0x3F93] =	sst s0;
	s0 =	simm.s32 @!p2 $0x0  }
0x16: {  	s3 =	sld [smem:$0x3FDB];
	s0 =	simm.s32 @p2 $0x1  }
0x17: {  	s4 =	simm.s32 $0x1BF5;
	[smem:$0x3F95] =	sst s0  }
0x18: {  	s0 =	sld [smem:$0x3F78];
	_ =	swait.ge [sflag:s4], $0x0  }
0x19: {  	s7 =	sld [smem:$0x3F79]  }
0x1a: {  	s8 =	sadd.s32 $0xFFFFE003, lr  }
0x1b: {  	s9 =	sadd.s32 $0xFFFFFEF7, lr;
	s5 =	simm.s32 $0xFFFFFFFF;
	p2 =	slt.u32 s8, $0xFFFFF086  }
0x1c: {  	p1 =	slt.u32 s9, $0xF7A;
	s5 =	simm.s32 @!p2 $0x0  }
0x1d: {  	s5 =	simm.s32 @p1 $0x1;
	p0 =	seq.s32 s7, s2  }
0x1e: {  	s7 =	smul.u32 @!p0 $0xF7A, s2;
	p2 =	seq.s32 @!p0 s5, $0x0  }
0x1f: {  	s9 =	smul.u32 $0xF7A, s1;
	s8 =	simm.s32 @!p0 $0x1BF5;
	p2 =	por !p2, p0  }
0x20: {  	[sflag:s8] =	ssyncset.s32 @!p0 $0xFFFFF086;
	s6 =	sadd.s32 @!p0 s3, s7;
	s7 =	simm.s32 @!p0 $0x108  }
0x21: {  	s3 =	sadd.s32 s3, s9;
	s6 =	sadd.s32 @!p0 $0x88, s6;
	s7 =	simm.s32 @p2 $0x1082  }
0x22: {  	[simem:s7], [sflag:s8] =	dma.local @!p0 [hbm:s6], $0xF7A  }
0x23: {  	s9 =	sor.u32 $0xD0000000, s2;
	s6 =	simm.s32 $0x108;
	_ =	swait.ge @!p0 [sflag:s8], $0x0  }
0x24: {  	s3 =	sadd.s32 $0x88, s3;
	s6 =	simm.s32 @!p1 $0x1082;
	[sflag:s4] =	ssyncset.s32 $0xFFFFF086  }
0x25: {  	[simem:s6], [sflag:s4] =	dma.local [hbm:s3], $0xF7A  }
0x26: {  	[smem:$0x3F79] =	sst s1;
	(tag) =	ssettag s2;
	_ =	strace s9  }
0x27: {  	s1 =	sld [smem:$0x3F89]  }
0x28: {  	s2 =	sld [smem:$0x3F8A]  }
0x29: {  	s4 =	sld [smem:$0x3F8C]  }
0x2a: {  	p0 =	seq.s32 s5, $0x0;
	s5 =	sld [smem:$0x3F8D]  }
0x2b: {  	s6 =	sld [smem:$0x3F8E]  }
0x2c: {  	s7 =	sld [smem:$0x3F8F]  }
0x2d: {  	s3 =	simm.s32 $0x108;
	s8 =	sld [smem:$0x3F90]  }
0x2e: {  	s3 =	simm.s32 @!p0 $0x1082;
	s9 =	sld [smem:$0x3F91]  }
0x2f: {  	lr =	sadd.s32 s0, s3;
	s0 =	sld [smem:$0x3F88]  }
0x30: {  	s3 =	sld [smem:$0x3F8B]  }
0x31: {  	[smem:$0x3F94] =	sst s10  }
0x32: {  	s10 =	sld [smem:$0x3F92];
	_ =	sdelay $0x3  }
0x33: {  	p0 =	seq.s32 s10, $0x1;
	s10 =	sld [smem:$0x3F94];
	_ =	sdelay $0x3  }
0x34: {  	[smem:$0x3F94] =	sst s10  }
0x35: {  	s10 =	sld [smem:$0x3F93];
	_ =	sdelay $0x3  }
0x36: {  	p1 =	seq.s32 s10, $0x1;
	s10 =	sld [smem:$0x3F94];
	_ =	sdelay $0x3  }
0x37: {  	[smem:$0x3F94] =	sst s10  }
0x38: {  	s10 =	sld [smem:$0x3F95]  }
0x39: {  	_ = 	snop;
	(pc) =	sbr.ind lr, $3  }
0x3a: {  	_ = 	snop  }
0x3b: {  	_ = 	snop  }
0x3c: {  	p2 =	seq.s32 s10, $0x1;
	s10 =	sld [smem:$0x3F94]  }
0x3d: {  	_ =	shalt  }
0x3e: {  	_ =	shalt  }
0x3f: {  	_ =	shalt  }
0x40: {  	_ =	shalt  }
0x41: {  	_ =	shalt  }
0x42: {  	_ =	shalt  }
0x43: {  	_ =	shalt  }
0x44: {  	_ =	shalt  }
0x45: {  	_ =	shalt  }
0x46: {  	_ =	shalt  }
0x47: {  	_ =	shalt  }
0x48: {  	_ =	shalt  }
0x49: {  	_ =	shalt  }
0x4a: {  	_ =	shalt  }
0x4b: {  	_ =	shalt  }
0x4c: {  	_ =	shalt  }
0x4d: {  	_ =	shalt  }
0x4e: {  	_ =	shalt  }
0x4f: {  	_ =	shalt  }
0x50: {  	_ =	shalt  }
0x51: {  	_ =	shalt  }
0x52: {  	_ =	shalt  }
0x53: {  	_ =	shalt  }
0x54: {  	_ =	shalt  }
0x55: {  	_ =	shalt  }
0x56: {  	_ =	shalt  }
0x57: {  	_ =	shalt  }
0x58: {  	_ =	shalt  }
0x59: {  	_ =	shalt  }
0x5a: {  	_ =	shalt  }
0x5b: {  	_ =	shalt  }
0x5c: {  	_ =	shalt  }
0x5d: {  	_ =	shalt  }
0x5e: {  	_ =	shalt  }
0x5f: {  	_ =	shalt  }
0x60: {  	_ =	shalt  }
0x61: {  	_ =	shalt  }
0x62: {  	_ =	shalt  }
0x63: {  	_ =	shalt  }
0x64: {  	_ =	shalt  }
0x65: {  	_ =	shalt  }
0x66: {  	_ =	shalt  }
0x67: {  	_ =	shalt  }
0x68: {  	_ =	shalt  }
0x69: {  	_ =	shalt  }
0x6a: {  	_ =	shalt  }
0x6b: {  	_ =	shalt  }
0x6c: {  	_ =	shalt  }
0x6d: {  	_ =	shalt  }
0x6e: {  	_ =	shalt  }
0x6f: {  	_ =	shalt  }
0x70: {  	_ =	shalt  }
0x71: {  	_ =	shalt  }
0x72: {  	_ =	shalt  }
0x73: {  	_ =	shalt  }
0x74: {  	_ =	shalt  }
0x75: {  	_ =	shalt  }
0x76: {  	_ =	shalt  }
0x77: {  	_ =	shalt  }
0x78: {  	_ =	shalt  }
0x79: {  	_ =	shalt  }
0x7a: {  	_ =	shalt  }
0x7b: {  	_ =	shalt  }
0x7c: {  	_ =	shalt  }
0x7d: {  	_ =	shalt  }
0x7e: {  	_ =	shalt  }
0x7f: {  	_ =	shalt  }
0x80: {  	_ =	shalt  }
0x81: {  	_ =	shalt  }
0x82: {  	_ =	shalt  }
0x83: {  	_ =	shalt  }
0x84: {  	_ =	shalt  }
0x85: {  	_ =	shalt  }
0x86: {  	_ =	shalt  }
0x87: {  	_ =	shalt  }
.Lfunc_end0:
.L_simem_size_0:
called_computation.1_lowered:
.L_overlay_start_0:
0x88: {  	s2 =	sld [smem:$0x3FD9]  }
0x89: {  	s3 =	sld [smem:$0x3FFE];
	_ =	sdelay $0x1  }
0x8a: {  	s1 =	srdreg.scid  }
0x8b: {  	s0 =	sand.u32 $0x1, s1  }
0x8c: {  	s14 =	sshll.u32 s0, $0xA;
	s2 =	sadd.s32 s3, s2  }
0x8d: {  	s2 =	sadd.s32 s2, s14  }
0x8e: {  	[smem:$0x3FA0] =	sst s2  }
0x8f: {  	_ = 	snop  }
0x90: {  	s2 =	sld [smem:$0x3FD0];
	_ =	sdelay $0x2  }
0x91: {  	s15 =	simm.s32 $0xA;
	s4 =	simm.s32 $0x10  }
0x92: {  	[smem:s4], [sflag:s15] =	dma.local [hbm:s2], $0x1  }
0x93: {  	_ =	swait.eq [sflag:s15], $0x1  }
0x94: {  	s16 =	sld [smem:$0x10]  }
0x95: {  	s17 =	sld [smem:$0x11]  }
0x96: {  	s5 =	sld [smem:$0x12]  }
0x97: {  	s6 =	sld [smem:$0x13]  }
0x98: {  	s7 =	sld [smem:$0x14]  }
0x99: {  	s8 =	sld [smem:$0x15];
	[sflag:s15] =	ssyncset.done $0x0  }
0x9a: {  	s9 =	sld [smem:$0x16];
	[sflag:s15] =	ssyncadd.s32 $0xFFFFFFFF  }
0x9b: {  	s18 =	sld [smem:$0x17];
	(tm) =	ssettm $0x1  }
0x9c: {  	s10 =	sld [smem:$0x3FFB];
	_ =	sdelay $0x3  }
0x9d: {  	_ =	strace s10  }
0x9e: {  	s10 =	sld [smem:$0x3FFC];
	_ =	sdelay $0x3  }
0x9f: {  	_ =	strace s10  }
0xa0: {  	s10 =	sld [smem:$0x3FFD];
	_ =	sdelay $0x3  }
0xa1: {  	_ =	strace s10  }
0xa2: {  	_ =	strace $0x8FFFFFFF  }
0xa3: {  	s19 =	sld [smem:$0x3FDB];
	_ =	sdelay $0x1  }
0xa4: {  	s11 =	simm.s32 $_scs_section_size  }
0xa5: {  	s12 =	simm.s32 $_size__tile_overlayer_lowered;
	s13 =	simm.s32 $_tile_overlayer_lowered  }
0xa6: {  	s22 =	simm.s32 $0x1BFF;
	s21 =	sshll.u32 s13, $0x1;
	s10 =	sadd.s32 s11, s19  }
0xa7: {  	s20 =	sshll.u32 s12, $0x1;
	s14 =	simm.s32 $0x0;
	s12 =	sadd.s32 s21, s10  }
0xa8: {  	[timem:s14], [sflag:s22] =	dma.local [hbm:s12], s20  }
0xa9: {  	_ =	swait.ge [sflag:s22], s20  }
0xaa: {  	s11 =	ssub.s32 $0x0, s20;
	[sflag:s22] =	ssyncset.done $0x0  }
0xab: {  	[sflag:s22] =	ssyncadd.s32 s11;
	_ =	sdelay $0x1  }
0xac: {  	s23 =	simm.s32 $0x1B8B  }
0xad: {  	_ =	swait.ge [sflag:s23], $0x1  }
0xae: {  	[sflag:s23] =	ssyncset.done $0x0  }
0xaf: {  	s25 =	simm.s32 $0x1B8E;
	s24 =	sld [smem:$0x3FFE];
	[sflag:s23] =	ssyncadd.s32 $0xFFFFFFFF  }
0xb0: {  	s26 =	simm.s32 $execute0_lowered;
	[smem:$0x3FD2] =	sst s25  }
0xb1: {  	s12 =	sshll.u32 s26, $0x1;
	_ =	strace $0x80000049;
	[dreg:$0x1] =	wrdreg $0xFFFFFFFF  }
0xb2: {  	s28 =	simm.s32 $_size_execute0_lowered;
	s10 =	sadd.s32 s10, s12;
	[dreg:$0x0] =	wrdreg $0x0  }
0xb3: {  	s12 =	sshll.u32 s28, $0x1;
	[dreg:$0x2] =	wrdreg s10  }
0xb4: {  	[dreg:$0x3] =	wrdreg s12  }
0xb5: {  	[dreg:$0x4] =	wrdreg $0xC0  }
0xb6: {  	_ =	task [dreg:s14], $0x5FFFF  }
0xb7: {  	[dreg:$0x1] =	wrdreg $0xFFFFFFFF  }
0xb8: {  	[dreg:$0x0] =	wrdreg $0x60  }
0xb9: {  	[dreg:$0x2] =	wrdreg s5  }
0xba: {  	[dreg:$0x3] =	wrdreg s24  }
0xbb: {  	[dreg:$0x4] =	wrdreg s9  }
0xbc: {  	[dreg:$0x5] =	wrdreg s17  }
0xbd: {  	[dreg:$0x6] =	wrdreg s16  }
0xbe: {  	[dreg:$0x7] =	wrdreg s6  }
0xbf: {  	[dreg:$0x8] =	wrdreg s18  }
0xc0: {  	[dreg:$0x9] =	wrdreg s7  }
0xc1: {  	[dreg:$0xa] =	wrdreg s8  }
0xc2: {  	[dreg:$0xb] =	wrdreg $0x9  }
0xc3: {  	_ =	task.clear_ibuf [dreg:s14], $0xCFFFF;
	_ =	strace $0x90000049  }
0xc4: {  	s29 =	simm.s32 $0x9;
	_ =	strace $0x8000004B  }
0xc5: {  	_ =	swait.ge [sflag:s29], $0x1  }
0xc6: {  	[sflag:s29] =	ssyncadd.s32 $0xFFFFFFFF  }
0xc7: {  	_ =	strace $0x9000004B  }
0xc8: {  	_ =	sfence  }
0xc9: {  	s30 =	sld [smem:$0x0];
	_ =	sdelay $0x2  }
0xca: {  	s31 =	sshll.u32 s1, $0xD;
	s1 =	sshrl.u32 s1, $0x2  }
0xcb: {  	s3 =	sand.u32 $0x4000, s31;
	s1 =	sadd.s32 s1, s30  }
0xcc: {  	s0 =	sor.u32 s3, s0;
	s1 =	sshll.u32 s1, $0x11  }
0xcd: {  	s0 =	sor.u32 s1, s0  }
0xce: {  	s0 =	sadd.s32 $0x8F2B, s0  }
0xcf: {  	[sflag:s0] =	ssyncadd.remote.s32 $0x1  }
0xd0: {  	_ =	sfence.sel $0xFFFF  }
0xd1: {  	[dreg:$0x0] =	wrdreg $0xFFFFFFFF;
	(pc) =	sbr.abs _section_cstart, $3  }
0xd2: {  	[dreg:$0x1] =	wrdreg $0xFFFFFFFF  }
0xd3: {  	_ =	task.clear_ibuf [dreg:s14], $0x2FFFF;
	_ =	strace $0x9FFFFFFF  }
0xd4: {  	(tm) =	ssettm $0x7FFFFFFF  }
0xd5: {  	_ =	shalt  }
tec
execute0_lowered:
.L_overlay_start_1:
0x0: {  	(tag) =	ssettag $0x1  }
0x1: {  	s0 =	rddreg [dreg:$0x0]  }
0x2: {  	s2 =	rddreg [dreg:$0x1]  }
0x3: {  	s3 =	rddreg [dreg:$0x2]  }
0x4: {  	s1 =	rddreg [dreg:$0x4]  }
0x5: {  	s4 =	rddreg [dreg:$0x5]  }
0x6: {  	s6 =	rddreg [dreg:$0x6];
	s18 =	stileid.u32  }
0x7: {  	s8 =	rddreg [dreg:$0x7];
	s12 =	smul.u32 $0x1E000, s18  }
0x8: {  	s5 =	srdreg.scid;
	s29 =	simm.s32 $0x500;
	s16 =	smul.u32 $0xB000, s18  }
0x9: {  	s30 =	simm.s32 $0x580;
	s28 =	simm.s32 $0x800;
	s17 =	smul.u32 $0x5800, s18  }
0xa: {  	s31 =	simm.s32 $0x1;
	s9 =	sand.u32 $0x1, s5;
	s26 =	smul.u32 $0xF000, s18  }
0xb: {  	s7 =	sshll.u32 s18, $0x1;
	s5 =	simm.s32 $0x0;
	s25 =	smul.u32 $0x2C00, s9  }
0xc: {  	s23 =	sadd.s32 $0x219B600, s2;
	s10 =	sor.u32 s9, s7;
	s18 =	smul.u32 $0xF000, s9  }
0xd: {  	[smem:$0x7FF] =	sst s5;
	s15 =	ssub.s32 $0x2, s9;
	s19 =	smul.u32 $0x5800, s9  }
0xe: {  	s7 =	smul.u32 $0xC0, s10;
	_ =	strace $0x8000004A;
	s22 =	sshll.u32 s10, $0x8  }
0xf: {  	[dreg:$0x10] =	wrdreg s23;
	s14 =	smul.u32 $0xC00, s10;
	s24 =	sshrl.u32 s15, $0x1  }
0x10: {  	s10 =	sshll.u32 s10, $0xC;
	s4 =	sadd.s32 s16, s4;
	s16 =	simm.s32 $0x3  }
0x11: {  	s23 =	simm.s32 $0xA00;
	s13 =	sadd.s32 s22, s2;
	[dreg:$0x13] =	wrdreg s10  }
0x12: {  	s8 =	sadd.s32 s8, s10;
	s17 =	sadd.s32 s25, s17;
	s22 =	sadd.s32 s19, s4  }
0x13: {  	[dreg:$0xb] =	wrdreg s23;
	s25 =	simm.s32 $0xA80;
	s23 =	simm.s32 $0x600  }
0x14: {  	s4 =	simm.s32 $0x7B00;
	s19 =	simm.s32 $0x9B00;
	s11 =	sadd.s32 s7, s2  }
0x15: {  	s7 =	sadd.s32 $0x219F600, s2;
	s2 =	sadd.s32 s12, s2;
	s12 =	ssub.s32 s15, s24  }
0x16: {  	s6 =	sadd.s32 s6, s14;
	s13 =	sadd.s32 $0x2199600, s13;
	[dreg:$0x15] =	wrdreg s8  }
0x17: {  	s14 =	smul.u32 $0x7800, s9;
	s10 =	sshrl.u32 s17, $0x3;
	[dreg:$0x17] =	wrdreg s22  }
0x18: {  	s17 =	simm.s32 $0x80;
	s24 =	simm.s32 $0xAB00;
	[dreg:$0xd] =	wrdreg s25  }
0x19: {  	s22 =	simm.s32 $0x480;
	s9 =	simm.s32 $0x8B00;
	s25 =	simm.s32 $0x880  }
0x1a: {  	s8 =	simm.s32 $0x900;
	s11 =	sadd.s32 $0x2197E00, s11;
	[dreg:$0x12] =	wrdreg s6  }
0x1b: {  	[dreg:$0x14] =	wrdreg s13;
	s15 =	smax.u32 s12, $0x1;
	s0 =	sadd.s32 s10, s0  }
0x1c: {  	s20 =	sadd.s32 s18, s2;
	[dreg:$0xc] =	wrdreg s24;
	s18 =	simm.s32 $0x5300  }
0x1d: {  	s12 =	simm.s32 $0x6300;
	s13 =	simm.s32 $0x6B00;
	[dreg:$0x11] =	wrdreg s11  }
0x1e: {  	s10 =	simm.s32 $0x8300;
	s24 =	simm.s32 $0x2;
	[dreg:$0x16] =	wrdreg s15  }
0x1f: {  	s6 =	sadd.s32 s14, s26;
	[dreg:$0xa] =	wrdreg s0;
	s0 =	sadd.s32 $0x6200, s20  }
0x20: {  	s26 =	simm.s32 $0xB300;
	s11 =	simm.s32 $0x5B00;
	s14 =	simm.s32 $0x680  }
0x21: {  	s15 =	simm.s32 $0x7300;
	s20 =	simm.s32 $0x980;
	[dreg:$0x18] =	wrdreg s0  }
0x22: {  	s6 =	sshrl.u32 s6, $0x3;
	[dreg:$0xe] =	wrdreg s26;
	s0 =	simm.s32 $0x700  }
0x23: {  	s26 =	simm.s32 $0x9300;
	s21 =	sadd.s32 s6, s3;
	s6 =	simm.s32 $0x780  }
0x24: {  	s3 =	simm.s32 $0x0;
	[dreg:$0xf] =	wrdreg s21;
	s21 =	simm.s32 $0xA300  }
.LBB2_1:
0x25: {  	s2 =	rddreg [dreg:$0xa]  }
0x26: {  	[dreg:$0x19] =	wrdreg s3;
	s2 =	sadd.s32 $0x0, s2  }
0x27: {  	[tilespmem:s5], [sflag:$0x3] =	stream.linear.gather [hbm4b:s2+s5], $0xB00, $0x38;
	[tilespmem:$0xBB00] =	vst v63  }
0x28: {  	_ =	swait.ge [sflag:s16], $0xB00  }
0x29: {  	[sflag:s16] =	ssyncset.done $0x0  }
0x2a: {  	s3 =	simm.s32 $0xB00;
	[sflag:s16] =	ssyncadd.s32 $0xFFFFF500  }
0x2b: {  	[tilespmem:s3], [sflag:$0x1] =	stream.indirect.gather [hbm4b:s7+s17], $0x10, s5, s17, $0xb8;
	[tilespmem:$0xBB00] =	vst v63  }
0x2c: {  	s3 =	simm.s32 $0x1300  }
0x2d: {  	[tilespmem:s3], [sflag:$0x1] =	stream.indirect.gather [hbm4b:s7+s17], $0x10, s17, s17, $0xb8;
	[tilespmem:$0xBB00] =	vst v63  }
0x2e: {  	s2 =	simm.s32 $0x100;
	s3 =	simm.s32 $0x1B00  }
0x2f: {  	[tilespmem:s3], [sflag:$0x1] =	stream.indirect.gather [hbm4b:s7+s17], $0x10, s2, s17, $0xb8;
	[tilespmem:$0xBB00] =	vst v63  }
0x30: {  	s2 =	simm.s32 $0x180;
	s3 =	simm.s32 $0x2300  }
0x31: {  	[tilespmem:s3], [sflag:$0x1] =	stream.indirect.gather [hbm4b:s7+s17], $0x10, s2, s17, $0xb8;
	[tilespmem:$0xBB00] =	vst v63  }
0x32: {  	s2 =	simm.s32 $0x200;
	s3 =	simm.s32 $0x2B00  }
0x33: {  	[tilespmem:s3], [sflag:$0x1] =	stream.indirect.gather [hbm4b:s7+s17], $0x10, s2, s17, $0xb8;
	[tilespmem:$0xBB00] =	vst v63  }
0x34: {  	s2 =	simm.s32 $0x280;
	s3 =	simm.s32 $0x3300  }
0x35: {  	[tilespmem:s3], [sflag:$0x1] =	stream.indirect.gather [hbm4b:s7+s17], $0x10, s2, s17, $0xb8;
	[tilespmem:$0xBB00] =	vst v63  }
0x36: {  	s2 =	simm.s32 $0x300;
	s3 =	simm.s32 $0x3B00  }
0x37: {  	[tilespmem:s3], [sflag:$0x1] =	stream.indirect.gather [hbm4b:s7+s17], $0x10, s2, s17, $0xb8;
	[tilespmem:$0xBB00] =	vst v63  }
0x38: {  	s2 =	simm.s32 $0x380;
	s3 =	simm.s32 $0x4300  }
0x39: {  	[tilespmem:s3], [sflag:$0x1] =	stream.indirect.gather [hbm4b:s7+s17], $0x10, s2, s17, $0xb8;
	[tilespmem:$0xBB00] =	vst v63  }
0x3a: {  	s2 =	simm.s32 $0x400;
	s3 =	simm.s32 $0x4B00  }
0x3b: {  	[tilespmem:s3], [sflag:$0x1] =	stream.indirect.gather [hbm4b:s7+s17], $0x10, s2, s17, $0xb8;
	[tilespmem:$0xBB00] =	vst v63  }
0x3c: {  	_ = 	snop  }
0x3d: {  	[tilespmem:s18], [sflag:$0x1] =	stream.indirect.gather [hbm4b:s7+s17], $0x10, s22, s17, $0xb8;
	[tilespmem:$0xBB00] =	vst v63  }
0x3e: {  	_ = 	snop  }
0x3f: {  	[tilespmem:s11], [sflag:$0x1] =	stream.indirect.gather [hbm4b:s7+s17], $0x10, s29, s17, $0xb8;
	[tilespmem:$0xBB00] =	vst v63  }
0x40: {  	_ = 	snop  }
0x41: {  	[tilespmem:s12], [sflag:$0x1] =	stream.indirect.gather [hbm4b:s7+s17], $0x10, s30, s17, $0xb8;
	[tilespmem:$0xBB00] =	vst v63  }
0x42: {  	_ = 	snop  }
0x43: {  	[tilespmem:s13], [sflag:$0x1] =	stream.indirect.gather [hbm4b:s7+s17], $0x10, s23, s17, $0xb8;
	[tilespmem:$0xBB00] =	vst v63  }
0x44: {  	_ = 	snop  }
0x45: {  	[tilespmem:s15], [sflag:$0x1] =	stream.indirect.gather [hbm4b:s7+s17], $0x10, s14, s17, $0xb8;
	[tilespmem:$0xBB00] =	vst v63  }
0x46: {  	_ = 	snop  }
0x47: {  	[tilespmem:s4], [sflag:$0x1] =	stream.indirect.gather [hbm4b:s7+s17], $0x10, s0, s17, $0xb8;
	[tilespmem:$0xBB00] =	vst v63  }
0x48: {  	_ = 	snop  }
0x49: {  	[tilespmem:s10], [sflag:$0x1] =	stream.indirect.gather [hbm4b:s7+s17], $0x10, s6, s17, $0xb8;
	[tilespmem:$0xBB00] =	vst v63  }
0x4a: {  	_ = 	snop  }
0x4b: {  	[tilespmem:s9], [sflag:$0x1] =	stream.indirect.gather [hbm4b:s7+s17], $0x10, s28, s17, $0xb8;
	[tilespmem:$0xBB00] =	vst v63  }
0x4c: {  	_ = 	snop  }
0x4d: {  	[tilespmem:s26], [sflag:$0x1] =	stream.indirect.gather [hbm4b:s7+s17], $0x10, s25, s17, $0xb8;
	[tilespmem:$0xBB00] =	vst v63  }
0x4e: {  	s9 =	rddreg [dreg:$0xe]  }
0x4f: {  	[tilespmem:s19], [sflag:$0x1] =	stream.indirect.gather [hbm4b:s7+s17], $0x10, s8, s17, $0xb8;
	[tilespmem:$0xBB00] =	vst v63  }
0x50: {  	s25 =	rddreg [dreg:$0xc]  }
0x51: {  	[tilespmem:s21], [sflag:$0x1] =	stream.indirect.gather [hbm4b:s7+s17], $0x10, s20, s17, $0xb8;
	[tilespmem:$0xBB00] =	vst v63  }
0x52: {  	s26 =	rddreg [dreg:$0xb]  }
0x53: {  	[tilespmem:s25], [sflag:$0x1] =	stream.indirect.gather [hbm4b:s7+s17], $0x10, s26, s17, $0xb8;
	[tilespmem:$0xBB00] =	vst v63  }
0x54: {  	s28 =	rddreg [dreg:$0xd]  }
0x55: {  	[tilespmem:s9], [sflag:$0x1] =	stream.indirect.gather [hbm4b:s7+s17], $0x10, s28, s17, $0xb8;
	[tilespmem:$0xBB00] =	vst v63  }
0x56: {  	_ =	swait.ge [sflag:s31], $0x800  }
0x57: {  	[sflag:s31] =	ssyncset.done $0x0  }
0x58: {  	[sflag:s31] =	ssyncadd.s32 $0xFFFFF800  }
0x59: {  	_ =	swait.ge [sflag:s31], $0x800  }
0x5a: {  	[sflag:s31] =	ssyncset.done $0x0  }
0x5b: {  	[sflag:s31] =	ssyncadd.s32 $0xFFFFF800  }
0x5c: {  	_ =	swait.ge [sflag:s31], $0x800  }
0x5d: {  	[sflag:s31] =	ssyncset.done $0x0  }
0x5e: {  	[sflag:s31] =	ssyncadd.s32 $0xFFFFF800  }
0x5f: {  	_ =	swait.ge [sflag:s31], $0x800  }
0x60: {  	[sflag:s31] =	ssyncset.done $0x0  }
0x61: {  	[sflag:s31] =	ssyncadd.s32 $0xFFFFF800  }
0x62: {  	_ =	swait.ge [sflag:s31], $0x800  }
0x63: {  	[sflag:s31] =	ssyncset.done $0x0  }
0x64: {  	[sflag:s31] =	ssyncadd.s32 $0xFFFFF800  }
0x65: {  	_ =	swait.ge [sflag:s31], $0x800  }
0x66: {  	[sflag:s31] =	ssyncset.done $0x0  }
0x67: {  	[sflag:s31] =	ssyncadd.s32 $0xFFFFF800  }
0x68: {  	_ =	swait.ge [sflag:s31], $0x800  }
0x69: {  	[sflag:s31] =	ssyncset.done $0x0  }
0x6a: {  	[sflag:s31] =	ssyncadd.s32 $0xFFFFF800  }
0x6b: {  	_ =	swait.ge [sflag:s31], $0x800  }
0x6c: {  	[sflag:s31] =	ssyncset.done $0x0  }
0x6d: {  	[sflag:s31] =	ssyncadd.s32 $0xFFFFF800  }
0x6e: {  	_ =	swait.ge [sflag:s31], $0x800  }
0x6f: {  	[sflag:s31] =	ssyncset.done $0x0  }
0x70: {  	[sflag:s31] =	ssyncadd.s32 $0xFFFFF800  }
0x71: {  	_ =	swait.ge [sflag:s31], $0x800  }
0x72: {  	[sflag:s31] =	ssyncset.done $0x0  }
0x73: {  	[sflag:s31] =	ssyncadd.s32 $0xFFFFF800  }
0x74: {  	_ =	swait.ge [sflag:s31], $0x800  }
0x75: {  	[sflag:s31] =	ssyncset.done $0x0  }
0x76: {  	[sflag:s31] =	ssyncadd.s32 $0xFFFFF800  }
0x77: {  	_ =	swait.ge [sflag:s31], $0x800  }
0x78: {  	[sflag:s31] =	ssyncset.done $0x0  }
0x79: {  	[sflag:s31] =	ssyncadd.s32 $0xFFFFF800  }
0x7a: {  	_ =	swait.ge [sflag:s31], $0x800  }
0x7b: {  	[sflag:s31] =	ssyncset.done $0x0  }
0x7c: {  	[sflag:s31] =	ssyncadd.s32 $0xFFFFF800  }
0x7d: {  	_ =	swait.ge [sflag:s31], $0x800  }
0x7e: {  	[sflag:s31] =	ssyncset.done $0x0  }
0x7f: {  	[sflag:s31] =	ssyncadd.s32 $0xFFFFF800  }
0x80: {  	_ =	swait.ge [sflag:s31], $0x800  }
0x81: {  	[sflag:s31] =	ssyncset.done $0x0  }
0x82: {  	[sflag:s31] =	ssyncadd.s32 $0xFFFFF800  }
0x83: {  	_ =	swait.ge [sflag:s31], $0x800  }
0x84: {  	[sflag:s31] =	ssyncset.done $0x0  }
0x85: {  	[sflag:s31] =	ssyncadd.s32 $0xFFFFF800  }
0x86: {  	_ =	swait.ge [sflag:s31], $0x800  }
0x87: {  	[sflag:s31] =	ssyncset.done $0x0  }
0x88: {  	[sflag:s31] =	ssyncadd.s32 $0xFFFFF800  }
0x89: {  	_ =	swait.ge [sflag:s31], $0x800  }
0x8a: {  	[sflag:s31] =	ssyncset.done $0x0  }
0x8b: {  	[sflag:s31] =	ssyncadd.s32 $0xFFFFF800  }
0x8c: {  	_ =	swait.ge [sflag:s31], $0x800  }
0x8d: {  	[sflag:s31] =	ssyncset.done $0x0  }
0x8e: {  	[sflag:s31] =	ssyncadd.s32 $0xFFFFF800  }
0x8f: {  	_ =	swait.ge [sflag:s31], $0x800  }
0x90: {  	[sflag:s31] =	ssyncset.done $0x0  }
0x91: {  	[sflag:s31] =	ssyncadd.s32 $0xFFFFF800  }
0x92: {  	_ =	swait.ge [sflag:s31], $0x800  }
0x93: {  	[sflag:s31] =	ssyncset.done $0x0  }
0x94: {  	[sflag:s31] =	ssyncadd.s32 $0xFFFFF800  }
0x95: {  	_ =	swait.ge [sflag:s31], $0x800  }
0x96: {  	[sflag:s31] =	ssyncset.done $0x0  }
0x97: {  	s29 =	simm.s32 $0xB00;
	s3 =	rddreg [dreg:$0x17];
	[sflag:s31] =	ssyncadd.s32 $0xFFFFF800  }
0x98: {  	[hbm4b:s3+s5] =	stream.linear.scatter [tilespmem:s29], [sflag:$0x2], $0xB000, $0x38;
	[tilespmem:$0xBB00] =	vst v63  }
0x99: {  	s2 =	simm.s32 $0x2C0;
	_ =	swait.ge [sflag:s24], $0xB000  }
0x9a: {  	s25 =	simm.s32 $0x160;
	s26 =	rddreg [dreg:$0xa];
	[sflag:s24] =	ssyncset.done $0x0  }
.LBB2_2:
0x9b: {  	[sflag:s24] =	ssyncadd.s32 $0xFFFF5000;
	s26 =	sadd.s32 s25, s26  }
0x9c: {  	[tilespmem:s5], [sflag:$0x3] =	stream.linear.gather [hbm4b:s26+s5], $0xB00, $0x38;
	[tilespmem:$0xBB00] =	vst v63  }
0x9d: {  	_ =	swait.ge [sflag:s16], $0xB00  }
0x9e: {  	[sflag:s16] =	ssyncset.done $0x0  }
0x9f: {  	s29 =	simm.s32 $0xB00;
	[sflag:s16] =	ssyncadd.s32 $0xFFFFF500  }
0xa0: {  	[tilespmem:s29], [sflag:$0x1] =	stream.indirect.gather [hbm4b:s7+s17], $0x10, s5, s17, $0xb8;
	[tilespmem:$0xBB00] =	vst v63  }
0xa1: {  	s26 =	simm.s32 $0x1300  }
0xa2: {  	[tilespmem:s26], [sflag:$0x1] =	stream.indirect.gather [hbm4b:s7+s17], $0x10, s17, s17, $0xb8;
	[tilespmem:$0xBB00] =	vst v63  }
0xa3: {  	s28 =	simm.s32 $0x100;
	s9 =	simm.s32 $0x1B00  }
0xa4: {  	[tilespmem:s9], [sflag:$0x1] =	stream.indirect.gather [hbm4b:s7+s17], $0x10, s28, s17, $0xb8;
	[tilespmem:$0xBB00] =	vst v63  }
0xa5: {  	s26 =	simm.s32 $0x180;
	s28 =	simm.s32 $0x2300  }
0xa6: {  	[tilespmem:s28], [sflag:$0x1] =	stream.indirect.gather [hbm4b:s7+s17], $0x10, s26, s17, $0xb8;
	[tilespmem:$0xBB00] =	vst v63  }
0xa7: {  	s26 =	simm.s32 $0x200;
	s28 =	simm.s32 $0x2B00  }
0xa8: {  	[tilespmem:s28], [sflag:$0x1] =	stream.indirect.gather [hbm4b:s7+s17], $0x10, s26, s17, $0xb8;
	[tilespmem:$0xBB00] =	vst v63  }
0xa9: {  	s26 =	simm.s32 $0x280;
	s28 =	simm.s32 $0x3300  }
0xaa: {  	[tilespmem:s28], [sflag:$0x1] =	stream.indirect.gather [hbm4b:s7+s17], $0x10, s26, s17, $0xb8;
	[tilespmem:$0xBB00] =	vst v63  }
0xab: {  	s26 =	simm.s32 $0x300;
	s28 =	simm.s32 $0x3B00  }
0xac: {  	[tilespmem:s28], [sflag:$0x1] =	stream.indirect.gather [hbm4b:s7+s17], $0x10, s26, s17, $0xb8;
	[tilespmem:$0xBB00] =	vst v63  }
0xad: {  	s26 =	simm.s32 $0x380;
	s28 =	simm.s32 $0x4300  }
0xae: {  	[tilespmem:s28], [sflag:$0x1] =	stream.indirect.gather [hbm4b:s7+s17], $0x10, s26, s17, $0xb8;
	[tilespmem:$0xBB00] =	vst v63  }
0xaf: {  	s26 =	simm.s32 $0x400;
	s28 =	simm.s32 $0x4B00  }
0xb0: {  	[tilespmem:s28], [sflag:$0x1] =	stream.indirect.gather [hbm4b:s7+s17], $0x10, s26, s17, $0xb8;
	[tilespmem:$0xBB00] =	vst v63  }
0xb1: {  	_ = 	snop  }
0xb2: {  	[tilespmem:s18], [sflag:$0x1] =	stream.indirect.gather [hbm4b:s7+s17], $0x10, s22, s17, $0xb8;
	[tilespmem:$0xBB00] =	vst v63  }
0xb3: {  	s9 =	simm.s32 $0x500  }
0xb4: {  	[tilespmem:s11], [sflag:$0x1] =	stream.indirect.gather [hbm4b:s7+s17], $0x10, s9, s17, $0xb8;
	[tilespmem:$0xBB00] =	vst v63  }
0xb5: {  	_ = 	snop  }
0xb6: {  	[tilespmem:s12], [sflag:$0x1] =	stream.indirect.gather [hbm4b:s7+s17], $0x10, s30, s17, $0xb8;
	[tilespmem:$0xBB00] =	vst v63  }
0xb7: {  	_ = 	snop  }
0xb8: {  	[tilespmem:s13], [sflag:$0x1] =	stream.indirect.gather [hbm4b:s7+s17], $0x10, s23, s17, $0xb8;
	[tilespmem:$0xBB00] =	vst v63  }
0xb9: {  	_ = 	snop  }
0xba: {  	[tilespmem:s15], [sflag:$0x1] =	stream.indirect.gather [hbm4b:s7+s17], $0x10, s14, s17, $0xb8;
	[tilespmem:$0xBB00] =	vst v63  }
0xbb: {  	_ = 	snop  }
0xbc: {  	[tilespmem:s4], [sflag:$0x1] =	stream.indirect.gather [hbm4b:s7+s17], $0x10, s0, s17, $0xb8;
	[tilespmem:$0xBB00] =	vst v63  }
0xbd: {  	_ = 	snop  }
0xbe: {  	[tilespmem:s10], [sflag:$0x1] =	stream.indirect.gather [hbm4b:s7+s17], $0x10, s6, s17, $0xb8;
	[tilespmem:$0xBB00] =	vst v63  }
0xbf: {  	s26 =	simm.s32 $0x800;
	s28 =	simm.s32 $0x8B00  }
0xc0: {  	[tilespmem:s28], [sflag:$0x1] =	stream.indirect.gather [hbm4b:s7+s17], $0x10, s26, s17, $0xb8;
	[tilespmem:$0xBB00] =	vst v63  }
0xc1: {  	s8 =	smov.u32 s2;
	s26 =	simm.s32 $0x880;
	s28 =	simm.s32 $0x9300  }
0xc2: {  	[tilespmem:s28], [sflag:$0x1] =	stream.indirect.gather [hbm4b:s7+s17], $0x10, s26, s17, $0xb8;
	[tilespmem:$0xBB00] =	vst v63  }
0xc3: {  	s25 =	smov.u32 s8;
	s8 =	rddreg [dreg:$0xe];
	s28 =	simm.s32 $0x900  }
0xc4: {  	[tilespmem:s19], [sflag:$0x1] =	stream.indirect.gather [hbm4b:s7+s17], $0x10, s28, s17, $0xb8;
	[tilespmem:$0xBB00] =	vst v63  }
0xc5: {  	s26 =	rddreg [dreg:$0xc]  }
0xc6: {  	[tilespmem:s21], [sflag:$0x1] =	stream.indirect.gather [hbm4b:s7+s17], $0x10, s20, s17, $0xb8;
	[tilespmem:$0xBB00] =	vst v63  }
0xc7: {  	s28 =	rddreg [dreg:$0xb]  }
0xc8: {  	[tilespmem:s26], [sflag:$0x1] =	stream.indirect.gather [hbm4b:s7+s17], $0x10, s28, s17, $0xb8;
	[tilespmem:$0xBB00] =	vst v63  }
0xc9: {  	s9 =	rddreg [dreg:$0xd]  }
0xca: {  	[tilespmem:s8], [sflag:$0x1] =	stream.indirect.gather [hbm4b:s7+s17], $0x10, s9, s17, $0xb8;
	[tilespmem:$0xBB00] =	vst v63  }
0xcb: {  	_ =	swait.ge [sflag:s31], $0x800  }
0xcc: {  	[sflag:s31] =	ssyncset.done $0x0  }
0xcd: {  	[sflag:s31] =	ssyncadd.s32 $0xFFFFF800  }
0xce: {  	_ =	swait.ge [sflag:s31], $0x800  }
0xcf: {  	[sflag:s31] =	ssyncset.done $0x0  }
0xd0: {  	[sflag:s31] =	ssyncadd.s32 $0xFFFFF800  }
0xd1: {  	_ =	swait.ge [sflag:s31], $0x800  }
0xd2: {  	[sflag:s31] =	ssyncset.done $0x0  }
0xd3: {  	[sflag:s31] =	ssyncadd.s32 $0xFFFFF800  }
0xd4: {  	_ =	swait.ge [sflag:s31], $0x800  }
0xd5: {  	[sflag:s31] =	ssyncset.done $0x0  }
0xd6: {  	[sflag:s31] =	ssyncadd.s32 $0xFFFFF800  }
0xd7: {  	_ =	swait.ge [sflag:s31], $0x800  }
0xd8: {  	[sflag:s31] =	ssyncset.done $0x0  }
0xd9: {  	[sflag:s31] =	ssyncadd.s32 $0xFFFFF800  }
0xda: {  	_ =	swait.ge [sflag:s31], $0x800  }
0xdb: {  	[sflag:s31] =	ssyncset.done $0x0  }
0xdc: {  	[sflag:s31] =	ssyncadd.s32 $0xFFFFF800  }
0xdd: {  	_ =	swait.ge [sflag:s31], $0x800  }
0xde: {  	[sflag:s31] =	ssyncset.done $0x0  }
0xdf: {  	[sflag:s31] =	ssyncadd.s32 $0xFFFFF800  }
0xe0: {  	_ =	swait.ge [sflag:s31], $0x800  }
0xe1: {  	[sflag:s31] =	ssyncset.done $0x0  }
0xe2: {  	[sflag:s31] =	ssyncadd.s32 $0xFFFFF800  }
0xe3: {  	_ =	swait.ge [sflag:s31], $0x800  }
0xe4: {  	[sflag:s31] =	ssyncset.done $0x0  }
0xe5: {  	[sflag:s31] =	ssyncadd.s32 $0xFFFFF800  }
0xe6: {  	_ =	swait.ge [sflag:s31], $0x800  }
0xe7: {  	[sflag:s31] =	ssyncset.done $0x0  }
0xe8: {  	[sflag:s31] =	ssyncadd.s32 $0xFFFFF800  }
0xe9: {  	_ =	swait.ge [sflag:s31], $0x800  }
0xea: {  	[sflag:s31] =	ssyncset.done $0x0  }
0xeb: {  	[sflag:s31] =	ssyncadd.s32 $0xFFFFF800  }
0xec: {  	_ =	swait.ge [sflag:s31], $0x800  }
0xed: {  	[sflag:s31] =	ssyncset.done $0x0  }
0xee: {  	[sflag:s31] =	ssyncadd.s32 $0xFFFFF800  }
0xef: {  	_ =	swait.ge [sflag:s31], $0x800  }
0xf0: {  	[sflag:s31] =	ssyncset.done $0x0  }
0xf1: {  	[sflag:s31] =	ssyncadd.s32 $0xFFFFF800  }
0xf2: {  	_ =	swait.ge [sflag:s31], $0x800  }
0xf3: {  	[sflag:s31] =	ssyncset.done $0x0  }
0xf4: {  	[sflag:s31] =	ssyncadd.s32 $0xFFFFF800  }
0xf5: {  	_ =	swait.ge [sflag:s31], $0x800  }
0xf6: {  	[sflag:s31] =	ssyncset.done $0x0  }
0xf7: {  	[sflag:s31] =	ssyncadd.s32 $0xFFFFF800  }
0xf8: {  	_ =	swait.ge [sflag:s31], $0x800  }
0xf9: {  	[sflag:s31] =	ssyncset.done $0x0  }
0xfa: {  	[sflag:s31] =	ssyncadd.s32 $0xFFFFF800  }
0xfb: {  	_ =	swait.ge [sflag:s31], $0x800  }
0xfc: {  	[sflag:s31] =	ssyncset.done $0x0  }
0xfd: {  	[sflag:s31] =	ssyncadd.s32 $0xFFFFF800  }
0xfe: {  	_ =	swait.ge [sflag:s31], $0x800  }
0xff: {  	[sflag:s31] =	ssyncset.done $0x0  }
0x100: {  	[sflag:s31] =	ssyncadd.s32 $0xFFFFF800  }
0x101: {  	_ =	swait.ge [sflag:s31], $0x800  }
0x102: {  	[sflag:s31] =	ssyncset.done $0x0  }
0x103: {  	[sflag:s31] =	ssyncadd.s32 $0xFFFFF800  }
0x104: {  	_ =	swait.ge [sflag:s31], $0x800  }
0x105: {  	[sflag:s31] =	ssyncset.done $0x0  }
0x106: {  	[sflag:s31] =	ssyncadd.s32 $0xFFFFF800  }
0x107: {  	_ =	swait.ge [sflag:s31], $0x800  }
0x108: {  	[sflag:s31] =	ssyncset.done $0x0  }
0x109: {  	[sflag:s31] =	ssyncadd.s32 $0xFFFFF800  }
0x10a: {  	p0 =	sne.s32 s2, $0x420;
	_ =	swait.ge [sflag:s31], $0x800  }
.Ltmp0:
0x10b: {  	[sflag:s31] =	ssyncset.done $0x0;
	(pc) =	sbr.rel @p0 .LBB2_2-.Ltmp0, $4  }
0x10c: {  	s3 =	sadd.s32 $0x1600, s3;
	[sflag:s31] =	ssyncadd.s32 $0xFFFFF800  }
0x10d: {  	[hbm4b:s3+s5] =	stream.linear.scatter [tilespmem:s29], [sflag:$0x2], $0xB000, $0x38;
	[tilespmem:$0xBB00] =	vst v63  }
0x10e: {  	_ =	swait.ge [sflag:s24], $0xB000  }
0x10f: {  	s2 =	sadd.s32 $0x160, s2;
	s26 =	rddreg [dreg:$0xa];
	[sflag:s24] =	ssyncset.done $0x0  }
0x110: {  	[sflag:s24] =	ssyncadd.s32 $0xFFFF5000;
	s2 =	sadd.s32 s25, s26  }
0x111: {  	[tilespmem:s5], [sflag:$0x3] =	stream.linear.gather [hbm4b:s2+s5], $0xB00, $0x38;
	[tilespmem:$0xBB00] =	vst v63  }
0x112: {  	_ =	swait.ge [sflag:s16], $0xB00  }
0x113: {  	[sflag:s16] =	ssyncset.done $0x0  }
0x114: {  	s26 =	simm.s32 $0xB00;
	[sflag:s16] =	ssyncadd.s32 $0xFFFFF500  }
0x115: {  	[tilespmem:s26], [sflag:$0x1] =	stream.indirect.gather [hbm4b:s7+s17], $0x10, s5, s17, $0xb8;
	[tilespmem:$0xBB00] =	vst v63  }
0x116: {  	s11 =	simm.s32 $0x1300  }
0x117: {  	[tilespmem:s11], [sflag:$0x1] =	stream.indirect.gather [hbm4b:s7+s17], $0x10, s17, s17, $0xb8;
	[tilespmem:$0xBB00] =	vst v63  }
0x118: {  	s12 =	simm.s32 $0x100;
	s0 =	simm.s32 $0x1B00  }
0x119: {  	[tilespmem:s0], [sflag:$0x1] =	stream.indirect.gather [hbm4b:s7+s17], $0x10, s12, s17, $0xb8;
	[tilespmem:$0xBB00] =	vst v63  }
0x11a: {  	s10 =	simm.s32 $0x180;
	s28 =	simm.s32 $0x2300  }
0x11b: {  	[tilespmem:s28], [sflag:$0x1] =	stream.indirect.gather [hbm4b:s7+s17], $0x10, s10, s17, $0xb8;
	[tilespmem:$0xBB00] =	vst v63  }
0x11c: {  	s13 =	simm.s32 $0x200;
	s29 =	simm.s32 $0x2B00  }
0x11d: {  	[tilespmem:s29], [sflag:$0x1] =	stream.indirect.gather [hbm4b:s7+s17], $0x10, s13, s17, $0xb8;
	[tilespmem:$0xBB00] =	vst v63  }
0x11e: {  	s14 =	simm.s32 $0x280;
	s30 =	simm.s32 $0x3300  }
0x11f: {  	[tilespmem:s30], [sflag:$0x1] =	stream.indirect.gather [hbm4b:s7+s17], $0x10, s14, s17, $0xb8;
	[tilespmem:$0xBB00] =	vst v63  }
0x120: {  	s15 =	simm.s32 $0x300;
	s25 =	simm.s32 $0x3B00  }
0x121: {  	[tilespmem:s25], [sflag:$0x1] =	stream.indirect.gather [hbm4b:s7+s17], $0x10, s15, s17, $0xb8;
	[tilespmem:$0xBB00] =	vst v63  }
0x122: {  	s18 =	simm.s32 $0x380;
	s4 =	simm.s32 $0x4300  }
0x123: {  	[tilespmem:s4], [sflag:$0x1] =	stream.indirect.gather [hbm4b:s7+s17], $0x10, s18, s17, $0xb8;
	[tilespmem:$0xBB00] =	vst v63  }
0x124: {  	s22 =	simm.s32 $0x400;
	s6 =	simm.s32 $0x4B00  }
0x125: {  	[tilespmem:s6], [sflag:$0x1] =	stream.indirect.gather [hbm4b:s7+s17], $0x10, s22, s17, $0xb8;
	[tilespmem:$0xBB00] =	vst v63  }
0x126: {  	s23 =	simm.s32 $0x480;
	s8 =	simm.s32 $0x5300  }
0x127: {  	[tilespmem:s8], [sflag:$0x1] =	stream.indirect.gather [hbm4b:s7+s17], $0x10, s23, s17, $0xb8;
	[tilespmem:$0xBB00] =	vst v63  }
0x128: {  	s9 =	simm.s32 $0x5B00;
	s4 =	simm.s32 $0x500  }
0x129: {  	[tilespmem:s9], [sflag:$0x1] =	stream.indirect.gather [hbm4b:s7+s17], $0x10, s4, s17, $0xb8;
	[tilespmem:$0xBB00] =	vst v63  }
0x12a: {  	s25 =	simm.s32 $0x580;
	s6 =	simm.s32 $0x6300  }
0x12b: {  	[tilespmem:s6], [sflag:$0x1] =	stream.indirect.gather [hbm4b:s7+s17], $0x10, s25, s17, $0xb8;
	[tilespmem:$0xBB00] =	vst v63  }
0x12c: {  	s8 =	simm.s32 $0x6B00;
	s6 =	simm.s32 $0x600  }
0x12d: {  	[tilespmem:s8], [sflag:$0x1] =	stream.indirect.gather [hbm4b:s7+s17], $0x10, s6, s17, $0xb8;
	[tilespmem:$0xBB00] =	vst v63  }
0x12e: {  	s9 =	simm.s32 $0x680;
	s25 =	simm.s32 $0x7300  }
0x12f: {  	[tilespmem:s25], [sflag:$0x1] =	stream.indirect.gather [hbm4b:s7+s17], $0x10, s9, s17, $0xb8;
	[tilespmem:$0xBB00] =	vst v63  }
0x130: {  	s6 =	simm.s32 $0x700;
	s8 =	simm.s32 $0x7B00  }
0x131: {  	[tilespmem:s8], [sflag:$0x1] =	stream.indirect.gather [hbm4b:s7+s17], $0x10, s6, s17, $0xb8;
	[tilespmem:$0xBB00] =	vst v63  }
0x132: {  	s9 =	simm.s32 $0x780;
	s25 =	simm.s32 $0x8300  }
0x133: {  	[tilespmem:s25], [sflag:$0x1] =	stream.indirect.gather [hbm4b:s7+s17], $0x10, s9, s17, $0xb8;
	[tilespmem:$0xBB00] =	vst v63  }
0x134: {  	s6 =	simm.s32 $0x800;
	s8 =	simm.s32 $0x8B00  }
0x135: {  	[tilespmem:s8], [sflag:$0x1] =	stream.indirect.gather [hbm4b:s7+s17], $0x10, s6, s17, $0xb8;
	[tilespmem:$0xBB00] =	vst v63  }
0x136: {  	s9 =	simm.s32 $0x880;
	s8 =	simm.s32 $0x9300  }
0x137: {  	[tilespmem:s8], [sflag:$0x1] =	stream.indirect.gather [hbm4b:s7+s17], $0x10, s9, s17, $0xb8;
	[tilespmem:$0xBB00] =	vst v63  }
0x138: {  	s2 =	rddreg [dreg:$0xe];
	s9 =	simm.s32 $0x900  }
0x139: {  	[tilespmem:s19], [sflag:$0x1] =	stream.indirect.gather [hbm4b:s7+s17], $0x10, s9, s17, $0xb8;
	[tilespmem:$0xBB00] =	vst v63  }
0x13a: {  	s25 =	rddreg [dreg:$0xc]  }
0x13b: {  	[tilespmem:s21], [sflag:$0x1] =	stream.indirect.gather [hbm4b:s7+s17], $0x10, s20, s17, $0xb8;
	[tilespmem:$0xBB00] =	vst v63  }
0x13c: {  	s9 =	rddreg [dreg:$0xb]  }
0x13d: {  	[tilespmem:s25], [sflag:$0x1] =	stream.indirect.gather [hbm4b:s7+s17], $0x10, s9, s17, $0xb8;
	[tilespmem:$0xBB00] =	vst v63  }
0x13e: {  	s20 =	rddreg [dreg:$0xd]  }
0x13f: {  	[tilespmem:s2], [sflag:$0x1] =	stream.indirect.gather [hbm4b:s7+s17], $0x10, s20, s17, $0xb8;
	[tilespmem:$0xBB00] =	vst v63  }
0x140: {  	_ =	swait.ge [sflag:s31], $0x800  }
0x141: {  	[sflag:s31] =	ssyncset.done $0x0  }
0x142: {  	[sflag:s31] =	ssyncadd.s32 $0xFFFFF800  }
0x143: {  	_ =	swait.ge [sflag:s31], $0x800  }
0x144: {  	[sflag:s31] =	ssyncset.done $0x0  }
0x145: {  	[sflag:s31] =	ssyncadd.s32 $0xFFFFF800  }
0x146: {  	_ =	swait.ge [sflag:s31], $0x800  }
0x147: {  	[sflag:s31] =	ssyncset.done $0x0  }
0x148: {  	[sflag:s31] =	ssyncadd.s32 $0xFFFFF800  }
0x149: {  	_ =	swait.ge [sflag:s31], $0x800  }
0x14a: {  	[sflag:s31] =	ssyncset.done $0x0  }
0x14b: {  	[sflag:s31] =	ssyncadd.s32 $0xFFFFF800  }
0x14c: {  	_ =	swait.ge [sflag:s31], $0x800  }
0x14d: {  	[sflag:s31] =	ssyncset.done $0x0  }
0x14e: {  	[sflag:s31] =	ssyncadd.s32 $0xFFFFF800  }
0x14f: {  	_ =	swait.ge [sflag:s31], $0x800  }
0x150: {  	[sflag:s31] =	ssyncset.done $0x0  }
0x151: {  	[sflag:s31] =	ssyncadd.s32 $0xFFFFF800  }
0x152: {  	_ =	swait.ge [sflag:s31], $0x800  }
0x153: {  	[sflag:s31] =	ssyncset.done $0x0  }
0x154: {  	[sflag:s31] =	ssyncadd.s32 $0xFFFFF800  }
0x155: {  	_ =	swait.ge [sflag:s31], $0x800  }
0x156: {  	[sflag:s31] =	ssyncset.done $0x0  }
0x157: {  	[sflag:s31] =	ssyncadd.s32 $0xFFFFF800  }
0x158: {  	_ =	swait.ge [sflag:s31], $0x800  }
0x159: {  	[sflag:s31] =	ssyncset.done $0x0  }
0x15a: {  	[sflag:s31] =	ssyncadd.s32 $0xFFFFF800  }
0x15b: {  	_ =	swait.ge [sflag:s31], $0x800  }
0x15c: {  	[sflag:s31] =	ssyncset.done $0x0  }
0x15d: {  	[sflag:s31] =	ssyncadd.s32 $0xFFFFF800  }
0x15e: {  	_ =	swait.ge [sflag:s31], $0x800  }
0x15f: {  	[sflag:s31] =	ssyncset.done $0x0  }
0x160: {  	[sflag:s31] =	ssyncadd.s32 $0xFFFFF800  }
0x161: {  	_ =	swait.ge [sflag:s31], $0x800  }
0x162: {  	[sflag:s31] =	ssyncset.done $0x0  }
0x163: {  	[sflag:s31] =	ssyncadd.s32 $0xFFFFF800  }
0x164: {  	_ =	swait.ge [sflag:s31], $0x800  }
0x165: {  	[sflag:s31] =	ssyncset.done $0x0  }
0x166: {  	[sflag:s31] =	ssyncadd.s32 $0xFFFFF800  }
0x167: {  	_ =	swait.ge [sflag:s31], $0x800  }
0x168: {  	[sflag:s31] =	ssyncset.done $0x0  }
0x169: {  	[sflag:s31] =	ssyncadd.s32 $0xFFFFF800  }
0x16a: {  	_ =	swait.ge [sflag:s31], $0x800  }
0x16b: {  	[sflag:s31] =	ssyncset.done $0x0  }
0x16c: {  	[sflag:s31] =	ssyncadd.s32 $0xFFFFF800  }
0x16d: {  	_ =	swait.ge [sflag:s31], $0x800  }
0x16e: {  	[sflag:s31] =	ssyncset.done $0x0  }
0x16f: {  	[sflag:s31] =	ssyncadd.s32 $0xFFFFF800  }
0x170: {  	_ =	swait.ge [sflag:s31], $0x800  }
0x171: {  	[sflag:s31] =	ssyncset.done $0x0  }
0x172: {  	[sflag:s31] =	ssyncadd.s32 $0xFFFFF800  }
0x173: {  	_ =	swait.ge [sflag:s31], $0x800  }
0x174: {  	[sflag:s31] =	ssyncset.done $0x0  }
0x175: {  	[sflag:s31] =	ssyncadd.s32 $0xFFFFF800  }
0x176: {  	_ =	swait.ge [sflag:s31], $0x800  }
0x177: {  	[sflag:s31] =	ssyncset.done $0x0  }
0x178: {  	[sflag:s31] =	ssyncadd.s32 $0xFFFFF800  }
0x179: {  	_ =	swait.ge [sflag:s31], $0x800  }
0x17a: {  	[sflag:s31] =	ssyncset.done $0x0  }
0x17b: {  	[sflag:s31] =	ssyncadd.s32 $0xFFFFF800  }
0x17c: {  	_ =	swait.ge [sflag:s31], $0x800  }
0x17d: {  	[sflag:s31] =	ssyncset.done $0x0  }
0x17e: {  	[sflag:s31] =	ssyncadd.s32 $0xFFFFF800  }
0x17f: {  	_ =	swait.ge [sflag:s31], $0x800  }
0x180: {  	[sflag:s31] =	ssyncset.done $0x0  }
0x181: {  	s21 =	sadd.s32 $0x1600, s3;
	[sflag:s31] =	ssyncadd.s32 $0xFFFFF800  }
0x182: {  	[hbm4b:s21+s5] =	stream.linear.scatter [tilespmem:s26], [sflag:$0x2], $0xB000, $0x38;
	[tilespmem:$0xBB00] =	vst v63  }
0x183: {  	_ =	swait.ge [sflag:s24], $0xB000  }
0x184: {  	[sflag:s24] =	ssyncset.done $0x0  }
0x185: {  	s2 =	simm.s32 $0x0;
	s25 =	rddreg [dreg:$0x11];
	[sflag:s24] =	ssyncadd.s32 $0xFFFF5000  }
0x186: {  	[tilespmem:s2], [sflag:$0x3] =	stream.linear.gather [hbm4b:s25+s2], $0x600, $0x38;
	[tilespmem:$0xBB00] =	vst v63  }
0x187: {  	_ =	swait.ge [sflag:s16], $0x600  }
0x188: {  	[sflag:s16] =	ssyncset.done $0x0  }
0x189: {  	[sflag:s16] =	ssyncadd.s32 $0xFFFFFA00  }
0x18a: {  	[tilespmem:s26], [sflag:$0x1] =	stream.indirect.gather [hbm4b:s1+s17], $0x10, s2, s17, $0xb8;
	[tilespmem:$0xBB00] =	vst v63  }
0x18b: {  	_ = 	snop  }
0x18c: {  	[tilespmem:s11], [sflag:$0x1] =	stream.indirect.gather [hbm4b:s1+s17], $0x10, s17, s17, $0xb8;
	[tilespmem:$0xBB00] =	vst v63  }
0x18d: {  	_ = 	snop  }
0x18e: {  	[tilespmem:s0], [sflag:$0x1] =	stream.indirect.gather [hbm4b:s1+s17], $0x10, s12, s17, $0xb8;
	[tilespmem:$0xBB00] =	vst v63  }
0x18f: {  	_ = 	snop  }
0x190: {  	[tilespmem:s28], [sflag:$0x1] =	stream.indirect.gather [hbm4b:s1+s17], $0x10, s10, s17, $0xb8;
	[tilespmem:$0xBB00] =	vst v63  }
0x191: {  	_ = 	snop  }
0x192: {  	[tilespmem:s29], [sflag:$0x1] =	stream.indirect.gather [hbm4b:s1+s17], $0x10, s13, s17, $0xb8;
	[tilespmem:$0xBB00] =	vst v63  }
0x193: {  	_ = 	snop  }
0x194: {  	[tilespmem:s30], [sflag:$0x1] =	stream.indirect.gather [hbm4b:s1+s17], $0x10, s14, s17, $0xb8;
	[tilespmem:$0xBB00] =	vst v63  }
0x195: {  	s8 =	simm.s32 $0x3B00  }
0x196: {  	[tilespmem:s8], [sflag:$0x1] =	stream.indirect.gather [hbm4b:s1+s17], $0x10, s15, s17, $0xb8;
	[tilespmem:$0xBB00] =	vst v63  }
0x197: {  	s9 =	simm.s32 $0x4300  }
0x198: {  	[tilespmem:s9], [sflag:$0x1] =	stream.indirect.gather [hbm4b:s1+s17], $0x10, s18, s17, $0xb8;
	[tilespmem:$0xBB00] =	vst v63  }
0x199: {  	s19 =	simm.s32 $0x4B00  }
0x19a: {  	[tilespmem:s19], [sflag:$0x1] =	stream.indirect.gather [hbm4b:s1+s17], $0x10, s22, s17, $0xb8;
	[tilespmem:$0xBB00] =	vst v63  }
0x19b: {  	s20 =	simm.s32 $0x5300  }
0x19c: {  	[tilespmem:s20], [sflag:$0x1] =	stream.indirect.gather [hbm4b:s1+s17], $0x10, s23, s17, $0xb8;
	[tilespmem:$0xBB00] =	vst v63  }
0x19d: {  	s21 =	simm.s32 $0x5B00  }
0x19e: {  	[tilespmem:s21], [sflag:$0x1] =	stream.indirect.gather [hbm4b:s1+s17], $0x10, s4, s17, $0xb8;
	[tilespmem:$0xBB00] =	vst v63  }
0x19f: {  	s6 =	simm.s32 $0x580;
	s25 =	simm.s32 $0x6300  }
0x1a0: {  	[tilespmem:s25], [sflag:$0x1] =	stream.indirect.gather [hbm4b:s1+s17], $0x10, s6, s17, $0xb8;
	[tilespmem:$0xBB00] =	vst v63  }
0x1a1: {  	_ =	swait.ge [sflag:s31], $0x800  }
0x1a2: {  	[sflag:s31] =	ssyncset.done $0x0  }
0x1a3: {  	[sflag:s31] =	ssyncadd.s32 $0xFFFFF800  }
0x1a4: {  	_ =	swait.ge [sflag:s31], $0x800  }
0x1a5: {  	[sflag:s31] =	ssyncset.done $0x0  }
0x1a6: {  	[sflag:s31] =	ssyncadd.s32 $0xFFFFF800  }
0x1a7: {  	_ =	swait.ge [sflag:s31], $0x800  }
0x1a8: {  	[sflag:s31] =	ssyncset.done $0x0  }
0x1a9: {  	[sflag:s31] =	ssyncadd.s32 $0xFFFFF800  }
0x1aa: {  	_ =	swait.ge [sflag:s31], $0x800  }
0x1ab: {  	[sflag:s31] =	ssyncset.done $0x0  }
0x1ac: {  	[sflag:s31] =	ssyncadd.s32 $0xFFFFF800  }
0x1ad: {  	_ =	swait.ge [sflag:s31], $0x800  }
0x1ae: {  	[sflag:s31] =	ssyncset.done $0x0  }
0x1af: {  	[sflag:s31] =	ssyncadd.s32 $0xFFFFF800  }
0x1b0: {  	_ =	swait.ge [sflag:s31], $0x800  }
0x1b1: {  	[sflag:s31] =	ssyncset.done $0x0  }
0x1b2: {  	[sflag:s31] =	ssyncadd.s32 $0xFFFFF800  }
0x1b3: {  	_ =	swait.ge [sflag:s31], $0x800  }
0x1b4: {  	[sflag:s31] =	ssyncset.done $0x0  }
0x1b5: {  	[sflag:s31] =	ssyncadd.s32 $0xFFFFF800  }
0x1b6: {  	_ =	swait.ge [sflag:s31], $0x800  }
0x1b7: {  	[sflag:s31] =	ssyncset.done $0x0  }
0x1b8: {  	[sflag:s31] =	ssyncadd.s32 $0xFFFFF800  }
0x1b9: {  	_ =	swait.ge [sflag:s31], $0x800  }
0x1ba: {  	[sflag:s31] =	ssyncset.done $0x0  }
0x1bb: {  	[sflag:s31] =	ssyncadd.s32 $0xFFFFF800  }
0x1bc: {  	_ =	swait.ge [sflag:s31], $0x800  }
0x1bd: {  	[sflag:s31] =	ssyncset.done $0x0  }
0x1be: {  	[sflag:s31] =	ssyncadd.s32 $0xFFFFF800  }
0x1bf: {  	_ =	swait.ge [sflag:s31], $0x800  }
0x1c0: {  	[sflag:s31] =	ssyncset.done $0x0  }
0x1c1: {  	[sflag:s31] =	ssyncadd.s32 $0xFFFFF800  }
0x1c2: {  	_ =	swait.ge [sflag:s31], $0x800  }
0x1c3: {  	[sflag:s31] =	ssyncset.done $0x0  }
0x1c4: {  	s3 =	rddreg [dreg:$0x12];
	[sflag:s31] =	ssyncadd.s32 $0xFFFFF800  }
0x1c5: {  	[hbm4b:s3+s2] =	stream.linear.scatter [tilespmem:s26], [sflag:$0x2], $0x6000, $0x38;
	[tilespmem:$0xBB00] =	vst v63  }
0x1c6: {  	_ =	swait.ge [sflag:s24], $0x6000  }
0x1c7: {  	[sflag:s24] =	ssyncset.done $0x0  }
0x1c8: {  	s3 =	rddreg [dreg:$0x14];
	[sflag:s24] =	ssyncadd.s32 $0xFFFFA000  }
0x1c9: {  	[tilespmem:s2], [sflag:$0x3] =	stream.linear.gather [hbm4b:s3+s2], $0x800, $0x38;
	[tilespmem:$0xBB00] =	vst v63  }
0x1ca: {  	_ =	swait.ge [sflag:s16], $0x800  }
0x1cb: {  	[sflag:s16] =	ssyncset.done $0x0  }
0x1cc: {  	[sflag:s16] =	ssyncadd.s32 $0xFFFFF800  }
0x1cd: {  	s3 =	rddreg [dreg:$0x3]  }
0x1ce: {  	[tilespmem:s26], [sflag:$0x1] =	stream.indirect.gather [hbm4b:s3+s17], $0x10, s2, s17, $0xb8;
	[tilespmem:$0xBB00] =	vst v63  }
0x1cf: {  	_ = 	snop  }
0x1d0: {  	[tilespmem:s11], [sflag:$0x1] =	stream.indirect.gather [hbm4b:s3+s17], $0x10, s17, s17, $0xb8;
	[tilespmem:$0xBB00] =	vst v63  }
0x1d1: {  	_ = 	snop  }
0x1d2: {  	[tilespmem:s0], [sflag:$0x1] =	stream.indirect.gather [hbm4b:s3+s17], $0x10, s12, s17, $0xb8;
	[tilespmem:$0xBB00] =	vst v63  }
0x1d3: {  	_ = 	snop  }
0x1d4: {  	[tilespmem:s28], [sflag:$0x1] =	stream.indirect.gather [hbm4b:s3+s17], $0x10, s10, s17, $0xb8;
	[tilespmem:$0xBB00] =	vst v63  }
0x1d5: {  	_ = 	snop  }
0x1d6: {  	[tilespmem:s29], [sflag:$0x1] =	stream.indirect.gather [hbm4b:s3+s17], $0x10, s13, s17, $0xb8;
	[tilespmem:$0xBB00] =	vst v63  }
0x1d7: {  	_ = 	snop  }
0x1d8: {  	[tilespmem:s30], [sflag:$0x1] =	stream.indirect.gather [hbm4b:s3+s17], $0x10, s14, s17, $0xb8;
	[tilespmem:$0xBB00] =	vst v63  }
0x1d9: {  	_ = 	snop  }
0x1da: {  	[tilespmem:s8], [sflag:$0x1] =	stream.indirect.gather [hbm4b:s3+s17], $0x10, s15, s17, $0xb8;
	[tilespmem:$0xBB00] =	vst v63  }
0x1db: {  	_ = 	snop  }
0x1dc: {  	[tilespmem:s9], [sflag:$0x1] =	stream.indirect.gather [hbm4b:s3+s17], $0x10, s18, s17, $0xb8;
	[tilespmem:$0xBB00] =	vst v63  }
0x1dd: {  	_ = 	snop  }
0x1de: {  	[tilespmem:s19], [sflag:$0x1] =	stream.indirect.gather [hbm4b:s3+s17], $0x10, s22, s17, $0xb8;
	[tilespmem:$0xBB00] =	vst v63  }
0x1df: {  	_ = 	snop  }
0x1e0: {  	[tilespmem:s20], [sflag:$0x1] =	stream.indirect.gather [hbm4b:s3+s17], $0x10, s23, s17, $0xb8;
	[tilespmem:$0xBB00] =	vst v63  }
0x1e1: {  	_ = 	snop  }
0x1e2: {  	[tilespmem:s21], [sflag:$0x1] =	stream.indirect.gather [hbm4b:s3+s17], $0x10, s4, s17, $0xb8;
	[tilespmem:$0xBB00] =	vst v63  }
0x1e3: {  	_ = 	snop  }
0x1e4: {  	[tilespmem:s25], [sflag:$0x1] =	stream.indirect.gather [hbm4b:s3+s17], $0x10, s6, s17, $0xb8;
	[tilespmem:$0xBB00] =	vst v63  }
0x1e5: {  	s8 =	simm.s32 $0x6B00;
	s6 =	simm.s32 $0x600  }
0x1e6: {  	[tilespmem:s8], [sflag:$0x1] =	stream.indirect.gather [hbm4b:s3+s17], $0x10, s6, s17, $0xb8;
	[tilespmem:$0xBB00] =	vst v63  }
0x1e7: {  	s10 =	simm.s32 $0x7300;
	s9 =	simm.s32 $0x680  }
0x1e8: {  	[tilespmem:s10], [sflag:$0x1] =	stream.indirect.gather [hbm4b:s3+s17], $0x10, s9, s17, $0xb8;
	[tilespmem:$0xBB00] =	vst v63  }
0x1e9: {  	s19 =	simm.s32 $0x700;
	s20 =	simm.s32 $0x7B00  }
0x1ea: {  	[tilespmem:s20], [sflag:$0x1] =	stream.indirect.gather [hbm4b:s3+s17], $0x10, s19, s17, $0xb8;
	[tilespmem:$0xBB00] =	vst v63  }
0x1eb: {  	s21 =	simm.s32 $0x8300;
	s25 =	simm.s32 $0x780  }
0x1ec: {  	[tilespmem:s21], [sflag:$0x1] =	stream.indirect.gather [hbm4b:s3+s17], $0x10, s25, s17, $0xb8;
	[tilespmem:$0xBB00] =	vst v63  }
0x1ed: {  	_ =	swait.ge [sflag:s31], $0x800  }
0x1ee: {  	[sflag:s31] =	ssyncset.done $0x0  }
0x1ef: {  	[sflag:s31] =	ssyncadd.s32 $0xFFFFF800  }
0x1f0: {  	_ =	swait.ge [sflag:s31], $0x800  }
0x1f1: {  	[sflag:s31] =	ssyncset.done $0x0  }
0x1f2: {  	[sflag:s31] =	ssyncadd.s32 $0xFFFFF800  }
0x1f3: {  	_ =	swait.ge [sflag:s31], $0x800  }
0x1f4: {  	[sflag:s31] =	ssyncset.done $0x0  }
0x1f5: {  	[sflag:s31] =	ssyncadd.s32 $0xFFFFF800  }
0x1f6: {  	_ =	swait.ge [sflag:s31], $0x800  }
0x1f7: {  	[sflag:s31] =	ssyncset.done $0x0  }
0x1f8: {  	[sflag:s31] =	ssyncadd.s32 $0xFFFFF800  }
0x1f9: {  	_ =	swait.ge [sflag:s31], $0x800  }
0x1fa: {  	[sflag:s31] =	ssyncset.done $0x0  }
0x1fb: {  	[sflag:s31] =	ssyncadd.s32 $0xFFFFF800  }
0x1fc: {  	_ =	swait.ge [sflag:s31], $0x800  }
0x1fd: {  	[sflag:s31] =	ssyncset.done $0x0  }
0x1fe: {  	[sflag:s31] =	ssyncadd.s32 $0xFFFFF800  }
0x1ff: {  	_ =	swait.ge [sflag:s31], $0x800  }
0x200: {  	[sflag:s31] =	ssyncset.done $0x0  }
0x201: {  	[sflag:s31] =	ssyncadd.s32 $0xFFFFF800  }
0x202: {  	_ =	swait.ge [sflag:s31], $0x800  }
0x203: {  	[sflag:s31] =	ssyncset.done $0x0  }
0x204: {  	[sflag:s31] =	ssyncadd.s32 $0xFFFFF800  }
0x205: {  	_ =	swait.ge [sflag:s31], $0x800  }
0x206: {  	[sflag:s31] =	ssyncset.done $0x0  }
0x207: {  	[sflag:s31] =	ssyncadd.s32 $0xFFFFF800  }
0x208: {  	_ =	swait.ge [sflag:s31], $0x800  }
0x209: {  	[sflag:s31] =	ssyncset.done $0x0  }
0x20a: {  	[sflag:s31] =	ssyncadd.s32 $0xFFFFF800  }
0x20b: {  	_ =	swait.ge [sflag:s31], $0x800  }
0x20c: {  	[sflag:s31] =	ssyncset.done $0x0  }
0x20d: {  	[sflag:s31] =	ssyncadd.s32 $0xFFFFF800  }
0x20e: {  	_ =	swait.ge [sflag:s31], $0x800  }
0x20f: {  	[sflag:s31] =	ssyncset.done $0x0  }
0x210: {  	[sflag:s31] =	ssyncadd.s32 $0xFFFFF800  }
0x211: {  	_ =	swait.ge [sflag:s31], $0x800  }
0x212: {  	[sflag:s31] =	ssyncset.done $0x0  }
0x213: {  	[sflag:s31] =	ssyncadd.s32 $0xFFFFF800  }
0x214: {  	_ =	swait.ge [sflag:s31], $0x800  }
0x215: {  	[sflag:s31] =	ssyncset.done $0x0  }
0x216: {  	[sflag:s31] =	ssyncadd.s32 $0xFFFFF800  }
0x217: {  	p0 =	por $0x1, $0x1;
	_ =	swait.ge [sflag:s31], $0x800  }
0x218: {  	s11 =	simm.s32 $0x5B00;
	s12 =	simm.s32 $0x6300;
	[sflag:s31] =	ssyncset.done $0x0  }
0x219: {  	s0 =	simm.s32 $0x700;
	s29 =	simm.s32 $0x500;
	[sflag:s31] =	ssyncadd.s32 $0xFFFFF800  }
0x21a: {  	s13 =	simm.s32 $0x6B00;
	s30 =	simm.s32 $0x580;
	_ =	swait.ge [sflag:s31], $0x800  }
0x21b: {  	s14 =	simm.s32 $0x680;
	s15 =	simm.s32 $0x7300;
	[sflag:s31] =	ssyncset.done $0x0  }
0x21c: {  	s18 =	simm.s32 $0x5300;
	s28 =	rddreg [dreg:$0x15];
	[sflag:s31] =	ssyncadd.s32 $0xFFFFF800  }
0x21d: {  	[hbm4b:s28+s2] =	stream.linear.scatter [tilespmem:s26], [sflag:$0x2], $0x8000, $0x38;
	[tilespmem:$0xBB00] =	vst v63  }
0x21e: {  	s22 =	simm.s32 $0x480;
	s23 =	simm.s32 $0x600;
	_ =	swait.ge [sflag:s24], $0x8000  }
0x21f: {  	s4 =	simm.s32 $0x7B00;
	[sflag:s24] =	ssyncset.done $0x0;
	s21 =	rddreg [dreg:$0x10]  }
0x220: {  	s6 =	simm.s32 $0x780;
	s25 =	rddreg [dreg:$0x13];
	[sflag:s24] =	ssyncadd.s32 $0xFFFF8000  }
0x221: {  	s10 =	simm.s32 $0x8300;
	s3 =	simm.s32 $0x0;
	s9 =	rddreg [dreg:$0x8]  }
.LBB2_4:
0x222: {  	s3 =	sor.u32 s25, s3  }
0x223: {  	s8 =	sshrl.u32 s3, $0x3  }
0x224: {  	s8 =	sadd.s32 s21, s8  }
0x225: {  	[tilespmem:s2], [sflag:$0x3] =	stream.linear.gather [hbm4b:s8+s2], $0x800, $0x38;
	[tilespmem:$0xBB00] =	vst v63  }
0x226: {  	_ =	swait.ge [sflag:s16], $0x800  }
0x227: {  	[sflag:s16] =	ssyncset.done $0x0  }
0x228: {  	s8 =	simm.s32 $0xB00;
	[sflag:s16] =	ssyncadd.s32 $0xFFFFF800  }
0x229: {  	[tilespmem:s8], [sflag:$0x1] =	stream.indirect.gather [hbm4b:s1+s17], $0x10, s2, s17, $0xb8;
	[tilespmem:$0xBB00] =	vst v63  }
0x22a: {  	s26 =	simm.s32 $0x1300  }
0x22b: {  	[tilespmem:s26], [sflag:$0x1] =	stream.indirect.gather [hbm4b:s1+s17], $0x10, s17, s17, $0xb8;
	[tilespmem:$0xBB00] =	vst v63  }
0x22c: {  	s19 =	simm.s32 $0x100;
	s28 =	simm.s32 $0x1B00  }
0x22d: {  	[tilespmem:s28], [sflag:$0x1] =	stream.indirect.gather [hbm4b:s1+s17], $0x10, s19, s17, $0xb8;
	[tilespmem:$0xBB00] =	vst v63  }
0x22e: {  	s20 =	simm.s32 $0x180;
	s19 =	simm.s32 $0x2300  }
0x22f: {  	[tilespmem:s19], [sflag:$0x1] =	stream.indirect.gather [hbm4b:s1+s17], $0x10, s20, s17, $0xb8;
	[tilespmem:$0xBB00] =	vst v63  }
0x230: {  	s20 =	simm.s32 $0x200;
	s19 =	simm.s32 $0x2B00  }
0x231: {  	[tilespmem:s19], [sflag:$0x1] =	stream.indirect.gather [hbm4b:s1+s17], $0x10, s20, s17, $0xb8;
	[tilespmem:$0xBB00] =	vst v63  }
0x232: {  	s20 =	simm.s32 $0x280;
	s19 =	simm.s32 $0x3300  }
0x233: {  	[tilespmem:s19], [sflag:$0x1] =	stream.indirect.gather [hbm4b:s1+s17], $0x10, s20, s17, $0xb8;
	[tilespmem:$0xBB00] =	vst v63  }
0x234: {  	s20 =	simm.s32 $0x300;
	s19 =	simm.s32 $0x3B00  }
0x235: {  	[tilespmem:s19], [sflag:$0x1] =	stream.indirect.gather [hbm4b:s1+s17], $0x10, s20, s17, $0xb8;
	[tilespmem:$0xBB00] =	vst v63  }
0x236: {  	s20 =	simm.s32 $0x380;
	s19 =	simm.s32 $0x4300  }
0x237: {  	[tilespmem:s19], [sflag:$0x1] =	stream.indirect.gather [hbm4b:s1+s17], $0x10, s20, s17, $0xb8;
	[tilespmem:$0xBB00] =	vst v63  }
0x238: {  	s28 =	simm.s32 $0x400;
	s20 =	simm.s32 $0x4B00  }
0x239: {  	[tilespmem:s20], [sflag:$0x1] =	stream.indirect.gather [hbm4b:s1+s17], $0x10, s28, s17, $0xb8;
	[tilespmem:$0xBB00] =	vst v63  }
0x23a: {  	_ = 	snop  }
0x23b: {  	[tilespmem:s18], [sflag:$0x1] =	stream.indirect.gather [hbm4b:s1+s17], $0x10, s22, s17, $0xb8;
	[tilespmem:$0xBB00] =	vst v63  }
0x23c: {  	_ = 	snop  }
0x23d: {  	[tilespmem:s11], [sflag:$0x1] =	stream.indirect.gather [hbm4b:s1+s17], $0x10, s29, s17, $0xb8;
	[tilespmem:$0xBB00] =	vst v63  }
0x23e: {  	_ = 	snop  }
0x23f: {  	[tilespmem:s12], [sflag:$0x1] =	stream.indirect.gather [hbm4b:s1+s17], $0x10, s30, s17, $0xb8;
	[tilespmem:$0xBB00] =	vst v63  }
0x240: {  	_ = 	snop  }
0x241: {  	[tilespmem:s13], [sflag:$0x1] =	stream.indirect.gather [hbm4b:s1+s17], $0x10, s23, s17, $0xb8;
	[tilespmem:$0xBB00] =	vst v63  }
0x242: {  	_ = 	snop  }
0x243: {  	[tilespmem:s15], [sflag:$0x1] =	stream.indirect.gather [hbm4b:s1+s17], $0x10, s14, s17, $0xb8;
	[tilespmem:$0xBB00] =	vst v63  }
0x244: {  	_ = 	snop  }
0x245: {  	[tilespmem:s4], [sflag:$0x1] =	stream.indirect.gather [hbm4b:s1+s17], $0x10, s0, s17, $0xb8;
	[tilespmem:$0xBB00] =	vst v63  }
0x246: {  	_ = 	snop  }
0x247: {  	[tilespmem:s10], [sflag:$0x1] =	stream.indirect.gather [hbm4b:s1+s17], $0x10, s6, s17, $0xb8;
	[tilespmem:$0xBB00] =	vst v63  }
0x248: {  	_ =	swait.ge [sflag:s31], $0x800  }
0x249: {  	[sflag:s31] =	ssyncset.done $0x0  }
0x24a: {  	[sflag:s31] =	ssyncadd.s32 $0xFFFFF800  }
0x24b: {  	_ =	swait.ge [sflag:s31], $0x800  }
0x24c: {  	[sflag:s31] =	ssyncset.done $0x0  }
0x24d: {  	[sflag:s31] =	ssyncadd.s32 $0xFFFFF800  }
0x24e: {  	_ =	swait.ge [sflag:s31], $0x800  }
0x24f: {  	[sflag:s31] =	ssyncset.done $0x0  }
0x250: {  	[sflag:s31] =	ssyncadd.s32 $0xFFFFF800  }
0x251: {  	_ =	swait.ge [sflag:s31], $0x800  }
0x252: {  	[sflag:s31] =	ssyncset.done $0x0  }
0x253: {  	[sflag:s31] =	ssyncadd.s32 $0xFFFFF800  }
0x254: {  	_ =	swait.ge [sflag:s31], $0x800  }
0x255: {  	[sflag:s31] =	ssyncset.done $0x0  }
0x256: {  	[sflag:s31] =	ssyncadd.s32 $0xFFFFF800  }
0x257: {  	_ =	swait.ge [sflag:s31], $0x800  }
0x258: {  	[sflag:s31] =	ssyncset.done $0x0  }
0x259: {  	[sflag:s31] =	ssyncadd.s32 $0xFFFFF800  }
0x25a: {  	_ =	swait.ge [sflag:s31], $0x800  }
0x25b: {  	[sflag:s31] =	ssyncset.done $0x0  }
0x25c: {  	[sflag:s31] =	ssyncadd.s32 $0xFFFFF800  }
0x25d: {  	_ =	swait.ge [sflag:s31], $0x800  }
0x25e: {  	[sflag:s31] =	ssyncset.done $0x0  }
0x25f: {  	[sflag:s31] =	ssyncadd.s32 $0xFFFFF800  }
0x260: {  	_ =	swait.ge [sflag:s31], $0x800  }
0x261: {  	[sflag:s31] =	ssyncset.done $0x0  }
0x262: {  	[sflag:s31] =	ssyncadd.s32 $0xFFFFF800  }
0x263: {  	_ =	swait.ge [sflag:s31], $0x800  }
0x264: {  	[sflag:s31] =	ssyncset.done $0x0  }
0x265: {  	[sflag:s31] =	ssyncadd.s32 $0xFFFFF800  }
0x266: {  	_ =	swait.ge [sflag:s31], $0x800  }
0x267: {  	[sflag:s31] =	ssyncset.done $0x0  }
0x268: {  	[sflag:s31] =	ssyncadd.s32 $0xFFFFF800  }
0x269: {  	_ =	swait.ge [sflag:s31], $0x800  }
0x26a: {  	[sflag:s31] =	ssyncset.done $0x0  }
0x26b: {  	[sflag:s31] =	ssyncadd.s32 $0xFFFFF800  }
0x26c: {  	_ =	swait.ge [sflag:s31], $0x800  }
0x26d: {  	[sflag:s31] =	ssyncset.done $0x0  }
0x26e: {  	[sflag:s31] =	ssyncadd.s32 $0xFFFFF800  }
0x26f: {  	_ =	swait.ge [sflag:s31], $0x800  }
0x270: {  	[sflag:s31] =	ssyncset.done $0x0  }
0x271: {  	[sflag:s31] =	ssyncadd.s32 $0xFFFFF800  }
0x272: {  	_ =	swait.ge [sflag:s31], $0x800  }
0x273: {  	[sflag:s31] =	ssyncset.done $0x0  }
0x274: {  	[sflag:s31] =	ssyncadd.s32 $0xFFFFF800  }
0x275: {  	_ =	swait.ge [sflag:s31], $0x800  }
0x276: {  	p1 =	por p0, p0;
	s3 =	sshll.u32 s3, $0x1;
	[sflag:s31] =	ssyncset.done $0x0  }
.Ltmp1:
0x277: {  	s3 =	sadd.s32 s9, s3;
	[sflag:s31] =	ssyncadd.s32 $0xFFFFF800;
	(pc) =	sbr.rel @p1 .LBB2_4-.Ltmp1, $4  }
0x278: {  	[hbm4b:s3+s2] =	stream.linear.scatter [tilespmem:s8], [sflag:$0x2], $0x8000, $0x38;
	[tilespmem:$0xBB00] =	vst v63  }
0x279: {  	_ =	swait.ge [sflag:s24], $0x8000  }
0x27a: {  	[sflag:s24] =	ssyncset.done $0x0  }
0x27b: {  	p0 =	por $0x0, $0x0;
	s3 =	simm.s32 $0x800;
	[sflag:s24] =	ssyncadd.s32 $0xFFFF8000  }
0x27c: {  	s2 =	rddreg [dreg:$0xf]  }
0x27d: {  	s2 =	sadd.s32 $0x0, s2  }
0x27e: {  	[tilespmem:s5], [sflag:$0x3] =	stream.linear.gather [hbm4b:s2+s5], $0xA00, $0x38;
	[tilespmem:$0xBB00] =	vst v63  }
0x27f: {  	_ =	swait.ge [sflag:s16], $0xA00  }
0x280: {  	[sflag:s16] =	ssyncset.done $0x0  }
0x281: {  	s2 =	simm.s32 $0xB00;
	[sflag:s16] =	ssyncadd.s32 $0xFFFFF600  }
0x282: {  	[tilespmem:s2], [sflag:$0x1] =	stream.indirect.gather [hbm4b:s1+s17], $0x10, s5, s17, $0xb8;
	[tilespmem:$0xBB00] =	vst v63  }
0x283: {  	s3 =	simm.s32 $0x1300  }
0x284: {  	[tilespmem:s3], [sflag:$0x1] =	stream.indirect.gather [hbm4b:s1+s17], $0x10, s17, s17, $0xb8;
	[tilespmem:$0xBB00] =	vst v63  }
0x285: {  	s19 =	simm.s32 $0x100;
	s8 =	simm.s32 $0x1B00  }
0x286: {  	[tilespmem:s8], [sflag:$0x1] =	stream.indirect.gather [hbm4b:s1+s17], $0x10, s19, s17, $0xb8;
	[tilespmem:$0xBB00] =	vst v63  }
0x287: {  	s20 =	simm.s32 $0x180;
	s21 =	simm.s32 $0x2300  }
0x288: {  	[tilespmem:s21], [sflag:$0x1] =	stream.indirect.gather [hbm4b:s1+s17], $0x10, s20, s17, $0xb8;
	[tilespmem:$0xBB00] =	vst v63  }
0x289: {  	s25 =	simm.s32 $0x200;
	s26 =	simm.s32 $0x2B00  }
0x28a: {  	[tilespmem:s26], [sflag:$0x1] =	stream.indirect.gather [hbm4b:s1+s17], $0x10, s25, s17, $0xb8;
	[tilespmem:$0xBB00] =	vst v63  }
0x28b: {  	s9 =	simm.s32 $0x280;
	s19 =	simm.s32 $0x3300  }
0x28c: {  	[tilespmem:s19], [sflag:$0x1] =	stream.indirect.gather [hbm4b:s1+s17], $0x10, s9, s17, $0xb8;
	[tilespmem:$0xBB00] =	vst v63  }
0x28d: {  	s20 =	simm.s32 $0x300;
	s21 =	simm.s32 $0x3B00  }
0x28e: {  	[tilespmem:s21], [sflag:$0x1] =	stream.indirect.gather [hbm4b:s1+s17], $0x10, s20, s17, $0xb8;
	[tilespmem:$0xBB00] =	vst v63  }
0x28f: {  	s25 =	simm.s32 $0x380;
	s26 =	simm.s32 $0x4300  }
0x290: {  	[tilespmem:s26], [sflag:$0x1] =	stream.indirect.gather [hbm4b:s1+s17], $0x10, s25, s17, $0xb8;
	[tilespmem:$0xBB00] =	vst v63  }
0x291: {  	s9 =	simm.s32 $0x400;
	s19 =	simm.s32 $0x4B00  }
0x292: {  	[tilespmem:s19], [sflag:$0x1] =	stream.indirect.gather [hbm4b:s1+s17], $0x10, s9, s17, $0xb8;
	[tilespmem:$0xBB00] =	vst v63  }
0x293: {  	_ = 	snop  }
0x294: {  	[tilespmem:s18], [sflag:$0x1] =	stream.indirect.gather [hbm4b:s1+s17], $0x10, s22, s17, $0xb8;
	[tilespmem:$0xBB00] =	vst v63  }
0x295: {  	_ = 	snop  }
0x296: {  	[tilespmem:s11], [sflag:$0x1] =	stream.indirect.gather [hbm4b:s1+s17], $0x10, s29, s17, $0xb8;
	[tilespmem:$0xBB00] =	vst v63  }
0x297: {  	_ = 	snop  }
0x298: {  	[tilespmem:s12], [sflag:$0x1] =	stream.indirect.gather [hbm4b:s1+s17], $0x10, s30, s17, $0xb8;
	[tilespmem:$0xBB00] =	vst v63  }
0x299: {  	_ = 	snop  }
0x29a: {  	[tilespmem:s13], [sflag:$0x1] =	stream.indirect.gather [hbm4b:s1+s17], $0x10, s23, s17, $0xb8;
	[tilespmem:$0xBB00] =	vst v63  }
0x29b: {  	_ = 	snop  }
0x29c: {  	[tilespmem:s15], [sflag:$0x1] =	stream.indirect.gather [hbm4b:s1+s17], $0x10, s14, s17, $0xb8;
	[tilespmem:$0xBB00] =	vst v63  }
0x29d: {  	_ = 	snop  }
0x29e: {  	[tilespmem:s4], [sflag:$0x1] =	stream.indirect.gather [hbm4b:s1+s17], $0x10, s0, s17, $0xb8;
	[tilespmem:$0xBB00] =	vst v63  }
0x29f: {  	_ = 	snop  }
0x2a0: {  	[tilespmem:s10], [sflag:$0x1] =	stream.indirect.gather [hbm4b:s1+s17], $0x10, s6, s17, $0xb8;
	[tilespmem:$0xBB00] =	vst v63  }
0x2a1: {  	s28 =	simm.s32 $0x800;
	s20 =	simm.s32 $0x8B00  }
0x2a2: {  	[tilespmem:s20], [sflag:$0x1] =	stream.indirect.gather [hbm4b:s1+s17], $0x10, s28, s17, $0xb8;
	[tilespmem:$0xBB00] =	vst v63  }
0x2a3: {  	s21 =	simm.s32 $0x880;
	s25 =	simm.s32 $0x9300  }
0x2a4: {  	[tilespmem:s25], [sflag:$0x1] =	stream.indirect.gather [hbm4b:s1+s17], $0x10, s21, s17, $0xb8;
	[tilespmem:$0xBB00] =	vst v63  }
0x2a5: {  	s26 =	simm.s32 $0x900;
	s19 =	simm.s32 $0x9B00  }
0x2a6: {  	[tilespmem:s19], [sflag:$0x1] =	stream.indirect.gather [hbm4b:s1+s17], $0x10, s26, s17, $0xb8;
	[tilespmem:$0xBB00] =	vst v63  }
0x2a7: {  	s20 =	simm.s32 $0x980;
	s21 =	simm.s32 $0xA300  }
0x2a8: {  	[tilespmem:s21], [sflag:$0x1] =	stream.indirect.gather [hbm4b:s1+s17], $0x10, s20, s17, $0xb8;
	[tilespmem:$0xBB00] =	vst v63  }
0x2a9: {  	_ =	swait.ge [sflag:s31], $0x800  }
0x2aa: {  	[sflag:s31] =	ssyncset.done $0x0  }
0x2ab: {  	[sflag:s31] =	ssyncadd.s32 $0xFFFFF800  }
0x2ac: {  	_ =	swait.ge [sflag:s31], $0x800  }
0x2ad: {  	[sflag:s31] =	ssyncset.done $0x0  }
0x2ae: {  	[sflag:s31] =	ssyncadd.s32 $0xFFFFF800  }
0x2af: {  	_ =	swait.ge [sflag:s31], $0x800  }
0x2b0: {  	[sflag:s31] =	ssyncset.done $0x0  }
0x2b1: {  	[sflag:s31] =	ssyncadd.s32 $0xFFFFF800  }
0x2b2: {  	_ =	swait.ge [sflag:s31], $0x800  }
0x2b3: {  	[sflag:s31] =	ssyncset.done $0x0  }
0x2b4: {  	[sflag:s31] =	ssyncadd.s32 $0xFFFFF800  }
0x2b5: {  	_ =	swait.ge [sflag:s31], $0x800  }
0x2b6: {  	[sflag:s31] =	ssyncset.done $0x0  }
0x2b7: {  	[sflag:s31] =	ssyncadd.s32 $0xFFFFF800  }
0x2b8: {  	_ =	swait.ge [sflag:s31], $0x800  }
0x2b9: {  	[sflag:s31] =	ssyncset.done $0x0  }
0x2ba: {  	[sflag:s31] =	ssyncadd.s32 $0xFFFFF800  }
0x2bb: {  	_ =	swait.ge [sflag:s31], $0x800  }
0x2bc: {  	[sflag:s31] =	ssyncset.done $0x0  }
0x2bd: {  	[sflag:s31] =	ssyncadd.s32 $0xFFFFF800  }
0x2be: {  	_ =	swait.ge [sflag:s31], $0x800  }
0x2bf: {  	[sflag:s31] =	ssyncset.done $0x0  }
0x2c0: {  	[sflag:s31] =	ssyncadd.s32 $0xFFFFF800  }
0x2c1: {  	_ =	swait.ge [sflag:s31], $0x800  }
0x2c2: {  	[sflag:s31] =	ssyncset.done $0x0  }
0x2c3: {  	[sflag:s31] =	ssyncadd.s32 $0xFFFFF800  }
0x2c4: {  	_ =	swait.ge [sflag:s31], $0x800  }
0x2c5: {  	[sflag:s31] =	ssyncset.done $0x0  }
0x2c6: {  	[sflag:s31] =	ssyncadd.s32 $0xFFFFF800  }
0x2c7: {  	_ =	swait.ge [sflag:s31], $0x800  }
0x2c8: {  	[sflag:s31] =	ssyncset.done $0x0  }
0x2c9: {  	[sflag:s31] =	ssyncadd.s32 $0xFFFFF800  }
0x2ca: {  	_ =	swait.ge [sflag:s31], $0x800  }
0x2cb: {  	[sflag:s31] =	ssyncset.done $0x0  }
0x2cc: {  	[sflag:s31] =	ssyncadd.s32 $0xFFFFF800  }
0x2cd: {  	_ =	swait.ge [sflag:s31], $0x800  }
0x2ce: {  	[sflag:s31] =	ssyncset.done $0x0  }
0x2cf: {  	[sflag:s31] =	ssyncadd.s32 $0xFFFFF800  }
0x2d0: {  	_ =	swait.ge [sflag:s31], $0x800  }
0x2d1: {  	[sflag:s31] =	ssyncset.done $0x0  }
0x2d2: {  	[sflag:s31] =	ssyncadd.s32 $0xFFFFF800  }
0x2d3: {  	_ =	swait.ge [sflag:s31], $0x800  }
0x2d4: {  	[sflag:s31] =	ssyncset.done $0x0  }
0x2d5: {  	[sflag:s31] =	ssyncadd.s32 $0xFFFFF800  }
0x2d6: {  	_ =	swait.ge [sflag:s31], $0x800  }
0x2d7: {  	[sflag:s31] =	ssyncset.done $0x0  }
0x2d8: {  	[sflag:s31] =	ssyncadd.s32 $0xFFFFF800  }
0x2d9: {  	_ =	swait.ge [sflag:s31], $0x800  }
0x2da: {  	[sflag:s31] =	ssyncset.done $0x0  }
0x2db: {  	[sflag:s31] =	ssyncadd.s32 $0xFFFFF800  }
0x2dc: {  	_ =	swait.ge [sflag:s31], $0x800  }
0x2dd: {  	[sflag:s31] =	ssyncset.done $0x0  }
0x2de: {  	[sflag:s31] =	ssyncadd.s32 $0xFFFFF800  }
0x2df: {  	_ =	swait.ge [sflag:s31], $0x800  }
0x2e0: {  	[sflag:s31] =	ssyncset.done $0x0  }
0x2e1: {  	[sflag:s31] =	ssyncadd.s32 $0xFFFFF800  }
0x2e2: {  	_ =	swait.ge [sflag:s31], $0x800  }
0x2e3: {  	[sflag:s31] =	ssyncset.done $0x0  }
0x2e4: {  	s3 =	rddreg [dreg:$0x18];
	[sflag:s31] =	ssyncadd.s32 $0xFFFFF800  }
0x2e5: {  	[hbm4b:s3+s5] =	stream.linear.scatter [tilespmem:s2], [sflag:$0x2], $0xA000, $0x38;
	[tilespmem:$0xBB00] =	vst v63  }
0x2e6: {  	s25 =	simm.s32 $0x280;
	_ =	swait.ge [sflag:s24], $0xA000  }
0x2e7: {  	s2 =	simm.s32 $0x140;
	s26 =	rddreg [dreg:$0xf];
	[sflag:s24] =	ssyncset.done $0x0  }
.LBB2_6:
0x2e8: {  	[sflag:s24] =	ssyncadd.s32 $0xFFFF6000;
	s9 =	sadd.s32 s2, s26  }
0x2e9: {  	[tilespmem:s5], [sflag:$0x3] =	stream.linear.gather [hbm4b:s9+s5], $0xA00, $0x38;
	[tilespmem:$0xBB00] =	vst v63  }
0x2ea: {  	_ =	swait.ge [sflag:s16], $0xA00  }
0x2eb: {  	s8 =	smov.u32 s25;
	[sflag:s16] =	ssyncset.done $0x0  }
0x2ec: {  	s2 =	smov.u32 s8;
	s8 =	simm.s32 $0xB00;
	[sflag:s16] =	ssyncadd.s32 $0xFFFFF600  }
0x2ed: {  	[tilespmem:s8], [sflag:$0x1] =	stream.indirect.gather [hbm4b:s1+s17], $0x10, s5, s17, $0xb8;
	[tilespmem:$0xBB00] =	vst v63  }
0x2ee: {  	s26 =	simm.s32 $0x1300  }
0x2ef: {  	[tilespmem:s26], [sflag:$0x1] =	stream.indirect.gather [hbm4b:s1+s17], $0x10, s17, s17, $0xb8;
	[tilespmem:$0xBB00] =	vst v63  }
0x2f0: {  	s9 =	simm.s32 $0x100;
	s26 =	simm.s32 $0x1B00  }
0x2f1: {  	[tilespmem:s26], [sflag:$0x1] =	stream.indirect.gather [hbm4b:s1+s17], $0x10, s9, s17, $0xb8;
	[tilespmem:$0xBB00] =	vst v63  }
0x2f2: {  	s9 =	simm.s32 $0x180;
	s26 =	simm.s32 $0x2300  }
0x2f3: {  	[tilespmem:s26], [sflag:$0x1] =	stream.indirect.gather [hbm4b:s1+s17], $0x10, s9, s17, $0xb8;
	[tilespmem:$0xBB00] =	vst v63  }
0x2f4: {  	s9 =	simm.s32 $0x200;
	s26 =	simm.s32 $0x2B00  }
0x2f5: {  	[tilespmem:s26], [sflag:$0x1] =	stream.indirect.gather [hbm4b:s1+s17], $0x10, s9, s17, $0xb8;
	[tilespmem:$0xBB00] =	vst v63  }
0x2f6: {  	s9 =	simm.s32 $0x280;
	s26 =	simm.s32 $0x3300  }
0x2f7: {  	[tilespmem:s26], [sflag:$0x1] =	stream.indirect.gather [hbm4b:s1+s17], $0x10, s9, s17, $0xb8;
	[tilespmem:$0xBB00] =	vst v63  }
0x2f8: {  	s9 =	simm.s32 $0x300;
	s26 =	simm.s32 $0x3B00  }
0x2f9: {  	[tilespmem:s26], [sflag:$0x1] =	stream.indirect.gather [hbm4b:s1+s17], $0x10, s9, s17, $0xb8;
	[tilespmem:$0xBB00] =	vst v63  }
0x2fa: {  	s9 =	simm.s32 $0x380;
	s26 =	simm.s32 $0x4300  }
0x2fb: {  	[tilespmem:s26], [sflag:$0x1] =	stream.indirect.gather [hbm4b:s1+s17], $0x10, s9, s17, $0xb8;
	[tilespmem:$0xBB00] =	vst v63  }
0x2fc: {  	s9 =	simm.s32 $0x400;
	s26 =	simm.s32 $0x4B00  }
0x2fd: {  	[tilespmem:s26], [sflag:$0x1] =	stream.indirect.gather [hbm4b:s1+s17], $0x10, s9, s17, $0xb8;
	[tilespmem:$0xBB00] =	vst v63  }
0x2fe: {  	_ = 	snop  }
0x2ff: {  	[tilespmem:s18], [sflag:$0x1] =	stream.indirect.gather [hbm4b:s1+s17], $0x10, s22, s17, $0xb8;
	[tilespmem:$0xBB00] =	vst v63  }
0x300: {  	_ = 	snop  }
0x301: {  	[tilespmem:s11], [sflag:$0x1] =	stream.indirect.gather [hbm4b:s1+s17], $0x10, s29, s17, $0xb8;
	[tilespmem:$0xBB00] =	vst v63  }
0x302: {  	_ = 	snop  }
0x303: {  	[tilespmem:s12], [sflag:$0x1] =	stream.indirect.gather [hbm4b:s1+s17], $0x10, s30, s17, $0xb8;
	[tilespmem:$0xBB00] =	vst v63  }
0x304: {  	_ = 	snop  }
0x305: {  	[tilespmem:s13], [sflag:$0x1] =	stream.indirect.gather [hbm4b:s1+s17], $0x10, s23, s17, $0xb8;
	[tilespmem:$0xBB00] =	vst v63  }
0x306: {  	_ = 	snop  }
0x307: {  	[tilespmem:s15], [sflag:$0x1] =	stream.indirect.gather [hbm4b:s1+s17], $0x10, s14, s17, $0xb8;
	[tilespmem:$0xBB00] =	vst v63  }
0x308: {  	_ = 	snop  }
0x309: {  	[tilespmem:s4], [sflag:$0x1] =	stream.indirect.gather [hbm4b:s1+s17], $0x10, s0, s17, $0xb8;
	[tilespmem:$0xBB00] =	vst v63  }
0x30a: {  	_ = 	snop  }
0x30b: {  	[tilespmem:s10], [sflag:$0x1] =	stream.indirect.gather [hbm4b:s1+s17], $0x10, s6, s17, $0xb8;
	[tilespmem:$0xBB00] =	vst v63  }
0x30c: {  	s26 =	simm.s32 $0x8B00  }
0x30d: {  	[tilespmem:s26], [sflag:$0x1] =	stream.indirect.gather [hbm4b:s1+s17], $0x10, s28, s17, $0xb8;
	[tilespmem:$0xBB00] =	vst v63  }
0x30e: {  	s9 =	simm.s32 $0x880;
	s26 =	simm.s32 $0x9300  }
0x30f: {  	[tilespmem:s26], [sflag:$0x1] =	stream.indirect.gather [hbm4b:s1+s17], $0x10, s9, s17, $0xb8;
	[tilespmem:$0xBB00] =	vst v63  }
0x310: {  	s26 =	simm.s32 $0x900  }
0x311: {  	[tilespmem:s19], [sflag:$0x1] =	stream.indirect.gather [hbm4b:s1+s17], $0x10, s26, s17, $0xb8;
	[tilespmem:$0xBB00] =	vst v63  }
0x312: {  	_ = 	snop  }
0x313: {  	[tilespmem:s21], [sflag:$0x1] =	stream.indirect.gather [hbm4b:s1+s17], $0x10, s20, s17, $0xb8;
	[tilespmem:$0xBB00] =	vst v63  }
0x314: {  	_ =	swait.ge [sflag:s31], $0x800  }
0x315: {  	[sflag:s31] =	ssyncset.done $0x0  }
0x316: {  	[sflag:s31] =	ssyncadd.s32 $0xFFFFF800  }
0x317: {  	_ =	swait.ge [sflag:s31], $0x800  }
0x318: {  	[sflag:s31] =	ssyncset.done $0x0  }
0x319: {  	[sflag:s31] =	ssyncadd.s32 $0xFFFFF800  }
0x31a: {  	_ =	swait.ge [sflag:s31], $0x800  }
0x31b: {  	[sflag:s31] =	ssyncset.done $0x0  }
0x31c: {  	[sflag:s31] =	ssyncadd.s32 $0xFFFFF800  }
0x31d: {  	_ =	swait.ge [sflag:s31], $0x800  }
0x31e: {  	[sflag:s31] =	ssyncset.done $0x0  }
0x31f: {  	[sflag:s31] =	ssyncadd.s32 $0xFFFFF800  }
0x320: {  	_ =	swait.ge [sflag:s31], $0x800  }
0x321: {  	[sflag:s31] =	ssyncset.done $0x0  }
0x322: {  	[sflag:s31] =	ssyncadd.s32 $0xFFFFF800  }
0x323: {  	_ =	swait.ge [sflag:s31], $0x800  }
0x324: {  	[sflag:s31] =	ssyncset.done $0x0  }
0x325: {  	[sflag:s31] =	ssyncadd.s32 $0xFFFFF800  }
0x326: {  	_ =	swait.ge [sflag:s31], $0x800  }
0x327: {  	[sflag:s31] =	ssyncset.done $0x0  }
0x328: {  	[sflag:s31] =	ssyncadd.s32 $0xFFFFF800  }
0x329: {  	_ =	swait.ge [sflag:s31], $0x800  }
0x32a: {  	[sflag:s31] =	ssyncset.done $0x0  }
0x32b: {  	[sflag:s31] =	ssyncadd.s32 $0xFFFFF800  }
0x32c: {  	_ =	swait.ge [sflag:s31], $0x800  }
0x32d: {  	[sflag:s31] =	ssyncset.done $0x0  }
0x32e: {  	[sflag:s31] =	ssyncadd.s32 $0xFFFFF800  }
0x32f: {  	_ =	swait.ge [sflag:s31], $0x800  }
0x330: {  	[sflag:s31] =	ssyncset.done $0x0  }
0x331: {  	[sflag:s31] =	ssyncadd.s32 $0xFFFFF800  }
0x332: {  	_ =	swait.ge [sflag:s31], $0x800  }
0x333: {  	[sflag:s31] =	ssyncset.done $0x0  }
0x334: {  	[sflag:s31] =	ssyncadd.s32 $0xFFFFF800  }
0x335: {  	_ =	swait.ge [sflag:s31], $0x800  }
0x336: {  	[sflag:s31] =	ssyncset.done $0x0  }
0x337: {  	[sflag:s31] =	ssyncadd.s32 $0xFFFFF800  }
0x338: {  	_ =	swait.ge [sflag:s31], $0x800  }
0x339: {  	[sflag:s31] =	ssyncset.done $0x0  }
0x33a: {  	[sflag:s31] =	ssyncadd.s32 $0xFFFFF800  }
0x33b: {  	_ =	swait.ge [sflag:s31], $0x800  }
0x33c: {  	[sflag:s31] =	ssyncset.done $0x0  }
0x33d: {  	[sflag:s31] =	ssyncadd.s32 $0xFFFFF800  }
0x33e: {  	_ =	swait.ge [sflag:s31], $0x800  }
0x33f: {  	[sflag:s31] =	ssyncset.done $0x0  }
0x340: {  	[sflag:s31] =	ssyncadd.s32 $0xFFFFF800  }
0x341: {  	_ =	swait.ge [sflag:s31], $0x800  }
0x342: {  	[sflag:s31] =	ssyncset.done $0x0  }
0x343: {  	[sflag:s31] =	ssyncadd.s32 $0xFFFFF800  }
0x344: {  	_ =	swait.ge [sflag:s31], $0x800  }
0x345: {  	[sflag:s31] =	ssyncset.done $0x0  }
0x346: {  	[sflag:s31] =	ssyncadd.s32 $0xFFFFF800  }
0x347: {  	_ =	swait.ge [sflag:s31], $0x800  }
0x348: {  	[sflag:s31] =	ssyncset.done $0x0  }
0x349: {  	[sflag:s31] =	ssyncadd.s32 $0xFFFFF800  }
0x34a: {  	_ =	swait.ge [sflag:s31], $0x800  }
0x34b: {  	[sflag:s31] =	ssyncset.done $0x0  }
0x34c: {  	[sflag:s31] =	ssyncadd.s32 $0xFFFFF800  }
0x34d: {  	p0 =	sne.s32 s25, $0xDC0;
	_ =	swait.ge [sflag:s31], $0x800  }
.Ltmp2:
0x34e: {  	[sflag:s31] =	ssyncset.done $0x0;
	(pc) =	sbr.rel @p0 .LBB2_6-.Ltmp2, $4  }
0x34f: {  	s3 =	sadd.s32 $0x1400, s3;
	[sflag:s31] =	ssyncadd.s32 $0xFFFFF800  }
0x350: {  	[hbm4b:s3+s5] =	stream.linear.scatter [tilespmem:s8], [sflag:$0x2], $0xA000, $0x38;
	[tilespmem:$0xBB00] =	vst v63  }
0x351: {  	_ =	swait.ge [sflag:s24], $0xA000  }
0x352: {  	s25 =	sadd.s32 $0x140, s25;
	s26 =	rddreg [dreg:$0xf];
	[sflag:s24] =	ssyncset.done $0x0  }
0x353: {  	s2 =	sadd.s32 s2, s26;
	[sflag:s24] =	ssyncadd.s32 $0xFFFF6000  }
0x354: {  	[tilespmem:s5], [sflag:$0x3] =	stream.linear.gather [hbm4b:s2+s5], $0xA00, $0x38;
	[tilespmem:$0xBB00] =	vst v63  }
0x355: {  	_ =	swait.ge [sflag:s16], $0xA00  }
0x356: {  	[sflag:s16] =	ssyncset.done $0x0  }
0x357: {  	s8 =	simm.s32 $0xB00;
	[sflag:s16] =	ssyncadd.s32 $0xFFFFF600  }
0x358: {  	[tilespmem:s8], [sflag:$0x1] =	stream.indirect.gather [hbm4b:s1+s17], $0x10, s5, s17, $0xb8;
	[tilespmem:$0xBB00] =	vst v63  }
0x359: {  	s25 =	simm.s32 $0x1300  }
0x35a: {  	[tilespmem:s25], [sflag:$0x1] =	stream.indirect.gather [hbm4b:s1+s17], $0x10, s17, s17, $0xb8;
	[tilespmem:$0xBB00] =	vst v63  }
0x35b: {  	s26 =	simm.s32 $0x100;
	s9 =	simm.s32 $0x1B00  }
0x35c: {  	[tilespmem:s9], [sflag:$0x1] =	stream.indirect.gather [hbm4b:s1+s17], $0x10, s26, s17, $0xb8;
	[tilespmem:$0xBB00] =	vst v63  }
0x35d: {  	s25 =	simm.s32 $0x180;
	s26 =	simm.s32 $0x2300  }
0x35e: {  	[tilespmem:s26], [sflag:$0x1] =	stream.indirect.gather [hbm4b:s1+s17], $0x10, s25, s17, $0xb8;
	[tilespmem:$0xBB00] =	vst v63  }
0x35f: {  	s25 =	simm.s32 $0x200;
	s26 =	simm.s32 $0x2B00  }
0x360: {  	[tilespmem:s26], [sflag:$0x1] =	stream.indirect.gather [hbm4b:s1+s17], $0x10, s25, s17, $0xb8;
	[tilespmem:$0xBB00] =	vst v63  }
0x361: {  	s25 =	simm.s32 $0x280;
	s26 =	simm.s32 $0x3300  }
0x362: {  	[tilespmem:s26], [sflag:$0x1] =	stream.indirect.gather [hbm4b:s1+s17], $0x10, s25, s17, $0xb8;
	[tilespmem:$0xBB00] =	vst v63  }
0x363: {  	s25 =	simm.s32 $0x300;
	s26 =	simm.s32 $0x3B00  }
0x364: {  	[tilespmem:s26], [sflag:$0x1] =	stream.indirect.gather [hbm4b:s1+s17], $0x10, s25, s17, $0xb8;
	[tilespmem:$0xBB00] =	vst v63  }
0x365: {  	s25 =	simm.s32 $0x380;
	s26 =	simm.s32 $0x4300  }
0x366: {  	[tilespmem:s26], [sflag:$0x1] =	stream.indirect.gather [hbm4b:s1+s17], $0x10, s25, s17, $0xb8;
	[tilespmem:$0xBB00] =	vst v63  }
0x367: {  	s9 =	simm.s32 $0x400;
	s25 =	simm.s32 $0x4B00  }
0x368: {  	[tilespmem:s25], [sflag:$0x1] =	stream.indirect.gather [hbm4b:s1+s17], $0x10, s9, s17, $0xb8;
	[tilespmem:$0xBB00] =	vst v63  }
0x369: {  	_ = 	snop  }
0x36a: {  	[tilespmem:s18], [sflag:$0x1] =	stream.indirect.gather [hbm4b:s1+s17], $0x10, s22, s17, $0xb8;
	[tilespmem:$0xBB00] =	vst v63  }
0x36b: {  	_ = 	snop  }
0x36c: {  	[tilespmem:s11], [sflag:$0x1] =	stream.indirect.gather [hbm4b:s1+s17], $0x10, s29, s17, $0xb8;
	[tilespmem:$0xBB00] =	vst v63  }
0x36d: {  	_ = 	snop  }
0x36e: {  	[tilespmem:s12], [sflag:$0x1] =	stream.indirect.gather [hbm4b:s1+s17], $0x10, s30, s17, $0xb8;
	[tilespmem:$0xBB00] =	vst v63  }
0x36f: {  	_ = 	snop  }
0x370: {  	[tilespmem:s13], [sflag:$0x1] =	stream.indirect.gather [hbm4b:s1+s17], $0x10, s23, s17, $0xb8;
	[tilespmem:$0xBB00] =	vst v63  }
0x371: {  	_ = 	snop  }
0x372: {  	[tilespmem:s15], [sflag:$0x1] =	stream.indirect.gather [hbm4b:s1+s17], $0x10, s14, s17, $0xb8;
	[tilespmem:$0xBB00] =	vst v63  }
0x373: {  	_ = 	snop  }
0x374: {  	[tilespmem:s4], [sflag:$0x1] =	stream.indirect.gather [hbm4b:s1+s17], $0x10, s0, s17, $0xb8;
	[tilespmem:$0xBB00] =	vst v63  }
0x375: {  	_ = 	snop  }
0x376: {  	[tilespmem:s10], [sflag:$0x1] =	stream.indirect.gather [hbm4b:s1+s17], $0x10, s6, s17, $0xb8;
	[tilespmem:$0xBB00] =	vst v63  }
0x377: {  	s26 =	simm.s32 $0x8B00  }
0x378: {  	[tilespmem:s26], [sflag:$0x1] =	stream.indirect.gather [hbm4b:s1+s17], $0x10, s28, s17, $0xb8;
	[tilespmem:$0xBB00] =	vst v63  }
0x379: {  	s9 =	simm.s32 $0x880;
	s25 =	simm.s32 $0x9300  }
0x37a: {  	[tilespmem:s25], [sflag:$0x1] =	stream.indirect.gather [hbm4b:s1+s17], $0x10, s9, s17, $0xb8;
	[tilespmem:$0xBB00] =	vst v63  }
0x37b: {  	s26 =	simm.s32 $0x900  }
0x37c: {  	[tilespmem:s19], [sflag:$0x1] =	stream.indirect.gather [hbm4b:s1+s17], $0x10, s26, s17, $0xb8;
	[tilespmem:$0xBB00] =	vst v63  }
0x37d: {  	_ = 	snop  }
0x37e: {  	[tilespmem:s21], [sflag:$0x1] =	stream.indirect.gather [hbm4b:s1+s17], $0x10, s20, s17, $0xb8;
	[tilespmem:$0xBB00] =	vst v63  }
0x37f: {  	_ =	swait.ge [sflag:s31], $0x800  }
0x380: {  	[sflag:s31] =	ssyncset.done $0x0  }
0x381: {  	[sflag:s31] =	ssyncadd.s32 $0xFFFFF800  }
0x382: {  	_ =	swait.ge [sflag:s31], $0x800  }
0x383: {  	[sflag:s31] =	ssyncset.done $0x0  }
0x384: {  	[sflag:s31] =	ssyncadd.s32 $0xFFFFF800  }
0x385: {  	_ =	swait.ge [sflag:s31], $0x800  }
0x386: {  	[sflag:s31] =	ssyncset.done $0x0  }
0x387: {  	[sflag:s31] =	ssyncadd.s32 $0xFFFFF800  }
0x388: {  	_ =	swait.ge [sflag:s31], $0x800  }
0x389: {  	[sflag:s31] =	ssyncset.done $0x0  }
0x38a: {  	[sflag:s31] =	ssyncadd.s32 $0xFFFFF800  }
0x38b: {  	_ =	swait.ge [sflag:s31], $0x800  }
0x38c: {  	[sflag:s31] =	ssyncset.done $0x0  }
0x38d: {  	[sflag:s31] =	ssyncadd.s32 $0xFFFFF800  }
0x38e: {  	_ =	swait.ge [sflag:s31], $0x800  }
0x38f: {  	[sflag:s31] =	ssyncset.done $0x0  }
0x390: {  	[sflag:s31] =	ssyncadd.s32 $0xFFFFF800  }
0x391: {  	_ =	swait.ge [sflag:s31], $0x800  }
0x392: {  	[sflag:s31] =	ssyncset.done $0x0  }
0x393: {  	[sflag:s31] =	ssyncadd.s32 $0xFFFFF800  }
0x394: {  	_ =	swait.ge [sflag:s31], $0x800  }
0x395: {  	[sflag:s31] =	ssyncset.done $0x0  }
0x396: {  	[sflag:s31] =	ssyncadd.s32 $0xFFFFF800  }
0x397: {  	_ =	swait.ge [sflag:s31], $0x800  }
0x398: {  	[sflag:s31] =	ssyncset.done $0x0  }
0x399: {  	[sflag:s31] =	ssyncadd.s32 $0xFFFFF800  }
0x39a: {  	_ =	swait.ge [sflag:s31], $0x800  }
0x39b: {  	[sflag:s31] =	ssyncset.done $0x0  }
0x39c: {  	[sflag:s31] =	ssyncadd.s32 $0xFFFFF800  }
0x39d: {  	_ =	swait.ge [sflag:s31], $0x800  }
0x39e: {  	[sflag:s31] =	ssyncset.done $0x0  }
0x39f: {  	[sflag:s31] =	ssyncadd.s32 $0xFFFFF800  }
0x3a0: {  	_ =	swait.ge [sflag:s31], $0x800  }
0x3a1: {  	[sflag:s31] =	ssyncset.done $0x0  }
0x3a2: {  	[sflag:s31] =	ssyncadd.s32 $0xFFFFF800  }
0x3a3: {  	_ =	swait.ge [sflag:s31], $0x800  }
0x3a4: {  	[sflag:s31] =	ssyncset.done $0x0  }
0x3a5: {  	[sflag:s31] =	ssyncadd.s32 $0xFFFFF800  }
0x3a6: {  	_ =	swait.ge [sflag:s31], $0x800  }
0x3a7: {  	[sflag:s31] =	ssyncset.done $0x0  }
0x3a8: {  	[sflag:s31] =	ssyncadd.s32 $0xFFFFF800  }
0x3a9: {  	_ =	swait.ge [sflag:s31], $0x800  }
0x3aa: {  	[sflag:s31] =	ssyncset.done $0x0  }
0x3ab: {  	[sflag:s31] =	ssyncadd.s32 $0xFFFFF800  }
0x3ac: {  	_ =	swait.ge [sflag:s31], $0x800  }
0x3ad: {  	[sflag:s31] =	ssyncset.done $0x0  }
0x3ae: {  	[sflag:s31] =	ssyncadd.s32 $0xFFFFF800  }
0x3af: {  	_ =	swait.ge [sflag:s31], $0x800  }
0x3b0: {  	[sflag:s31] =	ssyncset.done $0x0  }
0x3b1: {  	[sflag:s31] =	ssyncadd.s32 $0xFFFFF800  }
0x3b2: {  	_ =	swait.ge [sflag:s31], $0x800  }
0x3b3: {  	[sflag:s31] =	ssyncset.done $0x0  }
0x3b4: {  	[sflag:s31] =	ssyncadd.s32 $0xFFFFF800  }
0x3b5: {  	_ =	swait.ge [sflag:s31], $0x800  }
0x3b6: {  	[sflag:s31] =	ssyncset.done $0x0  }
0x3b7: {  	[sflag:s31] =	ssyncadd.s32 $0xFFFFF800  }
0x3b8: {  	_ =	swait.ge [sflag:s31], $0x800  }
0x3b9: {  	[sflag:s31] =	ssyncset.done $0x0  }
0x3ba: {  	s9 =	sadd.s32 $0x1400, s3;
	[sflag:s31] =	ssyncadd.s32 $0xFFFFF800  }
0x3bb: {  	[hbm4b:s9+s5] =	stream.linear.scatter [tilespmem:s8], [sflag:$0x2], $0xA000, $0x38;
	[tilespmem:$0xBB00] =	vst v63  }
0x3bc: {  	_ =	swait.ge [sflag:s24], $0xA000  }
0x3bd: {  	s25 =	rddreg [dreg:$0x19]  }
0x3be: {  	s26 =	rddreg [dreg:$0x16];
	s3 =	sadd.s32 $0x1, s25  }
0x3bf: {  	p0 =	sne.s32 s3, s26  }
.Ltmp3:
0x3c0: {  	_ = 	snop;
	(pc) =	sbr.rel @p0 .LBB2_1-.Ltmp3, $3  }
0x3c1: {  	_ =	sdelay $0x1  }
0x3c2: {  	s9 =	simm.s32 $0x8B00;
	s8 =	simm.s32 $0x900;
	[sflag:s24] =	ssyncset.done $0x0  }
0x3c3: {  	[sflag:s24] =	ssyncadd.s32 $0xFFFF6000;
	s25 =	simm.s32 $0x880;
	s26 =	simm.s32 $0x9300  }
0x3c4: {  	_ =	sfence.sel $0x180000  }
0x3c5: {  	[bflag:$0x0] =	sbarrier.arrive $0xFFFF  }
0x3c6: {  	_ =	strace $0x9000004A  }
0x3c7: {  	s0 =	stileid.u32;
	[bflag:$0x2] =	sbarrier.arrive $0xFFFF  }
0x3c8: {  	p0 =	sne.s32 s0, $0x0;
	s0 =	rddreg [dreg:$0x9]  }
0x3c9: {  	s0 =	sadd.s32 @!p0 $0x100000, s0  }
0x3ca: {  	[sflag:s0] =	ssyncadd.tile.s32 @!p0 $0x1;
	_ =	shalt  }
.Lfunc_end2:
_tile_overlayer_lowered:
.L_overlay_start_2:
0x3cb: {  	(tag) =	ssettag $0x2  }
0x3cc: {  	s0 =	rddreg [dreg:$0x0];
	s2 =	stileid.u32  }
0x3cd: {  	s1 =	rddreg [dreg:$0x1];
	p0 =	sne.s32 s2, $0x0  }
0x3ce: {  	s3 =	rddreg [dreg:$0x2];
	[bflag:$0x3] =	sbarrier.arrive $0xFFFF;
	s2 =	simm.s32 @!p0 $0x1C03  }
0x3cf: {  	[timem:s3], [sflag:s2] =	dma.local @!p0 [hbm:s0], s1  }
0x3d0: {  	s0 =	simm.s32 @!p0 $0x3  }
0x3d1: {  	_ =	swait.ge @!p0 [sflag:s0], s1  }
0x3d2: {  	s1 =	ssub.s32 @!p0 $0x0, s1;
	[sflag:s0] =	ssyncset.done @!p0 $0x0  }
0x3d3: {  	[sflag:s0] =	ssyncadd.s32 @!p0 s1  }
0x3d4: {  	[bflag:$0x3] =	sbarrier.arrive $0xFFFF  }
0x3d5: {  	_ =	shalt  }

// kernel: sparse-core-data-format-call.cloned.1.call-start
scs
called_computation_lowered:
.L_overlay_start_0:
0x0: {  	s2 =	sld [smem:$0x3FD9]  }
0x1: {  	s3 =	sld [smem:$0x3FFE];
	_ =	sdelay $0x1  }
0x2: {  	s1 =	srdreg.scid  }
0x3: {  	s0 =	sand.u32 $0x1, s1  }
0x4: {  	s18 =	sshll.u32 s0, $0xA;
	s2 =	sadd.s32 s3, s2  }
0x5: {  	s2 =	sadd.s32 s2, s18  }
0x6: {  	[smem:$0x3FA0] =	sst s2  }
0x7: {  	_ = 	snop  }
0x8: {  	s2 =	sld [smem:$0x3FA2];
	(tm) =	ssettm $0x1  }
0x9: {  	s19 =	sld [smem:$0x3FFB];
	_ =	sdelay $0x3  }
0xa: {  	_ =	strace s19  }
0xb: {  	s3 =	sld [smem:$0x3FFC];
	_ =	sdelay $0x3  }
0xc: {  	_ =	strace s3  }
0xd: {  	s3 =	sld [smem:$0x3FFD];
	_ =	sdelay $0x3  }
0xe: {  	_ =	strace s3  }
0xf: {  	_ =	strace $0x8FFFFFFF  }
0x10: {  	s20 =	sld [smem:$0x3FDB];
	_ =	sdelay $0x1  }
0x11: {  	s4 =	simm.s32 $_scs_section_size  }
0x12: {  	s5 =	simm.s32 $_size__tile_overlayer_lowered;
	s6 =	simm.s32 $_tile_overlayer_lowered  }
0x13: {  	s23 =	simm.s32 $0x1BFF;
	s22 =	sshll.u32 s6, $0x1;
	s3 =	sadd.s32 s4, s20  }
0x14: {  	s7 =	simm.s32 $0x0;
	s21 =	sshll.u32 s5, $0x1;
	s5 =	sadd.s32 s22, s3  }
0x15: {  	[timem:s7], [sflag:s23] =	dma.local [hbm:s5], s21  }
0x16: {  	_ =	swait.ge [sflag:s23], s21  }
0x17: {  	s4 =	ssub.s32 $0x0, s21;
	[sflag:s23] =	ssyncset.done $0x0  }
0x18: {  	[sflag:s23] =	ssyncadd.s32 s4;
	_ =	sdelay $0x1  }
0x19: {  	s24 =	simm.s32 $0x1B8B  }
0x1a: {  	_ =	swait.ge [sflag:s24], $0x1  }
0x1b: {  	[sflag:s24] =	ssyncset.done $0x0  }
0x1c: {  	s26 =	simm.s32 $0x1B8E;
	s25 =	sld [smem:$0x3FFE];
	[sflag:s24] =	ssyncadd.s32 $0xFFFFFFFF  }
0x1d: {  	s27 =	simm.s32 $execute0_lowered;
	[smem:$0x3FD2] =	sst s26  }
0x1e: {  	s5 =	sshll.u32 s27, $0x1;
	_ =	strace $0x80000046;
	[dreg:$0x1] =	wrdreg $0xFFFFFFFF  }
0x1f: {  	s28 =	simm.s32 $_size_execute0_lowered;
	s3 =	sadd.s32 s3, s5;
	[dreg:$0x0] =	wrdreg $0x0  }
0x20: {  	s5 =	sshll.u32 s28, $0x1;
	[dreg:$0x2] =	wrdreg s3  }
0x21: {  	[dreg:$0x3] =	wrdreg s5  }
0x22: {  	[dreg:$0x4] =	wrdreg $0xC0  }
0x23: {  	_ =	task [dreg:s7], $0x5FFFF  }
0x24: {  	[dreg:$0x1] =	wrdreg $0xFFFFFFFF  }
0x25: {  	[dreg:$0x0] =	wrdreg $0x60  }
0x26: {  	[dreg:$0x2] =	wrdreg s2  }
0x27: {  	[dreg:$0x3] =	wrdreg s25  }
0x28: {  	[dreg:$0x4] =	wrdreg $0x9  }
0x29: {  	_ =	task.clear_ibuf [dreg:s7], $0x5FFFF;
	_ =	strace $0x90000046  }
0x2a: {  	s29 =	simm.s32 $0x9;
	_ =	strace $0x80000048  }
0x2b: {  	_ =	swait.ge [sflag:s29], $0x1  }
0x2c: {  	[sflag:s29] =	ssyncadd.s32 $0xFFFFFFFF  }
0x2d: {  	_ =	strace $0x90000048  }
0x2e: {  	_ =	sfence  }
0x2f: {  	s30 =	sld [smem:$0x0];
	_ =	sdelay $0x2  }
0x30: {  	s31 =	sshll.u32 s1, $0xD;
	s1 =	sshrl.u32 s1, $0x2  }
0x31: {  	s3 =	sand.u32 $0x4000, s31;
	s1 =	sadd.s32 s1, s30  }
0x32: {  	s0 =	sor.u32 s3, s0;
	s1 =	sshll.u32 s1, $0x11  }
0x33: {  	s0 =	sor.u32 s1, s0  }
0x34: {  	s0 =	sadd.s32 $0x8F2B, s0  }
0x35: {  	[sflag:s0] =	ssyncadd.remote.s32 $0x1  }
0x36: {  	_ =	sfence.sel $0xFFFF  }
0x37: {  	[dreg:$0x0] =	wrdreg $0xFFFFFFFF;
	(pc) =	sbr.abs _section_cstart, $3  }
0x38: {  	[dreg:$0x1] =	wrdreg $0xFFFFFFFF  }
0x39: {  	_ =	task.clear_ibuf [dreg:s7], $0x2FFFF;
	_ =	strace $0x9FFFFFFF  }
0x3a: {  	(tm) =	ssettm $0x7FFFFFFF  }
0x3b: {  	_ =	shalt  }
tec
execute0_lowered:
.L_overlay_start_1:
0x0: {  	(tag) =	ssettag $0x1  }
0x1: {  	s2 =	rddreg [dreg:$0x0]  }
0x2: {  	s0 =	srdreg.scid;
	s5 =	rddreg [dreg:$0x1]  }
0x3: {  	s31 =	simm.s32 $0x2;
	s16 =	simm.s32 $0x0;
	p0 =	por $0x0, $0x0  }
0x4: {  	s8 =	simm.s32 $0x80;
	s17 =	simm.s32 $0x0;
	s1 =	sshll.u32 s0, $0x4  }
0x5: {  	s18 =	simm.s32 $0x0;
	s0 =	stileid.u32;
	s1 =	sand.u32 $0x10, s1  }
0x6: {  	s9 =	simm.s32 $0x0;
	s10 =	simm.s32 $0x0;
	s1 =	sor.u32 s0, s1  }
0x7: {  	s11 =	simm.s32 $0x0;
	s13 =	simm.s32 $0x0;
	s3 =	sshll.u32 s1, $0x8  }
.Ltmp0:
0x8: {  	s14 =	simm.s32 $0x0;
	s4 =	ssub.s32 $0x18600, s3;
	(pc) =	sbr.rel .LBB1_1-.Ltmp0, $4  }
0x9: {  	s15 =	simm.s32 $0x0;
	s1 =	rddreg [dreg:$0x2];
	s6 =	sshrl.u32 s4, $0xD  }
0xa: {  	_ =	strace $0x80000047;
	s4 =	simm.s32 $0x1;
	s7 =	smul.u32 $0x16, s6  }
0xb: {  	s5 =	sadd.s32 $0x6200, s5;
	s12 =	smov.u32 s3;
	[sflag:s4] =	ssyncpa.u1 $0x0  }
0xc: {  	[sflag:s31] =	ssyncpa.u1 $0x0;
	s6 =	sadd.s32 $0x16, s7;
	s7 =	sadd.s32 $0x17, s7  }
.LBB1_5:
0xd: {  	p1 =	slt.u32 s15, $0x2  }
0xe: {  	s19 =	smov.u32 s18;
	p2 =	sgt.s32 @!p1 s18, $0x15  }
0xf: {  	s20 =	sshra.s32 @!p1 s18, $0x1F;
	p3 =	sgt.s32 @!p1 s16, $0x185A0;
	p4 =	sgt.s32 @!p1 s17, $0x70  }
0x10: {  	s21 =	sshra.s32 @!p1 s17, $0x1F;
	p2 =	por !p2, p1;
	s18 =	sand.u32 @!p1 s20, s18  }
0x11: {  	p4 =	por !p4, p1;
	s20 =	smov.u32 s17;
	s19 =	simm.s32 @p2 $0x15  }
0x12: {  	s17 =	sand.u32 @!p1 s21, s17;
	s20 =	simm.s32 @p4 $0x70;
	s18 =	ssub.s32 @!p1 s19, s18  }
0x13: {  	p3 =	por !p3, p1;
	s17 =	ssub.s32 @!p1 s20, s17;
	s19 =	sadd.s32 @!p1 $0xFFFFFFEB, s18  }
0x14: {  	s20 =	sshra.s32 @!p1 s16, $0x1F;
	s18 =	ssub.s32 @!p1 $0x16, s18;
	p2 =	sgt.s32 @!p1 s19, $0x0  }
0x15: {  	s19 =	smov.u32 s16;
	s16 =	sand.u32 @!p1 s20, s16;
	s20 =	sadd.s32 @!p1 $0xFFFFFF90, s17  }
0x16: {  	s17 =	ssub.s32 @!p1 $0x80, s17;
	s19 =	simm.s32 @p3 $0x185A0;
	p2 =	por !p2, p1  }
0x17: {  	s18 =	simm.s32 @!p2 $0x0;
	s16 =	ssub.s32 @!p1 s19, s16;
	p2 =	sgt.s32 @!p1 s20, $0xF  }
0x18: {  	s20 =	smov.u32 s13;
	s19 =	sadd.s32 @!p1 $0xFFFE7A60, s16;
	p2 =	por !p2, p1  }
0x19: {  	s16 =	ssub.s32 @!p1 $0x186A0, s16;
	s17 =	simm.s32 @!p2 $0x0;
	p2 =	sgt.s32 @!p1 s19, $0xFF  }
0x1a: {  	s19 =	sadd.s32 $0x2000, s12;
	p2 =	por !p2, p1;
	s17 =	smul.u32 @!p1 s18, s17  }
0x1b: {  	s18 =	sadd.s32 $0x10, s13;
	s16 =	simm.s32 @!p2 $0x0;
	p2 =	sgt.s32 s19, $0x1869F  }
0x1c: {  	s16 =	smul.u32 @!p1 s16, s17;
	s20 =	smov.u32 @p2 s18  }
0x1d: {  	s19 =	smov.u32 @p2 s3;
	s17 =	simm.s32 $0x1;
	p2 =	sgt.s32 s20, $0xF  }
0x1e: {  	s17 =	simm.s32 @!p2 $0x0  }
0x1f: {  	p0 =	por !p0, !p0;
	s23 =	sadd.s32 s17, s14  }
0x20: {  	s21 =	simm.s32 @!p1 $0x2;
	s20 =	simm.s32 @p2 $0x0;
	p2 =	sgt.s32 s23, $0x15  }
0x21: {  	s18 =	smov.u32 s11;
	s23 =	simm.s32 @p2 $0x0;
	p2 =	sne.s32 s15, s7  }
.Ltmp1:
0x22: {  	s11 =	smov.u32 s14;
	s16 =	sand.u32 @!p1 $0x3FFFFFFF, s16;
	(pc) =	sbr.rel @!p2 .LBB1_6-.Ltmp1, $4  }
0x23: {  	_ =	swait.ge @!p1 [sflag:s21], s16;
	s22 =	ssub.s32 @!p1 $0x0, s16;
	s16 =	smov.u32 s9  }
0x24: {  	s17 =	smov.u32 s10;
	s9 =	smov.u32 s12;
	s10 =	smov.u32 s13  }
0x25: {  	s12 =	smov.u32 s19;
	s13 =	smov.u32 s20;
	[sflag:s21] =	ssyncset.done @!p1 $0x0  }
0x26: {  	s15 =	sadd.s32 $0x1, s15;
	[sflag:s21] =	ssyncadd.s32 @!p1 s22;
	s14 =	smov.u32 s23  }
.LBB1_1:
0x27: {  	p1 =	sge.u32 s15, s6  }
0x28: {  	s19 =	sshrl.u32 @!p1 s13, $0x3  }
0x29: {  	s20 =	sshll.u32 @!p1 s12, $0x3;
	s19 =	smul.u32 @!p1 $0xC3800, s19  }
0x2a: {  	s21 =	sshll.u32 @!p1 s13, $0x7;
	s20 =	sand.u32 @!p1 $0xFFFFFC00, s20  }
0x2b: {  	s19 =	sadd.s32 @!p1 s19, s20;
	s20 =	sand.u32 @!p1 $0x380, s21  }
0x2c: {  	s21 =	sand.u32 @!p1 $0x7F, s12;
	s19 =	sor.u32 @!p1 s20, s19  }
0x2d: {  	s20 =	sor.u32 @!p1 s21, s19  }
0x2e: {  	s21 =	smulhi.u32 @!p1 $0xA79C7B17, s20  }
0x2f: {  	s19 =	smulhi.u32 @!p1 $0xA79C7B17, s19  }
0x30: {  	s21 =	sshrl.u32 @!p1 s21, $0x10  }
0x31: {  	s19 =	sshrl.u32 @!p1 s19, $0x10;
	s21 =	smul.u32 @!p1 $0x18700, s21  }
0x32: {  	s22 =	sxor.u32 @!p1 $0xFFFFFFFF, s15;
	s23 =	smul.u32 @!p1 $0x30E00, s14;
	s19 =	sand.u32 @!p1 $0xF, s19  }
0x33: {  	s22 =	sshll.u32 @!p1 s22, $0xC;
	s19 =	smul.u32 @!p1 $0x30E0, s19;
	s20 =	ssub.s32 @!p1 s20, s21  }
0x34: {  	s21 =	sand.u32 @!p1 $0x1000, s22;
	s22 =	sadd.s32 @!p1 s2, s23;
	s23 =	sand.u32 @!p1 $0x7, s20  }
0x35: {  	s20 =	sshrl.u32 @!p1 s20, $0x3;
	s19 =	sadd.s32 @!p1 s19, s22;
	s22 =	sshll.u32 @!p1 s23, $0x12  }
0x36: {  	s19 =	sadd.s32 @!p1 s20, s19;
	s20 =	sor.u32 @!p1 $0x800, s22;
	s22 =	simm.s32 @!p1 $0xC3800  }
0x37: {  	[tilespmem:s21], [sflag:$0x1] =	stream.strided.gather @!p1 [hbm4b:s19+s20], $0x1000, s22, s20, $0x38;
	[tilespmem:$0x4200] =	vst v63  }
0x38: {  	p1 =	seq.s32 s15, $0x0  }
0x39: {  	p2 =	sge.u32 @!p1 s15, s7  }
0x3a: {  	p1 =	por p1, p2  }
.Ltmp2:
0x3b: {  	_ = 	snop;
	(pc) =	sbr.rel @p1 .LBB1_5-.Ltmp2, $1  }
0x3c: {  	_ =	sdelay $0x3  }
0x3d: {  	s21 =	simm.s32 $0x0  }
0x3e: {  	s22 =	sand.u32 $0x800, s21;
	s23 =	sand.u32 $0x380, s21  }
0x3f: {  	s19 =	sand.u32 $0x1, s15;
	s23 =	sor.u32 s23, s22  }
0x40: {  	_ =	swait.ge [sflag:s4], $0x1000;
	s20 =	sshll.u32 s19, $0xC;
	s22 =	sand.u32 $0xB00, s23  }
0x41: {  	[sflag:s4] =	ssyncset.done $0x0;
	s21 =	sand.u32 $0x80, s21;
	s22 =	sadd.s32 s22, s20  }
0x42: {  	[sflag:s4] =	ssyncadd.s32 $0xFFFFF000;
	s25 =	sadd.s32 s21, s22  }
0x43: {  	v4 =	vld [tilespmem:s25+$0x400]  }
0x44: {  	s24 =	simm.s32 $0x1;
	v5 =	vld [tilespmem:s25+$0x0]  }
0x45: {  	s24 =	simm.s32 @!p0 $0x0;
	v6 =	vld [tilespmem:s25+$0x10]  }
0x46: {  	v0 =	vmov s20;
	s31 =	smul.u32 $0x4400, s24;
	v7 =	vld [tilespmem:s25+$0x20]  }
0x47: {  	v9 =	vld [tilespmem:s25+$0x30]  }
0x48: {  	s21 =	sshrl.u32 s31, $0x2;
	v10 =	vld [tilespmem:s25+$0x40]  }
0x49: {  	s21 =	sor.u32 $0x2000, s21;
	v11 =	vld [tilespmem:s25+$0x50]  }
0x4a: {  	v8 =	vld [tilespmem:s25+$0x60];
	s22 =	sadd.s32 $0x0, s21  }
0x4b: {  	v1 =	vld.idx.msk [tilespmem:v0+s23+$0x410 ss:$0x1], $0xffff;
	[tilespmem:s22+$0x880 ss:$0x11] =	vst.msk $0xffff, v4  }
0x4c: {  	v2 =	vld.idx.msk [tilespmem:v0+s23+$0x420 ss:$0x1], $0xffff;
	[tilespmem:s22+$0x0 ss:$0x11] =	vst.msk $0xffff, v5  }
0x4d: {  	v3 =	vld.idx.msk [tilespmem:v0+s23+$0x430 ss:$0x1], $0xffff;
	[tilespmem:s22+$0x110 ss:$0x11] =	vst.msk $0xffff, v6  }
0x4e: {  	s19 =	smul.u32 $0x4400, s19;
	[tilespmem:s22+$0x220 ss:$0x11] =	vst.msk $0xffff, v7;
	v7 =	vld [tilespmem:s25+$0x70]  }
0x4f: {  	s26 =	simm.s32 $0x80;
	s27 =	simm.s32 $0x8;
	[tilespmem:s22+$0x330 ss:$0x11] =	vst.msk $0xffff, v9;
	v4 =	vld.idx.msk [tilespmem:v0+s23+$0x440 ss:$0x1], $0xffff  }
0x50: {  	s29 =	sand.u32 $0x380, s26;
	s19 =	sshrl.u32 s19, $0x2;
	[tilespmem:s22+$0x440 ss:$0x11] =	vst.msk $0xffff, v10;
	v5 =	vld.idx.msk [tilespmem:v0+s23+$0x450 ss:$0x1], $0xffff;
	s25 =	simm.s32 $0x100  }
0x51: {  	s24 =	simm.s32 $0x4;
	s19 =	sor.u32 $0x2000, s19;
	[tilespmem:s22+$0x550 ss:$0x11] =	vst.msk $0xffff, v11;
	v6 =	vld.idx.msk [tilespmem:v0+s23+$0x460 ss:$0x1], $0xffff;
	s28 =	sand.u32 $0x800, s25  }
.LBB1_3:
0x52: {  	p1 =	sne.s32 s27, $0x3C;
	[tilespmem:s22+$0x660 ss:$0x11] =	vst.msk $0xffff, v8;
	v8 =	vld.idx.msk [tilespmem:v0+s23+$0x470 ss:$0x1], $0xffff;
	s23 =	sor.u32 s29, s28  }
0x53: {  	s28 =	sand.u32 $0xB00, s23;
	v9 =	vld.idx.msk [tilespmem:v0+s23+$0x410 ss:$0x1], $0xffff;
	[tilespmem:s22+$0x770 ss:$0x11] =	vst.msk $0xffff, v7  }
0x54: {  	s29 =	sand.u32 $0x80, s26;
	s28 =	sadd.s32 s28, s20;
	v7 =	vld.idx.msk [tilespmem:v0+s23+$0x420 ss:$0x1], $0xffff;
	[tilespmem:s22+$0x990 ss:$0x11] =	vst.msk $0xffff, v1  }
0x55: {  	s28 =	sadd.s32 s29, s28;
	v10 =	vld.idx.msk [tilespmem:v0+s23+$0x430 ss:$0x1], $0xffff;
	[tilespmem:s22+$0xAA0 ss:$0x11] =	vst.msk $0xffff, v2  }
0x56: {  	v11 =	vld [tilespmem:s28+$0x400];
	[tilespmem:s22+$0xBB0 ss:$0x11] =	vst.msk $0xffff, v3  }
0x57: {  	v12 =	vld [tilespmem:s28+$0x0];
	[tilespmem:s22+$0xCC0 ss:$0x11] =	vst.msk $0xffff, v4  }
0x58: {  	v4 =	vld [tilespmem:s28+$0x10];
	[tilespmem:s22+$0xDD0 ss:$0x11] =	vst.msk $0xffff, v5  }
0x59: {  	s29 =	sshra.s32 s24, $0x2;
	s24 =	smov.u32 s27;
	v1 =	vmov v9;
	v5 =	vld [tilespmem:s28+$0x20];
	[tilespmem:s22+$0xEE0 ss:$0x11] =	vst.msk $0xffff, v6  }
0x5a: {  	v2 =	vmov v7;
	v6 =	vld [tilespmem:s28+$0x30];
	[tilespmem:s22+$0xFF0 ss:$0x11] =	vst.msk $0xffff, v8;
	s22 =	sadd.s32 s29, s21  }
0x5b: {  	v3 =	vmov v10;
	v9 =	vld [tilespmem:s28+$0x40];
	[tilespmem:s22+$0x880 ss:$0x11] =	vst.msk $0xffff, v11  }
0x5c: {  	[tilespmem:s22+$0x0 ss:$0x11] =	vst.msk $0xffff, v12;
	v10 =	vld [tilespmem:s28+$0x50]  }
.Ltmp3:
0x5d: {  	[tilespmem:s22+$0x110 ss:$0x11] =	vst.msk $0xffff, v4;
	v8 =	vld [tilespmem:s28+$0x60];
	(pc) =	sbr.rel @p1 .LBB1_3-.Ltmp3, $4  }
0x5e: {  	[tilespmem:s22+$0x220 ss:$0x11] =	vst.msk $0xffff, v5;
	v7 =	vld [tilespmem:s28+$0x70]  }
0x5f: {  	[tilespmem:s22+$0x330 ss:$0x11] =	vst.msk $0xffff, v6;
	v4 =	vld.idx.msk [tilespmem:v0+s23+$0x440 ss:$0x1], $0xffff  }
0x60: {  	s26 =	sadd.s32 $0x80, s26;
	s25 =	sadd.s32 $0x100, s25;
	[tilespmem:s22+$0x440 ss:$0x11] =	vst.msk $0xffff, v9;
	v5 =	vld.idx.msk [tilespmem:v0+s23+$0x450 ss:$0x1], $0xffff  }
0x61: {  	s27 =	sadd.s32 $0x4, s27;
	s29 =	sand.u32 $0x380, s26;
	s28 =	sand.u32 $0x800, s25;
	[tilespmem:s22+$0x550 ss:$0x11] =	vst.msk $0xffff, v10;
	v6 =	vld.idx.msk [tilespmem:v0+s23+$0x460 ss:$0x1], $0xffff  }
0x62: {  	_ =	sdelay $0x3  }
0x63: {  	s25 =	sor.u32 s29, s28;
	v47 =	vld.idx.msk [tilespmem:v0+s23+$0x470 ss:$0x1], $0xffff  }
0x64: {  	[tilespmem:s22+$0x660 ss:$0x11] =	vst.msk $0xffff, v8;
	v57 =	vld.idx.msk [tilespmem:v0+s25+$0x410 ss:$0x1], $0xffff  }
0x65: {  	[tilespmem:s22+$0x990 ss:$0x11] =	vst.msk $0xffff, v1;
	v58 =	vld.idx.msk [tilespmem:v0+s25+$0x420 ss:$0x1], $0xffff  }
0x66: {  	[tilespmem:s22+$0xAA0 ss:$0x11] =	vst.msk $0xffff, v2;
	v59 =	vld.idx.msk [tilespmem:v0+s25+$0x430 ss:$0x1], $0xffff  }
0x67: {  	[tilespmem:s22+$0xBB0 ss:$0x11] =	vst.msk $0xffff, v3;
	v60 =	vld.idx.msk [tilespmem:v0+s25+$0x440 ss:$0x1], $0xffff  }
0x68: {  	s26 =	sand.u32 $0x80, s26;
	s27 =	sand.u32 $0xB00, s25;
	[tilespmem:s22+$0x770 ss:$0x11] =	vst.msk $0xffff, v7;
	v61 =	vld.idx.msk [tilespmem:v0+s25+$0x450 ss:$0x1], $0xffff  }
0x69: {  	s29 =	sshll.u32 s10, $0x3;
	p1 =	sgt.s32 s11, $0x15;
	v62 =	vld.idx.msk [tilespmem:v0+s25+$0x460 ss:$0x1], $0xffff;
	s20 =	sadd.s32 s27, s20;
	[tilespmem:s22+$0xCC0 ss:$0x11] =	vst.msk $0xffff, v4  }
0x6a: {  	p2 =	sgt.s32 s10, $0x70;
	s31 =	sand.u32 $0xFFFFFC00, s29;
	v63 =	vld.idx.msk [tilespmem:v0+s25+$0x470 ss:$0x1], $0xffff;
	s23 =	sadd.s32 s26, s20;
	[tilespmem:s22+$0xDD0 ss:$0x11] =	vst.msk $0xffff, v5  }
0x6b: {  	s24 =	sshra.s32 s24, $0x2;
	s29 =	sshra.s32 s11, $0x1F;
	s25 =	smul.u32 $0x186A00, s11;
	v48 =	vld [tilespmem:s23+$0x400];
	[tilespmem:s22+$0xEE0 ss:$0x11] =	vst.msk $0xffff, v6  }
0x6c: {  	s26 =	sshll.u32 s9, $0x7;
	s20 =	sadd.s32 s24, s21;
	s24 =	sand.u32 s29, s11;
	v49 =	vld [tilespmem:s23+$0x0];
	[tilespmem:s22+$0xFF0 ss:$0x11] =	vst.msk $0xffff, v47  }
0x6d: {  	s29 =	sshra.s32 s9, $0x1F;
	v50 =	vld [tilespmem:s23+$0x10];
	s30 =	sand.u32 $0xFFFFFC00, s26;
	s28 =	sand.u32 $0x380, s26;
	[tilespmem:s20+$0x990 ss:$0x11] =	vst.msk $0xffff, v57  }
0x6e: {  	v51 =	vld [tilespmem:s23+$0x20];
	s27 =	sadd.s32 s31, s30;
	s22 =	smov.u32 s11;
	s31 =	sshra.s32 s10, $0x1F;
	[tilespmem:s20+$0xAA0 ss:$0x11] =	vst.msk $0xffff, v58  }
0x6f: {  	v52 =	vld [tilespmem:s23+$0x30];
	s21 =	sor.u32 s28, s27;
	s22 =	simm.s32 @!p1 $0x15;
	s28 =	sand.u32 s31, s10;
	[tilespmem:s20+$0xBB0 ss:$0x11] =	vst.msk $0xffff, v59  }
0x70: {  	v53 =	vld [tilespmem:s23+$0x40];
	s27 =	smov.u32 s9;
	[tilespmem:s20+$0xCC0 ss:$0x11] =	vst.msk $0xffff, v60;
	s21 =	sshrl.u32 s21, $0x7;
	s22 =	ssub.s32 s22, s24  }
0x71: {  	v54 =	vld [tilespmem:s23+$0x50];
	[tilespmem:s20+$0xDD0 ss:$0x11] =	vst.msk $0xffff, v61;
	s24 =	smov.u32 s10;
	s26 =	smulhi.u32 $0x14F8B59, s21;
	s30 =	sadd.s32 $0xFFFFFFEB, s22  }
0x72: {  	v55 =	vld [tilespmem:s23+$0x60];
	[tilespmem:s20+$0xEE0 ss:$0x11] =	vst.msk $0xffff, v62;
	s24 =	simm.s32 @!p2 $0x70;
	p2 =	sgt.s32 s9, $0x185A0;
	s22 =	ssub.s32 $0x16, s22  }
0x73: {  	v56 =	vld [tilespmem:s23+$0x70];
	[tilespmem:s20+$0xFF0 ss:$0x11] =	vst.msk $0xffff, v63;
	p1 =	sgt.s32 s30, $0x0;
	s23 =	ssub.s32 s24, s28;
	s27 =	simm.s32 @!p2 $0x185A0  }
0x74: {  	[tilespmem:s20+$0x880 ss:$0x11] =	vst.msk $0xffff, v48;
	s24 =	sand.u32 s29, s9;
	s28 =	sand.u32 $0x7, s10;
	s26 =	sshrl.u32 s26, $0x9  }
0x75: {  	[tilespmem:s20+$0x0 ss:$0x11] =	vst.msk $0xffff, v49;
	s24 =	ssub.s32 s27, s24;
	s30 =	sadd.s32 $0xFFFFFF90, s23;
	s22 =	simm.s32 @p1 $0x0  }
0x76: {  	[tilespmem:s20+$0x110 ss:$0x11] =	vst.msk $0xffff, v50;
	s23 =	ssub.s32 $0x80, s23;
	s27 =	sshrl.u32 s10, $0x3;
	p1 =	sgt.s32 s30, $0xF  }
0x77: {  	[tilespmem:s20+$0x220 ss:$0x11] =	vst.msk $0xffff, v51;
	s26 =	smul.u32 $0x186A0, s26;
	s31 =	sadd.s32 $0xFFFE7A60, s24;
	s23 =	simm.s32 @p1 $0x0  }
0x78: {  	[tilespmem:s20+$0x330 ss:$0x11] =	vst.msk $0xffff, v52;
	s24 =	ssub.s32 $0x186A0, s24;
	p1 =	sgt.s32 s31, $0xFF;
	s22 =	smul.u32 s22, s23  }
.Ltmp4:
0x79: {  	[tilespmem:s20+$0x440 ss:$0x11] =	vst.msk $0xffff, v53;
	s24 =	simm.s32 @p1 $0x0;
	s21 =	ssub.s32 s21, s26;
	(pc) =	sbr.rel .LBB1_5-.Ltmp4, $4  }
0x7a: {  	[tilespmem:s20+$0x550 ss:$0x11] =	vst.msk $0xffff, v54;
	s23 =	sadd.s32 s5, s25;
	s22 =	smul.u32 s24, s22;
	s24 =	sand.u32 $0xF, s27  }
0x7b: {  	[tilespmem:s20+$0x660 ss:$0x11] =	vst.msk $0xffff, v55;
	s29 =	sshll.u32 s28, $0x12;
	s21 =	sshll.u32 s21, $0x4;
	s23 =	sadd.s32 s24, s23  }
0x7c: {  	[tilespmem:s20+$0x770 ss:$0x11] =	vst.msk $0xffff, v56;
	s31 =	sor.u32 $0x10, s29;
	s30 =	sand.u32 $0x3FFFFFFF, s22;
	s21 =	sadd.s32 s21, s23  }
0x7d: {  	[hbm4b:s21+s31] =	stream.strided.scatter [tilespmem:s19], [sflag:$0x2], s30, s8, s31, $0x8;
	[tilespmem:$0x4200] =	vst v63  }
.LBB1_6:
0x7e: {  	_ =	sfence.sel $0x180000  }
0x7f: {  	s2 =	simm.s32 $0x1;
	[bflag:$0x0] =	sbarrier.arrive $0xFFFF  }
0x80: {  	s31 =	simm.s32 $0x2;
	[sflag:s2] =	ssyncpa.u1 $0x1  }
0x81: {  	[sflag:s31] =	ssyncpa.u1 $0x1  }
0x82: {  	p0 =	sne.s32 s0, $0x0;
	_ =	strace $0x90000047  }
0x83: {  	s0 =	sadd.s32 @!p0 $0x100000, s1;
	[bflag:$0x2] =	sbarrier.arrive $0xFFFF  }
0x84: {  	[sflag:s0] =	ssyncadd.tile.s32 @!p0 $0x1;
	_ =	shalt  }
.Lfunc_end1:
_tile_overlayer_lowered:
.L_overlay_start_2:
0x85: {  	(tag) =	ssettag $0x2  }
0x86: {  	s0 =	rddreg [dreg:$0x0];
	s2 =	stileid.u32  }
0x87: {  	s1 =	rddreg [dreg:$0x1];
	p0 =	sne.s32 s2, $0x0  }
0x88: {  	s3 =	rddreg [dreg:$0x2];
	[bflag:$0x3] =	sbarrier.arrive $0xFFFF;
	s2 =	simm.s32 @!p0 $0x1C01  }
0x89: {  	[timem:s3], [sflag:s2] =	dma.local @!p0 [hbm:s0], s1  }
0x8a: {  	s0 =	simm.s32 @!p0 $0x1  }
0x8b: {  	_ =	swait.ge @!p0 [sflag:s0], s1  }
0x8c: {  	s1 =	ssub.s32 @!p0 $0x0, s1;
	[sflag:s0] =	ssyncset.done @!p0 $0x0  }
0x8d: {  	[sflag:s0] =	ssyncadd.s32 @!p0 s1  }
0x8e: {  	[bflag:$0x3] =	sbarrier.arrive $0xFFFF  }
0x8f: {  	_ =	shalt  }

</sc_bundles>
